<compile_context>
chip_gen: v7x
topology: tpu7x:2x2x1
jax: 0.10.2.dev20260603
libtpu: 0.0.44.dev20260713+nightly
codegen_flags: <defaults>
</compile_context>

<pallas_src>
import functools

import jax
import jax.numpy as jnp
from jax import lax
from jax.experimental import pallas as pl
from jax.experimental.pallas import tpu as pltpu
from jax.experimental.pallas import tpu_sc as plsc

_KS = 3


def _spl(x):
    return jnp.full((16,), x, jnp.int32)


def _sc_mask(scores, topk):
    B, T = scores.shape
    NV = T // 16
    CW = T // 16
    NCV = CW // 16
    mesh = plsc.VectorSubcoreMesh(core_axis_name="c", subcore_axis_name="s")
    f32 = jnp.float32

    @functools.partial(
        pl.kernel,
        mesh=mesh,
        out_type=[jax.ShapeDtypeStruct((B, T), f32),
                  jax.ShapeDtypeStruct((B, T), f32)],
        compiler_params=pltpu.CompilerParams(needs_layout_passes=False),
        scratch_types=[
            pltpu.VMEM((T,), f32),
            pltpu.VMEM((T,), jnp.int32),
            pltpu.VMEM((T,), f32),
            pltpu.VMEM((T,), f32),
            pltpu.VMEM((T,), f32),
            pltpu.VMEM((16 * CW,), f32),
            pltpu.VMEM((CW,), f32),
            pltpu.VMEM_SHARED((B * T,), f32),
            pltpu.VMEM_SHARED((T,), f32),
        ],
    )
    def k(scores_hbm, s2_hbm, w_hbm, row_v, key_v, s2_v, sig_v, den_v,
          chunk_v, denc_v, sh_sig, sh_den):
        c = lax.axis_index("c")
        s = lax.axis_index("s")

        @pl.when(c == 0)
        def _():
            lanes = lax.iota(jnp.int32, 16)
            pltpu.sync_copy(scores_hbm.at[s], row_v)

            def mk_key(j, carry):
                bits = lax.bitcast_convert_type(row_v[pl.ds(j * 16, 16)],
                                                jnp.int32)
                key_v[pl.ds(j * 16, 16)] = bits ^ (
                    (bits >> 31) & _spl(0x7FFFFFFF))
                return carry
            lax.fori_loop(0, NV, mk_key, _spl(0))

            def count_ge(cand):
                def body(j, cnt):
                    c0 = cnt
                    for u in range(4):
                        m = key_v[pl.ds(j * 64 + u * 16, 16)] >= cand
                        c0 = c0 + plsc.all_reduce_population_count(m)
                    return c0
                return lax.fori_loop(0, NV // 4, body, _spl(0))

            kk = _spl(topk)
            ans = jnp.where(count_ge(_spl(0)) >= kk, _spl(0),
                            _spl(-2147483648))
            for i in range(30, -1, -1):
                cand = ans | _spl(1 << i)
                ans = jnp.where(count_ge(cand) >= kk, cand, ans)

            cnt_ge = count_ge(ans)
            need = kk - count_ge(ans + _spl(1))

            def tie_search(_):
                lo = _spl(0)
                hi = _spl(T - 1)
                for _ in range((T - 1).bit_length()):
                    mid = (lo + hi) // 2

                    def tie_body(j, cnt):
                        key = key_v[pl.ds(j * 16, 16)]
                        gidx = j * 16 + lanes
                        m = (key == ans) & (gidx <= mid)
                        return cnt + plsc.all_reduce_population_count(m)
                    f = lax.fori_loop(0, NV, tie_body, _spl(0))
                    hi = jnp.where(f >= need, mid, hi)
                    lo = jnp.where(f >= need, lo, mid + 1)
                return hi

            surplus = lax.reduce_max(cnt_ge - kk, (0,))
            hi = lax.cond(surplus > 0, tie_search,
                          lambda _: _spl(T - 1), 0)

            zero = jnp.full((16,), 0.0, f32)
            one = jnp.full((16,), 1.0, f32)

            def mask_body(j, carry):
                key = key_v[pl.ds(j * 16, 16)]
                v = row_v[pl.ds(j * 16, 16)]
                gidx = j * 16 + lanes
                keep = (key > ans) | ((key == ans) & (gidx <= hi))
                s2 = jnp.where(keep, v, zero)
                s2_v[pl.ds(j * 16, 16)] = s2
                sig_v[pl.ds(j * 16, 16)] = one / (one + jnp.exp(-s2))
                return carry
            lax.fori_loop(0, NV, mask_body, _spl(0))

            pltpu.sync_copy(s2_v, s2_hbm.at[s])
            pltpu.sync_copy(sig_v, sh_sig.at[pl.ds(s * T, T)])
            plsc.subcore_barrier()

            for r in range(16):
                pltpu.sync_copy(sh_sig.at[pl.ds(r * T + s * CW, CW)],
                                chunk_v.at[pl.ds(r * CW, CW)])

            def den_body(j, carry):
                acc = zero
                for r in range(16):
                    acc = acc + chunk_v[pl.ds(r * CW + j * 16, 16)]
                denc_v[pl.ds(j * 16, 16)] = acc
                return carry
            lax.fori_loop(0, NCV, den_body, _spl(0))
            pltpu.sync_copy(denc_v, sh_den.at[pl.ds(s * CW, CW)])
            plsc.subcore_barrier()

            pltpu.sync_copy(sh_den, den_v)

            def w_body(j, carry):
                sig_v[pl.ds(j * 16, 16)] = (
                    sig_v[pl.ds(j * 16, 16)] / den_v[pl.ds(j * 16, 16)])
                return carry
            lax.fori_loop(0, NV, w_body, _spl(0))
            pltpu.sync_copy(sig_v, w_hbm.at[s])

    return k(scores)


def _split_hi_lo(x):
    hi = x.astype(jnp.bfloat16)
    lo = (x - hi.astype(jnp.float32)).astype(jnp.bfloat16)
    return hi, lo


def _scores_body(v_ref, w1t_ref, q_ref, w2t_ref, bias_ref, pa_ref,
                 c3t_ref, vw_ref, proj_ref, vb_ref, s_ref, c_s, convo_s,
                 *, tt):
    t = pl.program_id(0)
    b = pl.program_id(1)

    @pl.when((t == 0) & (b == 0))
    def _():
        c_s[...] = (jnp.dot(q_ref[...].astype(jnp.bfloat16), w2t_ref[...],
                            preferred_element_type=jnp.float32)
                    + bias_ref[...])
        convo_s[...] = jnp.dot(pa_ref[...].astype(jnp.bfloat16),
                               c3t_ref[...],
                               preferred_element_type=jnp.float32)

    acc = jnp.dot(v_ref[0].astype(jnp.bfloat16), w1t_ref[...],
                  preferred_element_type=jnp.float32)
    c_row = c_s[pl.ds(b, 1), :]
    convo_row = convo_s[pl.ds(b, 1), pl.ds(t * tt, tt)]
    x = acc + c_row + convo_row.reshape(tt, 1) * proj_ref[...]
    th = jnp.tanh(x).astype(jnp.bfloat16)
    s = jnp.dot(th, vw_ref[...], preferred_element_type=jnp.float32)[:, :1]
    s_ref[pl.ds(b, 1), :] = (s + vb_ref[...]).reshape(1, tt)


def _ctx_body(w_ref, v_ref, o_ref, *, ct):
    b = pl.program_id(0)
    t = pl.program_id(1)

    @pl.when(t == 0)
    def _():
        o_ref[pl.ds(b, 1), :] = jnp.zeros_like(o_ref[pl.ds(b, 1), :])

    wrow = w_ref[pl.ds(b, 1), pl.ds(t * ct, ct)]
    vhi, vlo = _split_hi_lo(v_ref[0])
    whi, wlo = _split_hi_lo(wrow)
    f32 = jnp.float32
    o_ref[pl.ds(b, 1), :] += (
        jnp.dot(whi, vlo, preferred_element_type=f32)
        + jnp.dot(wlo, vhi, preferred_element_type=f32)
        + jnp.dot(whi, vhi, preferred_element_type=f32))


def kernel(query, values, prev_att, W1_w, W1_b, W2_w, W2_b, V_w, V_b, conv_w, proj_w):
    B, T, H = values.shape
    U = W1_w.shape[0]
    topk = T * 2 // 3
    TT = min(1024, T)
    CT = min(1024, T)
    nt = T // TT
    ntc = T // CT

    bf16 = jnp.bfloat16
    q = query[0]
    pa = prev_att[:, :, 0]
    c3t = conv_w[:, :, _KS].T.astype(bf16)
    w1t = W1_w.T.astype(bf16)
    w2t = W2_w.T.astype(bf16)
    bias = (W1_b + W2_b)[None, :]
    vw = jnp.pad(V_w.T.astype(bf16), ((0, 0), (0, 127)))
    projv = proj_w[:, 0][None, :]
    vb = V_b.reshape(1, 1)

    f32 = jnp.float32
    scores = pl.pallas_call(
        functools.partial(_scores_body, tt=TT),
        grid=(nt, B),
        in_specs=[
            pl.BlockSpec((1, TT, H), lambda t, b: (b, t, 0)),
            pl.BlockSpec((H, U), lambda t, b: (0, 0)),
            pl.BlockSpec((B, H), lambda t, b: (0, 0)),
            pl.BlockSpec((H, U), lambda t, b: (0, 0)),
            pl.BlockSpec((1, U), lambda t, b: (0, 0)),
            pl.BlockSpec((B, T), lambda t, b: (0, 0)),
            pl.BlockSpec((T, T), lambda t, b: (0, 0)),
            pl.BlockSpec((U, 128), lambda t, b: (0, 0)),
            pl.BlockSpec((1, U), lambda t, b: (0, 0)),
            pl.BlockSpec((1, 1), lambda t, b: (0, 0)),
        ],
        out_specs=pl.BlockSpec((B, TT), lambda t, b: (0, t)),
        out_shape=jax.ShapeDtypeStruct((B, T), f32),
        scratch_shapes=[pltpu.VMEM((B, U), f32),
                        pltpu.VMEM((B, T), f32)],
        compiler_params=pltpu.CompilerParams(
            dimension_semantics=("arbitrary", "arbitrary")),
    )(values, w1t, q, w2t, bias, pa, c3t, vw, projv, vb)

    s2, w = _sc_mask(scores, topk)

    ctx = pl.pallas_call(
        functools.partial(_ctx_body, ct=CT),
        grid=(B, ntc),
        in_specs=[
            pl.BlockSpec((B, T), lambda b, t: (0, 0)),
            pl.BlockSpec((1, CT, H), lambda b, t: (b, t, 0)),
        ],
        out_specs=pl.BlockSpec((B, H), lambda b, t: (0, 0)),
        out_shape=jax.ShapeDtypeStruct((B, H), f32),
        compiler_params=pltpu.CompilerParams(
            dimension_semantics=("arbitrary", "arbitrary")),
    )(w, values)

    return ctx, w[..., None], s2[..., None]

# --- scband reference (transcript-rebuilt; emitter-appended) ---
"""Pipeline reference for scband-bahdanau-attention-audio-10754598109813 (READ-ONLY COPY).

The authoritative reference and input builder live on the scoring server;
editing this copy changes nothing except your own understanding.
"""

import jax, jax.numpy as jnp
import numpy as np

B, T, H, U = 16, 2048, 1024, 1024
KS = 3
TOPK = T * 2 // 3


def setup_inputs(seed: int = 0) -> dict:
    key = jax.random.key(seed)
    ks = jax.random.split(key, 10)
    query = jax.random.normal(ks[0], (1, B, H), jnp.float32)
    values = jax.random.normal(ks[1], (B, T, H), jnp.float32)
    prev_att = jax.random.uniform(ks[2], (B, T, 1), jnp.float32)
    W1_w = jax.random.normal(ks[3], (U, H), jnp.float32) * 0.02
    W1_b = jnp.zeros((U,), jnp.float32)
    W2_w = jax.random.normal(ks[4], (U, H), jnp.float32) * 0.02
    W2_b = jnp.zeros((U,), jnp.float32)
    V_w = jax.random.normal(ks[5], (1, U), jnp.float32) * 0.02
    V_b = jnp.zeros((1,), jnp.float32)
    conv_w = jax.random.normal(ks[6], (T, T, 2 * KS + 1), jnp.float32) * 0.01
    proj_w = jax.random.normal(ks[7], (H, 1), jnp.float32) * 0.02
    return {"query": query, "values": values, "prev_att": prev_att,
            "W1_w": W1_w, "W1_b": W1_b, "W2_w": W2_w, "W2_b": W2_b,
            "V_w": V_w, "V_b": V_b, "conv_w": conv_w, "proj_w": proj_w}


def reference(query, values, prev_att, W1_w, W1_b, W2_w, W2_b, V_w, V_b, conv_w, proj_w):
    # query: [1, B, H] -> squeeze dim 0 -> [B, H] -> unsqueeze(1) -> [B, 1, H]
    q = jnp.squeeze(query, 0)
    hidden_with_time_axis = q[:, None, :]
    # loc_conv: Conv1d(in=T, out=T, kernel=7, pad=3, no bias) on prev_att [B, T(=channels), 1(=length)]
    convo = jax.lax.conv_general_dilated(
        prev_att, conv_w, window_strides=(1,), padding=[(KS, KS)],
        dimension_numbers=("NCH", "OIH", "NCH"))  # [B, T, 1]
    # loc_proj: Linear(1, H, no bias)
    loc_context = convo @ proj_w.T  # [B, T, H]
    sum_1 = values @ W1_w.T + W1_b + (hidden_with_time_axis @ W2_w.T + W2_b) + loc_context
    score = jnp.tanh(sum_1) @ V_w.T + V_b  # [B, T, 1]
    s = score[..., 0]  # [B, T]
    top_val, top_pos = jax.lax.top_k(s, TOPK)  # [B, TOPK]
    b_idx = jnp.arange(s.shape[0])[:, None]
    scattered = s.at[b_idx, top_pos].set(0.0)
    s2 = -1.0 * (scattered - s)  # keeps top-k scores, zeros elsewhere
    score2 = s2[..., None]  # [B, T, 1]
    sig = jax.nn.sigmoid(score2)
    attention_weights = sig / sig.sum(0)  # normalize over batch dim (faithful to torch)
    context_vector = (attention_weights * values).sum(1)  # [B, H]
    return (context_vector, attention_weights, score2)

if __name__ == "__main__":
    import jax
    _d = setup_inputs()
    print(jax.jit(kernel)(*tuple(_d.values())))

</pallas_src>

<mosaic_0001>
#map = affine_map<(d0, d1) -> (0, 0)>
module attributes {stable_mosaic.version = 14 : i64} {
  func.func @k(%arg0: i32, %arg1: i32, %arg2: memref<16x2048xf32, #tpu.memory_space<hbm>>, %arg3: memref<16x2048xf32, #tpu.memory_space<hbm>>, %arg4: memref<16x2048xf32, #tpu.memory_space<hbm>>, %arg5: memref<2048xf32, #tpu.memory_space<vmem>>, %arg6: memref<2048xi32, #tpu.memory_space<vmem>>, %arg7: memref<2048xf32, #tpu.memory_space<vmem>>, %arg8: memref<2048xf32, #tpu.memory_space<vmem>>, %arg9: memref<2048xf32, #tpu.memory_space<vmem>>, %arg10: memref<2048xf32, #tpu.memory_space<vmem>>, %arg11: memref<128xf32, #tpu.memory_space<vmem>>, %arg12: memref<32768xf32, #tpu.memory_space<vmem_shared>>, %arg13: memref<2048xf32, #tpu.memory_space<vmem_shared>>) attributes {dimension_semantics = [#tpu.dimension_semantics<core_parallel>, #tpu.dimension_semantics<subcore_parallel>], iteration_bounds = array<i64: 2, 16>, scalar_prefetch = 0 : i64, scratch_operands = 9 : i64, tpu.core_type = #tpu.core_type<sc_vector_subcore>, window_params = [{transform_indices = #map}, {transform_indices = #map}, {transform_indices = #map}]} {
    %eq3A = arith.constant 0 : i32
    %eq3A_0 = arith.cmpi eq, %arg0, %eq3A : i32
    %convert_element_type3A = arith.extui %eq3A_0 : i1 to i32
    %cond3A = arith.constant 0 : i32
    %cond3A_1 = arith.cmpi ne, %convert_element_type3A, %cond3A : i32
    scf.if %cond3A_1 {
      %iota3A = tpu.iota {dimensions = array<i32: 0>} : vector<16xi32>
      "tpu.region"() ({
        %run_scoped3A = tpu.sem_alloc : memref<!tpu.dma_semaphore, #tpu.memory_space<semaphore_mem>>
        %dma_start3A = arith.constant 0 : i32
        %dma_start3A_550 = tpu.memref_slice %arg2[%arg1, %dma_start3A] : memref<16x2048xf32, #tpu.memory_space<hbm>> -> memref<1x2048xf32, #tpu.memory_space<hbm>>
        %dma_start3A_551 = tpu.memref_squeeze %dma_start3A_550 : memref<1x2048xf32, #tpu.memory_space<hbm>> -> memref<2048xf32, #tpu.memory_space<hbm>>
        %dma_start3A_552 = arith.constant 0 : i32
        %dma_start3A_553 = tpu.memref_slice %arg2[%arg1, %dma_start3A_552] : memref<16x2048xf32, #tpu.memory_space<hbm>> -> memref<1x2048xf32, #tpu.memory_space<hbm>>
        %dma_start3A_554 = tpu.memref_squeeze %dma_start3A_553 : memref<1x2048xf32, #tpu.memory_space<hbm>> -> memref<2048xf32, #tpu.memory_space<hbm>>
        tpu.enqueue_dma source(%dma_start3A_554 : memref<2048xf32, #tpu.memory_space<hbm>>) target(%arg5 : memref<2048xf32, #tpu.memory_space<vmem>>) target_semaphore(%run_scoped3A : memref<!tpu.dma_semaphore, #tpu.memory_space<semaphore_mem>>)
        %dma_wait3A = arith.constant 0 : i32
        %dma_wait3A_555 = tpu.memref_slice %arg2[%arg1, %dma_wait3A] : memref<16x2048xf32, #tpu.memory_space<hbm>> -> memref<1x2048xf32, #tpu.memory_space<hbm>>
        %dma_wait3A_556 = tpu.memref_squeeze %dma_wait3A_555 : memref<1x2048xf32, #tpu.memory_space<hbm>> -> memref<2048xf32, #tpu.memory_space<hbm>>
        %dma_wait3A_557 = arith.constant 0 : i32
        %dma_wait3A_558 = tpu.memref_slice %arg2[%arg1, %dma_wait3A_557] : memref<16x2048xf32, #tpu.memory_space<hbm>> -> memref<1x2048xf32, #tpu.memory_space<hbm>>
        %dma_wait3A_559 = tpu.memref_squeeze %dma_wait3A_558 : memref<1x2048xf32, #tpu.memory_space<hbm>> -> memref<2048xf32, #tpu.memory_space<hbm>>
        tpu.wait_dma2 semaphore(%run_scoped3A : memref<!tpu.dma_semaphore, #tpu.memory_space<semaphore_mem>>) src(%dma_wait3A_559 : memref<2048xf32, #tpu.memory_space<hbm>>) dst(%arg5 : memref<2048xf32, #tpu.memory_space<vmem>>)
        tpu.yield
      }) : () -> ()
      %broadcast_in_dim3A = arith.constant 0 : i32
      %broadcast_in_dim3A_2 = vector.broadcast %broadcast_in_dim3A : i32 to vector<16xi32>
      %scan3A = arith.constant 0 : i32
      %scan3A_3 = arith.constant 128 : i32
      %scan3A_4 = arith.addi %scan3A, %scan3A_3 : i32
      %scan3A_5 = arith.constant 1 : i32
      scf.for %scan3A_550 = %scan3A to %scan3A_4 step %scan3A_5  : i32 {
        %mul3A_551 = arith.constant 16 : i32
        %mul3A_552 = arith.muli %scan3A_550, %mul3A_551 : i32
        %get3A = arith.index_cast %mul3A_552 : i32 to index
        %get3A_553 = tpu.vector_load %arg5[%get3A] {strides = array<i32>} : memref<2048xf32, #tpu.memory_space<vmem>>, vector<16xf32>,
        %bitcast_convert_type3A = tpu.bitcast %get3A_553 : vector<16xf32> -> vector<16xi32>
        %shift_right_arithmetic3A = arith.constant 31 : i32
        %shift_right_arithmetic3A_554 = vector.broadcast %shift_right_arithmetic3A : i32 to vector<16xi32>
        %shift_right_arithmetic3A_555 = arith.shrsi %bitcast_convert_type3A, %shift_right_arithmetic3A_554 : vector<16xi32>
        %broadcast_in_dim3A_556 = arith.constant 2147483647 : i32
        %broadcast_in_dim3A_557 = vector.broadcast %broadcast_in_dim3A_556 : i32 to vector<16xi32>
        %and3A = arith.andi %shift_right_arithmetic3A_555, %broadcast_in_dim3A_557 : vector<16xi32>
        %xor3A = arith.xori %bitcast_convert_type3A, %and3A : vector<16xi32>
        %mul3A_558 = arith.constant 16 : i32
        %mul3A_559 = arith.muli %scan3A_550, %mul3A_558 : i32
        %swap3A = arith.index_cast %mul3A_559 : i32 to index
        %swap3A_560 = tpu.vector_load %arg6[%swap3A] {strides = array<i32>} : memref<2048xi32, #tpu.memory_space<vmem>>, vector<16xi32>,
        tpu.vector_store %arg6[%swap3A], %xor3A {strides = array<i32>} : memref<2048xi32, #tpu.memory_space<vmem>>, vector<16xi32>,
      }
      %scan3A_6 = arith.constant 128 : i32
      %broadcast_in_dim3A_7 = arith.constant 1365 : i32
      %broadcast_in_dim3A_8 = vector.broadcast %broadcast_in_dim3A_7 : i32 to vector<16xi32>
      %broadcast_in_dim3A_9 = arith.constant 0 : i32
      %broadcast_in_dim3A_10 = vector.broadcast %broadcast_in_dim3A_9 : i32 to vector<16xi32>
      %broadcast_in_dim3A_11 = arith.constant 0 : i32
      %broadcast_in_dim3A_12 = vector.broadcast %broadcast_in_dim3A_11 : i32 to vector<16xi32>
      %scan3A_13 = arith.constant 0 : i32
      %scan3A_14 = arith.constant 32 : i32
      %scan3A_15 = arith.addi %scan3A_13, %scan3A_14 : i32
      %scan3A_16 = arith.constant 1 : i32
      %scan3A_17 = scf.for %scan3A_550 = %scan3A_13 to %scan3A_15 step %scan3A_16 iter_args(%scan3A_551 = %broadcast_in_dim3A_12) -> (vector<16xi32>)  : i32 {
        %mul3A_552 = arith.constant 64 : i32
        %mul3A_553 = arith.muli %scan3A_550, %mul3A_552 : i32
        %add3A_554 = arith.constant 0 : i32
        %add3A_555 = arith.addi %mul3A_553, %add3A_554 : i32
        %get3A = arith.index_cast %add3A_555 : i32 to index
        %get3A_556 = tpu.vector_load %arg6[%get3A] {strides = array<i32>} : memref<2048xi32, #tpu.memory_space<vmem>>, vector<16xi32>,
        %ge3A_557 = arith.cmpi sge, %get3A_556, %broadcast_in_dim3A_10 : vector<16xi32>
        %all_reduce_population_count3A = tpu.all_reduce %ge3A_557 {dim = 0 : i64, kind = #tpu.reduction_kind<sum>} : vector<16xi1> -> vector<16xi32>
        %add3A_558 = arith.addi %scan3A_551, %all_reduce_population_count3A : vector<16xi32>
        %mul3A_559 = arith.constant 64 : i32
        %mul3A_560 = arith.muli %scan3A_550, %mul3A_559 : i32
        %add3A_561 = arith.constant 16 : i32
        %add3A_562 = arith.addi %mul3A_560, %add3A_561 : i32
        %get3A_563 = arith.index_cast %add3A_562 : i32 to index
        %get3A_564 = tpu.vector_load %arg6[%get3A_563] {strides = array<i32>} : memref<2048xi32, #tpu.memory_space<vmem>>, vector<16xi32>,
        %ge3A_565 = arith.cmpi sge, %get3A_564, %broadcast_in_dim3A_10 : vector<16xi32>
        %all_reduce_population_count3A_566 = tpu.all_reduce %ge3A_565 {dim = 0 : i64, kind = #tpu.reduction_kind<sum>} : vector<16xi1> -> vector<16xi32>
        %add3A_567 = arith.addi %add3A_558, %all_reduce_population_count3A_566 : vector<16xi32>
        %mul3A_568 = arith.constant 64 : i32
        %mul3A_569 = arith.muli %scan3A_550, %mul3A_568 : i32
        %add3A_570 = arith.constant 32 : i32
        %add3A_571 = arith.addi %mul3A_569, %add3A_570 : i32
        %get3A_572 = arith.index_cast %add3A_571 : i32 to index
        %get3A_573 = tpu.vector_load %arg6[%get3A_572] {strides = array<i32>} : memref<2048xi32, #tpu.memory_space<vmem>>, vector<16xi32>,
        %ge3A_574 = arith.cmpi sge, %get3A_573, %broadcast_in_dim3A_10 : vector<16xi32>
        %all_reduce_population_count3A_575 = tpu.all_reduce %ge3A_574 {dim = 0 : i64, kind = #tpu.reduction_kind<sum>} : vector<16xi1> -> vector<16xi32>
        %add3A_576 = arith.addi %add3A_567, %all_reduce_population_count3A_575 : vector<16xi32>
        %mul3A_577 = arith.constant 64 : i32
        %mul3A_578 = arith.muli %scan3A_550, %mul3A_577 : i32
        %add3A_579 = arith.constant 48 : i32
        %add3A_580 = arith.addi %mul3A_578, %add3A_579 : i32
        %get3A_581 = arith.index_cast %add3A_580 : i32 to index
        %get3A_582 = tpu.vector_load %arg6[%get3A_581] {strides = array<i32>} : memref<2048xi32, #tpu.memory_space<vmem>>, vector<16xi32>,
        %ge3A_583 = arith.cmpi sge, %get3A_582, %broadcast_in_dim3A_10 : vector<16xi32>
        %all_reduce_population_count3A_584 = tpu.all_reduce %ge3A_583 {dim = 0 : i64, kind = #tpu.reduction_kind<sum>} : vector<16xi1> -> vector<16xi32>
        %add3A_585 = arith.addi %add3A_576, %all_reduce_population_count3A_584 : vector<16xi32>
        scf.yield %add3A_585 : vector<16xi32>
      }
      %scan3A_18 = arith.constant 32 : i32
      %ge3A = arith.cmpi sge, %scan3A_17, %broadcast_in_dim3A_8 : vector<16xi32>
      %broadcast_in_dim3A_19 = arith.constant 0 : i32
      %broadcast_in_dim3A_20 = vector.broadcast %broadcast_in_dim3A_19 : i32 to vector<16xi32>
      %broadcast_in_dim3A_21 = arith.constant -2147483648 : i32
      %broadcast_in_dim3A_22 = vector.broadcast %broadcast_in_dim3A_21 : i32 to vector<16xi32>
      %select_n3A = arith.select %ge3A, %broadcast_in_dim3A_20, %broadcast_in_dim3A_22 : vector<16xi1>, vector<16xi32>
      %broadcast_in_dim3A_23 = arith.constant 1073741824 : i32
      %broadcast_in_dim3A_24 = vector.broadcast %broadcast_in_dim3A_23 : i32 to vector<16xi32>
      %or3A = arith.ori %select_n3A, %broadcast_in_dim3A_24 : vector<16xi32>
      %broadcast_in_dim3A_25 = arith.constant 0 : i32
      %broadcast_in_dim3A_26 = vector.broadcast %broadcast_in_dim3A_25 : i32 to vector<16xi32>
      %scan3A_27 = arith.constant 0 : i32
      %scan3A_28 = arith.constant 32 : i32
      %scan3A_29 = arith.addi %scan3A_27, %scan3A_28 : i32
      %scan3A_30 = arith.constant 1 : i32
      %scan3A_31 = scf.for %scan3A_550 = %scan3A_27 to %scan3A_29 step %scan3A_30 iter_args(%scan3A_551 = %broadcast_in_dim3A_26) -> (vector<16xi32>)  : i32 {
        %mul3A_552 = arith.constant 64 : i32
        %mul3A_553 = arith.muli %scan3A_550, %mul3A_552 : i32
        %add3A_554 = arith.constant 0 : i32
        %add3A_555 = arith.addi %mul3A_553, %add3A_554 : i32
        %get3A = arith.index_cast %add3A_555 : i32 to index
        %get3A_556 = tpu.vector_load %arg6[%get3A] {strides = array<i32>} : memref<2048xi32, #tpu.memory_space<vmem>>, vector<16xi32>,
        %ge3A_557 = arith.cmpi sge, %get3A_556, %or3A : vector<16xi32>
        %all_reduce_population_count3A = tpu.all_reduce %ge3A_557 {dim = 0 : i64, kind = #tpu.reduction_kind<sum>} : vector<16xi1> -> vector<16xi32>
        %add3A_558 = arith.addi %scan3A_551, %all_reduce_population_count3A : vector<16xi32>
        %mul3A_559 = arith.constant 64 : i32
        %mul3A_560 = arith.muli %scan3A_550, %mul3A_559 : i32
        %add3A_561 = arith.constant 16 : i32
        %add3A_562 = arith.addi %mul3A_560, %add3A_561 : i32
        %get3A_563 = arith.index_cast %add3A_562 : i32 to index
        %get3A_564 = tpu.vector_load %arg6[%get3A_563] {strides = array<i32>} : memref<2048xi32, #tpu.memory_space<vmem>>, vector<16xi32>,
        %ge3A_565 = arith.cmpi sge, %get3A_564, %or3A : vector<16xi32>
        %all_reduce_population_count3A_566 = tpu.all_reduce %ge3A_565 {dim = 0 : i64, kind = #tpu.reduction_kind<sum>} : vector<16xi1> -> vector<16xi32>
        %add3A_567 = arith.addi %add3A_558, %all_reduce_population_count3A_566 : vector<16xi32>
        %mul3A_568 = arith.constant 64 : i32
        %mul3A_569 = arith.muli %scan3A_550, %mul3A_568 : i32
        %add3A_570 = arith.constant 32 : i32
        %add3A_571 = arith.addi %mul3A_569, %add3A_570 : i32
        %get3A_572 = arith.index_cast %add3A_571 : i32 to index
        %get3A_573 = tpu.vector_load %arg6[%get3A_572] {strides = array<i32>} : memref<2048xi32, #tpu.memory_space<vmem>>, vector<16xi32>,
        %ge3A_574 = arith.cmpi sge, %get3A_573, %or3A : vector<16xi32>
        %all_reduce_population_count3A_575 = tpu.all_reduce %ge3A_574 {dim = 0 : i64, kind = #tpu.reduction_kind<sum>} : vector<16xi1> -> vector<16xi32>
        %add3A_576 = arith.addi %add3A_567, %all_reduce_population_count3A_575 : vector<16xi32>
        %mul3A_577 = arith.constant 64 : i32
        %mul3A_578 = arith.muli %scan3A_550, %mul3A_577 : i32
        %add3A_579 = arith.constant 48 : i32
        %add3A_580 = arith.addi %mul3A_578, %add3A_579 : i32
        %get3A_581 = arith.index_cast %add3A_580 : i32 to index
        %get3A_582 = tpu.vector_load %arg6[%get3A_581] {strides = array<i32>} : memref<2048xi32, #tpu.memory_space<vmem>>, vector<16xi32>,
        %ge3A_583 = arith.cmpi sge, %get3A_582, %or3A : vector<16xi32>
        %all_reduce_population_count3A_584 = tpu.all_reduce %ge3A_583 {dim = 0 : i64, kind = #tpu.reduction_kind<sum>} : vector<16xi1> -> vector<16xi32>
        %add3A_585 = arith.addi %add3A_576, %all_reduce_population_count3A_584 : vector<16xi32>
        scf.yield %add3A_585 : vector<16xi32>
      }
      %scan3A_32 = arith.constant 32 : i32
      %ge3A_33 = arith.cmpi sge, %scan3A_31, %broadcast_in_dim3A_8 : vector<16xi32>
      %select_n3A_34 = arith.select %ge3A_33, %or3A, %select_n3A : vector<16xi1>, vector<16xi32>
      %broadcast_in_dim3A_35 = arith.constant 536870912 : i32
      %broadcast_in_dim3A_36 = vector.broadcast %broadcast_in_dim3A_35 : i32 to vector<16xi32>
      %or3A_37 = arith.ori %select_n3A_34, %broadcast_in_dim3A_36 : vector<16xi32>
      %broadcast_in_dim3A_38 = arith.constant 0 : i32
      %broadcast_in_dim3A_39 = vector.broadcast %broadcast_in_dim3A_38 : i32 to vector<16xi32>
      %scan3A_40 = arith.constant 0 : i32
      %scan3A_41 = arith.constant 32 : i32
      %scan3A_42 = arith.addi %scan3A_40, %scan3A_41 : i32
      %scan3A_43 = arith.constant 1 : i32
      %scan3A_44 = scf.for %scan3A_550 = %scan3A_40 to %scan3A_42 step %scan3A_43 iter_args(%scan3A_551 = %broadcast_in_dim3A_39) -> (vector<16xi32>)  : i32 {
        %mul3A_552 = arith.constant 64 : i32
        %mul3A_553 = arith.muli %scan3A_550, %mul3A_552 : i32
        %add3A_554 = arith.constant 0 : i32
        %add3A_555 = arith.addi %mul3A_553, %add3A_554 : i32
        %get3A = arith.index_cast %add3A_555 : i32 to index
        %get3A_556 = tpu.vector_load %arg6[%get3A] {strides = array<i32>} : memref<2048xi32, #tpu.memory_space<vmem>>, vector<16xi32>,
        %ge3A_557 = arith.cmpi sge, %get3A_556, %or3A_37 : vector<16xi32>
        %all_reduce_population_count3A = tpu.all_reduce %ge3A_557 {dim = 0 : i64, kind = #tpu.reduction_kind<sum>} : vector<16xi1> -> vector<16xi32>
        %add3A_558 = arith.addi %scan3A_551, %all_reduce_population_count3A : vector<16xi32>
        %mul3A_559 = arith.constant 64 : i32
        %mul3A_560 = arith.muli %scan3A_550, %mul3A_559 : i32
        %add3A_561 = arith.constant 16 : i32
        %add3A_562 = arith.addi %mul3A_560, %add3A_561 : i32
        %get3A_563 = arith.index_cast %add3A_562 : i32 to index
        %get3A_564 = tpu.vector_load %arg6[%get3A_563] {strides = array<i32>} : memref<2048xi32, #tpu.memory_space<vmem>>, vector<16xi32>,
        %ge3A_565 = arith.cmpi sge, %get3A_564, %or3A_37 : vector<16xi32>
        %all_reduce_population_count3A_566 = tpu.all_reduce %ge3A_565 {dim = 0 : i64, kind = #tpu.reduction_kind<sum>} : vector<16xi1> -> vector<16xi32>
        %add3A_567 = arith.addi %add3A_558, %all_reduce_population_count3A_566 : vector<16xi32>
        %mul3A_568 = arith.constant 64 : i32
        %mul3A_569 = arith.muli %scan3A_550, %mul3A_568 : i32
        %add3A_570 = arith.constant 32 : i32
        %add3A_571 = arith.addi %mul3A_569, %add3A_570 : i32
        %get3A_572 = arith.index_cast %add3A_571 : i32 to index
        %get3A_573 = tpu.vector_load %arg6[%get3A_572] {strides = array<i32>} : memref<2048xi32, #tpu.memory_space<vmem>>, vector<16xi32>,
        %ge3A_574 = arith.cmpi sge, %get3A_573, %or3A_37 : vector<16xi32>
        %all_reduce_population_count3A_575 = tpu.all_reduce %ge3A_574 {dim = 0 : i64, kind = #tpu.reduction_kind<sum>} : vector<16xi1> -> vector<16xi32>
        %add3A_576 = arith.addi %add3A_567, %all_reduce_population_count3A_575 : vector<16xi32>
        %mul3A_577 = arith.constant 64 : i32
        %mul3A_578 = arith.muli %scan3A_550, %mul3A_577 : i32
        %add3A_579 = arith.constant 48 : i32
        %add3A_580 = arith.addi %mul3A_578, %add3A_579 : i32
        %get3A_581 = arith.index_cast %add3A_580 : i32 to index
        %get3A_582 = tpu.vector_load %arg6[%get3A_581] {strides = array<i32>} : memref<2048xi32, #tpu.memory_space<vmem>>, vector<16xi32>,
        %ge3A_583 = arith.cmpi sge, %get3A_582, %or3A_37 : vector<16xi32>
        %all_reduce_population_count3A_584 = tpu.all_reduce %ge3A_583 {dim = 0 : i64, kind = #tpu.reduction_kind<sum>} : vector<16xi1> -> vector<16xi32>
        %add3A_585 = arith.addi %add3A_576, %all_reduce_population_count3A_584 : vector<16xi32>
        scf.yield %add3A_585 : vector<16xi32>
      }
      %scan3A_45 = arith.constant 32 : i32
      %ge3A_46 = arith.cmpi sge, %scan3A_44, %broadcast_in_dim3A_8 : vector<16xi32>
      %select_n3A_47 = arith.select %ge3A_46, %or3A_37, %select_n3A_34 : vector<16xi1>, vector<16xi32>
      %broadcast_in_dim3A_48 = arith.constant 268435456 : i32
      %broadcast_in_dim3A_49 = vector.broadcast %broadcast_in_dim3A_48 : i32 to vector<16xi32>
      %or3A_50 = arith.ori %select_n3A_47, %broadcast_in_dim3A_49 : vector<16xi32>
      %broadcast_in_dim3A_51 = arith.constant 0 : i32
      %broadcast_in_dim3A_52 = vector.broadcast %broadcast_in_dim3A_51 : i32 to vector<16xi32>
      %scan3A_53 = arith.constant 0 : i32
      %scan3A_54 = arith.constant 32 : i32
      %scan3A_55 = arith.addi %scan3A_53, %scan3A_54 : i32
      %scan3A_56 = arith.constant 1 : i32
      %scan3A_57 = scf.for %scan3A_550 = %scan3A_53 to %scan3A_55 step %scan3A_56 iter_args(%scan3A_551 = %broadcast_in_dim3A_52) -> (vector<16xi32>)  : i32 {
        %mul3A_552 = arith.constant 64 : i32
        %mul3A_553 = arith.muli %scan3A_550, %mul3A_552 : i32
        %add3A_554 = arith.constant 0 : i32
        %add3A_555 = arith.addi %mul3A_553, %add3A_554 : i32
        %get3A = arith.index_cast %add3A_555 : i32 to index
        %get3A_556 = tpu.vector_load %arg6[%get3A] {strides = array<i32>} : memref<2048xi32, #tpu.memory_space<vmem>>, vector<16xi32>,
        %ge3A_557 = arith.cmpi sge, %get3A_556, %or3A_50 : vector<16xi32>
        %all_reduce_population_count3A = tpu.all_reduce %ge3A_557 {dim = 0 : i64, kind = #tpu.reduction_kind<sum>} : vector<16xi1> -> vector<16xi32>
        %add3A_558 = arith.addi %scan3A_551, %all_reduce_population_count3A : vector<16xi32>
        %mul3A_559 = arith.constant 64 : i32
        %mul3A_560 = arith.muli %scan3A_550, %mul3A_559 : i32
        %add3A_561 = arith.constant 16 : i32
        %add3A_562 = arith.addi %mul3A_560, %add3A_561 : i32
        %get3A_563 = arith.index_cast %add3A_562 : i32 to index
        %get3A_564 = tpu.vector_load %arg6[%get3A_563] {strides = array<i32>} : memref<2048xi32, #tpu.memory_space<vmem>>, vector<16xi32>,
        %ge3A_565 = arith.cmpi sge, %get3A_564, %or3A_50 : vector<16xi32>
        %all_reduce_population_count3A_566 = tpu.all_reduce %ge3A_565 {dim = 0 : i64, kind = #tpu.reduction_kind<sum>} : vector<16xi1> -> vector<16xi32>
        %add3A_567 = arith.addi %add3A_558, %all_reduce_population_count3A_566 : vector<16xi32>
        %mul3A_568 = arith.constant 64 : i32
        %mul3A_569 = arith.muli %scan3A_550, %mul3A_568 : i32
        %add3A_570 = arith.constant 32 : i32
        %add3A_571 = arith.addi %mul3A_569, %add3A_570 : i32
        %get3A_572 = arith.index_cast %add3A_571 : i32 to index
        %get3A_573 = tpu.vector_load %arg6[%get3A_572] {strides = array<i32>} : memref<2048xi32, #tpu.memory_space<vmem>>, vector<16xi32>,
        %ge3A_574 = arith.cmpi sge, %get3A_573, %or3A_50 : vector<16xi32>
        %all_reduce_population_count3A_575 = tpu.all_reduce %ge3A_574 {dim = 0 : i64, kind = #tpu.reduction_kind<sum>} : vector<16xi1> -> vector<16xi32>
        %add3A_576 = arith.addi %add3A_567, %all_reduce_population_count3A_575 : vector<16xi32>
        %mul3A_577 = arith.constant 64 : i32
        %mul3A_578 = arith.muli %scan3A_550, %mul3A_577 : i32
        %add3A_579 = arith.constant 48 : i32
        %add3A_580 = arith.addi %mul3A_578, %add3A_579 : i32
        %get3A_581 = arith.index_cast %add3A_580 : i32 to index
        %get3A_582 = tpu.vector_load %arg6[%get3A_581] {strides = array<i32>} : memref<2048xi32, #tpu.memory_space<vmem>>, vector<16xi32>,
        %ge3A_583 = arith.cmpi sge, %get3A_582, %or3A_50 : vector<16xi32>
        %all_reduce_population_count3A_584 = tpu.all_reduce %ge3A_583 {dim = 0 : i64, kind = #tpu.reduction_kind<sum>} : vector<16xi1> -> vector<16xi32>
        %add3A_585 = arith.addi %add3A_576, %all_reduce_population_count3A_584 : vector<16xi32>
        scf.yield %add3A_585 : vector<16xi32>
      }
      %scan3A_58 = arith.constant 32 : i32
      %ge3A_59 = arith.cmpi sge, %scan3A_57, %broadcast_in_dim3A_8 : vector<16xi32>
      %select_n3A_60 = arith.select %ge3A_59, %or3A_50, %select_n3A_47 : vector<16xi1>, vector<16xi32>
      %broadcast_in_dim3A_61 = arith.constant 134217728 : i32
      %broadcast_in_dim3A_62 = vector.broadcast %broadcast_in_dim3A_61 : i32 to vector<16xi32>
      %or3A_63 = arith.ori %select_n3A_60, %broadcast_in_dim3A_62 : vector<16xi32>
      %broadcast_in_dim3A_64 = arith.constant 0 : i32
      %broadcast_in_dim3A_65 = vector.broadcast %broadcast_in_dim3A_64 : i32 to vector<16xi32>
      %scan3A_66 = arith.constant 0 : i32
      %scan3A_67 = arith.constant 32 : i32
      %scan3A_68 = arith.addi %scan3A_66, %scan3A_67 : i32
      %scan3A_69 = arith.constant 1 : i32
      %scan3A_70 = scf.for %scan3A_550 = %scan3A_66 to %scan3A_68 step %scan3A_69 iter_args(%scan3A_551 = %broadcast_in_dim3A_65) -> (vector<16xi32>)  : i32 {
        %mul3A_552 = arith.constant 64 : i32
        %mul3A_553 = arith.muli %scan3A_550, %mul3A_552 : i32
        %add3A_554 = arith.constant 0 : i32
        %add3A_555 = arith.addi %mul3A_553, %add3A_554 : i32
        %get3A = arith.index_cast %add3A_555 : i32 to index
        %get3A_556 = tpu.vector_load %arg6[%get3A] {strides = array<i32>} : memref<2048xi32, #tpu.memory_space<vmem>>, vector<16xi32>,
        %ge3A_557 = arith.cmpi sge, %get3A_556, %or3A_63 : vector<16xi32>
        %all_reduce_population_count3A = tpu.all_reduce %ge3A_557 {dim = 0 : i64, kind = #tpu.reduction_kind<sum>} : vector<16xi1> -> vector<16xi32>
        %add3A_558 = arith.addi %scan3A_551, %all_reduce_population_count3A : vector<16xi32>
        %mul3A_559 = arith.constant 64 : i32
        %mul3A_560 = arith.muli %scan3A_550, %mul3A_559 : i32
        %add3A_561 = arith.constant 16 : i32
        %add3A_562 = arith.addi %mul3A_560, %add3A_561 : i32
        %get3A_563 = arith.index_cast %add3A_562 : i32 to index
        %get3A_564 = tpu.vector_load %arg6[%get3A_563] {strides = array<i32>} : memref<2048xi32, #tpu.memory_space<vmem>>, vector<16xi32>,
        %ge3A_565 = arith.cmpi sge, %get3A_564, %or3A_63 : vector<16xi32>
        %all_reduce_population_count3A_566 = tpu.all_reduce %ge3A_565 {dim = 0 : i64, kind = #tpu.reduction_kind<sum>} : vector<16xi1> -> vector<16xi32>
        %add3A_567 = arith.addi %add3A_558, %all_reduce_population_count3A_566 : vector<16xi32>
        %mul3A_568 = arith.constant 64 : i32
        %mul3A_569 = arith.muli %scan3A_550, %mul3A_568 : i32
        %add3A_570 = arith.constant 32 : i32
        %add3A_571 = arith.addi %mul3A_569, %add3A_570 : i32
        %get3A_572 = arith.index_cast %add3A_571 : i32 to index
        %get3A_573 = tpu.vector_load %arg6[%get3A_572] {strides = array<i32>} : memref<2048xi32, #tpu.memory_space<vmem>>, vector<16xi32>,
        %ge3A_574 = arith.cmpi sge, %get3A_573, %or3A_63 : vector<16xi32>
        %all_reduce_population_count3A_575 = tpu.all_reduce %ge3A_574 {dim = 0 : i64, kind = #tpu.reduction_kind<sum>} : vector<16xi1> -> vector<16xi32>
        %add3A_576 = arith.addi %add3A_567, %all_reduce_population_count3A_575 : vector<16xi32>
        %mul3A_577 = arith.constant 64 : i32
        %mul3A_578 = arith.muli %scan3A_550, %mul3A_577 : i32
        %add3A_579 = arith.constant 48 : i32
        %add3A_580 = arith.addi %mul3A_578, %add3A_579 : i32
        %get3A_581 = arith.index_cast %add3A_580 : i32 to index
        %get3A_582 = tpu.vector_load %arg6[%get3A_581] {strides = array<i32>} : memref<2048xi32, #tpu.memory_space<vmem>>, vector<16xi32>,
        %ge3A_583 = arith.cmpi sge, %get3A_582, %or3A_63 : vector<16xi32>
        %all_reduce_population_count3A_584 = tpu.all_reduce %ge3A_583 {dim = 0 : i64, kind = #tpu.reduction_kind<sum>} : vector<16xi1> -> vector<16xi32>
        %add3A_585 = arith.addi %add3A_576, %all_reduce_population_count3A_584 : vector<16xi32>
        scf.yield %add3A_585 : vector<16xi32>
      }
      %scan3A_71 = arith.constant 32 : i32
      %ge3A_72 = arith.cmpi sge, %scan3A_70, %broadcast_in_dim3A_8 : vector<16xi32>
      %select_n3A_73 = arith.select %ge3A_72, %or3A_63, %select_n3A_60 : vector<16xi1>, vector<16xi32>
      %broadcast_in_dim3A_74 = arith.constant 67108864 : i32
      %broadcast_in_dim3A_75 = vector.broadcast %broadcast_in_dim3A_74 : i32 to vector<16xi32>
      %or3A_76 = arith.ori %select_n3A_73, %broadcast_in_dim3A_75 : vector<16xi32>
      %broadcast_in_dim3A_77 = arith.constant 0 : i32
      %broadcast_in_dim3A_78 = vector.broadcast %broadcast_in_dim3A_77 : i32 to vector<16xi32>
      %scan3A_79 = arith.constant 0 : i32
      %scan3A_80 = arith.constant 32 : i32
      %scan3A_81 = arith.addi %scan3A_79, %scan3A_80 : i32
      %scan3A_82 = arith.constant 1 : i32
      %scan3A_83 = scf.for %scan3A_550 = %scan3A_79 to %scan3A_81 step %scan3A_82 iter_args(%scan3A_551 = %broadcast_in_dim3A_78) -> (vector<16xi32>)  : i32 {
        %mul3A_552 = arith.constant 64 : i32
        %mul3A_553 = arith.muli %scan3A_550, %mul3A_552 : i32
        %add3A_554 = arith.constant 0 : i32
        %add3A_555 = arith.addi %mul3A_553, %add3A_554 : i32
        %get3A = arith.index_cast %add3A_555 : i32 to index
        %get3A_556 = tpu.vector_load %arg6[%get3A] {strides = array<i32>} : memref<2048xi32, #tpu.memory_space<vmem>>, vector<16xi32>,
        %ge3A_557 = arith.cmpi sge, %get3A_556, %or3A_76 : vector<16xi32>
        %all_reduce_population_count3A = tpu.all_reduce %ge3A_557 {dim = 0 : i64, kind = #tpu.reduction_kind<sum>} : vector<16xi1> -> vector<16xi32>
        %add3A_558 = arith.addi %scan3A_551, %all_reduce_population_count3A : vector<16xi32>
        %mul3A_559 = arith.constant 64 : i32
        %mul3A_560 = arith.muli %scan3A_550, %mul3A_559 : i32
        %add3A_561 = arith.constant 16 : i32
        %add3A_562 = arith.addi %mul3A_560, %add3A_561 : i32
        %get3A_563 = arith.index_cast %add3A_562 : i32 to index
        %get3A_564 = tpu.vector_load %arg6[%get3A_563] {strides = array<i32>} : memref<2048xi32, #tpu.memory_space<vmem>>, vector<16xi32>,
        %ge3A_565 = arith.cmpi sge, %get3A_564, %or3A_76 : vector<16xi32>
        %all_reduce_population_count3A_566 = tpu.all_reduce %ge3A_565 {dim = 0 : i64, kind = #tpu.reduction_kind<sum>} : vector<16xi1> -> vector<16xi32>
        %add3A_567 = arith.addi %add3A_558, %all_reduce_population_count3A_566 : vector<16xi32>
        %mul3A_568 = arith.constant 64 : i32
        %mul3A_569 = arith.muli %scan3A_550, %mul3A_568 : i32
        %add3A_570 = arith.constant 32 : i32
        %add3A_571 = arith.addi %mul3A_569, %add3A_570 : i32
        %get3A_572 = arith.index_cast %add3A_571 : i32 to index
        %get3A_573 = tpu.vector_load %arg6[%get3A_572] {strides = array<i32>} : memref<2048xi32, #tpu.memory_space<vmem>>, vector<16xi32>,
        %ge3A_574 = arith.cmpi sge, %get3A_573, %or3A_76 : vector<16xi32>
        %all_reduce_population_count3A_575 = tpu.all_reduce %ge3A_574 {dim = 0 : i64, kind = #tpu.reduction_kind<sum>} : vector<16xi1> -> vector<16xi32>
        %add3A_576 = arith.addi %add3A_567, %all_reduce_population_count3A_575 : vector<16xi32>
        %mul3A_577 = arith.constant 64 : i32
        %mul3A_578 = arith.muli %scan3A_550, %mul3A_577 : i32
        %add3A_579 = arith.constant 48 : i32
        %add3A_580 = arith.addi %mul3A_578, %add3A_579 : i32
        %get3A_581 = arith.index_cast %add3A_580 : i32 to index
        %get3A_582 = tpu.vector_load %arg6[%get3A_581] {strides = array<i32>} : memref<2048xi32, #tpu.memory_space<vmem>>, vector<16xi32>,
        %ge3A_583 = arith.cmpi sge, %get3A_582, %or3A_76 : vector<16xi32>
        %all_reduce_population_count3A_584 = tpu.all_reduce %ge3A_583 {dim = 0 : i64, kind = #tpu.reduction_kind<sum>} : vector<16xi1> -> vector<16xi32>
        %add3A_585 = arith.addi %add3A_576, %all_reduce_population_count3A_584 : vector<16xi32>
        scf.yield %add3A_585 : vector<16xi32>
      }
      %scan3A_84 = arith.constant 32 : i32
      %ge3A_85 = arith.cmpi sge, %scan3A_83, %broadcast_in_dim3A_8 : vector<16xi32>
      %select_n3A_86 = arith.select %ge3A_85, %or3A_76, %select_n3A_73 : vector<16xi1>, vector<16xi32>
      %broadcast_in_dim3A_87 = arith.constant 33554432 : i32
      %broadcast_in_dim3A_88 = vector.broadcast %broadcast_in_dim3A_87 : i32 to vector<16xi32>
      %or3A_89 = arith.ori %select_n3A_86, %broadcast_in_dim3A_88 : vector<16xi32>
      %broadcast_in_dim3A_90 = arith.constant 0 : i32
      %broadcast_in_dim3A_91 = vector.broadcast %broadcast_in_dim3A_90 : i32 to vector<16xi32>
      %scan3A_92 = arith.constant 0 : i32
      %scan3A_93 = arith.constant 32 : i32
      %scan3A_94 = arith.addi %scan3A_92, %scan3A_93 : i32
      %scan3A_95 = arith.constant 1 : i32
      %scan3A_96 = scf.for %scan3A_550 = %scan3A_92 to %scan3A_94 step %scan3A_95 iter_args(%scan3A_551 = %broadcast_in_dim3A_91) -> (vector<16xi32>)  : i32 {
        %mul3A_552 = arith.constant 64 : i32
        %mul3A_553 = arith.muli %scan3A_550, %mul3A_552 : i32
        %add3A_554 = arith.constant 0 : i32
        %add3A_555 = arith.addi %mul3A_553, %add3A_554 : i32
        %get3A = arith.index_cast %add3A_555 : i32 to index
        %get3A_556 = tpu.vector_load %arg6[%get3A] {strides = array<i32>} : memref<2048xi32, #tpu.memory_space<vmem>>, vector<16xi32>,
        %ge3A_557 = arith.cmpi sge, %get3A_556, %or3A_89 : vector<16xi32>
        %all_reduce_population_count3A = tpu.all_reduce %ge3A_557 {dim = 0 : i64, kind = #tpu.reduction_kind<sum>} : vector<16xi1> -> vector<16xi32>
        %add3A_558 = arith.addi %scan3A_551, %all_reduce_population_count3A : vector<16xi32>
        %mul3A_559 = arith.constant 64 : i32
        %mul3A_560 = arith.muli %scan3A_550, %mul3A_559 : i32
        %add3A_561 = arith.constant 16 : i32
        %add3A_562 = arith.addi %mul3A_560, %add3A_561 : i32
        %get3A_563 = arith.index_cast %add3A_562 : i32 to index
        %get3A_564 = tpu.vector_load %arg6[%get3A_563] {strides = array<i32>} : memref<2048xi32, #tpu.memory_space<vmem>>, vector<16xi32>,
        %ge3A_565 = arith.cmpi sge, %get3A_564, %or3A_89 : vector<16xi32>
        %all_reduce_population_count3A_566 = tpu.all_reduce %ge3A_565 {dim = 0 : i64, kind = #tpu.reduction_kind<sum>} : vector<16xi1> -> vector<16xi32>
        %add3A_567 = arith.addi %add3A_558, %all_reduce_population_count3A_566 : vector<16xi32>
        %mul3A_568 = arith.constant 64 : i32
        %mul3A_569 = arith.muli %scan3A_550, %mul3A_568 : i32
        %add3A_570 = arith.constant 32 : i32
        %add3A_571 = arith.addi %mul3A_569, %add3A_570 : i32
        %get3A_572 = arith.index_cast %add3A_571 : i32 to index
        %get3A_573 = tpu.vector_load %arg6[%get3A_572] {strides = array<i32>} : memref<2048xi32, #tpu.memory_space<vmem>>, vector<16xi32>,
        %ge3A_574 = arith.cmpi sge, %get3A_573, %or3A_89 : vector<16xi32>
        %all_reduce_population_count3A_575 = tpu.all_reduce %ge3A_574 {dim = 0 : i64, kind = #tpu.reduction_kind<sum>} : vector<16xi1> -> vector<16xi32>
        %add3A_576 = arith.addi %add3A_567, %all_reduce_population_count3A_575 : vector<16xi32>
        %mul3A_577 = arith.constant 64 : i32
        %mul3A_578 = arith.muli %scan3A_550, %mul3A_577 : i32
        %add3A_579 = arith.constant 48 : i32
        %add3A_580 = arith.addi %mul3A_578, %add3A_579 : i32
        %get3A_581 = arith.index_cast %add3A_580 : i32 to index
        %get3A_582 = tpu.vector_load %arg6[%get3A_581] {strides = array<i32>} : memref<2048xi32, #tpu.memory_space<vmem>>, vector<16xi32>,
        %ge3A_583 = arith.cmpi sge, %get3A_582, %or3A_89 : vector<16xi32>
        %all_reduce_population_count3A_584 = tpu.all_reduce %ge3A_583 {dim = 0 : i64, kind = #tpu.reduction_kind<sum>} : vector<16xi1> -> vector<16xi32>
        %add3A_585 = arith.addi %add3A_576, %all_reduce_population_count3A_584 : vector<16xi32>
        scf.yield %add3A_585 : vector<16xi32>
      }
      %scan3A_97 = arith.constant 32 : i32
      %ge3A_98 = arith.cmpi sge, %scan3A_96, %broadcast_in_dim3A_8 : vector<16xi32>
      %select_n3A_99 = arith.select %ge3A_98, %or3A_89, %select_n3A_86 : vector<16xi1>, vector<16xi32>
      %broadcast_in_dim3A_100 = arith.constant 16777216 : i32
      %broadcast_in_dim3A_101 = vector.broadcast %broadcast_in_dim3A_100 : i32 to vector<16xi32>
      %or3A_102 = arith.ori %select_n3A_99, %broadcast_in_dim3A_101 : vector<16xi32>
      %broadcast_in_dim3A_103 = arith.constant 0 : i32
      %broadcast_in_dim3A_104 = vector.broadcast %broadcast_in_dim3A_103 : i32 to vector<16xi32>
      %scan3A_105 = arith.constant 0 : i32
      %scan3A_106 = arith.constant 32 : i32
      %scan3A_107 = arith.addi %scan3A_105, %scan3A_106 : i32
      %scan3A_108 = arith.constant 1 : i32
      %scan3A_109 = scf.for %scan3A_550 = %scan3A_105 to %scan3A_107 step %scan3A_108 iter_args(%scan3A_551 = %broadcast_in_dim3A_104) -> (vector<16xi32>)  : i32 {
        %mul3A_552 = arith.constant 64 : i32
        %mul3A_553 = arith.muli %scan3A_550, %mul3A_552 : i32
        %add3A_554 = arith.constant 0 : i32
        %add3A_555 = arith.addi %mul3A_553, %add3A_554 : i32
        %get3A = arith.index_cast %add3A_555 : i32 to index
        %get3A_556 = tpu.vector_load %arg6[%get3A] {strides = array<i32>} : memref<2048xi32, #tpu.memory_space<vmem>>, vector<16xi32>,
        %ge3A_557 = arith.cmpi sge, %get3A_556, %or3A_102 : vector<16xi32>
        %all_reduce_population_count3A = tpu.all_reduce %ge3A_557 {dim = 0 : i64, kind = #tpu.reduction_kind<sum>} : vector<16xi1> -> vector<16xi32>
        %add3A_558 = arith.addi %scan3A_551, %all_reduce_population_count3A : vector<16xi32>
        %mul3A_559 = arith.constant 64 : i32
        %mul3A_560 = arith.muli %scan3A_550, %mul3A_559 : i32
        %add3A_561 = arith.constant 16 : i32
        %add3A_562 = arith.addi %mul3A_560, %add3A_561 : i32
        %get3A_563 = arith.index_cast %add3A_562 : i32 to index
        %get3A_564 = tpu.vector_load %arg6[%get3A_563] {strides = array<i32>} : memref<2048xi32, #tpu.memory_space<vmem>>, vector<16xi32>,
        %ge3A_565 = arith.cmpi sge, %get3A_564, %or3A_102 : vector<16xi32>
        %all_reduce_population_count3A_566 = tpu.all_reduce %ge3A_565 {dim = 0 : i64, kind = #tpu.reduction_kind<sum>} : vector<16xi1> -> vector<16xi32>
        %add3A_567 = arith.addi %add3A_558, %all_reduce_population_count3A_566 : vector<16xi32>
        %mul3A_568 = arith.constant 64 : i32
        %mul3A_569 = arith.muli %scan3A_550, %mul3A_568 : i32
        %add3A_570 = arith.constant 32 : i32
        %add3A_571 = arith.addi %mul3A_569, %add3A_570 : i32
        %get3A_572 = arith.index_cast %add3A_571 : i32 to index
        %get3A_573 = tpu.vector_load %arg6[%get3A_572] {strides = array<i32>} : memref<2048xi32, #tpu.memory_space<vmem>>, vector<16xi32>,
        %ge3A_574 = arith.cmpi sge, %get3A_573, %or3A_102 : vector<16xi32>
        %all_reduce_population_count3A_575 = tpu.all_reduce %ge3A_574 {dim = 0 : i64, kind = #tpu.reduction_kind<sum>} : vector<16xi1> -> vector<16xi32>
        %add3A_576 = arith.addi %add3A_567, %all_reduce_population_count3A_575 : vector<16xi32>
        %mul3A_577 = arith.constant 64 : i32
        %mul3A_578 = arith.muli %scan3A_550, %mul3A_577 : i32
        %add3A_579 = arith.constant 48 : i32
        %add3A_580 = arith.addi %mul3A_578, %add3A_579 : i32
        %get3A_581 = arith.index_cast %add3A_580 : i32 to index
        %get3A_582 = tpu.vector_load %arg6[%get3A_581] {strides = array<i32>} : memref<2048xi32, #tpu.memory_space<vmem>>, vector<16xi32>,
        %ge3A_583 = arith.cmpi sge, %get3A_582, %or3A_102 : vector<16xi32>
        %all_reduce_population_count3A_584 = tpu.all_reduce %ge3A_583 {dim = 0 : i64, kind = #tpu.reduction_kind<sum>} : vector<16xi1> -> vector<16xi32>
        %add3A_585 = arith.addi %add3A_576, %all_reduce_population_count3A_584 : vector<16xi32>
        scf.yield %add3A_585 : vector<16xi32>
      }
      %scan3A_110 = arith.constant 32 : i32
      %ge3A_111 = arith.cmpi sge, %scan3A_109, %broadcast_in_dim3A_8 : vector<16xi32>
      %select_n3A_112 = arith.select %ge3A_111, %or3A_102, %select_n3A_99 : vector<16xi1>, vector<16xi32>
      %broadcast_in_dim3A_113 = arith.constant 8388608 : i32
      %broadcast_in_dim3A_114 = vector.broadcast %broadcast_in_dim3A_113 : i32 to vector<16xi32>
      %or3A_115 = arith.ori %select_n3A_112, %broadcast_in_dim3A_114 : vector<16xi32>
      %broadcast_in_dim3A_116 = arith.constant 0 : i32
      %broadcast_in_dim3A_117 = vector.broadcast %broadcast_in_dim3A_116 : i32 to vector<16xi32>
      %scan3A_118 = arith.constant 0 : i32
      %scan3A_119 = arith.constant 32 : i32
      %scan3A_120 = arith.addi %scan3A_118, %scan3A_119 : i32
      %scan3A_121 = arith.constant 1 : i32
      %scan3A_122 = scf.for %scan3A_550 = %scan3A_118 to %scan3A_120 step %scan3A_121 iter_args(%scan3A_551 = %broadcast_in_dim3A_117) -> (vector<16xi32>)  : i32 {
        %mul3A_552 = arith.constant 64 : i32
        %mul3A_553 = arith.muli %scan3A_550, %mul3A_552 : i32
        %add3A_554 = arith.constant 0 : i32
        %add3A_555 = arith.addi %mul3A_553, %add3A_554 : i32
        %get3A = arith.index_cast %add3A_555 : i32 to index
        %get3A_556 = tpu.vector_load %arg6[%get3A] {strides = array<i32>} : memref<2048xi32, #tpu.memory_space<vmem>>, vector<16xi32>,
        %ge3A_557 = arith.cmpi sge, %get3A_556, %or3A_115 : vector<16xi32>
        %all_reduce_population_count3A = tpu.all_reduce %ge3A_557 {dim = 0 : i64, kind = #tpu.reduction_kind<sum>} : vector<16xi1> -> vector<16xi32>
        %add3A_558 = arith.addi %scan3A_551, %all_reduce_population_count3A : vector<16xi32>
        %mul3A_559 = arith.constant 64 : i32
        %mul3A_560 = arith.muli %scan3A_550, %mul3A_559 : i32
        %add3A_561 = arith.constant 16 : i32
        %add3A_562 = arith.addi %mul3A_560, %add3A_561 : i32
        %get3A_563 = arith.index_cast %add3A_562 : i32 to index
        %get3A_564 = tpu.vector_load %arg6[%get3A_563] {strides = array<i32>} : memref<2048xi32, #tpu.memory_space<vmem>>, vector<16xi32>,
        %ge3A_565 = arith.cmpi sge, %get3A_564, %or3A_115 : vector<16xi32>
        %all_reduce_population_count3A_566 = tpu.all_reduce %ge3A_565 {dim = 0 : i64, kind = #tpu.reduction_kind<sum>} : vector<16xi1> -> vector<16xi32>
        %add3A_567 = arith.addi %add3A_558, %all_reduce_population_count3A_566 : vector<16xi32>
        %mul3A_568 = arith.constant 64 : i32
        %mul3A_569 = arith.muli %scan3A_550, %mul3A_568 : i32
        %add3A_570 = arith.constant 32 : i32
        %add3A_571 = arith.addi %mul3A_569, %add3A_570 : i32
        %get3A_572 = arith.index_cast %add3A_571 : i32 to index
        %get3A_573 = tpu.vector_load %arg6[%get3A_572] {strides = array<i32>} : memref<2048xi32, #tpu.memory_space<vmem>>, vector<16xi32>,
        %ge3A_574 = arith.cmpi sge, %get3A_573, %or3A_115 : vector<16xi32>
        %all_reduce_population_count3A_575 = tpu.all_reduce %ge3A_574 {dim = 0 : i64, kind = #tpu.reduction_kind<sum>} : vector<16xi1> -> vector<16xi32>
        %add3A_576 = arith.addi %add3A_567, %all_reduce_population_count3A_575 : vector<16xi32>
        %mul3A_577 = arith.constant 64 : i32
        %mul3A_578 = arith.muli %scan3A_550, %mul3A_577 : i32
        %add3A_579 = arith.constant 48 : i32
        %add3A_580 = arith.addi %mul3A_578, %add3A_579 : i32
        %get3A_581 = arith.index_cast %add3A_580 : i32 to index
        %get3A_582 = tpu.vector_load %arg6[%get3A_581] {strides = array<i32>} : memref<2048xi32, #tpu.memory_space<vmem>>, vector<16xi32>,
        %ge3A_583 = arith.cmpi sge, %get3A_582, %or3A_115 : vector<16xi32>
        %all_reduce_population_count3A_584 = tpu.all_reduce %ge3A_583 {dim = 0 : i64, kind = #tpu.reduction_kind<sum>} : vector<16xi1> -> vector<16xi32>
        %add3A_585 = arith.addi %add3A_576, %all_reduce_population_count3A_584 : vector<16xi32>
        scf.yield %add3A_585 : vector<16xi32>
      }
      %scan3A_123 = arith.constant 32 : i32
      %ge3A_124 = arith.cmpi sge, %scan3A_122, %broadcast_in_dim3A_8 : vector<16xi32>
      %select_n3A_125 = arith.select %ge3A_124, %or3A_115, %select_n3A_112 : vector<16xi1>, vector<16xi32>
      %broadcast_in_dim3A_126 = arith.constant 4194304 : i32
      %broadcast_in_dim3A_127 = vector.broadcast %broadcast_in_dim3A_126 : i32 to vector<16xi32>
      %or3A_128 = arith.ori %select_n3A_125, %broadcast_in_dim3A_127 : vector<16xi32>
      %broadcast_in_dim3A_129 = arith.constant 0 : i32
      %broadcast_in_dim3A_130 = vector.broadcast %broadcast_in_dim3A_129 : i32 to vector<16xi32>
      %scan3A_131 = arith.constant 0 : i32
      %scan3A_132 = arith.constant 32 : i32
      %scan3A_133 = arith.addi %scan3A_131, %scan3A_132 : i32
      %scan3A_134 = arith.constant 1 : i32
      %scan3A_135 = scf.for %scan3A_550 = %scan3A_131 to %scan3A_133 step %scan3A_134 iter_args(%scan3A_551 = %broadcast_in_dim3A_130) -> (vector<16xi32>)  : i32 {
        %mul3A_552 = arith.constant 64 : i32
        %mul3A_553 = arith.muli %scan3A_550, %mul3A_552 : i32
        %add3A_554 = arith.constant 0 : i32
        %add3A_555 = arith.addi %mul3A_553, %add3A_554 : i32
        %get3A = arith.index_cast %add3A_555 : i32 to index
        %get3A_556 = tpu.vector_load %arg6[%get3A] {strides = array<i32>} : memref<2048xi32, #tpu.memory_space<vmem>>, vector<16xi32>,
        %ge3A_557 = arith.cmpi sge, %get3A_556, %or3A_128 : vector<16xi32>
        %all_reduce_population_count3A = tpu.all_reduce %ge3A_557 {dim = 0 : i64, kind = #tpu.reduction_kind<sum>} : vector<16xi1> -> vector<16xi32>
        %add3A_558 = arith.addi %scan3A_551, %all_reduce_population_count3A : vector<16xi32>
        %mul3A_559 = arith.constant 64 : i32
        %mul3A_560 = arith.muli %scan3A_550, %mul3A_559 : i32
        %add3A_561 = arith.constant 16 : i32
        %add3A_562 = arith.addi %mul3A_560, %add3A_561 : i32
        %get3A_563 = arith.index_cast %add3A_562 : i32 to index
        %get3A_564 = tpu.vector_load %arg6[%get3A_563] {strides = array<i32>} : memref<2048xi32, #tpu.memory_space<vmem>>, vector<16xi32>,
        %ge3A_565 = arith.cmpi sge, %get3A_564, %or3A_128 : vector<16xi32>
        %all_reduce_population_count3A_566 = tpu.all_reduce %ge3A_565 {dim = 0 : i64, kind = #tpu.reduction_kind<sum>} : vector<16xi1> -> vector<16xi32>
        %add3A_567 = arith.addi %add3A_558, %all_reduce_population_count3A_566 : vector<16xi32>
        %mul3A_568 = arith.constant 64 : i32
        %mul3A_569 = arith.muli %scan3A_550, %mul3A_568 : i32
        %add3A_570 = arith.constant 32 : i32
        %add3A_571 = arith.addi %mul3A_569, %add3A_570 : i32
        %get3A_572 = arith.index_cast %add3A_571 : i32 to index
        %get3A_573 = tpu.vector_load %arg6[%get3A_572] {strides = array<i32>} : memref<2048xi32, #tpu.memory_space<vmem>>, vector<16xi32>,
        %ge3A_574 = arith.cmpi sge, %get3A_573, %or3A_128 : vector<16xi32>
        %all_reduce_population_count3A_575 = tpu.all_reduce %ge3A_574 {dim = 0 : i64, kind = #tpu.reduction_kind<sum>} : vector<16xi1> -> vector<16xi32>
        %add3A_576 = arith.addi %add3A_567, %all_reduce_population_count3A_575 : vector<16xi32>
        %mul3A_577 = arith.constant 64 : i32
        %mul3A_578 = arith.muli %scan3A_550, %mul3A_577 : i32
        %add3A_579 = arith.constant 48 : i32
        %add3A_580 = arith.addi %mul3A_578, %add3A_579 : i32
        %get3A_581 = arith.index_cast %add3A_580 : i32 to index
        %get3A_582 = tpu.vector_load %arg6[%get3A_581] {strides = array<i32>} : memref<2048xi32, #tpu.memory_space<vmem>>, vector<16xi32>,
        %ge3A_583 = arith.cmpi sge, %get3A_582, %or3A_128 : vector<16xi32>
        %all_reduce_population_count3A_584 = tpu.all_reduce %ge3A_583 {dim = 0 : i64, kind = #tpu.reduction_kind<sum>} : vector<16xi1> -> vector<16xi32>
        %add3A_585 = arith.addi %add3A_576, %all_reduce_population_count3A_584 : vector<16xi32>
        scf.yield %add3A_585 : vector<16xi32>
      }
      %scan3A_136 = arith.constant 32 : i32
      %ge3A_137 = arith.cmpi sge, %scan3A_135, %broadcast_in_dim3A_8 : vector<16xi32>
      %select_n3A_138 = arith.select %ge3A_137, %or3A_128, %select_n3A_125 : vector<16xi1>, vector<16xi32>
      %broadcast_in_dim3A_139 = arith.constant 2097152 : i32
      %broadcast_in_dim3A_140 = vector.broadcast %broadcast_in_dim3A_139 : i32 to vector<16xi32>
      %or3A_141 = arith.ori %select_n3A_138, %broadcast_in_dim3A_140 : vector<16xi32>
      %broadcast_in_dim3A_142 = arith.constant 0 : i32
      %broadcast_in_dim3A_143 = vector.broadcast %broadcast_in_dim3A_142 : i32 to vector<16xi32>
      %scan3A_144 = arith.constant 0 : i32
      %scan3A_145 = arith.constant 32 : i32
      %scan3A_146 = arith.addi %scan3A_144, %scan3A_145 : i32
      %scan3A_147 = arith.constant 1 : i32
      %scan3A_148 = scf.for %scan3A_550 = %scan3A_144 to %scan3A_146 step %scan3A_147 iter_args(%scan3A_551 = %broadcast_in_dim3A_143) -> (vector<16xi32>)  : i32 {
        %mul3A_552 = arith.constant 64 : i32
        %mul3A_553 = arith.muli %scan3A_550, %mul3A_552 : i32
        %add3A_554 = arith.constant 0 : i32
        %add3A_555 = arith.addi %mul3A_553, %add3A_554 : i32
        %get3A = arith.index_cast %add3A_555 : i32 to index
        %get3A_556 = tpu.vector_load %arg6[%get3A] {strides = array<i32>} : memref<2048xi32, #tpu.memory_space<vmem>>, vector<16xi32>,
        %ge3A_557 = arith.cmpi sge, %get3A_556, %or3A_141 : vector<16xi32>
        %all_reduce_population_count3A = tpu.all_reduce %ge3A_557 {dim = 0 : i64, kind = #tpu.reduction_kind<sum>} : vector<16xi1> -> vector<16xi32>
        %add3A_558 = arith.addi %scan3A_551, %all_reduce_population_count3A : vector<16xi32>
        %mul3A_559 = arith.constant 64 : i32
        %mul3A_560 = arith.muli %scan3A_550, %mul3A_559 : i32
        %add3A_561 = arith.constant 16 : i32
        %add3A_562 = arith.addi %mul3A_560, %add3A_561 : i32
        %get3A_563 = arith.index_cast %add3A_562 : i32 to index
        %get3A_564 = tpu.vector_load %arg6[%get3A_563] {strides = array<i32>} : memref<2048xi32, #tpu.memory_space<vmem>>, vector<16xi32>,
        %ge3A_565 = arith.cmpi sge, %get3A_564, %or3A_141 : vector<16xi32>
        %all_reduce_population_count3A_566 = tpu.all_reduce %ge3A_565 {dim = 0 : i64, kind = #tpu.reduction_kind<sum>} : vector<16xi1> -> vector<16xi32>
        %add3A_567 = arith.addi %add3A_558, %all_reduce_population_count3A_566 : vector<16xi32>
        %mul3A_568 = arith.constant 64 : i32
        %mul3A_569 = arith.muli %scan3A_550, %mul3A_568 : i32
        %add3A_570 = arith.constant 32 : i32
        %add3A_571 = arith.addi %mul3A_569, %add3A_570 : i32
        %get3A_572 = arith.index_cast %add3A_571 : i32 to index
        %get3A_573 = tpu.vector_load %arg6[%get3A_572] {strides = array<i32>} : memref<2048xi32, #tpu.memory_space<vmem>>, vector<16xi32>,
        %ge3A_574 = arith.cmpi sge, %get3A_573, %or3A_141 : vector<16xi32>
        %all_reduce_population_count3A_575 = tpu.all_reduce %ge3A_574 {dim = 0 : i64, kind = #tpu.reduction_kind<sum>} : vector<16xi1> -> vector<16xi32>
        %add3A_576 = arith.addi %add3A_567, %all_reduce_population_count3A_575 : vector<16xi32>
        %mul3A_577 = arith.constant 64 : i32
        %mul3A_578 = arith.muli %scan3A_550, %mul3A_577 : i32
        %add3A_579 = arith.constant 48 : i32
        %add3A_580 = arith.addi %mul3A_578, %add3A_579 : i32
        %get3A_581 = arith.index_cast %add3A_580 : i32 to index
        %get3A_582 = tpu.vector_load %arg6[%get3A_581] {strides = array<i32>} : memref<2048xi32, #tpu.memory_space<vmem>>, vector<16xi32>,
        %ge3A_583 = arith.cmpi sge, %get3A_582, %or3A_141 : vector<16xi32>
        %all_reduce_population_count3A_584 = tpu.all_reduce %ge3A_583 {dim = 0 : i64, kind = #tpu.reduction_kind<sum>} : vector<16xi1> -> vector<16xi32>
        %add3A_585 = arith.addi %add3A_576, %all_reduce_population_count3A_584 : vector<16xi32>
        scf.yield %add3A_585 : vector<16xi32>
      }
      %scan3A_149 = arith.constant 32 : i32
      %ge3A_150 = arith.cmpi sge, %scan3A_148, %broadcast_in_dim3A_8 : vector<16xi32>
      %select_n3A_151 = arith.select %ge3A_150, %or3A_141, %select_n3A_138 : vector<16xi1>, vector<16xi32>
      %broadcast_in_dim3A_152 = arith.constant 1048576 : i32
      %broadcast_in_dim3A_153 = vector.broadcast %broadcast_in_dim3A_152 : i32 to vector<16xi32>
      %or3A_154 = arith.ori %select_n3A_151, %broadcast_in_dim3A_153 : vector<16xi32>
      %broadcast_in_dim3A_155 = arith.constant 0 : i32
      %broadcast_in_dim3A_156 = vector.broadcast %broadcast_in_dim3A_155 : i32 to vector<16xi32>
      %scan3A_157 = arith.constant 0 : i32
      %scan3A_158 = arith.constant 32 : i32
      %scan3A_159 = arith.addi %scan3A_157, %scan3A_158 : i32
      %scan3A_160 = arith.constant 1 : i32
      %scan3A_161 = scf.for %scan3A_550 = %scan3A_157 to %scan3A_159 step %scan3A_160 iter_args(%scan3A_551 = %broadcast_in_dim3A_156) -> (vector<16xi32>)  : i32 {
        %mul3A_552 = arith.constant 64 : i32
        %mul3A_553 = arith.muli %scan3A_550, %mul3A_552 : i32
        %add3A_554 = arith.constant 0 : i32
        %add3A_555 = arith.addi %mul3A_553, %add3A_554 : i32
        %get3A = arith.index_cast %add3A_555 : i32 to index
        %get3A_556 = tpu.vector_load %arg6[%get3A] {strides = array<i32>} : memref<2048xi32, #tpu.memory_space<vmem>>, vector<16xi32>,
        %ge3A_557 = arith.cmpi sge, %get3A_556, %or3A_154 : vector<16xi32>
        %all_reduce_population_count3A = tpu.all_reduce %ge3A_557 {dim = 0 : i64, kind = #tpu.reduction_kind<sum>} : vector<16xi1> -> vector<16xi32>
        %add3A_558 = arith.addi %scan3A_551, %all_reduce_population_count3A : vector<16xi32>
        %mul3A_559 = arith.constant 64 : i32
        %mul3A_560 = arith.muli %scan3A_550, %mul3A_559 : i32
        %add3A_561 = arith.constant 16 : i32
        %add3A_562 = arith.addi %mul3A_560, %add3A_561 : i32
        %get3A_563 = arith.index_cast %add3A_562 : i32 to index
        %get3A_564 = tpu.vector_load %arg6[%get3A_563] {strides = array<i32>} : memref<2048xi32, #tpu.memory_space<vmem>>, vector<16xi32>,
        %ge3A_565 = arith.cmpi sge, %get3A_564, %or3A_154 : vector<16xi32>
        %all_reduce_population_count3A_566 = tpu.all_reduce %ge3A_565 {dim = 0 : i64, kind = #tpu.reduction_kind<sum>} : vector<16xi1> -> vector<16xi32>
        %add3A_567 = arith.addi %add3A_558, %all_reduce_population_count3A_566 : vector<16xi32>
        %mul3A_568 = arith.constant 64 : i32
        %mul3A_569 = arith.muli %scan3A_550, %mul3A_568 : i32
        %add3A_570 = arith.constant 32 : i32
        %add3A_571 = arith.addi %mul3A_569, %add3A_570 : i32
        %get3A_572 = arith.index_cast %add3A_571 : i32 to index
        %get3A_573 = tpu.vector_load %arg6[%get3A_572] {strides = array<i32>} : memref<2048xi32, #tpu.memory_space<vmem>>, vector<16xi32>,
        %ge3A_574 = arith.cmpi sge, %get3A_573, %or3A_154 : vector<16xi32>
        %all_reduce_population_count3A_575 = tpu.all_reduce %ge3A_574 {dim = 0 : i64, kind = #tpu.reduction_kind<sum>} : vector<16xi1> -> vector<16xi32>
        %add3A_576 = arith.addi %add3A_567, %all_reduce_population_count3A_575 : vector<16xi32>
        %mul3A_577 = arith.constant 64 : i32
        %mul3A_578 = arith.muli %scan3A_550, %mul3A_577 : i32
        %add3A_579 = arith.constant 48 : i32
        %add3A_580 = arith.addi %mul3A_578, %add3A_579 : i32
        %get3A_581 = arith.index_cast %add3A_580 : i32 to index
        %get3A_582 = tpu.vector_load %arg6[%get3A_581] {strides = array<i32>} : memref<2048xi32, #tpu.memory_space<vmem>>, vector<16xi32>,
        %ge3A_583 = arith.cmpi sge, %get3A_582, %or3A_154 : vector<16xi32>
        %all_reduce_population_count3A_584 = tpu.all_reduce %ge3A_583 {dim = 0 : i64, kind = #tpu.reduction_kind<sum>} : vector<16xi1> -> vector<16xi32>
        %add3A_585 = arith.addi %add3A_576, %all_reduce_population_count3A_584 : vector<16xi32>
        scf.yield %add3A_585 : vector<16xi32>
      }
      %scan3A_162 = arith.constant 32 : i32
      %ge3A_163 = arith.cmpi sge, %scan3A_161, %broadcast_in_dim3A_8 : vector<16xi32>
      %select_n3A_164 = arith.select %ge3A_163, %or3A_154, %select_n3A_151 : vector<16xi1>, vector<16xi32>
      %broadcast_in_dim3A_165 = arith.constant 524288 : i32
      %broadcast_in_dim3A_166 = vector.broadcast %broadcast_in_dim3A_165 : i32 to vector<16xi32>
      %or3A_167 = arith.ori %select_n3A_164, %broadcast_in_dim3A_166 : vector<16xi32>
      %broadcast_in_dim3A_168 = arith.constant 0 : i32
      %broadcast_in_dim3A_169 = vector.broadcast %broadcast_in_dim3A_168 : i32 to vector<16xi32>
      %scan3A_170 = arith.constant 0 : i32
      %scan3A_171 = arith.constant 32 : i32
      %scan3A_172 = arith.addi %scan3A_170, %scan3A_171 : i32
      %scan3A_173 = arith.constant 1 : i32
      %scan3A_174 = scf.for %scan3A_550 = %scan3A_170 to %scan3A_172 step %scan3A_173 iter_args(%scan3A_551 = %broadcast_in_dim3A_169) -> (vector<16xi32>)  : i32 {
        %mul3A_552 = arith.constant 64 : i32
        %mul3A_553 = arith.muli %scan3A_550, %mul3A_552 : i32
        %add3A_554 = arith.constant 0 : i32
        %add3A_555 = arith.addi %mul3A_553, %add3A_554 : i32
        %get3A = arith.index_cast %add3A_555 : i32 to index
        %get3A_556 = tpu.vector_load %arg6[%get3A] {strides = array<i32>} : memref<2048xi32, #tpu.memory_space<vmem>>, vector<16xi32>,
        %ge3A_557 = arith.cmpi sge, %get3A_556, %or3A_167 : vector<16xi32>
        %all_reduce_population_count3A = tpu.all_reduce %ge3A_557 {dim = 0 : i64, kind = #tpu.reduction_kind<sum>} : vector<16xi1> -> vector<16xi32>
        %add3A_558 = arith.addi %scan3A_551, %all_reduce_population_count3A : vector<16xi32>
        %mul3A_559 = arith.constant 64 : i32
        %mul3A_560 = arith.muli %scan3A_550, %mul3A_559 : i32
        %add3A_561 = arith.constant 16 : i32
        %add3A_562 = arith.addi %mul3A_560, %add3A_561 : i32
        %get3A_563 = arith.index_cast %add3A_562 : i32 to index
        %get3A_564 = tpu.vector_load %arg6[%get3A_563] {strides = array<i32>} : memref<2048xi32, #tpu.memory_space<vmem>>, vector<16xi32>,
        %ge3A_565 = arith.cmpi sge, %get3A_564, %or3A_167 : vector<16xi32>
        %all_reduce_population_count3A_566 = tpu.all_reduce %ge3A_565 {dim = 0 : i64, kind = #tpu.reduction_kind<sum>} : vector<16xi1> -> vector<16xi32>
        %add3A_567 = arith.addi %add3A_558, %all_reduce_population_count3A_566 : vector<16xi32>
        %mul3A_568 = arith.constant 64 : i32
        %mul3A_569 = arith.muli %scan3A_550, %mul3A_568 : i32
        %add3A_570 = arith.constant 32 : i32
        %add3A_571 = arith.addi %mul3A_569, %add3A_570 : i32
        %get3A_572 = arith.index_cast %add3A_571 : i32 to index
        %get3A_573 = tpu.vector_load %arg6[%get3A_572] {strides = array<i32>} : memref<2048xi32, #tpu.memory_space<vmem>>, vector<16xi32>,
        %ge3A_574 = arith.cmpi sge, %get3A_573, %or3A_167 : vector<16xi32>
        %all_reduce_population_count3A_575 = tpu.all_reduce %ge3A_574 {dim = 0 : i64, kind = #tpu.reduction_kind<sum>} : vector<16xi1> -> vector<16xi32>
        %add3A_576 = arith.addi %add3A_567, %all_reduce_population_count3A_575 : vector<16xi32>
        %mul3A_577 = arith.constant 64 : i32
        %mul3A_578 = arith.muli %scan3A_550, %mul3A_577 : i32
        %add3A_579 = arith.constant 48 : i32
        %add3A_580 = arith.addi %mul3A_578, %add3A_579 : i32
        %get3A_581 = arith.index_cast %add3A_580 : i32 to index
        %get3A_582 = tpu.vector_load %arg6[%get3A_581] {strides = array<i32>} : memref<2048xi32, #tpu.memory_space<vmem>>, vector<16xi32>,
        %ge3A_583 = arith.cmpi sge, %get3A_582, %or3A_167 : vector<16xi32>
        %all_reduce_population_count3A_584 = tpu.all_reduce %ge3A_583 {dim = 0 : i64, kind = #tpu.reduction_kind<sum>} : vector<16xi1> -> vector<16xi32>
        %add3A_585 = arith.addi %add3A_576, %all_reduce_population_count3A_584 : vector<16xi32>
        scf.yield %add3A_585 : vector<16xi32>
      }
      %scan3A_175 = arith.constant 32 : i32
      %ge3A_176 = arith.cmpi sge, %scan3A_174, %broadcast_in_dim3A_8 : vector<16xi32>
      %select_n3A_177 = arith.select %ge3A_176, %or3A_167, %select_n3A_164 : vector<16xi1>, vector<16xi32>
      %broadcast_in_dim3A_178 = arith.constant 262144 : i32
      %broadcast_in_dim3A_179 = vector.broadcast %broadcast_in_dim3A_178 : i32 to vector<16xi32>
      %or3A_180 = arith.ori %select_n3A_177, %broadcast_in_dim3A_179 : vector<16xi32>
      %broadcast_in_dim3A_181 = arith.constant 0 : i32
      %broadcast_in_dim3A_182 = vector.broadcast %broadcast_in_dim3A_181 : i32 to vector<16xi32>
      %scan3A_183 = arith.constant 0 : i32
      %scan3A_184 = arith.constant 32 : i32
      %scan3A_185 = arith.addi %scan3A_183, %scan3A_184 : i32
      %scan3A_186 = arith.constant 1 : i32
      %scan3A_187 = scf.for %scan3A_550 = %scan3A_183 to %scan3A_185 step %scan3A_186 iter_args(%scan3A_551 = %broadcast_in_dim3A_182) -> (vector<16xi32>)  : i32 {
        %mul3A_552 = arith.constant 64 : i32
        %mul3A_553 = arith.muli %scan3A_550, %mul3A_552 : i32
        %add3A_554 = arith.constant 0 : i32
        %add3A_555 = arith.addi %mul3A_553, %add3A_554 : i32
        %get3A = arith.index_cast %add3A_555 : i32 to index
        %get3A_556 = tpu.vector_load %arg6[%get3A] {strides = array<i32>} : memref<2048xi32, #tpu.memory_space<vmem>>, vector<16xi32>,
        %ge3A_557 = arith.cmpi sge, %get3A_556, %or3A_180 : vector<16xi32>
        %all_reduce_population_count3A = tpu.all_reduce %ge3A_557 {dim = 0 : i64, kind = #tpu.reduction_kind<sum>} : vector<16xi1> -> vector<16xi32>
        %add3A_558 = arith.addi %scan3A_551, %all_reduce_population_count3A : vector<16xi32>
        %mul3A_559 = arith.constant 64 : i32
        %mul3A_560 = arith.muli %scan3A_550, %mul3A_559 : i32
        %add3A_561 = arith.constant 16 : i32
        %add3A_562 = arith.addi %mul3A_560, %add3A_561 : i32
        %get3A_563 = arith.index_cast %add3A_562 : i32 to index
        %get3A_564 = tpu.vector_load %arg6[%get3A_563] {strides = array<i32>} : memref<2048xi32, #tpu.memory_space<vmem>>, vector<16xi32>,
        %ge3A_565 = arith.cmpi sge, %get3A_564, %or3A_180 : vector<16xi32>
        %all_reduce_population_count3A_566 = tpu.all_reduce %ge3A_565 {dim = 0 : i64, kind = #tpu.reduction_kind<sum>} : vector<16xi1> -> vector<16xi32>
        %add3A_567 = arith.addi %add3A_558, %all_reduce_population_count3A_566 : vector<16xi32>
        %mul3A_568 = arith.constant 64 : i32
        %mul3A_569 = arith.muli %scan3A_550, %mul3A_568 : i32
        %add3A_570 = arith.constant 32 : i32
        %add3A_571 = arith.addi %mul3A_569, %add3A_570 : i32
        %get3A_572 = arith.index_cast %add3A_571 : i32 to index
        %get3A_573 = tpu.vector_load %arg6[%get3A_572] {strides = array<i32>} : memref<2048xi32, #tpu.memory_space<vmem>>, vector<16xi32>,
        %ge3A_574 = arith.cmpi sge, %get3A_573, %or3A_180 : vector<16xi32>
        %all_reduce_population_count3A_575 = tpu.all_reduce %ge3A_574 {dim = 0 : i64, kind = #tpu.reduction_kind<sum>} : vector<16xi1> -> vector<16xi32>
        %add3A_576 = arith.addi %add3A_567, %all_reduce_population_count3A_575 : vector<16xi32>
        %mul3A_577 = arith.constant 64 : i32
        %mul3A_578 = arith.muli %scan3A_550, %mul3A_577 : i32
        %add3A_579 = arith.constant 48 : i32
        %add3A_580 = arith.addi %mul3A_578, %add3A_579 : i32
        %get3A_581 = arith.index_cast %add3A_580 : i32 to index
        %get3A_582 = tpu.vector_load %arg6[%get3A_581] {strides = array<i32>} : memref<2048xi32, #tpu.memory_space<vmem>>, vector<16xi32>,
        %ge3A_583 = arith.cmpi sge, %get3A_582, %or3A_180 : vector<16xi32>
        %all_reduce_population_count3A_584 = tpu.all_reduce %ge3A_583 {dim = 0 : i64, kind = #tpu.reduction_kind<sum>} : vector<16xi1> -> vector<16xi32>
        %add3A_585 = arith.addi %add3A_576, %all_reduce_population_count3A_584 : vector<16xi32>
        scf.yield %add3A_585 : vector<16xi32>
      }
      %scan3A_188 = arith.constant 32 : i32
      %ge3A_189 = arith.cmpi sge, %scan3A_187, %broadcast_in_dim3A_8 : vector<16xi32>
      %select_n3A_190 = arith.select %ge3A_189, %or3A_180, %select_n3A_177 : vector<16xi1>, vector<16xi32>
      %broadcast_in_dim3A_191 = arith.constant 131072 : i32
      %broadcast_in_dim3A_192 = vector.broadcast %broadcast_in_dim3A_191 : i32 to vector<16xi32>
      %or3A_193 = arith.ori %select_n3A_190, %broadcast_in_dim3A_192 : vector<16xi32>
      %broadcast_in_dim3A_194 = arith.constant 0 : i32
      %broadcast_in_dim3A_195 = vector.broadcast %broadcast_in_dim3A_194 : i32 to vector<16xi32>
      %scan3A_196 = arith.constant 0 : i32
      %scan3A_197 = arith.constant 32 : i32
      %scan3A_198 = arith.addi %scan3A_196, %scan3A_197 : i32
      %scan3A_199 = arith.constant 1 : i32
      %scan3A_200 = scf.for %scan3A_550 = %scan3A_196 to %scan3A_198 step %scan3A_199 iter_args(%scan3A_551 = %broadcast_in_dim3A_195) -> (vector<16xi32>)  : i32 {
        %mul3A_552 = arith.constant 64 : i32
        %mul3A_553 = arith.muli %scan3A_550, %mul3A_552 : i32
        %add3A_554 = arith.constant 0 : i32
        %add3A_555 = arith.addi %mul3A_553, %add3A_554 : i32
        %get3A = arith.index_cast %add3A_555 : i32 to index
        %get3A_556 = tpu.vector_load %arg6[%get3A] {strides = array<i32>} : memref<2048xi32, #tpu.memory_space<vmem>>, vector<16xi32>,
        %ge3A_557 = arith.cmpi sge, %get3A_556, %or3A_193 : vector<16xi32>
        %all_reduce_population_count3A = tpu.all_reduce %ge3A_557 {dim = 0 : i64, kind = #tpu.reduction_kind<sum>} : vector<16xi1> -> vector<16xi32>
        %add3A_558 = arith.addi %scan3A_551, %all_reduce_population_count3A : vector<16xi32>
        %mul3A_559 = arith.constant 64 : i32
        %mul3A_560 = arith.muli %scan3A_550, %mul3A_559 : i32
        %add3A_561 = arith.constant 16 : i32
        %add3A_562 = arith.addi %mul3A_560, %add3A_561 : i32
        %get3A_563 = arith.index_cast %add3A_562 : i32 to index
        %get3A_564 = tpu.vector_load %arg6[%get3A_563] {strides = array<i32>} : memref<2048xi32, #tpu.memory_space<vmem>>, vector<16xi32>,
        %ge3A_565 = arith.cmpi sge, %get3A_564, %or3A_193 : vector<16xi32>
        %all_reduce_population_count3A_566 = tpu.all_reduce %ge3A_565 {dim = 0 : i64, kind = #tpu.reduction_kind<sum>} : vector<16xi1> -> vector<16xi32>
        %add3A_567 = arith.addi %add3A_558, %all_reduce_population_count3A_566 : vector<16xi32>
        %mul3A_568 = arith.constant 64 : i32
        %mul3A_569 = arith.muli %scan3A_550, %mul3A_568 : i32
        %add3A_570 = arith.constant 32 : i32
        %add3A_571 = arith.addi %mul3A_569, %add3A_570 : i32
        %get3A_572 = arith.index_cast %add3A_571 : i32 to index
        %get3A_573 = tpu.vector_load %arg6[%get3A_572] {strides = array<i32>} : memref<2048xi32, #tpu.memory_space<vmem>>, vector<16xi32>,
        %ge3A_574 = arith.cmpi sge, %get3A_573, %or3A_193 : vector<16xi32>
        %all_reduce_population_count3A_575 = tpu.all_reduce %ge3A_574 {dim = 0 : i64, kind = #tpu.reduction_kind<sum>} : vector<16xi1> -> vector<16xi32>
        %add3A_576 = arith.addi %add3A_567, %all_reduce_population_count3A_575 : vector<16xi32>
        %mul3A_577 = arith.constant 64 : i32
        %mul3A_578 = arith.muli %scan3A_550, %mul3A_577 : i32
        %add3A_579 = arith.constant 48 : i32
        %add3A_580 = arith.addi %mul3A_578, %add3A_579 : i32
        %get3A_581 = arith.index_cast %add3A_580 : i32 to index
        %get3A_582 = tpu.vector_load %arg6[%get3A_581] {strides = array<i32>} : memref<2048xi32, #tpu.memory_space<vmem>>, vector<16xi32>,
        %ge3A_583 = arith.cmpi sge, %get3A_582, %or3A_193 : vector<16xi32>
        %all_reduce_population_count3A_584 = tpu.all_reduce %ge3A_583 {dim = 0 : i64, kind = #tpu.reduction_kind<sum>} : vector<16xi1> -> vector<16xi32>
        %add3A_585 = arith.addi %add3A_576, %all_reduce_population_count3A_584 : vector<16xi32>
        scf.yield %add3A_585 : vector<16xi32>
      }
      %scan3A_201 = arith.constant 32 : i32
      %ge3A_202 = arith.cmpi sge, %scan3A_200, %broadcast_in_dim3A_8 : vector<16xi32>
      %select_n3A_203 = arith.select %ge3A_202, %or3A_193, %select_n3A_190 : vector<16xi1>, vector<16xi32>
      %broadcast_in_dim3A_204 = arith.constant 65536 : i32
      %broadcast_in_dim3A_205 = vector.broadcast %broadcast_in_dim3A_204 : i32 to vector<16xi32>
      %or3A_206 = arith.ori %select_n3A_203, %broadcast_in_dim3A_205 : vector<16xi32>
      %broadcast_in_dim3A_207 = arith.constant 0 : i32
      %broadcast_in_dim3A_208 = vector.broadcast %broadcast_in_dim3A_207 : i32 to vector<16xi32>
      %scan3A_209 = arith.constant 0 : i32
      %scan3A_210 = arith.constant 32 : i32
      %scan3A_211 = arith.addi %scan3A_209, %scan3A_210 : i32
      %scan3A_212 = arith.constant 1 : i32
      %scan3A_213 = scf.for %scan3A_550 = %scan3A_209 to %scan3A_211 step %scan3A_212 iter_args(%scan3A_551 = %broadcast_in_dim3A_208) -> (vector<16xi32>)  : i32 {
        %mul3A_552 = arith.constant 64 : i32
        %mul3A_553 = arith.muli %scan3A_550, %mul3A_552 : i32
        %add3A_554 = arith.constant 0 : i32
        %add3A_555 = arith.addi %mul3A_553, %add3A_554 : i32
        %get3A = arith.index_cast %add3A_555 : i32 to index
        %get3A_556 = tpu.vector_load %arg6[%get3A] {strides = array<i32>} : memref<2048xi32, #tpu.memory_space<vmem>>, vector<16xi32>,
        %ge3A_557 = arith.cmpi sge, %get3A_556, %or3A_206 : vector<16xi32>
        %all_reduce_population_count3A = tpu.all_reduce %ge3A_557 {dim = 0 : i64, kind = #tpu.reduction_kind<sum>} : vector<16xi1> -> vector<16xi32>
        %add3A_558 = arith.addi %scan3A_551, %all_reduce_population_count3A : vector<16xi32>
        %mul3A_559 = arith.constant 64 : i32
        %mul3A_560 = arith.muli %scan3A_550, %mul3A_559 : i32
        %add3A_561 = arith.constant 16 : i32
        %add3A_562 = arith.addi %mul3A_560, %add3A_561 : i32
        %get3A_563 = arith.index_cast %add3A_562 : i32 to index
        %get3A_564 = tpu.vector_load %arg6[%get3A_563] {strides = array<i32>} : memref<2048xi32, #tpu.memory_space<vmem>>, vector<16xi32>,
        %ge3A_565 = arith.cmpi sge, %get3A_564, %or3A_206 : vector<16xi32>
        %all_reduce_population_count3A_566 = tpu.all_reduce %ge3A_565 {dim = 0 : i64, kind = #tpu.reduction_kind<sum>} : vector<16xi1> -> vector<16xi32>
        %add3A_567 = arith.addi %add3A_558, %all_reduce_population_count3A_566 : vector<16xi32>
        %mul3A_568 = arith.constant 64 : i32
        %mul3A_569 = arith.muli %scan3A_550, %mul3A_568 : i32
        %add3A_570 = arith.constant 32 : i32
        %add3A_571 = arith.addi %mul3A_569, %add3A_570 : i32
        %get3A_572 = arith.index_cast %add3A_571 : i32 to index
        %get3A_573 = tpu.vector_load %arg6[%get3A_572] {strides = array<i32>} : memref<2048xi32, #tpu.memory_space<vmem>>, vector<16xi32>,
        %ge3A_574 = arith.cmpi sge, %get3A_573, %or3A_206 : vector<16xi32>
        %all_reduce_population_count3A_575 = tpu.all_reduce %ge3A_574 {dim = 0 : i64, kind = #tpu.reduction_kind<sum>} : vector<16xi1> -> vector<16xi32>
        %add3A_576 = arith.addi %add3A_567, %all_reduce_population_count3A_575 : vector<16xi32>
        %mul3A_577 = arith.constant 64 : i32
        %mul3A_578 = arith.muli %scan3A_550, %mul3A_577 : i32
        %add3A_579 = arith.constant 48 : i32
        %add3A_580 = arith.addi %mul3A_578, %add3A_579 : i32
        %get3A_581 = arith.index_cast %add3A_580 : i32 to index
        %get3A_582 = tpu.vector_load %arg6[%get3A_581] {strides = array<i32>} : memref<2048xi32, #tpu.memory_space<vmem>>, vector<16xi32>,
        %ge3A_583 = arith.cmpi sge, %get3A_582, %or3A_206 : vector<16xi32>
        %all_reduce_population_count3A_584 = tpu.all_reduce %ge3A_583 {dim = 0 : i64, kind = #tpu.reduction_kind<sum>} : vector<16xi1> -> vector<16xi32>
        %add3A_585 = arith.addi %add3A_576, %all_reduce_population_count3A_584 : vector<16xi32>
        scf.yield %add3A_585 : vector<16xi32>
      }
      %scan3A_214 = arith.constant 32 : i32
      %ge3A_215 = arith.cmpi sge, %scan3A_213, %broadcast_in_dim3A_8 : vector<16xi32>
      %select_n3A_216 = arith.select %ge3A_215, %or3A_206, %select_n3A_203 : vector<16xi1>, vector<16xi32>
      %broadcast_in_dim3A_217 = arith.constant 32768 : i32
      %broadcast_in_dim3A_218 = vector.broadcast %broadcast_in_dim3A_217 : i32 to vector<16xi32>
      %or3A_219 = arith.ori %select_n3A_216, %broadcast_in_dim3A_218 : vector<16xi32>
      %broadcast_in_dim3A_220 = arith.constant 0 : i32
      %broadcast_in_dim3A_221 = vector.broadcast %broadcast_in_dim3A_220 : i32 to vector<16xi32>
      %scan3A_222 = arith.constant 0 : i32
      %scan3A_223 = arith.constant 32 : i32
      %scan3A_224 = arith.addi %scan3A_222, %scan3A_223 : i32
      %scan3A_225 = arith.constant 1 : i32
      %scan3A_226 = scf.for %scan3A_550 = %scan3A_222 to %scan3A_224 step %scan3A_225 iter_args(%scan3A_551 = %broadcast_in_dim3A_221) -> (vector<16xi32>)  : i32 {
        %mul3A_552 = arith.constant 64 : i32
        %mul3A_553 = arith.muli %scan3A_550, %mul3A_552 : i32
        %add3A_554 = arith.constant 0 : i32
        %add3A_555 = arith.addi %mul3A_553, %add3A_554 : i32
        %get3A = arith.index_cast %add3A_555 : i32 to index
        %get3A_556 = tpu.vector_load %arg6[%get3A] {strides = array<i32>} : memref<2048xi32, #tpu.memory_space<vmem>>, vector<16xi32>,
        %ge3A_557 = arith.cmpi sge, %get3A_556, %or3A_219 : vector<16xi32>
        %all_reduce_population_count3A = tpu.all_reduce %ge3A_557 {dim = 0 : i64, kind = #tpu.reduction_kind<sum>} : vector<16xi1> -> vector<16xi32>
        %add3A_558 = arith.addi %scan3A_551, %all_reduce_population_count3A : vector<16xi32>
        %mul3A_559 = arith.constant 64 : i32
        %mul3A_560 = arith.muli %scan3A_550, %mul3A_559 : i32
        %add3A_561 = arith.constant 16 : i32
        %add3A_562 = arith.addi %mul3A_560, %add3A_561 : i32
        %get3A_563 = arith.index_cast %add3A_562 : i32 to index
        %get3A_564 = tpu.vector_load %arg6[%get3A_563] {strides = array<i32>} : memref<2048xi32, #tpu.memory_space<vmem>>, vector<16xi32>,
        %ge3A_565 = arith.cmpi sge, %get3A_564, %or3A_219 : vector<16xi32>
        %all_reduce_population_count3A_566 = tpu.all_reduce %ge3A_565 {dim = 0 : i64, kind = #tpu.reduction_kind<sum>} : vector<16xi1> -> vector<16xi32>
        %add3A_567 = arith.addi %add3A_558, %all_reduce_population_count3A_566 : vector<16xi32>
        %mul3A_568 = arith.constant 64 : i32
        %mul3A_569 = arith.muli %scan3A_550, %mul3A_568 : i32
        %add3A_570 = arith.constant 32 : i32
        %add3A_571 = arith.addi %mul3A_569, %add3A_570 : i32
        %get3A_572 = arith.index_cast %add3A_571 : i32 to index
        %get3A_573 = tpu.vector_load %arg6[%get3A_572] {strides = array<i32>} : memref<2048xi32, #tpu.memory_space<vmem>>, vector<16xi32>,
        %ge3A_574 = arith.cmpi sge, %get3A_573, %or3A_219 : vector<16xi32>
        %all_reduce_population_count3A_575 = tpu.all_reduce %ge3A_574 {dim = 0 : i64, kind = #tpu.reduction_kind<sum>} : vector<16xi1> -> vector<16xi32>
        %add3A_576 = arith.addi %add3A_567, %all_reduce_population_count3A_575 : vector<16xi32>
        %mul3A_577 = arith.constant 64 : i32
        %mul3A_578 = arith.muli %scan3A_550, %mul3A_577 : i32
        %add3A_579 = arith.constant 48 : i32
        %add3A_580 = arith.addi %mul3A_578, %add3A_579 : i32
        %get3A_581 = arith.index_cast %add3A_580 : i32 to index
        %get3A_582 = tpu.vector_load %arg6[%get3A_581] {strides = array<i32>} : memref<2048xi32, #tpu.memory_space<vmem>>, vector<16xi32>,
        %ge3A_583 = arith.cmpi sge, %get3A_582, %or3A_219 : vector<16xi32>
        %all_reduce_population_count3A_584 = tpu.all_reduce %ge3A_583 {dim = 0 : i64, kind = #tpu.reduction_kind<sum>} : vector<16xi1> -> vector<16xi32>
        %add3A_585 = arith.addi %add3A_576, %all_reduce_population_count3A_584 : vector<16xi32>
        scf.yield %add3A_585 : vector<16xi32>
      }
      %scan3A_227 = arith.constant 32 : i32
      %ge3A_228 = arith.cmpi sge, %scan3A_226, %broadcast_in_dim3A_8 : vector<16xi32>
      %select_n3A_229 = arith.select %ge3A_228, %or3A_219, %select_n3A_216 : vector<16xi1>, vector<16xi32>
      %broadcast_in_dim3A_230 = arith.constant 16384 : i32
      %broadcast_in_dim3A_231 = vector.broadcast %broadcast_in_dim3A_230 : i32 to vector<16xi32>
      %or3A_232 = arith.ori %select_n3A_229, %broadcast_in_dim3A_231 : vector<16xi32>
      %broadcast_in_dim3A_233 = arith.constant 0 : i32
      %broadcast_in_dim3A_234 = vector.broadcast %broadcast_in_dim3A_233 : i32 to vector<16xi32>
      %scan3A_235 = arith.constant 0 : i32
      %scan3A_236 = arith.constant 32 : i32
      %scan3A_237 = arith.addi %scan3A_235, %scan3A_236 : i32
      %scan3A_238 = arith.constant 1 : i32
      %scan3A_239 = scf.for %scan3A_550 = %scan3A_235 to %scan3A_237 step %scan3A_238 iter_args(%scan3A_551 = %broadcast_in_dim3A_234) -> (vector<16xi32>)  : i32 {
        %mul3A_552 = arith.constant 64 : i32
        %mul3A_553 = arith.muli %scan3A_550, %mul3A_552 : i32
        %add3A_554 = arith.constant 0 : i32
        %add3A_555 = arith.addi %mul3A_553, %add3A_554 : i32
        %get3A = arith.index_cast %add3A_555 : i32 to index
        %get3A_556 = tpu.vector_load %arg6[%get3A] {strides = array<i32>} : memref<2048xi32, #tpu.memory_space<vmem>>, vector<16xi32>,
        %ge3A_557 = arith.cmpi sge, %get3A_556, %or3A_232 : vector<16xi32>
        %all_reduce_population_count3A = tpu.all_reduce %ge3A_557 {dim = 0 : i64, kind = #tpu.reduction_kind<sum>} : vector<16xi1> -> vector<16xi32>
        %add3A_558 = arith.addi %scan3A_551, %all_reduce_population_count3A : vector<16xi32>
        %mul3A_559 = arith.constant 64 : i32
        %mul3A_560 = arith.muli %scan3A_550, %mul3A_559 : i32
        %add3A_561 = arith.constant 16 : i32
        %add3A_562 = arith.addi %mul3A_560, %add3A_561 : i32
        %get3A_563 = arith.index_cast %add3A_562 : i32 to index
        %get3A_564 = tpu.vector_load %arg6[%get3A_563] {strides = array<i32>} : memref<2048xi32, #tpu.memory_space<vmem>>, vector<16xi32>,
        %ge3A_565 = arith.cmpi sge, %get3A_564, %or3A_232 : vector<16xi32>
        %all_reduce_population_count3A_566 = tpu.all_reduce %ge3A_565 {dim = 0 : i64, kind = #tpu.reduction_kind<sum>} : vector<16xi1> -> vector<16xi32>
        %add3A_567 = arith.addi %add3A_558, %all_reduce_population_count3A_566 : vector<16xi32>
        %mul3A_568 = arith.constant 64 : i32
        %mul3A_569 = arith.muli %scan3A_550, %mul3A_568 : i32
        %add3A_570 = arith.constant 32 : i32
        %add3A_571 = arith.addi %mul3A_569, %add3A_570 : i32
        %get3A_572 = arith.index_cast %add3A_571 : i32 to index
        %get3A_573 = tpu.vector_load %arg6[%get3A_572] {strides = array<i32>} : memref<2048xi32, #tpu.memory_space<vmem>>, vector<16xi32>,
        %ge3A_574 = arith.cmpi sge, %get3A_573, %or3A_232 : vector<16xi32>
        %all_reduce_population_count3A_575 = tpu.all_reduce %ge3A_574 {dim = 0 : i64, kind = #tpu.reduction_kind<sum>} : vector<16xi1> -> vector<16xi32>
        %add3A_576 = arith.addi %add3A_567, %all_reduce_population_count3A_575 : vector<16xi32>
        %mul3A_577 = arith.constant 64 : i32
        %mul3A_578 = arith.muli %scan3A_550, %mul3A_577 : i32
        %add3A_579 = arith.constant 48 : i32
        %add3A_580 = arith.addi %mul3A_578, %add3A_579 : i32
        %get3A_581 = arith.index_cast %add3A_580 : i32 to index
        %get3A_582 = tpu.vector_load %arg6[%get3A_581] {strides = array<i32>} : memref<2048xi32, #tpu.memory_space<vmem>>, vector<16xi32>,
        %ge3A_583 = arith.cmpi sge, %get3A_582, %or3A_232 : vector<16xi32>
        %all_reduce_population_count3A_584 = tpu.all_reduce %ge3A_583 {dim = 0 : i64, kind = #tpu.reduction_kind<sum>} : vector<16xi1> -> vector<16xi32>
        %add3A_585 = arith.addi %add3A_576, %all_reduce_population_count3A_584 : vector<16xi32>
        scf.yield %add3A_585 : vector<16xi32>
      }
      %scan3A_240 = arith.constant 32 : i32
      %ge3A_241 = arith.cmpi sge, %scan3A_239, %broadcast_in_dim3A_8 : vector<16xi32>
      %select_n3A_242 = arith.select %ge3A_241, %or3A_232, %select_n3A_229 : vector<16xi1>, vector<16xi32>
      %broadcast_in_dim3A_243 = arith.constant 8192 : i32
      %broadcast_in_dim3A_244 = vector.broadcast %broadcast_in_dim3A_243 : i32 to vector<16xi32>
      %or3A_245 = arith.ori %select_n3A_242, %broadcast_in_dim3A_244 : vector<16xi32>
      %broadcast_in_dim3A_246 = arith.constant 0 : i32
      %broadcast_in_dim3A_247 = vector.broadcast %broadcast_in_dim3A_246 : i32 to vector<16xi32>
      %scan3A_248 = arith.constant 0 : i32
      %scan3A_249 = arith.constant 32 : i32
      %scan3A_250 = arith.addi %scan3A_248, %scan3A_249 : i32
      %scan3A_251 = arith.constant 1 : i32
      %scan3A_252 = scf.for %scan3A_550 = %scan3A_248 to %scan3A_250 step %scan3A_251 iter_args(%scan3A_551 = %broadcast_in_dim3A_247) -> (vector<16xi32>)  : i32 {
        %mul3A_552 = arith.constant 64 : i32
        %mul3A_553 = arith.muli %scan3A_550, %mul3A_552 : i32
        %add3A_554 = arith.constant 0 : i32
        %add3A_555 = arith.addi %mul3A_553, %add3A_554 : i32
        %get3A = arith.index_cast %add3A_555 : i32 to index
        %get3A_556 = tpu.vector_load %arg6[%get3A] {strides = array<i32>} : memref<2048xi32, #tpu.memory_space<vmem>>, vector<16xi32>,
        %ge3A_557 = arith.cmpi sge, %get3A_556, %or3A_245 : vector<16xi32>
        %all_reduce_population_count3A = tpu.all_reduce %ge3A_557 {dim = 0 : i64, kind = #tpu.reduction_kind<sum>} : vector<16xi1> -> vector<16xi32>
        %add3A_558 = arith.addi %scan3A_551, %all_reduce_population_count3A : vector<16xi32>
        %mul3A_559 = arith.constant 64 : i32
        %mul3A_560 = arith.muli %scan3A_550, %mul3A_559 : i32
        %add3A_561 = arith.constant 16 : i32
        %add3A_562 = arith.addi %mul3A_560, %add3A_561 : i32
        %get3A_563 = arith.index_cast %add3A_562 : i32 to index
        %get3A_564 = tpu.vector_load %arg6[%get3A_563] {strides = array<i32>} : memref<2048xi32, #tpu.memory_space<vmem>>, vector<16xi32>,
        %ge3A_565 = arith.cmpi sge, %get3A_564, %or3A_245 : vector<16xi32>
        %all_reduce_population_count3A_566 = tpu.all_reduce %ge3A_565 {dim = 0 : i64, kind = #tpu.reduction_kind<sum>} : vector<16xi1> -> vector<16xi32>
        %add3A_567 = arith.addi %add3A_558, %all_reduce_population_count3A_566 : vector<16xi32>
        %mul3A_568 = arith.constant 64 : i32
        %mul3A_569 = arith.muli %scan3A_550, %mul3A_568 : i32
        %add3A_570 = arith.constant 32 : i32
        %add3A_571 = arith.addi %mul3A_569, %add3A_570 : i32
        %get3A_572 = arith.index_cast %add3A_571 : i32 to index
        %get3A_573 = tpu.vector_load %arg6[%get3A_572] {strides = array<i32>} : memref<2048xi32, #tpu.memory_space<vmem>>, vector<16xi32>,
        %ge3A_574 = arith.cmpi sge, %get3A_573, %or3A_245 : vector<16xi32>
        %all_reduce_population_count3A_575 = tpu.all_reduce %ge3A_574 {dim = 0 : i64, kind = #tpu.reduction_kind<sum>} : vector<16xi1> -> vector<16xi32>
        %add3A_576 = arith.addi %add3A_567, %all_reduce_population_count3A_575 : vector<16xi32>
        %mul3A_577 = arith.constant 64 : i32
        %mul3A_578 = arith.muli %scan3A_550, %mul3A_577 : i32
        %add3A_579 = arith.constant 48 : i32
        %add3A_580 = arith.addi %mul3A_578, %add3A_579 : i32
        %get3A_581 = arith.index_cast %add3A_580 : i32 to index
        %get3A_582 = tpu.vector_load %arg6[%get3A_581] {strides = array<i32>} : memref<2048xi32, #tpu.memory_space<vmem>>, vector<16xi32>,
        %ge3A_583 = arith.cmpi sge, %get3A_582, %or3A_245 : vector<16xi32>
        %all_reduce_population_count3A_584 = tpu.all_reduce %ge3A_583 {dim = 0 : i64, kind = #tpu.reduction_kind<sum>} : vector<16xi1> -> vector<16xi32>
        %add3A_585 = arith.addi %add3A_576, %all_reduce_population_count3A_584 : vector<16xi32>
        scf.yield %add3A_585 : vector<16xi32>
      }
      %scan3A_253 = arith.constant 32 : i32
      %ge3A_254 = arith.cmpi sge, %scan3A_252, %broadcast_in_dim3A_8 : vector<16xi32>
      %select_n3A_255 = arith.select %ge3A_254, %or3A_245, %select_n3A_242 : vector<16xi1>, vector<16xi32>
      %broadcast_in_dim3A_256 = arith.constant 4096 : i32
      %broadcast_in_dim3A_257 = vector.broadcast %broadcast_in_dim3A_256 : i32 to vector<16xi32>
      %or3A_258 = arith.ori %select_n3A_255, %broadcast_in_dim3A_257 : vector<16xi32>
      %broadcast_in_dim3A_259 = arith.constant 0 : i32
      %broadcast_in_dim3A_260 = vector.broadcast %broadcast_in_dim3A_259 : i32 to vector<16xi32>
      %scan3A_261 = arith.constant 0 : i32
      %scan3A_262 = arith.constant 32 : i32
      %scan3A_263 = arith.addi %scan3A_261, %scan3A_262 : i32
      %scan3A_264 = arith.constant 1 : i32
      %scan3A_265 = scf.for %scan3A_550 = %scan3A_261 to %scan3A_263 step %scan3A_264 iter_args(%scan3A_551 = %broadcast_in_dim3A_260) -> (vector<16xi32>)  : i32 {
        %mul3A_552 = arith.constant 64 : i32
        %mul3A_553 = arith.muli %scan3A_550, %mul3A_552 : i32
        %add3A_554 = arith.constant 0 : i32
        %add3A_555 = arith.addi %mul3A_553, %add3A_554 : i32
        %get3A = arith.index_cast %add3A_555 : i32 to index
        %get3A_556 = tpu.vector_load %arg6[%get3A] {strides = array<i32>} : memref<2048xi32, #tpu.memory_space<vmem>>, vector<16xi32>,
        %ge3A_557 = arith.cmpi sge, %get3A_556, %or3A_258 : vector<16xi32>
        %all_reduce_population_count3A = tpu.all_reduce %ge3A_557 {dim = 0 : i64, kind = #tpu.reduction_kind<sum>} : vector<16xi1> -> vector<16xi32>
        %add3A_558 = arith.addi %scan3A_551, %all_reduce_population_count3A : vector<16xi32>
        %mul3A_559 = arith.constant 64 : i32
        %mul3A_560 = arith.muli %scan3A_550, %mul3A_559 : i32
        %add3A_561 = arith.constant 16 : i32
        %add3A_562 = arith.addi %mul3A_560, %add3A_561 : i32
        %get3A_563 = arith.index_cast %add3A_562 : i32 to index
        %get3A_564 = tpu.vector_load %arg6[%get3A_563] {strides = array<i32>} : memref<2048xi32, #tpu.memory_space<vmem>>, vector<16xi32>,
        %ge3A_565 = arith.cmpi sge, %get3A_564, %or3A_258 : vector<16xi32>
        %all_reduce_population_count3A_566 = tpu.all_reduce %ge3A_565 {dim = 0 : i64, kind = #tpu.reduction_kind<sum>} : vector<16xi1> -> vector<16xi32>
        %add3A_567 = arith.addi %add3A_558, %all_reduce_population_count3A_566 : vector<16xi32>
        %mul3A_568 = arith.constant 64 : i32
        %mul3A_569 = arith.muli %scan3A_550, %mul3A_568 : i32
        %add3A_570 = arith.constant 32 : i32
        %add3A_571 = arith.addi %mul3A_569, %add3A_570 : i32
        %get3A_572 = arith.index_cast %add3A_571 : i32 to index
        %get3A_573 = tpu.vector_load %arg6[%get3A_572] {strides = array<i32>} : memref<2048xi32, #tpu.memory_space<vmem>>, vector<16xi32>,
        %ge3A_574 = arith.cmpi sge, %get3A_573, %or3A_258 : vector<16xi32>
        %all_reduce_population_count3A_575 = tpu.all_reduce %ge3A_574 {dim = 0 : i64, kind = #tpu.reduction_kind<sum>} : vector<16xi1> -> vector<16xi32>
        %add3A_576 = arith.addi %add3A_567, %all_reduce_population_count3A_575 : vector<16xi32>
        %mul3A_577 = arith.constant 64 : i32
        %mul3A_578 = arith.muli %scan3A_550, %mul3A_577 : i32
        %add3A_579 = arith.constant 48 : i32
        %add3A_580 = arith.addi %mul3A_578, %add3A_579 : i32
        %get3A_581 = arith.index_cast %add3A_580 : i32 to index
        %get3A_582 = tpu.vector_load %arg6[%get3A_581] {strides = array<i32>} : memref<2048xi32, #tpu.memory_space<vmem>>, vector<16xi32>,
        %ge3A_583 = arith.cmpi sge, %get3A_582, %or3A_258 : vector<16xi32>
        %all_reduce_population_count3A_584 = tpu.all_reduce %ge3A_583 {dim = 0 : i64, kind = #tpu.reduction_kind<sum>} : vector<16xi1> -> vector<16xi32>
        %add3A_585 = arith.addi %add3A_576, %all_reduce_population_count3A_584 : vector<16xi32>
        scf.yield %add3A_585 : vector<16xi32>
      }
      %scan3A_266 = arith.constant 32 : i32
      %ge3A_267 = arith.cmpi sge, %scan3A_265, %broadcast_in_dim3A_8 : vector<16xi32>
      %select_n3A_268 = arith.select %ge3A_267, %or3A_258, %select_n3A_255 : vector<16xi1>, vector<16xi32>
      %broadcast_in_dim3A_269 = arith.constant 2048 : i32
      %broadcast_in_dim3A_270 = vector.broadcast %broadcast_in_dim3A_269 : i32 to vector<16xi32>
      %or3A_271 = arith.ori %select_n3A_268, %broadcast_in_dim3A_270 : vector<16xi32>
      %broadcast_in_dim3A_272 = arith.constant 0 : i32
      %broadcast_in_dim3A_273 = vector.broadcast %broadcast_in_dim3A_272 : i32 to vector<16xi32>
      %scan3A_274 = arith.constant 0 : i32
      %scan3A_275 = arith.constant 32 : i32
      %scan3A_276 = arith.addi %scan3A_274, %scan3A_275 : i32
      %scan3A_277 = arith.constant 1 : i32
      %scan3A_278 = scf.for %scan3A_550 = %scan3A_274 to %scan3A_276 step %scan3A_277 iter_args(%scan3A_551 = %broadcast_in_dim3A_273) -> (vector<16xi32>)  : i32 {
        %mul3A_552 = arith.constant 64 : i32
        %mul3A_553 = arith.muli %scan3A_550, %mul3A_552 : i32
        %add3A_554 = arith.constant 0 : i32
        %add3A_555 = arith.addi %mul3A_553, %add3A_554 : i32
        %get3A = arith.index_cast %add3A_555 : i32 to index
        %get3A_556 = tpu.vector_load %arg6[%get3A] {strides = array<i32>} : memref<2048xi32, #tpu.memory_space<vmem>>, vector<16xi32>,
        %ge3A_557 = arith.cmpi sge, %get3A_556, %or3A_271 : vector<16xi32>
        %all_reduce_population_count3A = tpu.all_reduce %ge3A_557 {dim = 0 : i64, kind = #tpu.reduction_kind<sum>} : vector<16xi1> -> vector<16xi32>
        %add3A_558 = arith.addi %scan3A_551, %all_reduce_population_count3A : vector<16xi32>
        %mul3A_559 = arith.constant 64 : i32
        %mul3A_560 = arith.muli %scan3A_550, %mul3A_559 : i32
        %add3A_561 = arith.constant 16 : i32
        %add3A_562 = arith.addi %mul3A_560, %add3A_561 : i32
        %get3A_563 = arith.index_cast %add3A_562 : i32 to index
        %get3A_564 = tpu.vector_load %arg6[%get3A_563] {strides = array<i32>} : memref<2048xi32, #tpu.memory_space<vmem>>, vector<16xi32>,
        %ge3A_565 = arith.cmpi sge, %get3A_564, %or3A_271 : vector<16xi32>
        %all_reduce_population_count3A_566 = tpu.all_reduce %ge3A_565 {dim = 0 : i64, kind = #tpu.reduction_kind<sum>} : vector<16xi1> -> vector<16xi32>
        %add3A_567 = arith.addi %add3A_558, %all_reduce_population_count3A_566 : vector<16xi32>
        %mul3A_568 = arith.constant 64 : i32
        %mul3A_569 = arith.muli %scan3A_550, %mul3A_568 : i32
        %add3A_570 = arith.constant 32 : i32
        %add3A_571 = arith.addi %mul3A_569, %add3A_570 : i32
        %get3A_572 = arith.index_cast %add3A_571 : i32 to index
        %get3A_573 = tpu.vector_load %arg6[%get3A_572] {strides = array<i32>} : memref<2048xi32, #tpu.memory_space<vmem>>, vector<16xi32>,
        %ge3A_574 = arith.cmpi sge, %get3A_573, %or3A_271 : vector<16xi32>
        %all_reduce_population_count3A_575 = tpu.all_reduce %ge3A_574 {dim = 0 : i64, kind = #tpu.reduction_kind<sum>} : vector<16xi1> -> vector<16xi32>
        %add3A_576 = arith.addi %add3A_567, %all_reduce_population_count3A_575 : vector<16xi32>
        %mul3A_577 = arith.constant 64 : i32
        %mul3A_578 = arith.muli %scan3A_550, %mul3A_577 : i32
        %add3A_579 = arith.constant 48 : i32
        %add3A_580 = arith.addi %mul3A_578, %add3A_579 : i32
        %get3A_581 = arith.index_cast %add3A_580 : i32 to index
        %get3A_582 = tpu.vector_load %arg6[%get3A_581] {strides = array<i32>} : memref<2048xi32, #tpu.memory_space<vmem>>, vector<16xi32>,
        %ge3A_583 = arith.cmpi sge, %get3A_582, %or3A_271 : vector<16xi32>
        %all_reduce_population_count3A_584 = tpu.all_reduce %ge3A_583 {dim = 0 : i64, kind = #tpu.reduction_kind<sum>} : vector<16xi1> -> vector<16xi32>
        %add3A_585 = arith.addi %add3A_576, %all_reduce_population_count3A_584 : vector<16xi32>
        scf.yield %add3A_585 : vector<16xi32>
      }
      %scan3A_279 = arith.constant 32 : i32
      %ge3A_280 = arith.cmpi sge, %scan3A_278, %broadcast_in_dim3A_8 : vector<16xi32>
      %select_n3A_281 = arith.select %ge3A_280, %or3A_271, %select_n3A_268 : vector<16xi1>, vector<16xi32>
      %broadcast_in_dim3A_282 = arith.constant 1024 : i32
      %broadcast_in_dim3A_283 = vector.broadcast %broadcast_in_dim3A_282 : i32 to vector<16xi32>
      %or3A_284 = arith.ori %select_n3A_281, %broadcast_in_dim3A_283 : vector<16xi32>
      %broadcast_in_dim3A_285 = arith.constant 0 : i32
      %broadcast_in_dim3A_286 = vector.broadcast %broadcast_in_dim3A_285 : i32 to vector<16xi32>
      %scan3A_287 = arith.constant 0 : i32
      %scan3A_288 = arith.constant 32 : i32
      %scan3A_289 = arith.addi %scan3A_287, %scan3A_288 : i32
      %scan3A_290 = arith.constant 1 : i32
      %scan3A_291 = scf.for %scan3A_550 = %scan3A_287 to %scan3A_289 step %scan3A_290 iter_args(%scan3A_551 = %broadcast_in_dim3A_286) -> (vector<16xi32>)  : i32 {
        %mul3A_552 = arith.constant 64 : i32
        %mul3A_553 = arith.muli %scan3A_550, %mul3A_552 : i32
        %add3A_554 = arith.constant 0 : i32
        %add3A_555 = arith.addi %mul3A_553, %add3A_554 : i32
        %get3A = arith.index_cast %add3A_555 : i32 to index
        %get3A_556 = tpu.vector_load %arg6[%get3A] {strides = array<i32>} : memref<2048xi32, #tpu.memory_space<vmem>>, vector<16xi32>,
        %ge3A_557 = arith.cmpi sge, %get3A_556, %or3A_284 : vector<16xi32>
        %all_reduce_population_count3A = tpu.all_reduce %ge3A_557 {dim = 0 : i64, kind = #tpu.reduction_kind<sum>} : vector<16xi1> -> vector<16xi32>
        %add3A_558 = arith.addi %scan3A_551, %all_reduce_population_count3A : vector<16xi32>
        %mul3A_559 = arith.constant 64 : i32
        %mul3A_560 = arith.muli %scan3A_550, %mul3A_559 : i32
        %add3A_561 = arith.constant 16 : i32
        %add3A_562 = arith.addi %mul3A_560, %add3A_561 : i32
        %get3A_563 = arith.index_cast %add3A_562 : i32 to index
        %get3A_564 = tpu.vector_load %arg6[%get3A_563] {strides = array<i32>} : memref<2048xi32, #tpu.memory_space<vmem>>, vector<16xi32>,
        %ge3A_565 = arith.cmpi sge, %get3A_564, %or3A_284 : vector<16xi32>
        %all_reduce_population_count3A_566 = tpu.all_reduce %ge3A_565 {dim = 0 : i64, kind = #tpu.reduction_kind<sum>} : vector<16xi1> -> vector<16xi32>
        %add3A_567 = arith.addi %add3A_558, %all_reduce_population_count3A_566 : vector<16xi32>
        %mul3A_568 = arith.constant 64 : i32
        %mul3A_569 = arith.muli %scan3A_550, %mul3A_568 : i32
        %add3A_570 = arith.constant 32 : i32
        %add3A_571 = arith.addi %mul3A_569, %add3A_570 : i32
        %get3A_572 = arith.index_cast %add3A_571 : i32 to index
        %get3A_573 = tpu.vector_load %arg6[%get3A_572] {strides = array<i32>} : memref<2048xi32, #tpu.memory_space<vmem>>, vector<16xi32>,
        %ge3A_574 = arith.cmpi sge, %get3A_573, %or3A_284 : vector<16xi32>
        %all_reduce_population_count3A_575 = tpu.all_reduce %ge3A_574 {dim = 0 : i64, kind = #tpu.reduction_kind<sum>} : vector<16xi1> -> vector<16xi32>
        %add3A_576 = arith.addi %add3A_567, %all_reduce_population_count3A_575 : vector<16xi32>
        %mul3A_577 = arith.constant 64 : i32
        %mul3A_578 = arith.muli %scan3A_550, %mul3A_577 : i32
        %add3A_579 = arith.constant 48 : i32
        %add3A_580 = arith.addi %mul3A_578, %add3A_579 : i32
        %get3A_581 = arith.index_cast %add3A_580 : i32 to index
        %get3A_582 = tpu.vector_load %arg6[%get3A_581] {strides = array<i32>} : memref<2048xi32, #tpu.memory_space<vmem>>, vector<16xi32>,
        %ge3A_583 = arith.cmpi sge, %get3A_582, %or3A_284 : vector<16xi32>
        %all_reduce_population_count3A_584 = tpu.all_reduce %ge3A_583 {dim = 0 : i64, kind = #tpu.reduction_kind<sum>} : vector<16xi1> -> vector<16xi32>
        %add3A_585 = arith.addi %add3A_576, %all_reduce_population_count3A_584 : vector<16xi32>
        scf.yield %add3A_585 : vector<16xi32>
      }
      %scan3A_292 = arith.constant 32 : i32
      %ge3A_293 = arith.cmpi sge, %scan3A_291, %broadcast_in_dim3A_8 : vector<16xi32>
      %select_n3A_294 = arith.select %ge3A_293, %or3A_284, %select_n3A_281 : vector<16xi1>, vector<16xi32>
      %broadcast_in_dim3A_295 = arith.constant 512 : i32
      %broadcast_in_dim3A_296 = vector.broadcast %broadcast_in_dim3A_295 : i32 to vector<16xi32>
      %or3A_297 = arith.ori %select_n3A_294, %broadcast_in_dim3A_296 : vector<16xi32>
      %broadcast_in_dim3A_298 = arith.constant 0 : i32
      %broadcast_in_dim3A_299 = vector.broadcast %broadcast_in_dim3A_298 : i32 to vector<16xi32>
      %scan3A_300 = arith.constant 0 : i32
      %scan3A_301 = arith.constant 32 : i32
      %scan3A_302 = arith.addi %scan3A_300, %scan3A_301 : i32
      %scan3A_303 = arith.constant 1 : i32
      %scan3A_304 = scf.for %scan3A_550 = %scan3A_300 to %scan3A_302 step %scan3A_303 iter_args(%scan3A_551 = %broadcast_in_dim3A_299) -> (vector<16xi32>)  : i32 {
        %mul3A_552 = arith.constant 64 : i32
        %mul3A_553 = arith.muli %scan3A_550, %mul3A_552 : i32
        %add3A_554 = arith.constant 0 : i32
        %add3A_555 = arith.addi %mul3A_553, %add3A_554 : i32
        %get3A = arith.index_cast %add3A_555 : i32 to index
        %get3A_556 = tpu.vector_load %arg6[%get3A] {strides = array<i32>} : memref<2048xi32, #tpu.memory_space<vmem>>, vector<16xi32>,
        %ge3A_557 = arith.cmpi sge, %get3A_556, %or3A_297 : vector<16xi32>
        %all_reduce_population_count3A = tpu.all_reduce %ge3A_557 {dim = 0 : i64, kind = #tpu.reduction_kind<sum>} : vector<16xi1> -> vector<16xi32>
        %add3A_558 = arith.addi %scan3A_551, %all_reduce_population_count3A : vector<16xi32>
        %mul3A_559 = arith.constant 64 : i32
        %mul3A_560 = arith.muli %scan3A_550, %mul3A_559 : i32
        %add3A_561 = arith.constant 16 : i32
        %add3A_562 = arith.addi %mul3A_560, %add3A_561 : i32
        %get3A_563 = arith.index_cast %add3A_562 : i32 to index
        %get3A_564 = tpu.vector_load %arg6[%get3A_563] {strides = array<i32>} : memref<2048xi32, #tpu.memory_space<vmem>>, vector<16xi32>,
        %ge3A_565 = arith.cmpi sge, %get3A_564, %or3A_297 : vector<16xi32>
        %all_reduce_population_count3A_566 = tpu.all_reduce %ge3A_565 {dim = 0 : i64, kind = #tpu.reduction_kind<sum>} : vector<16xi1> -> vector<16xi32>
        %add3A_567 = arith.addi %add3A_558, %all_reduce_population_count3A_566 : vector<16xi32>
        %mul3A_568 = arith.constant 64 : i32
        %mul3A_569 = arith.muli %scan3A_550, %mul3A_568 : i32
        %add3A_570 = arith.constant 32 : i32
        %add3A_571 = arith.addi %mul3A_569, %add3A_570 : i32
        %get3A_572 = arith.index_cast %add3A_571 : i32 to index
        %get3A_573 = tpu.vector_load %arg6[%get3A_572] {strides = array<i32>} : memref<2048xi32, #tpu.memory_space<vmem>>, vector<16xi32>,
        %ge3A_574 = arith.cmpi sge, %get3A_573, %or3A_297 : vector<16xi32>
        %all_reduce_population_count3A_575 = tpu.all_reduce %ge3A_574 {dim = 0 : i64, kind = #tpu.reduction_kind<sum>} : vector<16xi1> -> vector<16xi32>
        %add3A_576 = arith.addi %add3A_567, %all_reduce_population_count3A_575 : vector<16xi32>
        %mul3A_577 = arith.constant 64 : i32
        %mul3A_578 = arith.muli %scan3A_550, %mul3A_577 : i32
        %add3A_579 = arith.constant 48 : i32
        %add3A_580 = arith.addi %mul3A_578, %add3A_579 : i32
        %get3A_581 = arith.index_cast %add3A_580 : i32 to index
        %get3A_582 = tpu.vector_load %arg6[%get3A_581] {strides = array<i32>} : memref<2048xi32, #tpu.memory_space<vmem>>, vector<16xi32>,
        %ge3A_583 = arith.cmpi sge, %get3A_582, %or3A_297 : vector<16xi32>
        %all_reduce_population_count3A_584 = tpu.all_reduce %ge3A_583 {dim = 0 : i64, kind = #tpu.reduction_kind<sum>} : vector<16xi1> -> vector<16xi32>
        %add3A_585 = arith.addi %add3A_576, %all_reduce_population_count3A_584 : vector<16xi32>
        scf.yield %add3A_585 : vector<16xi32>
      }
      %scan3A_305 = arith.constant 32 : i32
      %ge3A_306 = arith.cmpi sge, %scan3A_304, %broadcast_in_dim3A_8 : vector<16xi32>
      %select_n3A_307 = arith.select %ge3A_306, %or3A_297, %select_n3A_294 : vector<16xi1>, vector<16xi32>
      %broadcast_in_dim3A_308 = arith.constant 256 : i32
      %broadcast_in_dim3A_309 = vector.broadcast %broadcast_in_dim3A_308 : i32 to vector<16xi32>
      %or3A_310 = arith.ori %select_n3A_307, %broadcast_in_dim3A_309 : vector<16xi32>
      %broadcast_in_dim3A_311 = arith.constant 0 : i32
      %broadcast_in_dim3A_312 = vector.broadcast %broadcast_in_dim3A_311 : i32 to vector<16xi32>
      %scan3A_313 = arith.constant 0 : i32
      %scan3A_314 = arith.constant 32 : i32
      %scan3A_315 = arith.addi %scan3A_313, %scan3A_314 : i32
      %scan3A_316 = arith.constant 1 : i32
      %scan3A_317 = scf.for %scan3A_550 = %scan3A_313 to %scan3A_315 step %scan3A_316 iter_args(%scan3A_551 = %broadcast_in_dim3A_312) -> (vector<16xi32>)  : i32 {
        %mul3A_552 = arith.constant 64 : i32
        %mul3A_553 = arith.muli %scan3A_550, %mul3A_552 : i32
        %add3A_554 = arith.constant 0 : i32
        %add3A_555 = arith.addi %mul3A_553, %add3A_554 : i32
        %get3A = arith.index_cast %add3A_555 : i32 to index
        %get3A_556 = tpu.vector_load %arg6[%get3A] {strides = array<i32>} : memref<2048xi32, #tpu.memory_space<vmem>>, vector<16xi32>,
        %ge3A_557 = arith.cmpi sge, %get3A_556, %or3A_310 : vector<16xi32>
        %all_reduce_population_count3A = tpu.all_reduce %ge3A_557 {dim = 0 : i64, kind = #tpu.reduction_kind<sum>} : vector<16xi1> -> vector<16xi32>
        %add3A_558 = arith.addi %scan3A_551, %all_reduce_population_count3A : vector<16xi32>
        %mul3A_559 = arith.constant 64 : i32
        %mul3A_560 = arith.muli %scan3A_550, %mul3A_559 : i32
        %add3A_561 = arith.constant 16 : i32
        %add3A_562 = arith.addi %mul3A_560, %add3A_561 : i32
        %get3A_563 = arith.index_cast %add3A_562 : i32 to index
        %get3A_564 = tpu.vector_load %arg6[%get3A_563] {strides = array<i32>} : memref<2048xi32, #tpu.memory_space<vmem>>, vector<16xi32>,
        %ge3A_565 = arith.cmpi sge, %get3A_564, %or3A_310 : vector<16xi32>
        %all_reduce_population_count3A_566 = tpu.all_reduce %ge3A_565 {dim = 0 : i64, kind = #tpu.reduction_kind<sum>} : vector<16xi1> -> vector<16xi32>
        %add3A_567 = arith.addi %add3A_558, %all_reduce_population_count3A_566 : vector<16xi32>
        %mul3A_568 = arith.constant 64 : i32
        %mul3A_569 = arith.muli %scan3A_550, %mul3A_568 : i32
        %add3A_570 = arith.constant 32 : i32
        %add3A_571 = arith.addi %mul3A_569, %add3A_570 : i32
        %get3A_572 = arith.index_cast %add3A_571 : i32 to index
        %get3A_573 = tpu.vector_load %arg6[%get3A_572] {strides = array<i32>} : memref<2048xi32, #tpu.memory_space<vmem>>, vector<16xi32>,
        %ge3A_574 = arith.cmpi sge, %get3A_573, %or3A_310 : vector<16xi32>
        %all_reduce_population_count3A_575 = tpu.all_reduce %ge3A_574 {dim = 0 : i64, kind = #tpu.reduction_kind<sum>} : vector<16xi1> -> vector<16xi32>
        %add3A_576 = arith.addi %add3A_567, %all_reduce_population_count3A_575 : vector<16xi32>
        %mul3A_577 = arith.constant 64 : i32
        %mul3A_578 = arith.muli %scan3A_550, %mul3A_577 : i32
        %add3A_579 = arith.constant 48 : i32
        %add3A_580 = arith.addi %mul3A_578, %add3A_579 : i32
        %get3A_581 = arith.index_cast %add3A_580 : i32 to index
        %get3A_582 = tpu.vector_load %arg6[%get3A_581] {strides = array<i32>} : memref<2048xi32, #tpu.memory_space<vmem>>, vector<16xi32>,
        %ge3A_583 = arith.cmpi sge, %get3A_582, %or3A_310 : vector<16xi32>
        %all_reduce_population_count3A_584 = tpu.all_reduce %ge3A_583 {dim = 0 : i64, kind = #tpu.reduction_kind<sum>} : vector<16xi1> -> vector<16xi32>
        %add3A_585 = arith.addi %add3A_576, %all_reduce_population_count3A_584 : vector<16xi32>
        scf.yield %add3A_585 : vector<16xi32>
      }
      %scan3A_318 = arith.constant 32 : i32
      %ge3A_319 = arith.cmpi sge, %scan3A_317, %broadcast_in_dim3A_8 : vector<16xi32>
      %select_n3A_320 = arith.select %ge3A_319, %or3A_310, %select_n3A_307 : vector<16xi1>, vector<16xi32>
      %broadcast_in_dim3A_321 = arith.constant 128 : i32
      %broadcast_in_dim3A_322 = vector.broadcast %broadcast_in_dim3A_321 : i32 to vector<16xi32>
      %or3A_323 = arith.ori %select_n3A_320, %broadcast_in_dim3A_322 : vector<16xi32>
      %broadcast_in_dim3A_324 = arith.constant 0 : i32
      %broadcast_in_dim3A_325 = vector.broadcast %broadcast_in_dim3A_324 : i32 to vector<16xi32>
      %scan3A_326 = arith.constant 0 : i32
      %scan3A_327 = arith.constant 32 : i32
      %scan3A_328 = arith.addi %scan3A_326, %scan3A_327 : i32
      %scan3A_329 = arith.constant 1 : i32
      %scan3A_330 = scf.for %scan3A_550 = %scan3A_326 to %scan3A_328 step %scan3A_329 iter_args(%scan3A_551 = %broadcast_in_dim3A_325) -> (vector<16xi32>)  : i32 {
        %mul3A_552 = arith.constant 64 : i32
        %mul3A_553 = arith.muli %scan3A_550, %mul3A_552 : i32
        %add3A_554 = arith.constant 0 : i32
        %add3A_555 = arith.addi %mul3A_553, %add3A_554 : i32
        %get3A = arith.index_cast %add3A_555 : i32 to index
        %get3A_556 = tpu.vector_load %arg6[%get3A] {strides = array<i32>} : memref<2048xi32, #tpu.memory_space<vmem>>, vector<16xi32>,
        %ge3A_557 = arith.cmpi sge, %get3A_556, %or3A_323 : vector<16xi32>
        %all_reduce_population_count3A = tpu.all_reduce %ge3A_557 {dim = 0 : i64, kind = #tpu.reduction_kind<sum>} : vector<16xi1> -> vector<16xi32>
        %add3A_558 = arith.addi %scan3A_551, %all_reduce_population_count3A : vector<16xi32>
        %mul3A_559 = arith.constant 64 : i32
        %mul3A_560 = arith.muli %scan3A_550, %mul3A_559 : i32
        %add3A_561 = arith.constant 16 : i32
        %add3A_562 = arith.addi %mul3A_560, %add3A_561 : i32
        %get3A_563 = arith.index_cast %add3A_562 : i32 to index
        %get3A_564 = tpu.vector_load %arg6[%get3A_563] {strides = array<i32>} : memref<2048xi32, #tpu.memory_space<vmem>>, vector<16xi32>,
        %ge3A_565 = arith.cmpi sge, %get3A_564, %or3A_323 : vector<16xi32>
        %all_reduce_population_count3A_566 = tpu.all_reduce %ge3A_565 {dim = 0 : i64, kind = #tpu.reduction_kind<sum>} : vector<16xi1> -> vector<16xi32>
        %add3A_567 = arith.addi %add3A_558, %all_reduce_population_count3A_566 : vector<16xi32>
        %mul3A_568 = arith.constant 64 : i32
        %mul3A_569 = arith.muli %scan3A_550, %mul3A_568 : i32
        %add3A_570 = arith.constant 32 : i32
        %add3A_571 = arith.addi %mul3A_569, %add3A_570 : i32
        %get3A_572 = arith.index_cast %add3A_571 : i32 to index
        %get3A_573 = tpu.vector_load %arg6[%get3A_572] {strides = array<i32>} : memref<2048xi32, #tpu.memory_space<vmem>>, vector<16xi32>,
        %ge3A_574 = arith.cmpi sge, %get3A_573, %or3A_323 : vector<16xi32>
        %all_reduce_population_count3A_575 = tpu.all_reduce %ge3A_574 {dim = 0 : i64, kind = #tpu.reduction_kind<sum>} : vector<16xi1> -> vector<16xi32>
        %add3A_576 = arith.addi %add3A_567, %all_reduce_population_count3A_575 : vector<16xi32>
        %mul3A_577 = arith.constant 64 : i32
        %mul3A_578 = arith.muli %scan3A_550, %mul3A_577 : i32
        %add3A_579 = arith.constant 48 : i32
        %add3A_580 = arith.addi %mul3A_578, %add3A_579 : i32
        %get3A_581 = arith.index_cast %add3A_580 : i32 to index
        %get3A_582 = tpu.vector_load %arg6[%get3A_581] {strides = array<i32>} : memref<2048xi32, #tpu.memory_space<vmem>>, vector<16xi32>,
        %ge3A_583 = arith.cmpi sge, %get3A_582, %or3A_323 : vector<16xi32>
        %all_reduce_population_count3A_584 = tpu.all_reduce %ge3A_583 {dim = 0 : i64, kind = #tpu.reduction_kind<sum>} : vector<16xi1> -> vector<16xi32>
        %add3A_585 = arith.addi %add3A_576, %all_reduce_population_count3A_584 : vector<16xi32>
        scf.yield %add3A_585 : vector<16xi32>
      }
      %scan3A_331 = arith.constant 32 : i32
      %ge3A_332 = arith.cmpi sge, %scan3A_330, %broadcast_in_dim3A_8 : vector<16xi32>
      %select_n3A_333 = arith.select %ge3A_332, %or3A_323, %select_n3A_320 : vector<16xi1>, vector<16xi32>
      %broadcast_in_dim3A_334 = arith.constant 64 : i32
      %broadcast_in_dim3A_335 = vector.broadcast %broadcast_in_dim3A_334 : i32 to vector<16xi32>
      %or3A_336 = arith.ori %select_n3A_333, %broadcast_in_dim3A_335 : vector<16xi32>
      %broadcast_in_dim3A_337 = arith.constant 0 : i32
      %broadcast_in_dim3A_338 = vector.broadcast %broadcast_in_dim3A_337 : i32 to vector<16xi32>
      %scan3A_339 = arith.constant 0 : i32
      %scan3A_340 = arith.constant 32 : i32
      %scan3A_341 = arith.addi %scan3A_339, %scan3A_340 : i32
      %scan3A_342 = arith.constant 1 : i32
      %scan3A_343 = scf.for %scan3A_550 = %scan3A_339 to %scan3A_341 step %scan3A_342 iter_args(%scan3A_551 = %broadcast_in_dim3A_338) -> (vector<16xi32>)  : i32 {
        %mul3A_552 = arith.constant 64 : i32
        %mul3A_553 = arith.muli %scan3A_550, %mul3A_552 : i32
        %add3A_554 = arith.constant 0 : i32
        %add3A_555 = arith.addi %mul3A_553, %add3A_554 : i32
        %get3A = arith.index_cast %add3A_555 : i32 to index
        %get3A_556 = tpu.vector_load %arg6[%get3A] {strides = array<i32>} : memref<2048xi32, #tpu.memory_space<vmem>>, vector<16xi32>,
        %ge3A_557 = arith.cmpi sge, %get3A_556, %or3A_336 : vector<16xi32>
        %all_reduce_population_count3A = tpu.all_reduce %ge3A_557 {dim = 0 : i64, kind = #tpu.reduction_kind<sum>} : vector<16xi1> -> vector<16xi32>
        %add3A_558 = arith.addi %scan3A_551, %all_reduce_population_count3A : vector<16xi32>
        %mul3A_559 = arith.constant 64 : i32
        %mul3A_560 = arith.muli %scan3A_550, %mul3A_559 : i32
        %add3A_561 = arith.constant 16 : i32
        %add3A_562 = arith.addi %mul3A_560, %add3A_561 : i32
        %get3A_563 = arith.index_cast %add3A_562 : i32 to index
        %get3A_564 = tpu.vector_load %arg6[%get3A_563] {strides = array<i32>} : memref<2048xi32, #tpu.memory_space<vmem>>, vector<16xi32>,
        %ge3A_565 = arith.cmpi sge, %get3A_564, %or3A_336 : vector<16xi32>
        %all_reduce_population_count3A_566 = tpu.all_reduce %ge3A_565 {dim = 0 : i64, kind = #tpu.reduction_kind<sum>} : vector<16xi1> -> vector<16xi32>
        %add3A_567 = arith.addi %add3A_558, %all_reduce_population_count3A_566 : vector<16xi32>
        %mul3A_568 = arith.constant 64 : i32
        %mul3A_569 = arith.muli %scan3A_550, %mul3A_568 : i32
        %add3A_570 = arith.constant 32 : i32
        %add3A_571 = arith.addi %mul3A_569, %add3A_570 : i32
        %get3A_572 = arith.index_cast %add3A_571 : i32 to index
        %get3A_573 = tpu.vector_load %arg6[%get3A_572] {strides = array<i32>} : memref<2048xi32, #tpu.memory_space<vmem>>, vector<16xi32>,
        %ge3A_574 = arith.cmpi sge, %get3A_573, %or3A_336 : vector<16xi32>
        %all_reduce_population_count3A_575 = tpu.all_reduce %ge3A_574 {dim = 0 : i64, kind = #tpu.reduction_kind<sum>} : vector<16xi1> -> vector<16xi32>
        %add3A_576 = arith.addi %add3A_567, %all_reduce_population_count3A_575 : vector<16xi32>
        %mul3A_577 = arith.constant 64 : i32
        %mul3A_578 = arith.muli %scan3A_550, %mul3A_577 : i32
        %add3A_579 = arith.constant 48 : i32
        %add3A_580 = arith.addi %mul3A_578, %add3A_579 : i32
        %get3A_581 = arith.index_cast %add3A_580 : i32 to index
        %get3A_582 = tpu.vector_load %arg6[%get3A_581] {strides = array<i32>} : memref<2048xi32, #tpu.memory_space<vmem>>, vector<16xi32>,
        %ge3A_583 = arith.cmpi sge, %get3A_582, %or3A_336 : vector<16xi32>
        %all_reduce_population_count3A_584 = tpu.all_reduce %ge3A_583 {dim = 0 : i64, kind = #tpu.reduction_kind<sum>} : vector<16xi1> -> vector<16xi32>
        %add3A_585 = arith.addi %add3A_576, %all_reduce_population_count3A_584 : vector<16xi32>
        scf.yield %add3A_585 : vector<16xi32>
      }
      %scan3A_344 = arith.constant 32 : i32
      %ge3A_345 = arith.cmpi sge, %scan3A_343, %broadcast_in_dim3A_8 : vector<16xi32>
      %select_n3A_346 = arith.select %ge3A_345, %or3A_336, %select_n3A_333 : vector<16xi1>, vector<16xi32>
      %broadcast_in_dim3A_347 = arith.constant 32 : i32
      %broadcast_in_dim3A_348 = vector.broadcast %broadcast_in_dim3A_347 : i32 to vector<16xi32>
      %or3A_349 = arith.ori %select_n3A_346, %broadcast_in_dim3A_348 : vector<16xi32>
      %broadcast_in_dim3A_350 = arith.constant 0 : i32
      %broadcast_in_dim3A_351 = vector.broadcast %broadcast_in_dim3A_350 : i32 to vector<16xi32>
      %scan3A_352 = arith.constant 0 : i32
      %scan3A_353 = arith.constant 32 : i32
      %scan3A_354 = arith.addi %scan3A_352, %scan3A_353 : i32
      %scan3A_355 = arith.constant 1 : i32
      %scan3A_356 = scf.for %scan3A_550 = %scan3A_352 to %scan3A_354 step %scan3A_355 iter_args(%scan3A_551 = %broadcast_in_dim3A_351) -> (vector<16xi32>)  : i32 {
        %mul3A_552 = arith.constant 64 : i32
        %mul3A_553 = arith.muli %scan3A_550, %mul3A_552 : i32
        %add3A_554 = arith.constant 0 : i32
        %add3A_555 = arith.addi %mul3A_553, %add3A_554 : i32
        %get3A = arith.index_cast %add3A_555 : i32 to index
        %get3A_556 = tpu.vector_load %arg6[%get3A] {strides = array<i32>} : memref<2048xi32, #tpu.memory_space<vmem>>, vector<16xi32>,
        %ge3A_557 = arith.cmpi sge, %get3A_556, %or3A_349 : vector<16xi32>
        %all_reduce_population_count3A = tpu.all_reduce %ge3A_557 {dim = 0 : i64, kind = #tpu.reduction_kind<sum>} : vector<16xi1> -> vector<16xi32>
        %add3A_558 = arith.addi %scan3A_551, %all_reduce_population_count3A : vector<16xi32>
        %mul3A_559 = arith.constant 64 : i32
        %mul3A_560 = arith.muli %scan3A_550, %mul3A_559 : i32
        %add3A_561 = arith.constant 16 : i32
        %add3A_562 = arith.addi %mul3A_560, %add3A_561 : i32
        %get3A_563 = arith.index_cast %add3A_562 : i32 to index
        %get3A_564 = tpu.vector_load %arg6[%get3A_563] {strides = array<i32>} : memref<2048xi32, #tpu.memory_space<vmem>>, vector<16xi32>,
        %ge3A_565 = arith.cmpi sge, %get3A_564, %or3A_349 : vector<16xi32>
        %all_reduce_population_count3A_566 = tpu.all_reduce %ge3A_565 {dim = 0 : i64, kind = #tpu.reduction_kind<sum>} : vector<16xi1> -> vector<16xi32>
        %add3A_567 = arith.addi %add3A_558, %all_reduce_population_count3A_566 : vector<16xi32>
        %mul3A_568 = arith.constant 64 : i32
        %mul3A_569 = arith.muli %scan3A_550, %mul3A_568 : i32
        %add3A_570 = arith.constant 32 : i32
        %add3A_571 = arith.addi %mul3A_569, %add3A_570 : i32
        %get3A_572 = arith.index_cast %add3A_571 : i32 to index
        %get3A_573 = tpu.vector_load %arg6[%get3A_572] {strides = array<i32>} : memref<2048xi32, #tpu.memory_space<vmem>>, vector<16xi32>,
        %ge3A_574 = arith.cmpi sge, %get3A_573, %or3A_349 : vector<16xi32>
        %all_reduce_population_count3A_575 = tpu.all_reduce %ge3A_574 {dim = 0 : i64, kind = #tpu.reduction_kind<sum>} : vector<16xi1> -> vector<16xi32>
        %add3A_576 = arith.addi %add3A_567, %all_reduce_population_count3A_575 : vector<16xi32>
        %mul3A_577 = arith.constant 64 : i32
        %mul3A_578 = arith.muli %scan3A_550, %mul3A_577 : i32
        %add3A_579 = arith.constant 48 : i32
        %add3A_580 = arith.addi %mul3A_578, %add3A_579 : i32
        %get3A_581 = arith.index_cast %add3A_580 : i32 to index
        %get3A_582 = tpu.vector_load %arg6[%get3A_581] {strides = array<i32>} : memref<2048xi32, #tpu.memory_space<vmem>>, vector<16xi32>,
        %ge3A_583 = arith.cmpi sge, %get3A_582, %or3A_349 : vector<16xi32>
        %all_reduce_population_count3A_584 = tpu.all_reduce %ge3A_583 {dim = 0 : i64, kind = #tpu.reduction_kind<sum>} : vector<16xi1> -> vector<16xi32>
        %add3A_585 = arith.addi %add3A_576, %all_reduce_population_count3A_584 : vector<16xi32>
        scf.yield %add3A_585 : vector<16xi32>
      }
      %scan3A_357 = arith.constant 32 : i32
      %ge3A_358 = arith.cmpi sge, %scan3A_356, %broadcast_in_dim3A_8 : vector<16xi32>
      %select_n3A_359 = arith.select %ge3A_358, %or3A_349, %select_n3A_346 : vector<16xi1>, vector<16xi32>
      %broadcast_in_dim3A_360 = arith.constant 16 : i32
      %broadcast_in_dim3A_361 = vector.broadcast %broadcast_in_dim3A_360 : i32 to vector<16xi32>
      %or3A_362 = arith.ori %select_n3A_359, %broadcast_in_dim3A_361 : vector<16xi32>
      %broadcast_in_dim3A_363 = arith.constant 0 : i32
      %broadcast_in_dim3A_364 = vector.broadcast %broadcast_in_dim3A_363 : i32 to vector<16xi32>
      %scan3A_365 = arith.constant 0 : i32
      %scan3A_366 = arith.constant 32 : i32
      %scan3A_367 = arith.addi %scan3A_365, %scan3A_366 : i32
      %scan3A_368 = arith.constant 1 : i32
      %scan3A_369 = scf.for %scan3A_550 = %scan3A_365 to %scan3A_367 step %scan3A_368 iter_args(%scan3A_551 = %broadcast_in_dim3A_364) -> (vector<16xi32>)  : i32 {
        %mul3A_552 = arith.constant 64 : i32
        %mul3A_553 = arith.muli %scan3A_550, %mul3A_552 : i32
        %add3A_554 = arith.constant 0 : i32
        %add3A_555 = arith.addi %mul3A_553, %add3A_554 : i32
        %get3A = arith.index_cast %add3A_555 : i32 to index
        %get3A_556 = tpu.vector_load %arg6[%get3A] {strides = array<i32>} : memref<2048xi32, #tpu.memory_space<vmem>>, vector<16xi32>,
        %ge3A_557 = arith.cmpi sge, %get3A_556, %or3A_362 : vector<16xi32>
        %all_reduce_population_count3A = tpu.all_reduce %ge3A_557 {dim = 0 : i64, kind = #tpu.reduction_kind<sum>} : vector<16xi1> -> vector<16xi32>
        %add3A_558 = arith.addi %scan3A_551, %all_reduce_population_count3A : vector<16xi32>
        %mul3A_559 = arith.constant 64 : i32
        %mul3A_560 = arith.muli %scan3A_550, %mul3A_559 : i32
        %add3A_561 = arith.constant 16 : i32
        %add3A_562 = arith.addi %mul3A_560, %add3A_561 : i32
        %get3A_563 = arith.index_cast %add3A_562 : i32 to index
        %get3A_564 = tpu.vector_load %arg6[%get3A_563] {strides = array<i32>} : memref<2048xi32, #tpu.memory_space<vmem>>, vector<16xi32>,
        %ge3A_565 = arith.cmpi sge, %get3A_564, %or3A_362 : vector<16xi32>
        %all_reduce_population_count3A_566 = tpu.all_reduce %ge3A_565 {dim = 0 : i64, kind = #tpu.reduction_kind<sum>} : vector<16xi1> -> vector<16xi32>
        %add3A_567 = arith.addi %add3A_558, %all_reduce_population_count3A_566 : vector<16xi32>
        %mul3A_568 = arith.constant 64 : i32
        %mul3A_569 = arith.muli %scan3A_550, %mul3A_568 : i32
        %add3A_570 = arith.constant 32 : i32
        %add3A_571 = arith.addi %mul3A_569, %add3A_570 : i32
        %get3A_572 = arith.index_cast %add3A_571 : i32 to index
        %get3A_573 = tpu.vector_load %arg6[%get3A_572] {strides = array<i32>} : memref<2048xi32, #tpu.memory_space<vmem>>, vector<16xi32>,
        %ge3A_574 = arith.cmpi sge, %get3A_573, %or3A_362 : vector<16xi32>
        %all_reduce_population_count3A_575 = tpu.all_reduce %ge3A_574 {dim = 0 : i64, kind = #tpu.reduction_kind<sum>} : vector<16xi1> -> vector<16xi32>
        %add3A_576 = arith.addi %add3A_567, %all_reduce_population_count3A_575 : vector<16xi32>
        %mul3A_577 = arith.constant 64 : i32
        %mul3A_578 = arith.muli %scan3A_550, %mul3A_577 : i32
        %add3A_579 = arith.constant 48 : i32
        %add3A_580 = arith.addi %mul3A_578, %add3A_579 : i32
        %get3A_581 = arith.index_cast %add3A_580 : i32 to index
        %get3A_582 = tpu.vector_load %arg6[%get3A_581] {strides = array<i32>} : memref<2048xi32, #tpu.memory_space<vmem>>, vector<16xi32>,
        %ge3A_583 = arith.cmpi sge, %get3A_582, %or3A_362 : vector<16xi32>
        %all_reduce_population_count3A_584 = tpu.all_reduce %ge3A_583 {dim = 0 : i64, kind = #tpu.reduction_kind<sum>} : vector<16xi1> -> vector<16xi32>
        %add3A_585 = arith.addi %add3A_576, %all_reduce_population_count3A_584 : vector<16xi32>
        scf.yield %add3A_585 : vector<16xi32>
      }
      %scan3A_370 = arith.constant 32 : i32
      %ge3A_371 = arith.cmpi sge, %scan3A_369, %broadcast_in_dim3A_8 : vector<16xi32>
      %select_n3A_372 = arith.select %ge3A_371, %or3A_362, %select_n3A_359 : vector<16xi1>, vector<16xi32>
      %broadcast_in_dim3A_373 = arith.constant 8 : i32
      %broadcast_in_dim3A_374 = vector.broadcast %broadcast_in_dim3A_373 : i32 to vector<16xi32>
      %or3A_375 = arith.ori %select_n3A_372, %broadcast_in_dim3A_374 : vector<16xi32>
      %broadcast_in_dim3A_376 = arith.constant 0 : i32
      %broadcast_in_dim3A_377 = vector.broadcast %broadcast_in_dim3A_376 : i32 to vector<16xi32>
      %scan3A_378 = arith.constant 0 : i32
      %scan3A_379 = arith.constant 32 : i32
      %scan3A_380 = arith.addi %scan3A_378, %scan3A_379 : i32
      %scan3A_381 = arith.constant 1 : i32
      %scan3A_382 = scf.for %scan3A_550 = %scan3A_378 to %scan3A_380 step %scan3A_381 iter_args(%scan3A_551 = %broadcast_in_dim3A_377) -> (vector<16xi32>)  : i32 {
        %mul3A_552 = arith.constant 64 : i32
        %mul3A_553 = arith.muli %scan3A_550, %mul3A_552 : i32
        %add3A_554 = arith.constant 0 : i32
        %add3A_555 = arith.addi %mul3A_553, %add3A_554 : i32
        %get3A = arith.index_cast %add3A_555 : i32 to index
        %get3A_556 = tpu.vector_load %arg6[%get3A] {strides = array<i32>} : memref<2048xi32, #tpu.memory_space<vmem>>, vector<16xi32>,
        %ge3A_557 = arith.cmpi sge, %get3A_556, %or3A_375 : vector<16xi32>
        %all_reduce_population_count3A = tpu.all_reduce %ge3A_557 {dim = 0 : i64, kind = #tpu.reduction_kind<sum>} : vector<16xi1> -> vector<16xi32>
        %add3A_558 = arith.addi %scan3A_551, %all_reduce_population_count3A : vector<16xi32>
        %mul3A_559 = arith.constant 64 : i32
        %mul3A_560 = arith.muli %scan3A_550, %mul3A_559 : i32
        %add3A_561 = arith.constant 16 : i32
        %add3A_562 = arith.addi %mul3A_560, %add3A_561 : i32
        %get3A_563 = arith.index_cast %add3A_562 : i32 to index
        %get3A_564 = tpu.vector_load %arg6[%get3A_563] {strides = array<i32>} : memref<2048xi32, #tpu.memory_space<vmem>>, vector<16xi32>,
        %ge3A_565 = arith.cmpi sge, %get3A_564, %or3A_375 : vector<16xi32>
        %all_reduce_population_count3A_566 = tpu.all_reduce %ge3A_565 {dim = 0 : i64, kind = #tpu.reduction_kind<sum>} : vector<16xi1> -> vector<16xi32>
        %add3A_567 = arith.addi %add3A_558, %all_reduce_population_count3A_566 : vector<16xi32>
        %mul3A_568 = arith.constant 64 : i32
        %mul3A_569 = arith.muli %scan3A_550, %mul3A_568 : i32
        %add3A_570 = arith.constant 32 : i32
        %add3A_571 = arith.addi %mul3A_569, %add3A_570 : i32
        %get3A_572 = arith.index_cast %add3A_571 : i32 to index
        %get3A_573 = tpu.vector_load %arg6[%get3A_572] {strides = array<i32>} : memref<2048xi32, #tpu.memory_space<vmem>>, vector<16xi32>,
        %ge3A_574 = arith.cmpi sge, %get3A_573, %or3A_375 : vector<16xi32>
        %all_reduce_population_count3A_575 = tpu.all_reduce %ge3A_574 {dim = 0 : i64, kind = #tpu.reduction_kind<sum>} : vector<16xi1> -> vector<16xi32>
        %add3A_576 = arith.addi %add3A_567, %all_reduce_population_count3A_575 : vector<16xi32>
        %mul3A_577 = arith.constant 64 : i32
        %mul3A_578 = arith.muli %scan3A_550, %mul3A_577 : i32
        %add3A_579 = arith.constant 48 : i32
        %add3A_580 = arith.addi %mul3A_578, %add3A_579 : i32
        %get3A_581 = arith.index_cast %add3A_580 : i32 to index
        %get3A_582 = tpu.vector_load %arg6[%get3A_581] {strides = array<i32>} : memref<2048xi32, #tpu.memory_space<vmem>>, vector<16xi32>,
        %ge3A_583 = arith.cmpi sge, %get3A_582, %or3A_375 : vector<16xi32>
        %all_reduce_population_count3A_584 = tpu.all_reduce %ge3A_583 {dim = 0 : i64, kind = #tpu.reduction_kind<sum>} : vector<16xi1> -> vector<16xi32>
        %add3A_585 = arith.addi %add3A_576, %all_reduce_population_count3A_584 : vector<16xi32>
        scf.yield %add3A_585 : vector<16xi32>
      }
      %scan3A_383 = arith.constant 32 : i32
      %ge3A_384 = arith.cmpi sge, %scan3A_382, %broadcast_in_dim3A_8 : vector<16xi32>
      %select_n3A_385 = arith.select %ge3A_384, %or3A_375, %select_n3A_372 : vector<16xi1>, vector<16xi32>
      %broadcast_in_dim3A_386 = arith.constant 4 : i32
      %broadcast_in_dim3A_387 = vector.broadcast %broadcast_in_dim3A_386 : i32 to vector<16xi32>
      %or3A_388 = arith.ori %select_n3A_385, %broadcast_in_dim3A_387 : vector<16xi32>
      %broadcast_in_dim3A_389 = arith.constant 0 : i32
      %broadcast_in_dim3A_390 = vector.broadcast %broadcast_in_dim3A_389 : i32 to vector<16xi32>
      %scan3A_391 = arith.constant 0 : i32
      %scan3A_392 = arith.constant 32 : i32
      %scan3A_393 = arith.addi %scan3A_391, %scan3A_392 : i32
      %scan3A_394 = arith.constant 1 : i32
      %scan3A_395 = scf.for %scan3A_550 = %scan3A_391 to %scan3A_393 step %scan3A_394 iter_args(%scan3A_551 = %broadcast_in_dim3A_390) -> (vector<16xi32>)  : i32 {
        %mul3A_552 = arith.constant 64 : i32
        %mul3A_553 = arith.muli %scan3A_550, %mul3A_552 : i32
        %add3A_554 = arith.constant 0 : i32
        %add3A_555 = arith.addi %mul3A_553, %add3A_554 : i32
        %get3A = arith.index_cast %add3A_555 : i32 to index
        %get3A_556 = tpu.vector_load %arg6[%get3A] {strides = array<i32>} : memref<2048xi32, #tpu.memory_space<vmem>>, vector<16xi32>,
        %ge3A_557 = arith.cmpi sge, %get3A_556, %or3A_388 : vector<16xi32>
        %all_reduce_population_count3A = tpu.all_reduce %ge3A_557 {dim = 0 : i64, kind = #tpu.reduction_kind<sum>} : vector<16xi1> -> vector<16xi32>
        %add3A_558 = arith.addi %scan3A_551, %all_reduce_population_count3A : vector<16xi32>
        %mul3A_559 = arith.constant 64 : i32
        %mul3A_560 = arith.muli %scan3A_550, %mul3A_559 : i32
        %add3A_561 = arith.constant 16 : i32
        %add3A_562 = arith.addi %mul3A_560, %add3A_561 : i32
        %get3A_563 = arith.index_cast %add3A_562 : i32 to index
        %get3A_564 = tpu.vector_load %arg6[%get3A_563] {strides = array<i32>} : memref<2048xi32, #tpu.memory_space<vmem>>, vector<16xi32>,
        %ge3A_565 = arith.cmpi sge, %get3A_564, %or3A_388 : vector<16xi32>
        %all_reduce_population_count3A_566 = tpu.all_reduce %ge3A_565 {dim = 0 : i64, kind = #tpu.reduction_kind<sum>} : vector<16xi1> -> vector<16xi32>
        %add3A_567 = arith.addi %add3A_558, %all_reduce_population_count3A_566 : vector<16xi32>
        %mul3A_568 = arith.constant 64 : i32
        %mul3A_569 = arith.muli %scan3A_550, %mul3A_568 : i32
        %add3A_570 = arith.constant 32 : i32
        %add3A_571 = arith.addi %mul3A_569, %add3A_570 : i32
        %get3A_572 = arith.index_cast %add3A_571 : i32 to index
        %get3A_573 = tpu.vector_load %arg6[%get3A_572] {strides = array<i32>} : memref<2048xi32, #tpu.memory_space<vmem>>, vector<16xi32>,
        %ge3A_574 = arith.cmpi sge, %get3A_573, %or3A_388 : vector<16xi32>
        %all_reduce_population_count3A_575 = tpu.all_reduce %ge3A_574 {dim = 0 : i64, kind = #tpu.reduction_kind<sum>} : vector<16xi1> -> vector<16xi32>
        %add3A_576 = arith.addi %add3A_567, %all_reduce_population_count3A_575 : vector<16xi32>
        %mul3A_577 = arith.constant 64 : i32
        %mul3A_578 = arith.muli %scan3A_550, %mul3A_577 : i32
        %add3A_579 = arith.constant 48 : i32
        %add3A_580 = arith.addi %mul3A_578, %add3A_579 : i32
        %get3A_581 = arith.index_cast %add3A_580 : i32 to index
        %get3A_582 = tpu.vector_load %arg6[%get3A_581] {strides = array<i32>} : memref<2048xi32, #tpu.memory_space<vmem>>, vector<16xi32>,
        %ge3A_583 = arith.cmpi sge, %get3A_582, %or3A_388 : vector<16xi32>
        %all_reduce_population_count3A_584 = tpu.all_reduce %ge3A_583 {dim = 0 : i64, kind = #tpu.reduction_kind<sum>} : vector<16xi1> -> vector<16xi32>
        %add3A_585 = arith.addi %add3A_576, %all_reduce_population_count3A_584 : vector<16xi32>
        scf.yield %add3A_585 : vector<16xi32>
      }
      %scan3A_396 = arith.constant 32 : i32
      %ge3A_397 = arith.cmpi sge, %scan3A_395, %broadcast_in_dim3A_8 : vector<16xi32>
      %select_n3A_398 = arith.select %ge3A_397, %or3A_388, %select_n3A_385 : vector<16xi1>, vector<16xi32>
      %broadcast_in_dim3A_399 = arith.constant 2 : i32
      %broadcast_in_dim3A_400 = vector.broadcast %broadcast_in_dim3A_399 : i32 to vector<16xi32>
      %or3A_401 = arith.ori %select_n3A_398, %broadcast_in_dim3A_400 : vector<16xi32>
      %broadcast_in_dim3A_402 = arith.constant 0 : i32
      %broadcast_in_dim3A_403 = vector.broadcast %broadcast_in_dim3A_402 : i32 to vector<16xi32>
      %scan3A_404 = arith.constant 0 : i32
      %scan3A_405 = arith.constant 32 : i32
      %scan3A_406 = arith.addi %scan3A_404, %scan3A_405 : i32
      %scan3A_407 = arith.constant 1 : i32
      %scan3A_408 = scf.for %scan3A_550 = %scan3A_404 to %scan3A_406 step %scan3A_407 iter_args(%scan3A_551 = %broadcast_in_dim3A_403) -> (vector<16xi32>)  : i32 {
        %mul3A_552 = arith.constant 64 : i32
        %mul3A_553 = arith.muli %scan3A_550, %mul3A_552 : i32
        %add3A_554 = arith.constant 0 : i32
        %add3A_555 = arith.addi %mul3A_553, %add3A_554 : i32
        %get3A = arith.index_cast %add3A_555 : i32 to index
        %get3A_556 = tpu.vector_load %arg6[%get3A] {strides = array<i32>} : memref<2048xi32, #tpu.memory_space<vmem>>, vector<16xi32>,
        %ge3A_557 = arith.cmpi sge, %get3A_556, %or3A_401 : vector<16xi32>
        %all_reduce_population_count3A = tpu.all_reduce %ge3A_557 {dim = 0 : i64, kind = #tpu.reduction_kind<sum>} : vector<16xi1> -> vector<16xi32>
        %add3A_558 = arith.addi %scan3A_551, %all_reduce_population_count3A : vector<16xi32>
        %mul3A_559 = arith.constant 64 : i32
        %mul3A_560 = arith.muli %scan3A_550, %mul3A_559 : i32
        %add3A_561 = arith.constant 16 : i32
        %add3A_562 = arith.addi %mul3A_560, %add3A_561 : i32
        %get3A_563 = arith.index_cast %add3A_562 : i32 to index
        %get3A_564 = tpu.vector_load %arg6[%get3A_563] {strides = array<i32>} : memref<2048xi32, #tpu.memory_space<vmem>>, vector<16xi32>,
        %ge3A_565 = arith.cmpi sge, %get3A_564, %or3A_401 : vector<16xi32>
        %all_reduce_population_count3A_566 = tpu.all_reduce %ge3A_565 {dim = 0 : i64, kind = #tpu.reduction_kind<sum>} : vector<16xi1> -> vector<16xi32>
        %add3A_567 = arith.addi %add3A_558, %all_reduce_population_count3A_566 : vector<16xi32>
        %mul3A_568 = arith.constant 64 : i32
        %mul3A_569 = arith.muli %scan3A_550, %mul3A_568 : i32
        %add3A_570 = arith.constant 32 : i32
        %add3A_571 = arith.addi %mul3A_569, %add3A_570 : i32
        %get3A_572 = arith.index_cast %add3A_571 : i32 to index
        %get3A_573 = tpu.vector_load %arg6[%get3A_572] {strides = array<i32>} : memref<2048xi32, #tpu.memory_space<vmem>>, vector<16xi32>,
        %ge3A_574 = arith.cmpi sge, %get3A_573, %or3A_401 : vector<16xi32>
        %all_reduce_population_count3A_575 = tpu.all_reduce %ge3A_574 {dim = 0 : i64, kind = #tpu.reduction_kind<sum>} : vector<16xi1> -> vector<16xi32>
        %add3A_576 = arith.addi %add3A_567, %all_reduce_population_count3A_575 : vector<16xi32>
        %mul3A_577 = arith.constant 64 : i32
        %mul3A_578 = arith.muli %scan3A_550, %mul3A_577 : i32
        %add3A_579 = arith.constant 48 : i32
        %add3A_580 = arith.addi %mul3A_578, %add3A_579 : i32
        %get3A_581 = arith.index_cast %add3A_580 : i32 to index
        %get3A_582 = tpu.vector_load %arg6[%get3A_581] {strides = array<i32>} : memref<2048xi32, #tpu.memory_space<vmem>>, vector<16xi32>,
        %ge3A_583 = arith.cmpi sge, %get3A_582, %or3A_401 : vector<16xi32>
        %all_reduce_population_count3A_584 = tpu.all_reduce %ge3A_583 {dim = 0 : i64, kind = #tpu.reduction_kind<sum>} : vector<16xi1> -> vector<16xi32>
        %add3A_585 = arith.addi %add3A_576, %all_reduce_population_count3A_584 : vector<16xi32>
        scf.yield %add3A_585 : vector<16xi32>
      }
      %scan3A_409 = arith.constant 32 : i32
      %ge3A_410 = arith.cmpi sge, %scan3A_408, %broadcast_in_dim3A_8 : vector<16xi32>
      %select_n3A_411 = arith.select %ge3A_410, %or3A_401, %select_n3A_398 : vector<16xi1>, vector<16xi32>
      %broadcast_in_dim3A_412 = arith.constant 1 : i32
      %broadcast_in_dim3A_413 = vector.broadcast %broadcast_in_dim3A_412 : i32 to vector<16xi32>
      %or3A_414 = arith.ori %select_n3A_411, %broadcast_in_dim3A_413 : vector<16xi32>
      %broadcast_in_dim3A_415 = arith.constant 0 : i32
      %broadcast_in_dim3A_416 = vector.broadcast %broadcast_in_dim3A_415 : i32 to vector<16xi32>
      %scan3A_417 = arith.constant 0 : i32
      %scan3A_418 = arith.constant 32 : i32
      %scan3A_419 = arith.addi %scan3A_417, %scan3A_418 : i32
      %scan3A_420 = arith.constant 1 : i32
      %scan3A_421 = scf.for %scan3A_550 = %scan3A_417 to %scan3A_419 step %scan3A_420 iter_args(%scan3A_551 = %broadcast_in_dim3A_416) -> (vector<16xi32>)  : i32 {
        %mul3A_552 = arith.constant 64 : i32
        %mul3A_553 = arith.muli %scan3A_550, %mul3A_552 : i32
        %add3A_554 = arith.constant 0 : i32
        %add3A_555 = arith.addi %mul3A_553, %add3A_554 : i32
        %get3A = arith.index_cast %add3A_555 : i32 to index
        %get3A_556 = tpu.vector_load %arg6[%get3A] {strides = array<i32>} : memref<2048xi32, #tpu.memory_space<vmem>>, vector<16xi32>,
        %ge3A_557 = arith.cmpi sge, %get3A_556, %or3A_414 : vector<16xi32>
        %all_reduce_population_count3A = tpu.all_reduce %ge3A_557 {dim = 0 : i64, kind = #tpu.reduction_kind<sum>} : vector<16xi1> -> vector<16xi32>
        %add3A_558 = arith.addi %scan3A_551, %all_reduce_population_count3A : vector<16xi32>
        %mul3A_559 = arith.constant 64 : i32
        %mul3A_560 = arith.muli %scan3A_550, %mul3A_559 : i32
        %add3A_561 = arith.constant 16 : i32
        %add3A_562 = arith.addi %mul3A_560, %add3A_561 : i32
        %get3A_563 = arith.index_cast %add3A_562 : i32 to index
        %get3A_564 = tpu.vector_load %arg6[%get3A_563] {strides = array<i32>} : memref<2048xi32, #tpu.memory_space<vmem>>, vector<16xi32>,
        %ge3A_565 = arith.cmpi sge, %get3A_564, %or3A_414 : vector<16xi32>
        %all_reduce_population_count3A_566 = tpu.all_reduce %ge3A_565 {dim = 0 : i64, kind = #tpu.reduction_kind<sum>} : vector<16xi1> -> vector<16xi32>
        %add3A_567 = arith.addi %add3A_558, %all_reduce_population_count3A_566 : vector<16xi32>
        %mul3A_568 = arith.constant 64 : i32
        %mul3A_569 = arith.muli %scan3A_550, %mul3A_568 : i32
        %add3A_570 = arith.constant 32 : i32
        %add3A_571 = arith.addi %mul3A_569, %add3A_570 : i32
        %get3A_572 = arith.index_cast %add3A_571 : i32 to index
        %get3A_573 = tpu.vector_load %arg6[%get3A_572] {strides = array<i32>} : memref<2048xi32, #tpu.memory_space<vmem>>, vector<16xi32>,
        %ge3A_574 = arith.cmpi sge, %get3A_573, %or3A_414 : vector<16xi32>
        %all_reduce_population_count3A_575 = tpu.all_reduce %ge3A_574 {dim = 0 : i64, kind = #tpu.reduction_kind<sum>} : vector<16xi1> -> vector<16xi32>
        %add3A_576 = arith.addi %add3A_567, %all_reduce_population_count3A_575 : vector<16xi32>
        %mul3A_577 = arith.constant 64 : i32
        %mul3A_578 = arith.muli %scan3A_550, %mul3A_577 : i32
        %add3A_579 = arith.constant 48 : i32
        %add3A_580 = arith.addi %mul3A_578, %add3A_579 : i32
        %get3A_581 = arith.index_cast %add3A_580 : i32 to index
        %get3A_582 = tpu.vector_load %arg6[%get3A_581] {strides = array<i32>} : memref<2048xi32, #tpu.memory_space<vmem>>, vector<16xi32>,
        %ge3A_583 = arith.cmpi sge, %get3A_582, %or3A_414 : vector<16xi32>
        %all_reduce_population_count3A_584 = tpu.all_reduce %ge3A_583 {dim = 0 : i64, kind = #tpu.reduction_kind<sum>} : vector<16xi1> -> vector<16xi32>
        %add3A_585 = arith.addi %add3A_576, %all_reduce_population_count3A_584 : vector<16xi32>
        scf.yield %add3A_585 : vector<16xi32>
      }
      %scan3A_422 = arith.constant 32 : i32
      %ge3A_423 = arith.cmpi sge, %scan3A_421, %broadcast_in_dim3A_8 : vector<16xi32>
      %select_n3A_424 = arith.select %ge3A_423, %or3A_414, %select_n3A_411 : vector<16xi1>, vector<16xi32>
      %broadcast_in_dim3A_425 = arith.constant 0 : i32
      %broadcast_in_dim3A_426 = vector.broadcast %broadcast_in_dim3A_425 : i32 to vector<16xi32>
      %scan3A_427 = arith.constant 0 : i32
      %scan3A_428 = arith.constant 32 : i32
      %scan3A_429 = arith.addi %scan3A_427, %scan3A_428 : i32
      %scan3A_430 = arith.constant 1 : i32
      %scan3A_431 = scf.for %scan3A_550 = %scan3A_427 to %scan3A_429 step %scan3A_430 iter_args(%scan3A_551 = %broadcast_in_dim3A_426) -> (vector<16xi32>)  : i32 {
        %mul3A_552 = arith.constant 64 : i32
        %mul3A_553 = arith.muli %scan3A_550, %mul3A_552 : i32
        %add3A_554 = arith.constant 0 : i32
        %add3A_555 = arith.addi %mul3A_553, %add3A_554 : i32
        %get3A = arith.index_cast %add3A_555 : i32 to index
        %get3A_556 = tpu.vector_load %arg6[%get3A] {strides = array<i32>} : memref<2048xi32, #tpu.memory_space<vmem>>, vector<16xi32>,
        %ge3A_557 = arith.cmpi sge, %get3A_556, %select_n3A_424 : vector<16xi32>
        %all_reduce_population_count3A = tpu.all_reduce %ge3A_557 {dim = 0 : i64, kind = #tpu.reduction_kind<sum>} : vector<16xi1> -> vector<16xi32>
        %add3A_558 = arith.addi %scan3A_551, %all_reduce_population_count3A : vector<16xi32>
        %mul3A_559 = arith.constant 64 : i32
        %mul3A_560 = arith.muli %scan3A_550, %mul3A_559 : i32
        %add3A_561 = arith.constant 16 : i32
        %add3A_562 = arith.addi %mul3A_560, %add3A_561 : i32
        %get3A_563 = arith.index_cast %add3A_562 : i32 to index
        %get3A_564 = tpu.vector_load %arg6[%get3A_563] {strides = array<i32>} : memref<2048xi32, #tpu.memory_space<vmem>>, vector<16xi32>,
        %ge3A_565 = arith.cmpi sge, %get3A_564, %select_n3A_424 : vector<16xi32>
        %all_reduce_population_count3A_566 = tpu.all_reduce %ge3A_565 {dim = 0 : i64, kind = #tpu.reduction_kind<sum>} : vector<16xi1> -> vector<16xi32>
        %add3A_567 = arith.addi %add3A_558, %all_reduce_population_count3A_566 : vector<16xi32>
        %mul3A_568 = arith.constant 64 : i32
        %mul3A_569 = arith.muli %scan3A_550, %mul3A_568 : i32
        %add3A_570 = arith.constant 32 : i32
        %add3A_571 = arith.addi %mul3A_569, %add3A_570 : i32
        %get3A_572 = arith.index_cast %add3A_571 : i32 to index
        %get3A_573 = tpu.vector_load %arg6[%get3A_572] {strides = array<i32>} : memref<2048xi32, #tpu.memory_space<vmem>>, vector<16xi32>,
        %ge3A_574 = arith.cmpi sge, %get3A_573, %select_n3A_424 : vector<16xi32>
        %all_reduce_population_count3A_575 = tpu.all_reduce %ge3A_574 {dim = 0 : i64, kind = #tpu.reduction_kind<sum>} : vector<16xi1> -> vector<16xi32>
        %add3A_576 = arith.addi %add3A_567, %all_reduce_population_count3A_575 : vector<16xi32>
        %mul3A_577 = arith.constant 64 : i32
        %mul3A_578 = arith.muli %scan3A_550, %mul3A_577 : i32
        %add3A_579 = arith.constant 48 : i32
        %add3A_580 = arith.addi %mul3A_578, %add3A_579 : i32
        %get3A_581 = arith.index_cast %add3A_580 : i32 to index
        %get3A_582 = tpu.vector_load %arg6[%get3A_581] {strides = array<i32>} : memref<2048xi32, #tpu.memory_space<vmem>>, vector<16xi32>,
        %ge3A_583 = arith.cmpi sge, %get3A_582, %select_n3A_424 : vector<16xi32>
        %all_reduce_population_count3A_584 = tpu.all_reduce %ge3A_583 {dim = 0 : i64, kind = #tpu.reduction_kind<sum>} : vector<16xi1> -> vector<16xi32>
        %add3A_585 = arith.addi %add3A_576, %all_reduce_population_count3A_584 : vector<16xi32>
        scf.yield %add3A_585 : vector<16xi32>
      }
      %scan3A_432 = arith.constant 32 : i32
      %broadcast_in_dim3A_433 = arith.constant 1 : i32
      %broadcast_in_dim3A_434 = vector.broadcast %broadcast_in_dim3A_433 : i32 to vector<16xi32>
      %add3A = arith.addi %select_n3A_424, %broadcast_in_dim3A_434 : vector<16xi32>
      %broadcast_in_dim3A_435 = arith.constant 0 : i32
      %broadcast_in_dim3A_436 = vector.broadcast %broadcast_in_dim3A_435 : i32 to vector<16xi32>
      %scan3A_437 = arith.constant 0 : i32
      %scan3A_438 = arith.constant 32 : i32
      %scan3A_439 = arith.addi %scan3A_437, %scan3A_438 : i32
      %scan3A_440 = arith.constant 1 : i32
      %scan3A_441 = scf.for %scan3A_550 = %scan3A_437 to %scan3A_439 step %scan3A_440 iter_args(%scan3A_551 = %broadcast_in_dim3A_436) -> (vector<16xi32>)  : i32 {
        %mul3A_552 = arith.constant 64 : i32
        %mul3A_553 = arith.muli %scan3A_550, %mul3A_552 : i32
        %add3A_554 = arith.constant 0 : i32
        %add3A_555 = arith.addi %mul3A_553, %add3A_554 : i32
        %get3A = arith.index_cast %add3A_555 : i32 to index
        %get3A_556 = tpu.vector_load %arg6[%get3A] {strides = array<i32>} : memref<2048xi32, #tpu.memory_space<vmem>>, vector<16xi32>,
        %ge3A_557 = arith.cmpi sge, %get3A_556, %add3A : vector<16xi32>
        %all_reduce_population_count3A = tpu.all_reduce %ge3A_557 {dim = 0 : i64, kind = #tpu.reduction_kind<sum>} : vector<16xi1> -> vector<16xi32>
        %add3A_558 = arith.addi %scan3A_551, %all_reduce_population_count3A : vector<16xi32>
        %mul3A_559 = arith.constant 64 : i32
        %mul3A_560 = arith.muli %scan3A_550, %mul3A_559 : i32
        %add3A_561 = arith.constant 16 : i32
        %add3A_562 = arith.addi %mul3A_560, %add3A_561 : i32
        %get3A_563 = arith.index_cast %add3A_562 : i32 to index
        %get3A_564 = tpu.vector_load %arg6[%get3A_563] {strides = array<i32>} : memref<2048xi32, #tpu.memory_space<vmem>>, vector<16xi32>,
        %ge3A_565 = arith.cmpi sge, %get3A_564, %add3A : vector<16xi32>
        %all_reduce_population_count3A_566 = tpu.all_reduce %ge3A_565 {dim = 0 : i64, kind = #tpu.reduction_kind<sum>} : vector<16xi1> -> vector<16xi32>
        %add3A_567 = arith.addi %add3A_558, %all_reduce_population_count3A_566 : vector<16xi32>
        %mul3A_568 = arith.constant 64 : i32
        %mul3A_569 = arith.muli %scan3A_550, %mul3A_568 : i32
        %add3A_570 = arith.constant 32 : i32
        %add3A_571 = arith.addi %mul3A_569, %add3A_570 : i32
        %get3A_572 = arith.index_cast %add3A_571 : i32 to index
        %get3A_573 = tpu.vector_load %arg6[%get3A_572] {strides = array<i32>} : memref<2048xi32, #tpu.memory_space<vmem>>, vector<16xi32>,
        %ge3A_574 = arith.cmpi sge, %get3A_573, %add3A : vector<16xi32>
        %all_reduce_population_count3A_575 = tpu.all_reduce %ge3A_574 {dim = 0 : i64, kind = #tpu.reduction_kind<sum>} : vector<16xi1> -> vector<16xi32>
        %add3A_576 = arith.addi %add3A_567, %all_reduce_population_count3A_575 : vector<16xi32>
        %mul3A_577 = arith.constant 64 : i32
        %mul3A_578 = arith.muli %scan3A_550, %mul3A_577 : i32
        %add3A_579 = arith.constant 48 : i32
        %add3A_580 = arith.addi %mul3A_578, %add3A_579 : i32
        %get3A_581 = arith.index_cast %add3A_580 : i32 to index
        %get3A_582 = tpu.vector_load %arg6[%get3A_581] {strides = array<i32>} : memref<2048xi32, #tpu.memory_space<vmem>>, vector<16xi32>,
        %ge3A_583 = arith.cmpi sge, %get3A_582, %add3A : vector<16xi32>
        %all_reduce_population_count3A_584 = tpu.all_reduce %ge3A_583 {dim = 0 : i64, kind = #tpu.reduction_kind<sum>} : vector<16xi1> -> vector<16xi32>
        %add3A_585 = arith.addi %add3A_576, %all_reduce_population_count3A_584 : vector<16xi32>
        scf.yield %add3A_585 : vector<16xi32>
      }
      %scan3A_442 = arith.constant 32 : i32
      %sub3A = arith.subi %broadcast_in_dim3A_8, %scan3A_441 : vector<16xi32>
      %sub3A_443 = arith.subi %scan3A_431, %broadcast_in_dim3A_8 : vector<16xi32>
      %reduce_max3A = arith.constant true
      %reduce_max3A_444 = vector.broadcast %reduce_max3A : i1 to vector<16xi1>
      %reduce_max3A_445 = arith.constant -2147483648 : i32
      %reduce_max3A_446 = vector.broadcast %reduce_max3A_445 : i32 to vector<16xi32>
      %reduce_max3A_447 = arith.xori %sub3A_443, %reduce_max3A_446 : vector<16xi32>
      %reduce_max3A_448 = tpu.scan <max>, %reduce_max3A_447 masked %reduce_max3A_444 : vector<16xi32>, vector<16xi1> -> vector<16xi32>
      %reduce_max3A_449 = arith.xori %reduce_max3A_448, %reduce_max3A_446 : vector<16xi32>
      %reduce_max3A_450 = vector.extract %reduce_max3A_449[15] : i32 from vector<16xi32>
      %gt3A = arith.constant 0 : i32
      %gt3A_451 = arith.cmpi sgt, %reduce_max3A_450, %gt3A : i32
      %convert_element_type3A_452 = arith.extui %gt3A_451 : i1 to i32
      %cond3A_453 = arith.constant 0 : i32
      %cond3A_454 = arith.constant 0 : i32
      %cond3A_455 = arith.cmpi ne, %convert_element_type3A_452, %cond3A_454 : i32
      %cond3A_456 = scf.if %cond3A_455 -> (vector<16xi32>) {
        %broadcast_in_dim3A_550 = arith.constant 0 : i32
        %broadcast_in_dim3A_551 = vector.broadcast %broadcast_in_dim3A_550 : i32 to vector<16xi32>
        %broadcast_in_dim3A_552 = arith.constant 2047 : i32
        %broadcast_in_dim3A_553 = vector.broadcast %broadcast_in_dim3A_552 : i32 to vector<16xi32>
        %add3A_554 = arith.addi %broadcast_in_dim3A_551, %broadcast_in_dim3A_553 : vector<16xi32>
        %jit3A = arith.constant 2 : i32
        %div3A = vector.broadcast %jit3A : i32 to vector<16xi32>
        %div3A_555 = arith.divsi %add3A_554, %div3A : vector<16xi32>
        %sign3A = arith.constant 0 : i32
        %sign3A_556 = vector.broadcast %sign3A : i32 to vector<16xi32>
        %sign3A_557 = arith.cmpi sgt, %add3A_554, %sign3A_556 : vector<16xi32>
        %sign3A_558 = arith.extui %sign3A_557 : vector<16xi1> to vector<16xi32>
        %sign3A_559 = arith.constant 0 : i32
        %sign3A_560 = vector.broadcast %sign3A_559 : i32 to vector<16xi32>
        %sign3A_561 = arith.cmpi slt, %add3A_554, %sign3A_560 : vector<16xi32>
        %sign3A_562 = arith.extui %sign3A_561 : vector<16xi1> to vector<16xi32>
        %sign3A_563 = arith.subi %sign3A_558, %sign3A_562 : vector<16xi32>
        %sign3A_564 = arith.constant 0 : i32
        %sign3A_565 = arith.cmpi sgt, %jit3A, %sign3A_564 : i32
        %sign3A_566 = arith.extui %sign3A_565 : i1 to i32
        %sign3A_567 = arith.constant 0 : i32
        %sign3A_568 = arith.cmpi slt, %jit3A, %sign3A_567 : i32
        %sign3A_569 = arith.extui %sign3A_568 : i1 to i32
        %sign3A_570 = arith.subi %sign3A_566, %sign3A_569 : i32
        %ne3A = vector.broadcast %sign3A_570 : i32 to vector<16xi32>
        %ne3A_571 = arith.cmpi ne, %sign3A_563, %ne3A : vector<16xi32>
        %rem3A = vector.broadcast %jit3A : i32 to vector<16xi32>
        %rem3A_572 = arith.remsi %add3A_554, %rem3A : vector<16xi32>
        %ne3A_573 = arith.constant 0 : i32
        %ne3A_574 = vector.broadcast %ne3A_573 : i32 to vector<16xi32>
        %ne3A_575 = arith.cmpi ne, %rem3A_572, %ne3A_574 : vector<16xi32>
        %and3A = arith.andi %ne3A_571, %ne3A_575 : vector<16xi1>
        %sub3A_576 = arith.constant 1 : i32
        %sub3A_577 = vector.broadcast %sub3A_576 : i32 to vector<16xi32>
        %sub3A_578 = arith.subi %div3A_555, %sub3A_577 : vector<16xi32>
        %select_n3A_579 = arith.select %and3A, %sub3A_578, %div3A_555 : vector<16xi1>, vector<16xi32>
        %broadcast_in_dim3A_580 = arith.constant 0 : i32
        %broadcast_in_dim3A_581 = vector.broadcast %broadcast_in_dim3A_580 : i32 to vector<16xi32>
        %scan3A_582 = arith.constant 0 : i32
        %scan3A_583 = arith.constant 128 : i32
        %scan3A_584 = arith.addi %scan3A_582, %scan3A_583 : i32
        %scan3A_585 = arith.constant 1 : i32
        %scan3A_586 = scf.for %scan3A_1065 = %scan3A_582 to %scan3A_584 step %scan3A_585 iter_args(%scan3A_1066 = %broadcast_in_dim3A_581) -> (vector<16xi32>)  : i32 {
          %mul3A_1067 = arith.constant 16 : i32
          %mul3A_1068 = arith.muli %scan3A_1065, %mul3A_1067 : i32
          %get3A = arith.index_cast %mul3A_1068 : i32 to index
          %get3A_1069 = tpu.vector_load %arg6[%get3A] {strides = array<i32>} : memref<2048xi32, #tpu.memory_space<vmem>>, vector<16xi32>,
          %mul3A_1070 = arith.constant 16 : i32
          %mul3A_1071 = arith.muli %scan3A_1065, %mul3A_1070 : i32
          %add3A_1072 = vector.broadcast %mul3A_1071 : i32 to vector<16xi32>
          %add3A_1073 = arith.addi %add3A_1072, %iota3A : vector<16xi32>
          %eq3A_1074 = arith.cmpi eq, %get3A_1069, %select_n3A_424 : vector<16xi32>
          %le3A = arith.cmpi sle, %add3A_1073, %select_n3A_579 : vector<16xi32>
          %and3A_1075 = arith.andi %eq3A_1074, %le3A : vector<16xi1>
          %all_reduce_population_count3A = tpu.all_reduce %and3A_1075 {dim = 0 : i64, kind = #tpu.reduction_kind<sum>} : vector<16xi1> -> vector<16xi32>
          %add3A_1076 = arith.addi %scan3A_1066, %all_reduce_population_count3A : vector<16xi32>
          scf.yield %add3A_1076 : vector<16xi32>
        }
        %scan3A_587 = arith.constant 128 : i32
        %ge3A_588 = arith.cmpi sge, %scan3A_586, %sub3A : vector<16xi32>
        %select_n3A_589 = arith.select %ge3A_588, %select_n3A_579, %broadcast_in_dim3A_553 : vector<16xi1>, vector<16xi32>
        %ge3A_590 = arith.cmpi sge, %scan3A_586, %sub3A : vector<16xi32>
        %add3A_591 = arith.constant 1 : i32
        %add3A_592 = vector.broadcast %add3A_591 : i32 to vector<16xi32>
        %add3A_593 = arith.addi %select_n3A_579, %add3A_592 : vector<16xi32>
        %select_n3A_594 = arith.select %ge3A_590, %broadcast_in_dim3A_551, %add3A_593 : vector<16xi1>, vector<16xi32>
        %add3A_595 = arith.addi %select_n3A_594, %select_n3A_589 : vector<16xi32>
        %jit3A_596 = arith.constant 2 : i32
        %div3A_597 = vector.broadcast %jit3A_596 : i32 to vector<16xi32>
        %div3A_598 = arith.divsi %add3A_595, %div3A_597 : vector<16xi32>
        %sign3A_599 = arith.constant 0 : i32
        %sign3A_600 = vector.broadcast %sign3A_599 : i32 to vector<16xi32>
        %sign3A_601 = arith.cmpi sgt, %add3A_595, %sign3A_600 : vector<16xi32>
        %sign3A_602 = arith.extui %sign3A_601 : vector<16xi1> to vector<16xi32>
        %sign3A_603 = arith.constant 0 : i32
        %sign3A_604 = vector.broadcast %sign3A_603 : i32 to vector<16xi32>
        %sign3A_605 = arith.cmpi slt, %add3A_595, %sign3A_604 : vector<16xi32>
        %sign3A_606 = arith.extui %sign3A_605 : vector<16xi1> to vector<16xi32>
        %sign3A_607 = arith.subi %sign3A_602, %sign3A_606 : vector<16xi32>
        %sign3A_608 = arith.constant 0 : i32
        %sign3A_609 = arith.cmpi sgt, %jit3A_596, %sign3A_608 : i32
        %sign3A_610 = arith.extui %sign3A_609 : i1 to i32
        %sign3A_611 = arith.constant 0 : i32
        %sign3A_612 = arith.cmpi slt, %jit3A_596, %sign3A_611 : i32
        %sign3A_613 = arith.extui %sign3A_612 : i1 to i32
        %sign3A_614 = arith.subi %sign3A_610, %sign3A_613 : i32
        %ne3A_615 = vector.broadcast %sign3A_614 : i32 to vector<16xi32>
        %ne3A_616 = arith.cmpi ne, %sign3A_607, %ne3A_615 : vector<16xi32>
        %rem3A_617 = vector.broadcast %jit3A_596 : i32 to vector<16xi32>
        %rem3A_618 = arith.remsi %add3A_595, %rem3A_617 : vector<16xi32>
        %ne3A_619 = arith.constant 0 : i32
        %ne3A_620 = vector.broadcast %ne3A_619 : i32 to vector<16xi32>
        %ne3A_621 = arith.cmpi ne, %rem3A_618, %ne3A_620 : vector<16xi32>
        %and3A_622 = arith.andi %ne3A_616, %ne3A_621 : vector<16xi1>
        %sub3A_623 = arith.constant 1 : i32
        %sub3A_624 = vector.broadcast %sub3A_623 : i32 to vector<16xi32>
        %sub3A_625 = arith.subi %div3A_598, %sub3A_624 : vector<16xi32>
        %select_n3A_626 = arith.select %and3A_622, %sub3A_625, %div3A_598 : vector<16xi1>, vector<16xi32>
        %broadcast_in_dim3A_627 = arith.constant 0 : i32
        %broadcast_in_dim3A_628 = vector.broadcast %broadcast_in_dim3A_627 : i32 to vector<16xi32>
        %scan3A_629 = arith.constant 0 : i32
        %scan3A_630 = arith.constant 128 : i32
        %scan3A_631 = arith.addi %scan3A_629, %scan3A_630 : i32
        %scan3A_632 = arith.constant 1 : i32
        %scan3A_633 = scf.for %scan3A_1065 = %scan3A_629 to %scan3A_631 step %scan3A_632 iter_args(%scan3A_1066 = %broadcast_in_dim3A_628) -> (vector<16xi32>)  : i32 {
          %mul3A_1067 = arith.constant 16 : i32
          %mul3A_1068 = arith.muli %scan3A_1065, %mul3A_1067 : i32
          %get3A = arith.index_cast %mul3A_1068 : i32 to index
          %get3A_1069 = tpu.vector_load %arg6[%get3A] {strides = array<i32>} : memref<2048xi32, #tpu.memory_space<vmem>>, vector<16xi32>,
          %mul3A_1070 = arith.constant 16 : i32
          %mul3A_1071 = arith.muli %scan3A_1065, %mul3A_1070 : i32
          %add3A_1072 = vector.broadcast %mul3A_1071 : i32 to vector<16xi32>
          %add3A_1073 = arith.addi %add3A_1072, %iota3A : vector<16xi32>
          %eq3A_1074 = arith.cmpi eq, %get3A_1069, %select_n3A_424 : vector<16xi32>
          %le3A = arith.cmpi sle, %add3A_1073, %select_n3A_626 : vector<16xi32>
          %and3A_1075 = arith.andi %eq3A_1074, %le3A : vector<16xi1>
          %all_reduce_population_count3A = tpu.all_reduce %and3A_1075 {dim = 0 : i64, kind = #tpu.reduction_kind<sum>} : vector<16xi1> -> vector<16xi32>
          %add3A_1076 = arith.addi %scan3A_1066, %all_reduce_population_count3A : vector<16xi32>
          scf.yield %add3A_1076 : vector<16xi32>
        }
        %scan3A_634 = arith.constant 128 : i32
        %ge3A_635 = arith.cmpi sge, %scan3A_633, %sub3A : vector<16xi32>
        %select_n3A_636 = arith.select %ge3A_635, %select_n3A_626, %select_n3A_589 : vector<16xi1>, vector<16xi32>
        %ge3A_637 = arith.cmpi sge, %scan3A_633, %sub3A : vector<16xi32>
        %add3A_638 = arith.constant 1 : i32
        %add3A_639 = vector.broadcast %add3A_638 : i32 to vector<16xi32>
        %add3A_640 = arith.addi %select_n3A_626, %add3A_639 : vector<16xi32>
        %select_n3A_641 = arith.select %ge3A_637, %select_n3A_594, %add3A_640 : vector<16xi1>, vector<16xi32>
        %add3A_642 = arith.addi %select_n3A_641, %select_n3A_636 : vector<16xi32>
        %jit3A_643 = arith.constant 2 : i32
        %div3A_644 = vector.broadcast %jit3A_643 : i32 to vector<16xi32>
        %div3A_645 = arith.divsi %add3A_642, %div3A_644 : vector<16xi32>
        %sign3A_646 = arith.constant 0 : i32
        %sign3A_647 = vector.broadcast %sign3A_646 : i32 to vector<16xi32>
        %sign3A_648 = arith.cmpi sgt, %add3A_642, %sign3A_647 : vector<16xi32>
        %sign3A_649 = arith.extui %sign3A_648 : vector<16xi1> to vector<16xi32>
        %sign3A_650 = arith.constant 0 : i32
        %sign3A_651 = vector.broadcast %sign3A_650 : i32 to vector<16xi32>
        %sign3A_652 = arith.cmpi slt, %add3A_642, %sign3A_651 : vector<16xi32>
        %sign3A_653 = arith.extui %sign3A_652 : vector<16xi1> to vector<16xi32>
        %sign3A_654 = arith.subi %sign3A_649, %sign3A_653 : vector<16xi32>
        %sign3A_655 = arith.constant 0 : i32
        %sign3A_656 = arith.cmpi sgt, %jit3A_643, %sign3A_655 : i32
        %sign3A_657 = arith.extui %sign3A_656 : i1 to i32
        %sign3A_658 = arith.constant 0 : i32
        %sign3A_659 = arith.cmpi slt, %jit3A_643, %sign3A_658 : i32
        %sign3A_660 = arith.extui %sign3A_659 : i1 to i32
        %sign3A_661 = arith.subi %sign3A_657, %sign3A_660 : i32
        %ne3A_662 = vector.broadcast %sign3A_661 : i32 to vector<16xi32>
        %ne3A_663 = arith.cmpi ne, %sign3A_654, %ne3A_662 : vector<16xi32>
        %rem3A_664 = vector.broadcast %jit3A_643 : i32 to vector<16xi32>
        %rem3A_665 = arith.remsi %add3A_642, %rem3A_664 : vector<16xi32>
        %ne3A_666 = arith.constant 0 : i32
        %ne3A_667 = vector.broadcast %ne3A_666 : i32 to vector<16xi32>
        %ne3A_668 = arith.cmpi ne, %rem3A_665, %ne3A_667 : vector<16xi32>
        %and3A_669 = arith.andi %ne3A_663, %ne3A_668 : vector<16xi1>
        %sub3A_670 = arith.constant 1 : i32
        %sub3A_671 = vector.broadcast %sub3A_670 : i32 to vector<16xi32>
        %sub3A_672 = arith.subi %div3A_645, %sub3A_671 : vector<16xi32>
        %select_n3A_673 = arith.select %and3A_669, %sub3A_672, %div3A_645 : vector<16xi1>, vector<16xi32>
        %broadcast_in_dim3A_674 = arith.constant 0 : i32
        %broadcast_in_dim3A_675 = vector.broadcast %broadcast_in_dim3A_674 : i32 to vector<16xi32>
        %scan3A_676 = arith.constant 0 : i32
        %scan3A_677 = arith.constant 128 : i32
        %scan3A_678 = arith.addi %scan3A_676, %scan3A_677 : i32
        %scan3A_679 = arith.constant 1 : i32
        %scan3A_680 = scf.for %scan3A_1065 = %scan3A_676 to %scan3A_678 step %scan3A_679 iter_args(%scan3A_1066 = %broadcast_in_dim3A_675) -> (vector<16xi32>)  : i32 {
          %mul3A_1067 = arith.constant 16 : i32
          %mul3A_1068 = arith.muli %scan3A_1065, %mul3A_1067 : i32
          %get3A = arith.index_cast %mul3A_1068 : i32 to index
          %get3A_1069 = tpu.vector_load %arg6[%get3A] {strides = array<i32>} : memref<2048xi32, #tpu.memory_space<vmem>>, vector<16xi32>,
          %mul3A_1070 = arith.constant 16 : i32
          %mul3A_1071 = arith.muli %scan3A_1065, %mul3A_1070 : i32
          %add3A_1072 = vector.broadcast %mul3A_1071 : i32 to vector<16xi32>
          %add3A_1073 = arith.addi %add3A_1072, %iota3A : vector<16xi32>
          %eq3A_1074 = arith.cmpi eq, %get3A_1069, %select_n3A_424 : vector<16xi32>
          %le3A = arith.cmpi sle, %add3A_1073, %select_n3A_673 : vector<16xi32>
          %and3A_1075 = arith.andi %eq3A_1074, %le3A : vector<16xi1>
          %all_reduce_population_count3A = tpu.all_reduce %and3A_1075 {dim = 0 : i64, kind = #tpu.reduction_kind<sum>} : vector<16xi1> -> vector<16xi32>
          %add3A_1076 = arith.addi %scan3A_1066, %all_reduce_population_count3A : vector<16xi32>
          scf.yield %add3A_1076 : vector<16xi32>
        }
        %scan3A_681 = arith.constant 128 : i32
        %ge3A_682 = arith.cmpi sge, %scan3A_680, %sub3A : vector<16xi32>
        %select_n3A_683 = arith.select %ge3A_682, %select_n3A_673, %select_n3A_636 : vector<16xi1>, vector<16xi32>
        %ge3A_684 = arith.cmpi sge, %scan3A_680, %sub3A : vector<16xi32>
        %add3A_685 = arith.constant 1 : i32
        %add3A_686 = vector.broadcast %add3A_685 : i32 to vector<16xi32>
        %add3A_687 = arith.addi %select_n3A_673, %add3A_686 : vector<16xi32>
        %select_n3A_688 = arith.select %ge3A_684, %select_n3A_641, %add3A_687 : vector<16xi1>, vector<16xi32>
        %add3A_689 = arith.addi %select_n3A_688, %select_n3A_683 : vector<16xi32>
        %jit3A_690 = arith.constant 2 : i32
        %div3A_691 = vector.broadcast %jit3A_690 : i32 to vector<16xi32>
        %div3A_692 = arith.divsi %add3A_689, %div3A_691 : vector<16xi32>
        %sign3A_693 = arith.constant 0 : i32
        %sign3A_694 = vector.broadcast %sign3A_693 : i32 to vector<16xi32>
        %sign3A_695 = arith.cmpi sgt, %add3A_689, %sign3A_694 : vector<16xi32>
        %sign3A_696 = arith.extui %sign3A_695 : vector<16xi1> to vector<16xi32>
        %sign3A_697 = arith.constant 0 : i32
        %sign3A_698 = vector.broadcast %sign3A_697 : i32 to vector<16xi32>
        %sign3A_699 = arith.cmpi slt, %add3A_689, %sign3A_698 : vector<16xi32>
        %sign3A_700 = arith.extui %sign3A_699 : vector<16xi1> to vector<16xi32>
        %sign3A_701 = arith.subi %sign3A_696, %sign3A_700 : vector<16xi32>
        %sign3A_702 = arith.constant 0 : i32
        %sign3A_703 = arith.cmpi sgt, %jit3A_690, %sign3A_702 : i32
        %sign3A_704 = arith.extui %sign3A_703 : i1 to i32
        %sign3A_705 = arith.constant 0 : i32
        %sign3A_706 = arith.cmpi slt, %jit3A_690, %sign3A_705 : i32
        %sign3A_707 = arith.extui %sign3A_706 : i1 to i32
        %sign3A_708 = arith.subi %sign3A_704, %sign3A_707 : i32
        %ne3A_709 = vector.broadcast %sign3A_708 : i32 to vector<16xi32>
        %ne3A_710 = arith.cmpi ne, %sign3A_701, %ne3A_709 : vector<16xi32>
        %rem3A_711 = vector.broadcast %jit3A_690 : i32 to vector<16xi32>
        %rem3A_712 = arith.remsi %add3A_689, %rem3A_711 : vector<16xi32>
        %ne3A_713 = arith.constant 0 : i32
        %ne3A_714 = vector.broadcast %ne3A_713 : i32 to vector<16xi32>
        %ne3A_715 = arith.cmpi ne, %rem3A_712, %ne3A_714 : vector<16xi32>
        %and3A_716 = arith.andi %ne3A_710, %ne3A_715 : vector<16xi1>
        %sub3A_717 = arith.constant 1 : i32
        %sub3A_718 = vector.broadcast %sub3A_717 : i32 to vector<16xi32>
        %sub3A_719 = arith.subi %div3A_692, %sub3A_718 : vector<16xi32>
        %select_n3A_720 = arith.select %and3A_716, %sub3A_719, %div3A_692 : vector<16xi1>, vector<16xi32>
        %broadcast_in_dim3A_721 = arith.constant 0 : i32
        %broadcast_in_dim3A_722 = vector.broadcast %broadcast_in_dim3A_721 : i32 to vector<16xi32>
        %scan3A_723 = arith.constant 0 : i32
        %scan3A_724 = arith.constant 128 : i32
        %scan3A_725 = arith.addi %scan3A_723, %scan3A_724 : i32
        %scan3A_726 = arith.constant 1 : i32
        %scan3A_727 = scf.for %scan3A_1065 = %scan3A_723 to %scan3A_725 step %scan3A_726 iter_args(%scan3A_1066 = %broadcast_in_dim3A_722) -> (vector<16xi32>)  : i32 {
          %mul3A_1067 = arith.constant 16 : i32
          %mul3A_1068 = arith.muli %scan3A_1065, %mul3A_1067 : i32
          %get3A = arith.index_cast %mul3A_1068 : i32 to index
          %get3A_1069 = tpu.vector_load %arg6[%get3A] {strides = array<i32>} : memref<2048xi32, #tpu.memory_space<vmem>>, vector<16xi32>,
          %mul3A_1070 = arith.constant 16 : i32
          %mul3A_1071 = arith.muli %scan3A_1065, %mul3A_1070 : i32
          %add3A_1072 = vector.broadcast %mul3A_1071 : i32 to vector<16xi32>
          %add3A_1073 = arith.addi %add3A_1072, %iota3A : vector<16xi32>
          %eq3A_1074 = arith.cmpi eq, %get3A_1069, %select_n3A_424 : vector<16xi32>
          %le3A = arith.cmpi sle, %add3A_1073, %select_n3A_720 : vector<16xi32>
          %and3A_1075 = arith.andi %eq3A_1074, %le3A : vector<16xi1>
          %all_reduce_population_count3A = tpu.all_reduce %and3A_1075 {dim = 0 : i64, kind = #tpu.reduction_kind<sum>} : vector<16xi1> -> vector<16xi32>
          %add3A_1076 = arith.addi %scan3A_1066, %all_reduce_population_count3A : vector<16xi32>
          scf.yield %add3A_1076 : vector<16xi32>
        }
        %scan3A_728 = arith.constant 128 : i32
        %ge3A_729 = arith.cmpi sge, %scan3A_727, %sub3A : vector<16xi32>
        %select_n3A_730 = arith.select %ge3A_729, %select_n3A_720, %select_n3A_683 : vector<16xi1>, vector<16xi32>
        %ge3A_731 = arith.cmpi sge, %scan3A_727, %sub3A : vector<16xi32>
        %add3A_732 = arith.constant 1 : i32
        %add3A_733 = vector.broadcast %add3A_732 : i32 to vector<16xi32>
        %add3A_734 = arith.addi %select_n3A_720, %add3A_733 : vector<16xi32>
        %select_n3A_735 = arith.select %ge3A_731, %select_n3A_688, %add3A_734 : vector<16xi1>, vector<16xi32>
        %add3A_736 = arith.addi %select_n3A_735, %select_n3A_730 : vector<16xi32>
        %jit3A_737 = arith.constant 2 : i32
        %div3A_738 = vector.broadcast %jit3A_737 : i32 to vector<16xi32>
        %div3A_739 = arith.divsi %add3A_736, %div3A_738 : vector<16xi32>
        %sign3A_740 = arith.constant 0 : i32
        %sign3A_741 = vector.broadcast %sign3A_740 : i32 to vector<16xi32>
        %sign3A_742 = arith.cmpi sgt, %add3A_736, %sign3A_741 : vector<16xi32>
        %sign3A_743 = arith.extui %sign3A_742 : vector<16xi1> to vector<16xi32>
        %sign3A_744 = arith.constant 0 : i32
        %sign3A_745 = vector.broadcast %sign3A_744 : i32 to vector<16xi32>
        %sign3A_746 = arith.cmpi slt, %add3A_736, %sign3A_745 : vector<16xi32>
        %sign3A_747 = arith.extui %sign3A_746 : vector<16xi1> to vector<16xi32>
        %sign3A_748 = arith.subi %sign3A_743, %sign3A_747 : vector<16xi32>
        %sign3A_749 = arith.constant 0 : i32
        %sign3A_750 = arith.cmpi sgt, %jit3A_737, %sign3A_749 : i32
        %sign3A_751 = arith.extui %sign3A_750 : i1 to i32
        %sign3A_752 = arith.constant 0 : i32
        %sign3A_753 = arith.cmpi slt, %jit3A_737, %sign3A_752 : i32
        %sign3A_754 = arith.extui %sign3A_753 : i1 to i32
        %sign3A_755 = arith.subi %sign3A_751, %sign3A_754 : i32
        %ne3A_756 = vector.broadcast %sign3A_755 : i32 to vector<16xi32>
        %ne3A_757 = arith.cmpi ne, %sign3A_748, %ne3A_756 : vector<16xi32>
        %rem3A_758 = vector.broadcast %jit3A_737 : i32 to vector<16xi32>
        %rem3A_759 = arith.remsi %add3A_736, %rem3A_758 : vector<16xi32>
        %ne3A_760 = arith.constant 0 : i32
        %ne3A_761 = vector.broadcast %ne3A_760 : i32 to vector<16xi32>
        %ne3A_762 = arith.cmpi ne, %rem3A_759, %ne3A_761 : vector<16xi32>
        %and3A_763 = arith.andi %ne3A_757, %ne3A_762 : vector<16xi1>
        %sub3A_764 = arith.constant 1 : i32
        %sub3A_765 = vector.broadcast %sub3A_764 : i32 to vector<16xi32>
        %sub3A_766 = arith.subi %div3A_739, %sub3A_765 : vector<16xi32>
        %select_n3A_767 = arith.select %and3A_763, %sub3A_766, %div3A_739 : vector<16xi1>, vector<16xi32>
        %broadcast_in_dim3A_768 = arith.constant 0 : i32
        %broadcast_in_dim3A_769 = vector.broadcast %broadcast_in_dim3A_768 : i32 to vector<16xi32>
        %scan3A_770 = arith.constant 0 : i32
        %scan3A_771 = arith.constant 128 : i32
        %scan3A_772 = arith.addi %scan3A_770, %scan3A_771 : i32
        %scan3A_773 = arith.constant 1 : i32
        %scan3A_774 = scf.for %scan3A_1065 = %scan3A_770 to %scan3A_772 step %scan3A_773 iter_args(%scan3A_1066 = %broadcast_in_dim3A_769) -> (vector<16xi32>)  : i32 {
          %mul3A_1067 = arith.constant 16 : i32
          %mul3A_1068 = arith.muli %scan3A_1065, %mul3A_1067 : i32
          %get3A = arith.index_cast %mul3A_1068 : i32 to index
          %get3A_1069 = tpu.vector_load %arg6[%get3A] {strides = array<i32>} : memref<2048xi32, #tpu.memory_space<vmem>>, vector<16xi32>,
          %mul3A_1070 = arith.constant 16 : i32
          %mul3A_1071 = arith.muli %scan3A_1065, %mul3A_1070 : i32
          %add3A_1072 = vector.broadcast %mul3A_1071 : i32 to vector<16xi32>
          %add3A_1073 = arith.addi %add3A_1072, %iota3A : vector<16xi32>
          %eq3A_1074 = arith.cmpi eq, %get3A_1069, %select_n3A_424 : vector<16xi32>
          %le3A = arith.cmpi sle, %add3A_1073, %select_n3A_767 : vector<16xi32>
          %and3A_1075 = arith.andi %eq3A_1074, %le3A : vector<16xi1>
          %all_reduce_population_count3A = tpu.all_reduce %and3A_1075 {dim = 0 : i64, kind = #tpu.reduction_kind<sum>} : vector<16xi1> -> vector<16xi32>
          %add3A_1076 = arith.addi %scan3A_1066, %all_reduce_population_count3A : vector<16xi32>
          scf.yield %add3A_1076 : vector<16xi32>
        }
        %scan3A_775 = arith.constant 128 : i32
        %ge3A_776 = arith.cmpi sge, %scan3A_774, %sub3A : vector<16xi32>
        %select_n3A_777 = arith.select %ge3A_776, %select_n3A_767, %select_n3A_730 : vector<16xi1>, vector<16xi32>
        %ge3A_778 = arith.cmpi sge, %scan3A_774, %sub3A : vector<16xi32>
        %add3A_779 = arith.constant 1 : i32
        %add3A_780 = vector.broadcast %add3A_779 : i32 to vector<16xi32>
        %add3A_781 = arith.addi %select_n3A_767, %add3A_780 : vector<16xi32>
        %select_n3A_782 = arith.select %ge3A_778, %select_n3A_735, %add3A_781 : vector<16xi1>, vector<16xi32>
        %add3A_783 = arith.addi %select_n3A_782, %select_n3A_777 : vector<16xi32>
        %jit3A_784 = arith.constant 2 : i32
        %div3A_785 = vector.broadcast %jit3A_784 : i32 to vector<16xi32>
        %div3A_786 = arith.divsi %add3A_783, %div3A_785 : vector<16xi32>
        %sign3A_787 = arith.constant 0 : i32
        %sign3A_788 = vector.broadcast %sign3A_787 : i32 to vector<16xi32>
        %sign3A_789 = arith.cmpi sgt, %add3A_783, %sign3A_788 : vector<16xi32>
        %sign3A_790 = arith.extui %sign3A_789 : vector<16xi1> to vector<16xi32>
        %sign3A_791 = arith.constant 0 : i32
        %sign3A_792 = vector.broadcast %sign3A_791 : i32 to vector<16xi32>
        %sign3A_793 = arith.cmpi slt, %add3A_783, %sign3A_792 : vector<16xi32>
        %sign3A_794 = arith.extui %sign3A_793 : vector<16xi1> to vector<16xi32>
        %sign3A_795 = arith.subi %sign3A_790, %sign3A_794 : vector<16xi32>
        %sign3A_796 = arith.constant 0 : i32
        %sign3A_797 = arith.cmpi sgt, %jit3A_784, %sign3A_796 : i32
        %sign3A_798 = arith.extui %sign3A_797 : i1 to i32
        %sign3A_799 = arith.constant 0 : i32
        %sign3A_800 = arith.cmpi slt, %jit3A_784, %sign3A_799 : i32
        %sign3A_801 = arith.extui %sign3A_800 : i1 to i32
        %sign3A_802 = arith.subi %sign3A_798, %sign3A_801 : i32
        %ne3A_803 = vector.broadcast %sign3A_802 : i32 to vector<16xi32>
        %ne3A_804 = arith.cmpi ne, %sign3A_795, %ne3A_803 : vector<16xi32>
        %rem3A_805 = vector.broadcast %jit3A_784 : i32 to vector<16xi32>
        %rem3A_806 = arith.remsi %add3A_783, %rem3A_805 : vector<16xi32>
        %ne3A_807 = arith.constant 0 : i32
        %ne3A_808 = vector.broadcast %ne3A_807 : i32 to vector<16xi32>
        %ne3A_809 = arith.cmpi ne, %rem3A_806, %ne3A_808 : vector<16xi32>
        %and3A_810 = arith.andi %ne3A_804, %ne3A_809 : vector<16xi1>
        %sub3A_811 = arith.constant 1 : i32
        %sub3A_812 = vector.broadcast %sub3A_811 : i32 to vector<16xi32>
        %sub3A_813 = arith.subi %div3A_786, %sub3A_812 : vector<16xi32>
        %select_n3A_814 = arith.select %and3A_810, %sub3A_813, %div3A_786 : vector<16xi1>, vector<16xi32>
        %broadcast_in_dim3A_815 = arith.constant 0 : i32
        %broadcast_in_dim3A_816 = vector.broadcast %broadcast_in_dim3A_815 : i32 to vector<16xi32>
        %scan3A_817 = arith.constant 0 : i32
        %scan3A_818 = arith.constant 128 : i32
        %scan3A_819 = arith.addi %scan3A_817, %scan3A_818 : i32
        %scan3A_820 = arith.constant 1 : i32
        %scan3A_821 = scf.for %scan3A_1065 = %scan3A_817 to %scan3A_819 step %scan3A_820 iter_args(%scan3A_1066 = %broadcast_in_dim3A_816) -> (vector<16xi32>)  : i32 {
          %mul3A_1067 = arith.constant 16 : i32
          %mul3A_1068 = arith.muli %scan3A_1065, %mul3A_1067 : i32
          %get3A = arith.index_cast %mul3A_1068 : i32 to index
          %get3A_1069 = tpu.vector_load %arg6[%get3A] {strides = array<i32>} : memref<2048xi32, #tpu.memory_space<vmem>>, vector<16xi32>,
          %mul3A_1070 = arith.constant 16 : i32
          %mul3A_1071 = arith.muli %scan3A_1065, %mul3A_1070 : i32
          %add3A_1072 = vector.broadcast %mul3A_1071 : i32 to vector<16xi32>
          %add3A_1073 = arith.addi %add3A_1072, %iota3A : vector<16xi32>
          %eq3A_1074 = arith.cmpi eq, %get3A_1069, %select_n3A_424 : vector<16xi32>
          %le3A = arith.cmpi sle, %add3A_1073, %select_n3A_814 : vector<16xi32>
          %and3A_1075 = arith.andi %eq3A_1074, %le3A : vector<16xi1>
          %all_reduce_population_count3A = tpu.all_reduce %and3A_1075 {dim = 0 : i64, kind = #tpu.reduction_kind<sum>} : vector<16xi1> -> vector<16xi32>
          %add3A_1076 = arith.addi %scan3A_1066, %all_reduce_population_count3A : vector<16xi32>
          scf.yield %add3A_1076 : vector<16xi32>
        }
        %scan3A_822 = arith.constant 128 : i32
        %ge3A_823 = arith.cmpi sge, %scan3A_821, %sub3A : vector<16xi32>
        %select_n3A_824 = arith.select %ge3A_823, %select_n3A_814, %select_n3A_777 : vector<16xi1>, vector<16xi32>
        %ge3A_825 = arith.cmpi sge, %scan3A_821, %sub3A : vector<16xi32>
        %add3A_826 = arith.constant 1 : i32
        %add3A_827 = vector.broadcast %add3A_826 : i32 to vector<16xi32>
        %add3A_828 = arith.addi %select_n3A_814, %add3A_827 : vector<16xi32>
        %select_n3A_829 = arith.select %ge3A_825, %select_n3A_782, %add3A_828 : vector<16xi1>, vector<16xi32>
        %add3A_830 = arith.addi %select_n3A_829, %select_n3A_824 : vector<16xi32>
        %jit3A_831 = arith.constant 2 : i32
        %div3A_832 = vector.broadcast %jit3A_831 : i32 to vector<16xi32>
        %div3A_833 = arith.divsi %add3A_830, %div3A_832 : vector<16xi32>
        %sign3A_834 = arith.constant 0 : i32
        %sign3A_835 = vector.broadcast %sign3A_834 : i32 to vector<16xi32>
        %sign3A_836 = arith.cmpi sgt, %add3A_830, %sign3A_835 : vector<16xi32>
        %sign3A_837 = arith.extui %sign3A_836 : vector<16xi1> to vector<16xi32>
        %sign3A_838 = arith.constant 0 : i32
        %sign3A_839 = vector.broadcast %sign3A_838 : i32 to vector<16xi32>
        %sign3A_840 = arith.cmpi slt, %add3A_830, %sign3A_839 : vector<16xi32>
        %sign3A_841 = arith.extui %sign3A_840 : vector<16xi1> to vector<16xi32>
        %sign3A_842 = arith.subi %sign3A_837, %sign3A_841 : vector<16xi32>
        %sign3A_843 = arith.constant 0 : i32
        %sign3A_844 = arith.cmpi sgt, %jit3A_831, %sign3A_843 : i32
        %sign3A_845 = arith.extui %sign3A_844 : i1 to i32
        %sign3A_846 = arith.constant 0 : i32
        %sign3A_847 = arith.cmpi slt, %jit3A_831, %sign3A_846 : i32
        %sign3A_848 = arith.extui %sign3A_847 : i1 to i32
        %sign3A_849 = arith.subi %sign3A_845, %sign3A_848 : i32
        %ne3A_850 = vector.broadcast %sign3A_849 : i32 to vector<16xi32>
        %ne3A_851 = arith.cmpi ne, %sign3A_842, %ne3A_850 : vector<16xi32>
        %rem3A_852 = vector.broadcast %jit3A_831 : i32 to vector<16xi32>
        %rem3A_853 = arith.remsi %add3A_830, %rem3A_852 : vector<16xi32>
        %ne3A_854 = arith.constant 0 : i32
        %ne3A_855 = vector.broadcast %ne3A_854 : i32 to vector<16xi32>
        %ne3A_856 = arith.cmpi ne, %rem3A_853, %ne3A_855 : vector<16xi32>
        %and3A_857 = arith.andi %ne3A_851, %ne3A_856 : vector<16xi1>
        %sub3A_858 = arith.constant 1 : i32
        %sub3A_859 = vector.broadcast %sub3A_858 : i32 to vector<16xi32>
        %sub3A_860 = arith.subi %div3A_833, %sub3A_859 : vector<16xi32>
        %select_n3A_861 = arith.select %and3A_857, %sub3A_860, %div3A_833 : vector<16xi1>, vector<16xi32>
        %broadcast_in_dim3A_862 = arith.constant 0 : i32
        %broadcast_in_dim3A_863 = vector.broadcast %broadcast_in_dim3A_862 : i32 to vector<16xi32>
        %scan3A_864 = arith.constant 0 : i32
        %scan3A_865 = arith.constant 128 : i32
        %scan3A_866 = arith.addi %scan3A_864, %scan3A_865 : i32
        %scan3A_867 = arith.constant 1 : i32
        %scan3A_868 = scf.for %scan3A_1065 = %scan3A_864 to %scan3A_866 step %scan3A_867 iter_args(%scan3A_1066 = %broadcast_in_dim3A_863) -> (vector<16xi32>)  : i32 {
          %mul3A_1067 = arith.constant 16 : i32
          %mul3A_1068 = arith.muli %scan3A_1065, %mul3A_1067 : i32
          %get3A = arith.index_cast %mul3A_1068 : i32 to index
          %get3A_1069 = tpu.vector_load %arg6[%get3A] {strides = array<i32>} : memref<2048xi32, #tpu.memory_space<vmem>>, vector<16xi32>,
          %mul3A_1070 = arith.constant 16 : i32
          %mul3A_1071 = arith.muli %scan3A_1065, %mul3A_1070 : i32
          %add3A_1072 = vector.broadcast %mul3A_1071 : i32 to vector<16xi32>
          %add3A_1073 = arith.addi %add3A_1072, %iota3A : vector<16xi32>
          %eq3A_1074 = arith.cmpi eq, %get3A_1069, %select_n3A_424 : vector<16xi32>
          %le3A = arith.cmpi sle, %add3A_1073, %select_n3A_861 : vector<16xi32>
          %and3A_1075 = arith.andi %eq3A_1074, %le3A : vector<16xi1>
          %all_reduce_population_count3A = tpu.all_reduce %and3A_1075 {dim = 0 : i64, kind = #tpu.reduction_kind<sum>} : vector<16xi1> -> vector<16xi32>
          %add3A_1076 = arith.addi %scan3A_1066, %all_reduce_population_count3A : vector<16xi32>
          scf.yield %add3A_1076 : vector<16xi32>
        }
        %scan3A_869 = arith.constant 128 : i32
        %ge3A_870 = arith.cmpi sge, %scan3A_868, %sub3A : vector<16xi32>
        %select_n3A_871 = arith.select %ge3A_870, %select_n3A_861, %select_n3A_824 : vector<16xi1>, vector<16xi32>
        %ge3A_872 = arith.cmpi sge, %scan3A_868, %sub3A : vector<16xi32>
        %add3A_873 = arith.constant 1 : i32
        %add3A_874 = vector.broadcast %add3A_873 : i32 to vector<16xi32>
        %add3A_875 = arith.addi %select_n3A_861, %add3A_874 : vector<16xi32>
        %select_n3A_876 = arith.select %ge3A_872, %select_n3A_829, %add3A_875 : vector<16xi1>, vector<16xi32>
        %add3A_877 = arith.addi %select_n3A_876, %select_n3A_871 : vector<16xi32>
        %jit3A_878 = arith.constant 2 : i32
        %div3A_879 = vector.broadcast %jit3A_878 : i32 to vector<16xi32>
        %div3A_880 = arith.divsi %add3A_877, %div3A_879 : vector<16xi32>
        %sign3A_881 = arith.constant 0 : i32
        %sign3A_882 = vector.broadcast %sign3A_881 : i32 to vector<16xi32>
        %sign3A_883 = arith.cmpi sgt, %add3A_877, %sign3A_882 : vector<16xi32>
        %sign3A_884 = arith.extui %sign3A_883 : vector<16xi1> to vector<16xi32>
        %sign3A_885 = arith.constant 0 : i32
        %sign3A_886 = vector.broadcast %sign3A_885 : i32 to vector<16xi32>
        %sign3A_887 = arith.cmpi slt, %add3A_877, %sign3A_886 : vector<16xi32>
        %sign3A_888 = arith.extui %sign3A_887 : vector<16xi1> to vector<16xi32>
        %sign3A_889 = arith.subi %sign3A_884, %sign3A_888 : vector<16xi32>
        %sign3A_890 = arith.constant 0 : i32
        %sign3A_891 = arith.cmpi sgt, %jit3A_878, %sign3A_890 : i32
        %sign3A_892 = arith.extui %sign3A_891 : i1 to i32
        %sign3A_893 = arith.constant 0 : i32
        %sign3A_894 = arith.cmpi slt, %jit3A_878, %sign3A_893 : i32
        %sign3A_895 = arith.extui %sign3A_894 : i1 to i32
        %sign3A_896 = arith.subi %sign3A_892, %sign3A_895 : i32
        %ne3A_897 = vector.broadcast %sign3A_896 : i32 to vector<16xi32>
        %ne3A_898 = arith.cmpi ne, %sign3A_889, %ne3A_897 : vector<16xi32>
        %rem3A_899 = vector.broadcast %jit3A_878 : i32 to vector<16xi32>
        %rem3A_900 = arith.remsi %add3A_877, %rem3A_899 : vector<16xi32>
        %ne3A_901 = arith.constant 0 : i32
        %ne3A_902 = vector.broadcast %ne3A_901 : i32 to vector<16xi32>
        %ne3A_903 = arith.cmpi ne, %rem3A_900, %ne3A_902 : vector<16xi32>
        %and3A_904 = arith.andi %ne3A_898, %ne3A_903 : vector<16xi1>
        %sub3A_905 = arith.constant 1 : i32
        %sub3A_906 = vector.broadcast %sub3A_905 : i32 to vector<16xi32>
        %sub3A_907 = arith.subi %div3A_880, %sub3A_906 : vector<16xi32>
        %select_n3A_908 = arith.select %and3A_904, %sub3A_907, %div3A_880 : vector<16xi1>, vector<16xi32>
        %broadcast_in_dim3A_909 = arith.constant 0 : i32
        %broadcast_in_dim3A_910 = vector.broadcast %broadcast_in_dim3A_909 : i32 to vector<16xi32>
        %scan3A_911 = arith.constant 0 : i32
        %scan3A_912 = arith.constant 128 : i32
        %scan3A_913 = arith.addi %scan3A_911, %scan3A_912 : i32
        %scan3A_914 = arith.constant 1 : i32
        %scan3A_915 = scf.for %scan3A_1065 = %scan3A_911 to %scan3A_913 step %scan3A_914 iter_args(%scan3A_1066 = %broadcast_in_dim3A_910) -> (vector<16xi32>)  : i32 {
          %mul3A_1067 = arith.constant 16 : i32
          %mul3A_1068 = arith.muli %scan3A_1065, %mul3A_1067 : i32
          %get3A = arith.index_cast %mul3A_1068 : i32 to index
          %get3A_1069 = tpu.vector_load %arg6[%get3A] {strides = array<i32>} : memref<2048xi32, #tpu.memory_space<vmem>>, vector<16xi32>,
          %mul3A_1070 = arith.constant 16 : i32
          %mul3A_1071 = arith.muli %scan3A_1065, %mul3A_1070 : i32
          %add3A_1072 = vector.broadcast %mul3A_1071 : i32 to vector<16xi32>
          %add3A_1073 = arith.addi %add3A_1072, %iota3A : vector<16xi32>
          %eq3A_1074 = arith.cmpi eq, %get3A_1069, %select_n3A_424 : vector<16xi32>
          %le3A = arith.cmpi sle, %add3A_1073, %select_n3A_908 : vector<16xi32>
          %and3A_1075 = arith.andi %eq3A_1074, %le3A : vector<16xi1>
          %all_reduce_population_count3A = tpu.all_reduce %and3A_1075 {dim = 0 : i64, kind = #tpu.reduction_kind<sum>} : vector<16xi1> -> vector<16xi32>
          %add3A_1076 = arith.addi %scan3A_1066, %all_reduce_population_count3A : vector<16xi32>
          scf.yield %add3A_1076 : vector<16xi32>
        }
        %scan3A_916 = arith.constant 128 : i32
        %ge3A_917 = arith.cmpi sge, %scan3A_915, %sub3A : vector<16xi32>
        %select_n3A_918 = arith.select %ge3A_917, %select_n3A_908, %select_n3A_871 : vector<16xi1>, vector<16xi32>
        %ge3A_919 = arith.cmpi sge, %scan3A_915, %sub3A : vector<16xi32>
        %add3A_920 = arith.constant 1 : i32
        %add3A_921 = vector.broadcast %add3A_920 : i32 to vector<16xi32>
        %add3A_922 = arith.addi %select_n3A_908, %add3A_921 : vector<16xi32>
        %select_n3A_923 = arith.select %ge3A_919, %select_n3A_876, %add3A_922 : vector<16xi1>, vector<16xi32>
        %add3A_924 = arith.addi %select_n3A_923, %select_n3A_918 : vector<16xi32>
        %jit3A_925 = arith.constant 2 : i32
        %div3A_926 = vector.broadcast %jit3A_925 : i32 to vector<16xi32>
        %div3A_927 = arith.divsi %add3A_924, %div3A_926 : vector<16xi32>
        %sign3A_928 = arith.constant 0 : i32
        %sign3A_929 = vector.broadcast %sign3A_928 : i32 to vector<16xi32>
        %sign3A_930 = arith.cmpi sgt, %add3A_924, %sign3A_929 : vector<16xi32>
        %sign3A_931 = arith.extui %sign3A_930 : vector<16xi1> to vector<16xi32>
        %sign3A_932 = arith.constant 0 : i32
        %sign3A_933 = vector.broadcast %sign3A_932 : i32 to vector<16xi32>
        %sign3A_934 = arith.cmpi slt, %add3A_924, %sign3A_933 : vector<16xi32>
        %sign3A_935 = arith.extui %sign3A_934 : vector<16xi1> to vector<16xi32>
        %sign3A_936 = arith.subi %sign3A_931, %sign3A_935 : vector<16xi32>
        %sign3A_937 = arith.constant 0 : i32
        %sign3A_938 = arith.cmpi sgt, %jit3A_925, %sign3A_937 : i32
        %sign3A_939 = arith.extui %sign3A_938 : i1 to i32
        %sign3A_940 = arith.constant 0 : i32
        %sign3A_941 = arith.cmpi slt, %jit3A_925, %sign3A_940 : i32
        %sign3A_942 = arith.extui %sign3A_941 : i1 to i32
        %sign3A_943 = arith.subi %sign3A_939, %sign3A_942 : i32
        %ne3A_944 = vector.broadcast %sign3A_943 : i32 to vector<16xi32>
        %ne3A_945 = arith.cmpi ne, %sign3A_936, %ne3A_944 : vector<16xi32>
        %rem3A_946 = vector.broadcast %jit3A_925 : i32 to vector<16xi32>
        %rem3A_947 = arith.remsi %add3A_924, %rem3A_946 : vector<16xi32>
        %ne3A_948 = arith.constant 0 : i32
        %ne3A_949 = vector.broadcast %ne3A_948 : i32 to vector<16xi32>
        %ne3A_950 = arith.cmpi ne, %rem3A_947, %ne3A_949 : vector<16xi32>
        %and3A_951 = arith.andi %ne3A_945, %ne3A_950 : vector<16xi1>
        %sub3A_952 = arith.constant 1 : i32
        %sub3A_953 = vector.broadcast %sub3A_952 : i32 to vector<16xi32>
        %sub3A_954 = arith.subi %div3A_927, %sub3A_953 : vector<16xi32>
        %select_n3A_955 = arith.select %and3A_951, %sub3A_954, %div3A_927 : vector<16xi1>, vector<16xi32>
        %broadcast_in_dim3A_956 = arith.constant 0 : i32
        %broadcast_in_dim3A_957 = vector.broadcast %broadcast_in_dim3A_956 : i32 to vector<16xi32>
        %scan3A_958 = arith.constant 0 : i32
        %scan3A_959 = arith.constant 128 : i32
        %scan3A_960 = arith.addi %scan3A_958, %scan3A_959 : i32
        %scan3A_961 = arith.constant 1 : i32
        %scan3A_962 = scf.for %scan3A_1065 = %scan3A_958 to %scan3A_960 step %scan3A_961 iter_args(%scan3A_1066 = %broadcast_in_dim3A_957) -> (vector<16xi32>)  : i32 {
          %mul3A_1067 = arith.constant 16 : i32
          %mul3A_1068 = arith.muli %scan3A_1065, %mul3A_1067 : i32
          %get3A = arith.index_cast %mul3A_1068 : i32 to index
          %get3A_1069 = tpu.vector_load %arg6[%get3A] {strides = array<i32>} : memref<2048xi32, #tpu.memory_space<vmem>>, vector<16xi32>,
          %mul3A_1070 = arith.constant 16 : i32
          %mul3A_1071 = arith.muli %scan3A_1065, %mul3A_1070 : i32
          %add3A_1072 = vector.broadcast %mul3A_1071 : i32 to vector<16xi32>
          %add3A_1073 = arith.addi %add3A_1072, %iota3A : vector<16xi32>
          %eq3A_1074 = arith.cmpi eq, %get3A_1069, %select_n3A_424 : vector<16xi32>
          %le3A = arith.cmpi sle, %add3A_1073, %select_n3A_955 : vector<16xi32>
          %and3A_1075 = arith.andi %eq3A_1074, %le3A : vector<16xi1>
          %all_reduce_population_count3A = tpu.all_reduce %and3A_1075 {dim = 0 : i64, kind = #tpu.reduction_kind<sum>} : vector<16xi1> -> vector<16xi32>
          %add3A_1076 = arith.addi %scan3A_1066, %all_reduce_population_count3A : vector<16xi32>
          scf.yield %add3A_1076 : vector<16xi32>
        }
        %scan3A_963 = arith.constant 128 : i32
        %ge3A_964 = arith.cmpi sge, %scan3A_962, %sub3A : vector<16xi32>
        %select_n3A_965 = arith.select %ge3A_964, %select_n3A_955, %select_n3A_918 : vector<16xi1>, vector<16xi32>
        %ge3A_966 = arith.cmpi sge, %scan3A_962, %sub3A : vector<16xi32>
        %add3A_967 = arith.constant 1 : i32
        %add3A_968 = vector.broadcast %add3A_967 : i32 to vector<16xi32>
        %add3A_969 = arith.addi %select_n3A_955, %add3A_968 : vector<16xi32>
        %select_n3A_970 = arith.select %ge3A_966, %select_n3A_923, %add3A_969 : vector<16xi1>, vector<16xi32>
        %add3A_971 = arith.addi %select_n3A_970, %select_n3A_965 : vector<16xi32>
        %jit3A_972 = arith.constant 2 : i32
        %div3A_973 = vector.broadcast %jit3A_972 : i32 to vector<16xi32>
        %div3A_974 = arith.divsi %add3A_971, %div3A_973 : vector<16xi32>
        %sign3A_975 = arith.constant 0 : i32
        %sign3A_976 = vector.broadcast %sign3A_975 : i32 to vector<16xi32>
        %sign3A_977 = arith.cmpi sgt, %add3A_971, %sign3A_976 : vector<16xi32>
        %sign3A_978 = arith.extui %sign3A_977 : vector<16xi1> to vector<16xi32>
        %sign3A_979 = arith.constant 0 : i32
        %sign3A_980 = vector.broadcast %sign3A_979 : i32 to vector<16xi32>
        %sign3A_981 = arith.cmpi slt, %add3A_971, %sign3A_980 : vector<16xi32>
        %sign3A_982 = arith.extui %sign3A_981 : vector<16xi1> to vector<16xi32>
        %sign3A_983 = arith.subi %sign3A_978, %sign3A_982 : vector<16xi32>
        %sign3A_984 = arith.constant 0 : i32
        %sign3A_985 = arith.cmpi sgt, %jit3A_972, %sign3A_984 : i32
        %sign3A_986 = arith.extui %sign3A_985 : i1 to i32
        %sign3A_987 = arith.constant 0 : i32
        %sign3A_988 = arith.cmpi slt, %jit3A_972, %sign3A_987 : i32
        %sign3A_989 = arith.extui %sign3A_988 : i1 to i32
        %sign3A_990 = arith.subi %sign3A_986, %sign3A_989 : i32
        %ne3A_991 = vector.broadcast %sign3A_990 : i32 to vector<16xi32>
        %ne3A_992 = arith.cmpi ne, %sign3A_983, %ne3A_991 : vector<16xi32>
        %rem3A_993 = vector.broadcast %jit3A_972 : i32 to vector<16xi32>
        %rem3A_994 = arith.remsi %add3A_971, %rem3A_993 : vector<16xi32>
        %ne3A_995 = arith.constant 0 : i32
        %ne3A_996 = vector.broadcast %ne3A_995 : i32 to vector<16xi32>
        %ne3A_997 = arith.cmpi ne, %rem3A_994, %ne3A_996 : vector<16xi32>
        %and3A_998 = arith.andi %ne3A_992, %ne3A_997 : vector<16xi1>
        %sub3A_999 = arith.constant 1 : i32
        %sub3A_1000 = vector.broadcast %sub3A_999 : i32 to vector<16xi32>
        %sub3A_1001 = arith.subi %div3A_974, %sub3A_1000 : vector<16xi32>
        %select_n3A_1002 = arith.select %and3A_998, %sub3A_1001, %div3A_974 : vector<16xi1>, vector<16xi32>
        %broadcast_in_dim3A_1003 = arith.constant 0 : i32
        %broadcast_in_dim3A_1004 = vector.broadcast %broadcast_in_dim3A_1003 : i32 to vector<16xi32>
        %scan3A_1005 = arith.constant 0 : i32
        %scan3A_1006 = arith.constant 128 : i32
        %scan3A_1007 = arith.addi %scan3A_1005, %scan3A_1006 : i32
        %scan3A_1008 = arith.constant 1 : i32
        %scan3A_1009 = scf.for %scan3A_1065 = %scan3A_1005 to %scan3A_1007 step %scan3A_1008 iter_args(%scan3A_1066 = %broadcast_in_dim3A_1004) -> (vector<16xi32>)  : i32 {
          %mul3A_1067 = arith.constant 16 : i32
          %mul3A_1068 = arith.muli %scan3A_1065, %mul3A_1067 : i32
          %get3A = arith.index_cast %mul3A_1068 : i32 to index
          %get3A_1069 = tpu.vector_load %arg6[%get3A] {strides = array<i32>} : memref<2048xi32, #tpu.memory_space<vmem>>, vector<16xi32>,
          %mul3A_1070 = arith.constant 16 : i32
          %mul3A_1071 = arith.muli %scan3A_1065, %mul3A_1070 : i32
          %add3A_1072 = vector.broadcast %mul3A_1071 : i32 to vector<16xi32>
          %add3A_1073 = arith.addi %add3A_1072, %iota3A : vector<16xi32>
          %eq3A_1074 = arith.cmpi eq, %get3A_1069, %select_n3A_424 : vector<16xi32>
          %le3A = arith.cmpi sle, %add3A_1073, %select_n3A_1002 : vector<16xi32>
          %and3A_1075 = arith.andi %eq3A_1074, %le3A : vector<16xi1>
          %all_reduce_population_count3A = tpu.all_reduce %and3A_1075 {dim = 0 : i64, kind = #tpu.reduction_kind<sum>} : vector<16xi1> -> vector<16xi32>
          %add3A_1076 = arith.addi %scan3A_1066, %all_reduce_population_count3A : vector<16xi32>
          scf.yield %add3A_1076 : vector<16xi32>
        }
        %scan3A_1010 = arith.constant 128 : i32
        %ge3A_1011 = arith.cmpi sge, %scan3A_1009, %sub3A : vector<16xi32>
        %select_n3A_1012 = arith.select %ge3A_1011, %select_n3A_1002, %select_n3A_965 : vector<16xi1>, vector<16xi32>
        %ge3A_1013 = arith.cmpi sge, %scan3A_1009, %sub3A : vector<16xi32>
        %add3A_1014 = arith.constant 1 : i32
        %add3A_1015 = vector.broadcast %add3A_1014 : i32 to vector<16xi32>
        %add3A_1016 = arith.addi %select_n3A_1002, %add3A_1015 : vector<16xi32>
        %select_n3A_1017 = arith.select %ge3A_1013, %select_n3A_970, %add3A_1016 : vector<16xi1>, vector<16xi32>
        %add3A_1018 = arith.addi %select_n3A_1017, %select_n3A_1012 : vector<16xi32>
        %jit3A_1019 = arith.constant 2 : i32
        %div3A_1020 = vector.broadcast %jit3A_1019 : i32 to vector<16xi32>
        %div3A_1021 = arith.divsi %add3A_1018, %div3A_1020 : vector<16xi32>
        %sign3A_1022 = arith.constant 0 : i32
        %sign3A_1023 = vector.broadcast %sign3A_1022 : i32 to vector<16xi32>
        %sign3A_1024 = arith.cmpi sgt, %add3A_1018, %sign3A_1023 : vector<16xi32>
        %sign3A_1025 = arith.extui %sign3A_1024 : vector<16xi1> to vector<16xi32>
        %sign3A_1026 = arith.constant 0 : i32
        %sign3A_1027 = vector.broadcast %sign3A_1026 : i32 to vector<16xi32>
        %sign3A_1028 = arith.cmpi slt, %add3A_1018, %sign3A_1027 : vector<16xi32>
        %sign3A_1029 = arith.extui %sign3A_1028 : vector<16xi1> to vector<16xi32>
        %sign3A_1030 = arith.subi %sign3A_1025, %sign3A_1029 : vector<16xi32>
        %sign3A_1031 = arith.constant 0 : i32
        %sign3A_1032 = arith.cmpi sgt, %jit3A_1019, %sign3A_1031 : i32
        %sign3A_1033 = arith.extui %sign3A_1032 : i1 to i32
        %sign3A_1034 = arith.constant 0 : i32
        %sign3A_1035 = arith.cmpi slt, %jit3A_1019, %sign3A_1034 : i32
        %sign3A_1036 = arith.extui %sign3A_1035 : i1 to i32
        %sign3A_1037 = arith.subi %sign3A_1033, %sign3A_1036 : i32
        %ne3A_1038 = vector.broadcast %sign3A_1037 : i32 to vector<16xi32>
        %ne3A_1039 = arith.cmpi ne, %sign3A_1030, %ne3A_1038 : vector<16xi32>
        %rem3A_1040 = vector.broadcast %jit3A_1019 : i32 to vector<16xi32>
        %rem3A_1041 = arith.remsi %add3A_1018, %rem3A_1040 : vector<16xi32>
        %ne3A_1042 = arith.constant 0 : i32
        %ne3A_1043 = vector.broadcast %ne3A_1042 : i32 to vector<16xi32>
        %ne3A_1044 = arith.cmpi ne, %rem3A_1041, %ne3A_1043 : vector<16xi32>
        %and3A_1045 = arith.andi %ne3A_1039, %ne3A_1044 : vector<16xi1>
        %sub3A_1046 = arith.constant 1 : i32
        %sub3A_1047 = vector.broadcast %sub3A_1046 : i32 to vector<16xi32>
        %sub3A_1048 = arith.subi %div3A_1021, %sub3A_1047 : vector<16xi32>
        %select_n3A_1049 = arith.select %and3A_1045, %sub3A_1048, %div3A_1021 : vector<16xi1>, vector<16xi32>
        %broadcast_in_dim3A_1050 = arith.constant 0 : i32
        %broadcast_in_dim3A_1051 = vector.broadcast %broadcast_in_dim3A_1050 : i32 to vector<16xi32>
        %scan3A_1052 = arith.constant 0 : i32
        %scan3A_1053 = arith.constant 128 : i32
        %scan3A_1054 = arith.addi %scan3A_1052, %scan3A_1053 : i32
        %scan3A_1055 = arith.constant 1 : i32
        %scan3A_1056 = scf.for %scan3A_1065 = %scan3A_1052 to %scan3A_1054 step %scan3A_1055 iter_args(%scan3A_1066 = %broadcast_in_dim3A_1051) -> (vector<16xi32>)  : i32 {
          %mul3A_1067 = arith.constant 16 : i32
          %mul3A_1068 = arith.muli %scan3A_1065, %mul3A_1067 : i32
          %get3A = arith.index_cast %mul3A_1068 : i32 to index
          %get3A_1069 = tpu.vector_load %arg6[%get3A] {strides = array<i32>} : memref<2048xi32, #tpu.memory_space<vmem>>, vector<16xi32>,
          %mul3A_1070 = arith.constant 16 : i32
          %mul3A_1071 = arith.muli %scan3A_1065, %mul3A_1070 : i32
          %add3A_1072 = vector.broadcast %mul3A_1071 : i32 to vector<16xi32>
          %add3A_1073 = arith.addi %add3A_1072, %iota3A : vector<16xi32>
          %eq3A_1074 = arith.cmpi eq, %get3A_1069, %select_n3A_424 : vector<16xi32>
          %le3A = arith.cmpi sle, %add3A_1073, %select_n3A_1049 : vector<16xi32>
          %and3A_1075 = arith.andi %eq3A_1074, %le3A : vector<16xi1>
          %all_reduce_population_count3A = tpu.all_reduce %and3A_1075 {dim = 0 : i64, kind = #tpu.reduction_kind<sum>} : vector<16xi1> -> vector<16xi32>
          %add3A_1076 = arith.addi %scan3A_1066, %all_reduce_population_count3A : vector<16xi32>
          scf.yield %add3A_1076 : vector<16xi32>
        }
        %scan3A_1057 = arith.constant 128 : i32
        %ge3A_1058 = arith.cmpi sge, %scan3A_1056, %sub3A : vector<16xi32>
        %select_n3A_1059 = arith.select %ge3A_1058, %select_n3A_1049, %select_n3A_1012 : vector<16xi1>, vector<16xi32>
        %ge3A_1060 = arith.cmpi sge, %scan3A_1056, %sub3A : vector<16xi32>
        %add3A_1061 = arith.constant 1 : i32
        %add3A_1062 = vector.broadcast %add3A_1061 : i32 to vector<16xi32>
        %add3A_1063 = arith.addi %select_n3A_1049, %add3A_1062 : vector<16xi32>
        %select_n3A_1064 = arith.select %ge3A_1060, %select_n3A_1017, %add3A_1063 : vector<16xi1>, vector<16xi32>
        scf.yield %select_n3A_1059 : vector<16xi32>
      } else {
        %broadcast_in_dim3A_550 = arith.constant 2047 : i32
        %broadcast_in_dim3A_551 = vector.broadcast %broadcast_in_dim3A_550 : i32 to vector<16xi32>
        scf.yield %broadcast_in_dim3A_551 : vector<16xi32>
      }
      %broadcast_in_dim3A_457 = arith.constant 0.000000e+00 : f32
      %broadcast_in_dim3A_458 = vector.broadcast %broadcast_in_dim3A_457 : f32 to vector<16xf32>
      %broadcast_in_dim3A_459 = arith.constant 1.000000e+00 : f32
      %broadcast_in_dim3A_460 = vector.broadcast %broadcast_in_dim3A_459 : f32 to vector<16xf32>
      %broadcast_in_dim3A_461 = arith.constant 0 : i32
      %broadcast_in_dim3A_462 = vector.broadcast %broadcast_in_dim3A_461 : i32 to vector<16xi32>
      %scan3A_463 = arith.constant 0 : i32
      %scan3A_464 = arith.constant 128 : i32
      %scan3A_465 = arith.addi %scan3A_463, %scan3A_464 : i32
      %scan3A_466 = arith.constant 1 : i32
      scf.for %scan3A_550 = %scan3A_463 to %scan3A_465 step %scan3A_466  : i32 {
        %mul3A_551 = arith.constant 16 : i32
        %mul3A_552 = arith.muli %scan3A_550, %mul3A_551 : i32
        %get3A = arith.index_cast %mul3A_552 : i32 to index
        %get3A_553 = tpu.vector_load %arg6[%get3A] {strides = array<i32>} : memref<2048xi32, #tpu.memory_space<vmem>>, vector<16xi32>,
        %mul3A_554 = arith.constant 16 : i32
        %mul3A_555 = arith.muli %scan3A_550, %mul3A_554 : i32
        %get3A_556 = arith.index_cast %mul3A_555 : i32 to index
        %get3A_557 = tpu.vector_load %arg5[%get3A_556] {strides = array<i32>} : memref<2048xf32, #tpu.memory_space<vmem>>, vector<16xf32>,
        %mul3A_558 = arith.constant 16 : i32
        %mul3A_559 = arith.muli %scan3A_550, %mul3A_558 : i32
        %add3A_560 = vector.broadcast %mul3A_559 : i32 to vector<16xi32>
        %add3A_561 = arith.addi %add3A_560, %iota3A : vector<16xi32>
        %gt3A_562 = arith.cmpi sgt, %get3A_553, %select_n3A_424 : vector<16xi32>
        %eq3A_563 = arith.cmpi eq, %get3A_553, %select_n3A_424 : vector<16xi32>
        %le3A = arith.cmpi sle, %add3A_561, %cond3A_456 : vector<16xi32>
        %and3A = arith.andi %eq3A_563, %le3A : vector<16xi1>
        %or3A_564 = arith.ori %gt3A_562, %and3A : vector<16xi1>
        %select_n3A_565 = arith.select %or3A_564, %get3A_557, %broadcast_in_dim3A_458 : vector<16xi1>, vector<16xf32>
        %mul3A_566 = arith.constant 16 : i32
        %mul3A_567 = arith.muli %scan3A_550, %mul3A_566 : i32
        %swap3A = arith.index_cast %mul3A_567 : i32 to index
        %swap3A_568 = tpu.vector_load %arg7[%swap3A] {strides = array<i32>} : memref<2048xf32, #tpu.memory_space<vmem>>, vector<16xf32>,
        tpu.vector_store %arg7[%swap3A], %select_n3A_565 {strides = array<i32>} : memref<2048xf32, #tpu.memory_space<vmem>>, vector<16xf32>,
        %neg3A = arith.constant 0.000000e+00 : f32
        %neg3A_569 = vector.broadcast %neg3A : f32 to vector<16xf32>
        %neg3A_570 = arith.subf %neg3A_569, %select_n3A_565 : vector<16xf32>
        %exp3A = math.exp %neg3A_570 : vector<16xf32>
        %add3A_571 = arith.addf %broadcast_in_dim3A_460, %exp3A : vector<16xf32>
        %div3A = arith.divf %broadcast_in_dim3A_460, %add3A_571 : vector<16xf32>
        %mul3A_572 = arith.constant 16 : i32
        %mul3A_573 = arith.muli %scan3A_550, %mul3A_572 : i32
        %swap3A_574 = arith.index_cast %mul3A_573 : i32 to index
        %swap3A_575 = tpu.vector_load %arg8[%swap3A_574] {strides = array<i32>} : memref<2048xf32, #tpu.memory_space<vmem>>, vector<16xf32>,
        tpu.vector_store %arg8[%swap3A_574], %div3A {strides = array<i32>} : memref<2048xf32, #tpu.memory_space<vmem>>, vector<16xf32>,
      }
      %scan3A_467 = arith.constant 128 : i32
      "tpu.region"() ({
        %run_scoped3A = tpu.sem_alloc : memref<!tpu.dma_semaphore, #tpu.memory_space<semaphore_mem>>
        %dma_start3A = arith.constant 0 : i32
        %dma_start3A_550 = tpu.memref_slice %arg3[%arg1, %dma_start3A] : memref<16x2048xf32, #tpu.memory_space<hbm>> -> memref<1x2048xf32, #tpu.memory_space<hbm>>
        %dma_start3A_551 = tpu.memref_squeeze %dma_start3A_550 : memref<1x2048xf32, #tpu.memory_space<hbm>> -> memref<2048xf32, #tpu.memory_space<hbm>>
        %dma_start3A_552 = arith.constant 0 : i32
        %dma_start3A_553 = tpu.memref_slice %arg3[%arg1, %dma_start3A_552] : memref<16x2048xf32, #tpu.memory_space<hbm>> -> memref<1x2048xf32, #tpu.memory_space<hbm>>
        %dma_start3A_554 = tpu.memref_squeeze %dma_start3A_553 : memref<1x2048xf32, #tpu.memory_space<hbm>> -> memref<2048xf32, #tpu.memory_space<hbm>>
        tpu.enqueue_dma source(%arg7 : memref<2048xf32, #tpu.memory_space<vmem>>) target(%dma_start3A_554 : memref<2048xf32, #tpu.memory_space<hbm>>) target_semaphore(%run_scoped3A : memref<!tpu.dma_semaphore, #tpu.memory_space<semaphore_mem>>)
        %dma_wait3A = arith.constant 0 : i32
        %dma_wait3A_555 = tpu.memref_slice %arg3[%arg1, %dma_wait3A] : memref<16x2048xf32, #tpu.memory_space<hbm>> -> memref<1x2048xf32, #tpu.memory_space<hbm>>
        %dma_wait3A_556 = tpu.memref_squeeze %dma_wait3A_555 : memref<1x2048xf32, #tpu.memory_space<hbm>> -> memref<2048xf32, #tpu.memory_space<hbm>>
        %dma_wait3A_557 = arith.constant 0 : i32
        %dma_wait3A_558 = tpu.memref_slice %arg3[%arg1, %dma_wait3A_557] : memref<16x2048xf32, #tpu.memory_space<hbm>> -> memref<1x2048xf32, #tpu.memory_space<hbm>>
        %dma_wait3A_559 = tpu.memref_squeeze %dma_wait3A_558 : memref<1x2048xf32, #tpu.memory_space<hbm>> -> memref<2048xf32, #tpu.memory_space<hbm>>
        tpu.wait_dma2 semaphore(%run_scoped3A : memref<!tpu.dma_semaphore, #tpu.memory_space<semaphore_mem>>) src(%arg7 : memref<2048xf32, #tpu.memory_space<vmem>>) dst(%dma_wait3A_559 : memref<2048xf32, #tpu.memory_space<hbm>>)
        tpu.yield
      }) : () -> ()
      %mul3A = arith.constant 2048 : i32
      %mul3A_468 = arith.muli %arg1, %mul3A : i32
      "tpu.region"() ({
        %run_scoped3A = tpu.sem_alloc : memref<!tpu.dma_semaphore, #tpu.memory_space<semaphore_mem>>
        %dma_start3A = tpu.memref_slice %arg12[%mul3A_468] : memref<32768xf32, #tpu.memory_space<vmem_shared>> -> memref<2048xf32, #tpu.memory_space<vmem_shared>>
        %dma_start3A_550 = tpu.memref_slice %arg12[%mul3A_468] : memref<32768xf32, #tpu.memory_space<vmem_shared>> -> memref<2048xf32, #tpu.memory_space<vmem_shared>>
        tpu.enqueue_dma source(%arg8 : memref<2048xf32, #tpu.memory_space<vmem>>) target(%dma_start3A_550 : memref<2048xf32, #tpu.memory_space<vmem_shared>>) target_semaphore(%run_scoped3A : memref<!tpu.dma_semaphore, #tpu.memory_space<semaphore_mem>>)
        %dma_wait3A = tpu.memref_slice %arg12[%mul3A_468] : memref<32768xf32, #tpu.memory_space<vmem_shared>> -> memref<2048xf32, #tpu.memory_space<vmem_shared>>
        %dma_wait3A_551 = tpu.memref_slice %arg12[%mul3A_468] : memref<32768xf32, #tpu.memory_space<vmem_shared>> -> memref<2048xf32, #tpu.memory_space<vmem_shared>>
        tpu.wait_dma2 semaphore(%run_scoped3A : memref<!tpu.dma_semaphore, #tpu.memory_space<semaphore_mem>>) src(%arg8 : memref<2048xf32, #tpu.memory_space<vmem>>) dst(%dma_wait3A_551 : memref<2048xf32, #tpu.memory_space<vmem_shared>>)
        tpu.yield
      }) : () -> ()
      %barrier3A = arith.constant 0 : index
      tpu.barrier barrier_id(%barrier3A)
      %mul3A_469 = arith.constant 128 : i32
      %mul3A_470 = arith.muli %arg1, %mul3A_469 : i32
      %add3A_471 = arith.constant 0 : i32
      %add3A_472 = arith.addi %add3A_471, %mul3A_470 : i32
      "tpu.region"() ({
        %run_scoped3A = tpu.sem_alloc : memref<!tpu.dma_semaphore, #tpu.memory_space<semaphore_mem>>
        %dma_start3A = arith.constant 0 : i32
        %dma_start3A_550 = tpu.memref_slice %arg10[%dma_start3A] : memref<2048xf32, #tpu.memory_space<vmem>> -> memref<128xf32, #tpu.memory_space<vmem>>
        %dma_start3A_551 = tpu.memref_slice %arg12[%add3A_472] : memref<32768xf32, #tpu.memory_space<vmem_shared>> -> memref<128xf32, #tpu.memory_space<vmem_shared>>
        %dma_start3A_552 = arith.constant 0 : i32
        %dma_start3A_553 = tpu.memref_slice %arg10[%dma_start3A_552] : memref<2048xf32, #tpu.memory_space<vmem>> -> memref<128xf32, #tpu.memory_space<vmem>>
        %dma_start3A_554 = tpu.memref_slice %arg12[%add3A_472] : memref<32768xf32, #tpu.memory_space<vmem_shared>> -> memref<128xf32, #tpu.memory_space<vmem_shared>>
        tpu.enqueue_dma source(%dma_start3A_554 : memref<128xf32, #tpu.memory_space<vmem_shared>>) target(%dma_start3A_553 : memref<128xf32, #tpu.memory_space<vmem>>) target_semaphore(%run_scoped3A : memref<!tpu.dma_semaphore, #tpu.memory_space<semaphore_mem>>)
        %dma_wait3A = arith.constant 0 : i32
        %dma_wait3A_555 = tpu.memref_slice %arg10[%dma_wait3A] : memref<2048xf32, #tpu.memory_space<vmem>> -> memref<128xf32, #tpu.memory_space<vmem>>
        %dma_wait3A_556 = tpu.memref_slice %arg12[%add3A_472] : memref<32768xf32, #tpu.memory_space<vmem_shared>> -> memref<128xf32, #tpu.memory_space<vmem_shared>>
        %dma_wait3A_557 = arith.constant 0 : i32
        %dma_wait3A_558 = tpu.memref_slice %arg10[%dma_wait3A_557] : memref<2048xf32, #tpu.memory_space<vmem>> -> memref<128xf32, #tpu.memory_space<vmem>>
        %dma_wait3A_559 = tpu.memref_slice %arg12[%add3A_472] : memref<32768xf32, #tpu.memory_space<vmem_shared>> -> memref<128xf32, #tpu.memory_space<vmem_shared>>
        tpu.wait_dma2 semaphore(%run_scoped3A : memref<!tpu.dma_semaphore, #tpu.memory_space<semaphore_mem>>) src(%dma_wait3A_559 : memref<128xf32, #tpu.memory_space<vmem_shared>>) dst(%dma_wait3A_558 : memref<128xf32, #tpu.memory_space<vmem>>)
        tpu.yield
      }) : () -> ()
      %mul3A_473 = arith.constant 128 : i32
      %mul3A_474 = arith.muli %arg1, %mul3A_473 : i32
      %add3A_475 = arith.constant 2048 : i32
      %add3A_476 = arith.addi %add3A_475, %mul3A_474 : i32
      "tpu.region"() ({
        %run_scoped3A = tpu.sem_alloc : memref<!tpu.dma_semaphore, #tpu.memory_space<semaphore_mem>>
        %dma_start3A = arith.constant 128 : i32
        %dma_start3A_550 = tpu.memref_slice %arg10[%dma_start3A] : memref<2048xf32, #tpu.memory_space<vmem>> -> memref<128xf32, #tpu.memory_space<vmem>>
        %dma_start3A_551 = tpu.memref_slice %arg12[%add3A_476] : memref<32768xf32, #tpu.memory_space<vmem_shared>> -> memref<128xf32, #tpu.memory_space<vmem_shared>>
        %dma_start3A_552 = arith.constant 128 : i32
        %dma_start3A_553 = tpu.memref_slice %arg10[%dma_start3A_552] : memref<2048xf32, #tpu.memory_space<vmem>> -> memref<128xf32, #tpu.memory_space<vmem>>
        %dma_start3A_554 = tpu.memref_slice %arg12[%add3A_476] : memref<32768xf32, #tpu.memory_space<vmem_shared>> -> memref<128xf32, #tpu.memory_space<vmem_shared>>
        tpu.enqueue_dma source(%dma_start3A_554 : memref<128xf32, #tpu.memory_space<vmem_shared>>) target(%dma_start3A_553 : memref<128xf32, #tpu.memory_space<vmem>>) target_semaphore(%run_scoped3A : memref<!tpu.dma_semaphore, #tpu.memory_space<semaphore_mem>>)
        %dma_wait3A = arith.constant 128 : i32
        %dma_wait3A_555 = tpu.memref_slice %arg10[%dma_wait3A] : memref<2048xf32, #tpu.memory_space<vmem>> -> memref<128xf32, #tpu.memory_space<vmem>>
        %dma_wait3A_556 = tpu.memref_slice %arg12[%add3A_476] : memref<32768xf32, #tpu.memory_space<vmem_shared>> -> memref<128xf32, #tpu.memory_space<vmem_shared>>
        %dma_wait3A_557 = arith.constant 128 : i32
        %dma_wait3A_558 = tpu.memref_slice %arg10[%dma_wait3A_557] : memref<2048xf32, #tpu.memory_space<vmem>> -> memref<128xf32, #tpu.memory_space<vmem>>
        %dma_wait3A_559 = tpu.memref_slice %arg12[%add3A_476] : memref<32768xf32, #tpu.memory_space<vmem_shared>> -> memref<128xf32, #tpu.memory_space<vmem_shared>>
        tpu.wait_dma2 semaphore(%run_scoped3A : memref<!tpu.dma_semaphore, #tpu.memory_space<semaphore_mem>>) src(%dma_wait3A_559 : memref<128xf32, #tpu.memory_space<vmem_shared>>) dst(%dma_wait3A_558 : memref<128xf32, #tpu.memory_space<vmem>>)
        tpu.yield
      }) : () -> ()
      %mul3A_477 = arith.constant 128 : i32
      %mul3A_478 = arith.muli %arg1, %mul3A_477 : i32
      %add3A_479 = arith.constant 4096 : i32
      %add3A_480 = arith.addi %add3A_479, %mul3A_478 : i32
      "tpu.region"() ({
        %run_scoped3A = tpu.sem_alloc : memref<!tpu.dma_semaphore, #tpu.memory_space<semaphore_mem>>
        %dma_start3A = arith.constant 256 : i32
        %dma_start3A_550 = tpu.memref_slice %arg10[%dma_start3A] : memref<2048xf32, #tpu.memory_space<vmem>> -> memref<128xf32, #tpu.memory_space<vmem>>
        %dma_start3A_551 = tpu.memref_slice %arg12[%add3A_480] : memref<32768xf32, #tpu.memory_space<vmem_shared>> -> memref<128xf32, #tpu.memory_space<vmem_shared>>
        %dma_start3A_552 = arith.constant 256 : i32
        %dma_start3A_553 = tpu.memref_slice %arg10[%dma_start3A_552] : memref<2048xf32, #tpu.memory_space<vmem>> -> memref<128xf32, #tpu.memory_space<vmem>>
        %dma_start3A_554 = tpu.memref_slice %arg12[%add3A_480] : memref<32768xf32, #tpu.memory_space<vmem_shared>> -> memref<128xf32, #tpu.memory_space<vmem_shared>>
        tpu.enqueue_dma source(%dma_start3A_554 : memref<128xf32, #tpu.memory_space<vmem_shared>>) target(%dma_start3A_553 : memref<128xf32, #tpu.memory_space<vmem>>) target_semaphore(%run_scoped3A : memref<!tpu.dma_semaphore, #tpu.memory_space<semaphore_mem>>)
        %dma_wait3A = arith.constant 256 : i32
        %dma_wait3A_555 = tpu.memref_slice %arg10[%dma_wait3A] : memref<2048xf32, #tpu.memory_space<vmem>> -> memref<128xf32, #tpu.memory_space<vmem>>
        %dma_wait3A_556 = tpu.memref_slice %arg12[%add3A_480] : memref<32768xf32, #tpu.memory_space<vmem_shared>> -> memref<128xf32, #tpu.memory_space<vmem_shared>>
        %dma_wait3A_557 = arith.constant 256 : i32
        %dma_wait3A_558 = tpu.memref_slice %arg10[%dma_wait3A_557] : memref<2048xf32, #tpu.memory_space<vmem>> -> memref<128xf32, #tpu.memory_space<vmem>>
        %dma_wait3A_559 = tpu.memref_slice %arg12[%add3A_480] : memref<32768xf32, #tpu.memory_space<vmem_shared>> -> memref<128xf32, #tpu.memory_space<vmem_shared>>
        tpu.wait_dma2 semaphore(%run_scoped3A : memref<!tpu.dma_semaphore, #tpu.memory_space<semaphore_mem>>) src(%dma_wait3A_559 : memref<128xf32, #tpu.memory_space<vmem_shared>>) dst(%dma_wait3A_558 : memref<128xf32, #tpu.memory_space<vmem>>)
        tpu.yield
      }) : () -> ()
      %mul3A_481 = arith.constant 128 : i32
      %mul3A_482 = arith.muli %arg1, %mul3A_481 : i32
      %add3A_483 = arith.constant 6144 : i32
      %add3A_484 = arith.addi %add3A_483, %mul3A_482 : i32
      "tpu.region"() ({
        %run_scoped3A = tpu.sem_alloc : memref<!tpu.dma_semaphore, #tpu.memory_space<semaphore_mem>>
        %dma_start3A = arith.constant 384 : i32
        %dma_start3A_550 = tpu.memref_slice %arg10[%dma_start3A] : memref<2048xf32, #tpu.memory_space<vmem>> -> memref<128xf32, #tpu.memory_space<vmem>>
        %dma_start3A_551 = tpu.memref_slice %arg12[%add3A_484] : memref<32768xf32, #tpu.memory_space<vmem_shared>> -> memref<128xf32, #tpu.memory_space<vmem_shared>>
        %dma_start3A_552 = arith.constant 384 : i32
        %dma_start3A_553 = tpu.memref_slice %arg10[%dma_start3A_552] : memref<2048xf32, #tpu.memory_space<vmem>> -> memref<128xf32, #tpu.memory_space<vmem>>
        %dma_start3A_554 = tpu.memref_slice %arg12[%add3A_484] : memref<32768xf32, #tpu.memory_space<vmem_shared>> -> memref<128xf32, #tpu.memory_space<vmem_shared>>
        tpu.enqueue_dma source(%dma_start3A_554 : memref<128xf32, #tpu.memory_space<vmem_shared>>) target(%dma_start3A_553 : memref<128xf32, #tpu.memory_space<vmem>>) target_semaphore(%run_scoped3A : memref<!tpu.dma_semaphore, #tpu.memory_space<semaphore_mem>>)
        %dma_wait3A = arith.constant 384 : i32
        %dma_wait3A_555 = tpu.memref_slice %arg10[%dma_wait3A] : memref<2048xf32, #tpu.memory_space<vmem>> -> memref<128xf32, #tpu.memory_space<vmem>>
        %dma_wait3A_556 = tpu.memref_slice %arg12[%add3A_484] : memref<32768xf32, #tpu.memory_space<vmem_shared>> -> memref<128xf32, #tpu.memory_space<vmem_shared>>
        %dma_wait3A_557 = arith.constant 384 : i32
        %dma_wait3A_558 = tpu.memref_slice %arg10[%dma_wait3A_557] : memref<2048xf32, #tpu.memory_space<vmem>> -> memref<128xf32, #tpu.memory_space<vmem>>
        %dma_wait3A_559 = tpu.memref_slice %arg12[%add3A_484] : memref<32768xf32, #tpu.memory_space<vmem_shared>> -> memref<128xf32, #tpu.memory_space<vmem_shared>>
        tpu.wait_dma2 semaphore(%run_scoped3A : memref<!tpu.dma_semaphore, #tpu.memory_space<semaphore_mem>>) src(%dma_wait3A_559 : memref<128xf32, #tpu.memory_space<vmem_shared>>) dst(%dma_wait3A_558 : memref<128xf32, #tpu.memory_space<vmem>>)
        tpu.yield
      }) : () -> ()
      %mul3A_485 = arith.constant 128 : i32
      %mul3A_486 = arith.muli %arg1, %mul3A_485 : i32
      %add3A_487 = arith.constant 8192 : i32
      %add3A_488 = arith.addi %add3A_487, %mul3A_486 : i32
      "tpu.region"() ({
        %run_scoped3A = tpu.sem_alloc : memref<!tpu.dma_semaphore, #tpu.memory_space<semaphore_mem>>
        %dma_start3A = arith.constant 512 : i32
        %dma_start3A_550 = tpu.memref_slice %arg10[%dma_start3A] : memref<2048xf32, #tpu.memory_space<vmem>> -> memref<128xf32, #tpu.memory_space<vmem>>
        %dma_start3A_551 = tpu.memref_slice %arg12[%add3A_488] : memref<32768xf32, #tpu.memory_space<vmem_shared>> -> memref<128xf32, #tpu.memory_space<vmem_shared>>
        %dma_start3A_552 = arith.constant 512 : i32
        %dma_start3A_553 = tpu.memref_slice %arg10[%dma_start3A_552] : memref<2048xf32, #tpu.memory_space<vmem>> -> memref<128xf32, #tpu.memory_space<vmem>>
        %dma_start3A_554 = tpu.memref_slice %arg12[%add3A_488] : memref<32768xf32, #tpu.memory_space<vmem_shared>> -> memref<128xf32, #tpu.memory_space<vmem_shared>>
        tpu.enqueue_dma source(%dma_start3A_554 : memref<128xf32, #tpu.memory_space<vmem_shared>>) target(%dma_start3A_553 : memref<128xf32, #tpu.memory_space<vmem>>) target_semaphore(%run_scoped3A : memref<!tpu.dma_semaphore, #tpu.memory_space<semaphore_mem>>)
        %dma_wait3A = arith.constant 512 : i32
        %dma_wait3A_555 = tpu.memref_slice %arg10[%dma_wait3A] : memref<2048xf32, #tpu.memory_space<vmem>> -> memref<128xf32, #tpu.memory_space<vmem>>
        %dma_wait3A_556 = tpu.memref_slice %arg12[%add3A_488] : memref<32768xf32, #tpu.memory_space<vmem_shared>> -> memref<128xf32, #tpu.memory_space<vmem_shared>>
        %dma_wait3A_557 = arith.constant 512 : i32
        %dma_wait3A_558 = tpu.memref_slice %arg10[%dma_wait3A_557] : memref<2048xf32, #tpu.memory_space<vmem>> -> memref<128xf32, #tpu.memory_space<vmem>>
        %dma_wait3A_559 = tpu.memref_slice %arg12[%add3A_488] : memref<32768xf32, #tpu.memory_space<vmem_shared>> -> memref<128xf32, #tpu.memory_space<vmem_shared>>
        tpu.wait_dma2 semaphore(%run_scoped3A : memref<!tpu.dma_semaphore, #tpu.memory_space<semaphore_mem>>) src(%dma_wait3A_559 : memref<128xf32, #tpu.memory_space<vmem_shared>>) dst(%dma_wait3A_558 : memref<128xf32, #tpu.memory_space<vmem>>)
        tpu.yield
      }) : () -> ()
      %mul3A_489 = arith.constant 128 : i32
      %mul3A_490 = arith.muli %arg1, %mul3A_489 : i32
      %add3A_491 = arith.constant 10240 : i32
      %add3A_492 = arith.addi %add3A_491, %mul3A_490 : i32
      "tpu.region"() ({
        %run_scoped3A = tpu.sem_alloc : memref<!tpu.dma_semaphore, #tpu.memory_space<semaphore_mem>>
        %dma_start3A = arith.constant 640 : i32
        %dma_start3A_550 = tpu.memref_slice %arg10[%dma_start3A] : memref<2048xf32, #tpu.memory_space<vmem>> -> memref<128xf32, #tpu.memory_space<vmem>>
        %dma_start3A_551 = tpu.memref_slice %arg12[%add3A_492] : memref<32768xf32, #tpu.memory_space<vmem_shared>> -> memref<128xf32, #tpu.memory_space<vmem_shared>>
        %dma_start3A_552 = arith.constant 640 : i32
        %dma_start3A_553 = tpu.memref_slice %arg10[%dma_start3A_552] : memref<2048xf32, #tpu.memory_space<vmem>> -> memref<128xf32, #tpu.memory_space<vmem>>
        %dma_start3A_554 = tpu.memref_slice %arg12[%add3A_492] : memref<32768xf32, #tpu.memory_space<vmem_shared>> -> memref<128xf32, #tpu.memory_space<vmem_shared>>
        tpu.enqueue_dma source(%dma_start3A_554 : memref<128xf32, #tpu.memory_space<vmem_shared>>) target(%dma_start3A_553 : memref<128xf32, #tpu.memory_space<vmem>>) target_semaphore(%run_scoped3A : memref<!tpu.dma_semaphore, #tpu.memory_space<semaphore_mem>>)
        %dma_wait3A = arith.constant 640 : i32
        %dma_wait3A_555 = tpu.memref_slice %arg10[%dma_wait3A] : memref<2048xf32, #tpu.memory_space<vmem>> -> memref<128xf32, #tpu.memory_space<vmem>>
        %dma_wait3A_556 = tpu.memref_slice %arg12[%add3A_492] : memref<32768xf32, #tpu.memory_space<vmem_shared>> -> memref<128xf32, #tpu.memory_space<vmem_shared>>
        %dma_wait3A_557 = arith.constant 640 : i32
        %dma_wait3A_558 = tpu.memref_slice %arg10[%dma_wait3A_557] : memref<2048xf32, #tpu.memory_space<vmem>> -> memref<128xf32, #tpu.memory_space<vmem>>
        %dma_wait3A_559 = tpu.memref_slice %arg12[%add3A_492] : memref<32768xf32, #tpu.memory_space<vmem_shared>> -> memref<128xf32, #tpu.memory_space<vmem_shared>>
        tpu.wait_dma2 semaphore(%run_scoped3A : memref<!tpu.dma_semaphore, #tpu.memory_space<semaphore_mem>>) src(%dma_wait3A_559 : memref<128xf32, #tpu.memory_space<vmem_shared>>) dst(%dma_wait3A_558 : memref<128xf32, #tpu.memory_space<vmem>>)
        tpu.yield
      }) : () -> ()
      %mul3A_493 = arith.constant 128 : i32
      %mul3A_494 = arith.muli %arg1, %mul3A_493 : i32
      %add3A_495 = arith.constant 12288 : i32
      %add3A_496 = arith.addi %add3A_495, %mul3A_494 : i32
      "tpu.region"() ({
        %run_scoped3A = tpu.sem_alloc : memref<!tpu.dma_semaphore, #tpu.memory_space<semaphore_mem>>
        %dma_start3A = arith.constant 768 : i32
        %dma_start3A_550 = tpu.memref_slice %arg10[%dma_start3A] : memref<2048xf32, #tpu.memory_space<vmem>> -> memref<128xf32, #tpu.memory_space<vmem>>
        %dma_start3A_551 = tpu.memref_slice %arg12[%add3A_496] : memref<32768xf32, #tpu.memory_space<vmem_shared>> -> memref<128xf32, #tpu.memory_space<vmem_shared>>
        %dma_start3A_552 = arith.constant 768 : i32
        %dma_start3A_553 = tpu.memref_slice %arg10[%dma_start3A_552] : memref<2048xf32, #tpu.memory_space<vmem>> -> memref<128xf32, #tpu.memory_space<vmem>>
        %dma_start3A_554 = tpu.memref_slice %arg12[%add3A_496] : memref<32768xf32, #tpu.memory_space<vmem_shared>> -> memref<128xf32, #tpu.memory_space<vmem_shared>>
        tpu.enqueue_dma source(%dma_start3A_554 : memref<128xf32, #tpu.memory_space<vmem_shared>>) target(%dma_start3A_553 : memref<128xf32, #tpu.memory_space<vmem>>) target_semaphore(%run_scoped3A : memref<!tpu.dma_semaphore, #tpu.memory_space<semaphore_mem>>)
        %dma_wait3A = arith.constant 768 : i32
        %dma_wait3A_555 = tpu.memref_slice %arg10[%dma_wait3A] : memref<2048xf32, #tpu.memory_space<vmem>> -> memref<128xf32, #tpu.memory_space<vmem>>
        %dma_wait3A_556 = tpu.memref_slice %arg12[%add3A_496] : memref<32768xf32, #tpu.memory_space<vmem_shared>> -> memref<128xf32, #tpu.memory_space<vmem_shared>>
        %dma_wait3A_557 = arith.constant 768 : i32
        %dma_wait3A_558 = tpu.memref_slice %arg10[%dma_wait3A_557] : memref<2048xf32, #tpu.memory_space<vmem>> -> memref<128xf32, #tpu.memory_space<vmem>>
        %dma_wait3A_559 = tpu.memref_slice %arg12[%add3A_496] : memref<32768xf32, #tpu.memory_space<vmem_shared>> -> memref<128xf32, #tpu.memory_space<vmem_shared>>
        tpu.wait_dma2 semaphore(%run_scoped3A : memref<!tpu.dma_semaphore, #tpu.memory_space<semaphore_mem>>) src(%dma_wait3A_559 : memref<128xf32, #tpu.memory_space<vmem_shared>>) dst(%dma_wait3A_558 : memref<128xf32, #tpu.memory_space<vmem>>)
        tpu.yield
      }) : () -> ()
      %mul3A_497 = arith.constant 128 : i32
      %mul3A_498 = arith.muli %arg1, %mul3A_497 : i32
      %add3A_499 = arith.constant 14336 : i32
      %add3A_500 = arith.addi %add3A_499, %mul3A_498 : i32
      "tpu.region"() ({
        %run_scoped3A = tpu.sem_alloc : memref<!tpu.dma_semaphore, #tpu.memory_space<semaphore_mem>>
        %dma_start3A = arith.constant 896 : i32
        %dma_start3A_550 = tpu.memref_slice %arg10[%dma_start3A] : memref<2048xf32, #tpu.memory_space<vmem>> -> memref<128xf32, #tpu.memory_space<vmem>>
        %dma_start3A_551 = tpu.memref_slice %arg12[%add3A_500] : memref<32768xf32, #tpu.memory_space<vmem_shared>> -> memref<128xf32, #tpu.memory_space<vmem_shared>>
        %dma_start3A_552 = arith.constant 896 : i32
        %dma_start3A_553 = tpu.memref_slice %arg10[%dma_start3A_552] : memref<2048xf32, #tpu.memory_space<vmem>> -> memref<128xf32, #tpu.memory_space<vmem>>
        %dma_start3A_554 = tpu.memref_slice %arg12[%add3A_500] : memref<32768xf32, #tpu.memory_space<vmem_shared>> -> memref<128xf32, #tpu.memory_space<vmem_shared>>
        tpu.enqueue_dma source(%dma_start3A_554 : memref<128xf32, #tpu.memory_space<vmem_shared>>) target(%dma_start3A_553 : memref<128xf32, #tpu.memory_space<vmem>>) target_semaphore(%run_scoped3A : memref<!tpu.dma_semaphore, #tpu.memory_space<semaphore_mem>>)
        %dma_wait3A = arith.constant 896 : i32
        %dma_wait3A_555 = tpu.memref_slice %arg10[%dma_wait3A] : memref<2048xf32, #tpu.memory_space<vmem>> -> memref<128xf32, #tpu.memory_space<vmem>>
        %dma_wait3A_556 = tpu.memref_slice %arg12[%add3A_500] : memref<32768xf32, #tpu.memory_space<vmem_shared>> -> memref<128xf32, #tpu.memory_space<vmem_shared>>
        %dma_wait3A_557 = arith.constant 896 : i32
        %dma_wait3A_558 = tpu.memref_slice %arg10[%dma_wait3A_557] : memref<2048xf32, #tpu.memory_space<vmem>> -> memref<128xf32, #tpu.memory_space<vmem>>
        %dma_wait3A_559 = tpu.memref_slice %arg12[%add3A_500] : memref<32768xf32, #tpu.memory_space<vmem_shared>> -> memref<128xf32, #tpu.memory_space<vmem_shared>>
        tpu.wait_dma2 semaphore(%run_scoped3A : memref<!tpu.dma_semaphore, #tpu.memory_space<semaphore_mem>>) src(%dma_wait3A_559 : memref<128xf32, #tpu.memory_space<vmem_shared>>) dst(%dma_wait3A_558 : memref<128xf32, #tpu.memory_space<vmem>>)
        tpu.yield
      }) : () -> ()
      %mul3A_501 = arith.constant 128 : i32
      %mul3A_502 = arith.muli %arg1, %mul3A_501 : i32
      %add3A_503 = arith.constant 16384 : i32
      %add3A_504 = arith.addi %add3A_503, %mul3A_502 : i32
      "tpu.region"() ({
        %run_scoped3A = tpu.sem_alloc : memref<!tpu.dma_semaphore, #tpu.memory_space<semaphore_mem>>
        %dma_start3A = arith.constant 1024 : i32
        %dma_start3A_550 = tpu.memref_slice %arg10[%dma_start3A] : memref<2048xf32, #tpu.memory_space<vmem>> -> memref<128xf32, #tpu.memory_space<vmem>>
        %dma_start3A_551 = tpu.memref_slice %arg12[%add3A_504] : memref<32768xf32, #tpu.memory_space<vmem_shared>> -> memref<128xf32, #tpu.memory_space<vmem_shared>>
        %dma_start3A_552 = arith.constant 1024 : i32
        %dma_start3A_553 = tpu.memref_slice %arg10[%dma_start3A_552] : memref<2048xf32, #tpu.memory_space<vmem>> -> memref<128xf32, #tpu.memory_space<vmem>>
        %dma_start3A_554 = tpu.memref_slice %arg12[%add3A_504] : memref<32768xf32, #tpu.memory_space<vmem_shared>> -> memref<128xf32, #tpu.memory_space<vmem_shared>>
        tpu.enqueue_dma source(%dma_start3A_554 : memref<128xf32, #tpu.memory_space<vmem_shared>>) target(%dma_start3A_553 : memref<128xf32, #tpu.memory_space<vmem>>) target_semaphore(%run_scoped3A : memref<!tpu.dma_semaphore, #tpu.memory_space<semaphore_mem>>)
        %dma_wait3A = arith.constant 1024 : i32
        %dma_wait3A_555 = tpu.memref_slice %arg10[%dma_wait3A] : memref<2048xf32, #tpu.memory_space<vmem>> -> memref<128xf32, #tpu.memory_space<vmem>>
        %dma_wait3A_556 = tpu.memref_slice %arg12[%add3A_504] : memref<32768xf32, #tpu.memory_space<vmem_shared>> -> memref<128xf32, #tpu.memory_space<vmem_shared>>
        %dma_wait3A_557 = arith.constant 1024 : i32
        %dma_wait3A_558 = tpu.memref_slice %arg10[%dma_wait3A_557] : memref<2048xf32, #tpu.memory_space<vmem>> -> memref<128xf32, #tpu.memory_space<vmem>>
        %dma_wait3A_559 = tpu.memref_slice %arg12[%add3A_504] : memref<32768xf32, #tpu.memory_space<vmem_shared>> -> memref<128xf32, #tpu.memory_space<vmem_shared>>
        tpu.wait_dma2 semaphore(%run_scoped3A : memref<!tpu.dma_semaphore, #tpu.memory_space<semaphore_mem>>) src(%dma_wait3A_559 : memref<128xf32, #tpu.memory_space<vmem_shared>>) dst(%dma_wait3A_558 : memref<128xf32, #tpu.memory_space<vmem>>)
        tpu.yield
      }) : () -> ()
      %mul3A_505 = arith.constant 128 : i32
      %mul3A_506 = arith.muli %arg1, %mul3A_505 : i32
      %add3A_507 = arith.constant 18432 : i32
      %add3A_508 = arith.addi %add3A_507, %mul3A_506 : i32
      "tpu.region"() ({
        %run_scoped3A = tpu.sem_alloc : memref<!tpu.dma_semaphore, #tpu.memory_space<semaphore_mem>>
        %dma_start3A = arith.constant 1152 : i32
        %dma_start3A_550 = tpu.memref_slice %arg10[%dma_start3A] : memref<2048xf32, #tpu.memory_space<vmem>> -> memref<128xf32, #tpu.memory_space<vmem>>
        %dma_start3A_551 = tpu.memref_slice %arg12[%add3A_508] : memref<32768xf32, #tpu.memory_space<vmem_shared>> -> memref<128xf32, #tpu.memory_space<vmem_shared>>
        %dma_start3A_552 = arith.constant 1152 : i32
        %dma_start3A_553 = tpu.memref_slice %arg10[%dma_start3A_552] : memref<2048xf32, #tpu.memory_space<vmem>> -> memref<128xf32, #tpu.memory_space<vmem>>
        %dma_start3A_554 = tpu.memref_slice %arg12[%add3A_508] : memref<32768xf32, #tpu.memory_space<vmem_shared>> -> memref<128xf32, #tpu.memory_space<vmem_shared>>
        tpu.enqueue_dma source(%dma_start3A_554 : memref<128xf32, #tpu.memory_space<vmem_shared>>) target(%dma_start3A_553 : memref<128xf32, #tpu.memory_space<vmem>>) target_semaphore(%run_scoped3A : memref<!tpu.dma_semaphore, #tpu.memory_space<semaphore_mem>>)
        %dma_wait3A = arith.constant 1152 : i32
        %dma_wait3A_555 = tpu.memref_slice %arg10[%dma_wait3A] : memref<2048xf32, #tpu.memory_space<vmem>> -> memref<128xf32, #tpu.memory_space<vmem>>
        %dma_wait3A_556 = tpu.memref_slice %arg12[%add3A_508] : memref<32768xf32, #tpu.memory_space<vmem_shared>> -> memref<128xf32, #tpu.memory_space<vmem_shared>>
        %dma_wait3A_557 = arith.constant 1152 : i32
        %dma_wait3A_558 = tpu.memref_slice %arg10[%dma_wait3A_557] : memref<2048xf32, #tpu.memory_space<vmem>> -> memref<128xf32, #tpu.memory_space<vmem>>
        %dma_wait3A_559 = tpu.memref_slice %arg12[%add3A_508] : memref<32768xf32, #tpu.memory_space<vmem_shared>> -> memref<128xf32, #tpu.memory_space<vmem_shared>>
        tpu.wait_dma2 semaphore(%run_scoped3A : memref<!tpu.dma_semaphore, #tpu.memory_space<semaphore_mem>>) src(%dma_wait3A_559 : memref<128xf32, #tpu.memory_space<vmem_shared>>) dst(%dma_wait3A_558 : memref<128xf32, #tpu.memory_space<vmem>>)
        tpu.yield
      }) : () -> ()
      %mul3A_509 = arith.constant 128 : i32
      %mul3A_510 = arith.muli %arg1, %mul3A_509 : i32
      %add3A_511 = arith.constant 20480 : i32
      %add3A_512 = arith.addi %add3A_511, %mul3A_510 : i32
      "tpu.region"() ({
        %run_scoped3A = tpu.sem_alloc : memref<!tpu.dma_semaphore, #tpu.memory_space<semaphore_mem>>
        %dma_start3A = arith.constant 1280 : i32
        %dma_start3A_550 = tpu.memref_slice %arg10[%dma_start3A] : memref<2048xf32, #tpu.memory_space<vmem>> -> memref<128xf32, #tpu.memory_space<vmem>>
        %dma_start3A_551 = tpu.memref_slice %arg12[%add3A_512] : memref<32768xf32, #tpu.memory_space<vmem_shared>> -> memref<128xf32, #tpu.memory_space<vmem_shared>>
        %dma_start3A_552 = arith.constant 1280 : i32
        %dma_start3A_553 = tpu.memref_slice %arg10[%dma_start3A_552] : memref<2048xf32, #tpu.memory_space<vmem>> -> memref<128xf32, #tpu.memory_space<vmem>>
        %dma_start3A_554 = tpu.memref_slice %arg12[%add3A_512] : memref<32768xf32, #tpu.memory_space<vmem_shared>> -> memref<128xf32, #tpu.memory_space<vmem_shared>>
        tpu.enqueue_dma source(%dma_start3A_554 : memref<128xf32, #tpu.memory_space<vmem_shared>>) target(%dma_start3A_553 : memref<128xf32, #tpu.memory_space<vmem>>) target_semaphore(%run_scoped3A : memref<!tpu.dma_semaphore, #tpu.memory_space<semaphore_mem>>)
        %dma_wait3A = arith.constant 1280 : i32
        %dma_wait3A_555 = tpu.memref_slice %arg10[%dma_wait3A] : memref<2048xf32, #tpu.memory_space<vmem>> -> memref<128xf32, #tpu.memory_space<vmem>>
        %dma_wait3A_556 = tpu.memref_slice %arg12[%add3A_512] : memref<32768xf32, #tpu.memory_space<vmem_shared>> -> memref<128xf32, #tpu.memory_space<vmem_shared>>
        %dma_wait3A_557 = arith.constant 1280 : i32
        %dma_wait3A_558 = tpu.memref_slice %arg10[%dma_wait3A_557] : memref<2048xf32, #tpu.memory_space<vmem>> -> memref<128xf32, #tpu.memory_space<vmem>>
        %dma_wait3A_559 = tpu.memref_slice %arg12[%add3A_512] : memref<32768xf32, #tpu.memory_space<vmem_shared>> -> memref<128xf32, #tpu.memory_space<vmem_shared>>
        tpu.wait_dma2 semaphore(%run_scoped3A : memref<!tpu.dma_semaphore, #tpu.memory_space<semaphore_mem>>) src(%dma_wait3A_559 : memref<128xf32, #tpu.memory_space<vmem_shared>>) dst(%dma_wait3A_558 : memref<128xf32, #tpu.memory_space<vmem>>)
        tpu.yield
      }) : () -> ()
      %mul3A_513 = arith.constant 128 : i32
      %mul3A_514 = arith.muli %arg1, %mul3A_513 : i32
      %add3A_515 = arith.constant 22528 : i32
      %add3A_516 = arith.addi %add3A_515, %mul3A_514 : i32
      "tpu.region"() ({
        %run_scoped3A = tpu.sem_alloc : memref<!tpu.dma_semaphore, #tpu.memory_space<semaphore_mem>>
        %dma_start3A = arith.constant 1408 : i32
        %dma_start3A_550 = tpu.memref_slice %arg10[%dma_start3A] : memref<2048xf32, #tpu.memory_space<vmem>> -> memref<128xf32, #tpu.memory_space<vmem>>
        %dma_start3A_551 = tpu.memref_slice %arg12[%add3A_516] : memref<32768xf32, #tpu.memory_space<vmem_shared>> -> memref<128xf32, #tpu.memory_space<vmem_shared>>
        %dma_start3A_552 = arith.constant 1408 : i32
        %dma_start3A_553 = tpu.memref_slice %arg10[%dma_start3A_552] : memref<2048xf32, #tpu.memory_space<vmem>> -> memref<128xf32, #tpu.memory_space<vmem>>
        %dma_start3A_554 = tpu.memref_slice %arg12[%add3A_516] : memref<32768xf32, #tpu.memory_space<vmem_shared>> -> memref<128xf32, #tpu.memory_space<vmem_shared>>
        tpu.enqueue_dma source(%dma_start3A_554 : memref<128xf32, #tpu.memory_space<vmem_shared>>) target(%dma_start3A_553 : memref<128xf32, #tpu.memory_space<vmem>>) target_semaphore(%run_scoped3A : memref<!tpu.dma_semaphore, #tpu.memory_space<semaphore_mem>>)
        %dma_wait3A = arith.constant 1408 : i32
        %dma_wait3A_555 = tpu.memref_slice %arg10[%dma_wait3A] : memref<2048xf32, #tpu.memory_space<vmem>> -> memref<128xf32, #tpu.memory_space<vmem>>
        %dma_wait3A_556 = tpu.memref_slice %arg12[%add3A_516] : memref<32768xf32, #tpu.memory_space<vmem_shared>> -> memref<128xf32, #tpu.memory_space<vmem_shared>>
        %dma_wait3A_557 = arith.constant 1408 : i32
        %dma_wait3A_558 = tpu.memref_slice %arg10[%dma_wait3A_557] : memref<2048xf32, #tpu.memory_space<vmem>> -> memref<128xf32, #tpu.memory_space<vmem>>
        %dma_wait3A_559 = tpu.memref_slice %arg12[%add3A_516] : memref<32768xf32, #tpu.memory_space<vmem_shared>> -> memref<128xf32, #tpu.memory_space<vmem_shared>>
        tpu.wait_dma2 semaphore(%run_scoped3A : memref<!tpu.dma_semaphore, #tpu.memory_space<semaphore_mem>>) src(%dma_wait3A_559 : memref<128xf32, #tpu.memory_space<vmem_shared>>) dst(%dma_wait3A_558 : memref<128xf32, #tpu.memory_space<vmem>>)
        tpu.yield
      }) : () -> ()
      %mul3A_517 = arith.constant 128 : i32
      %mul3A_518 = arith.muli %arg1, %mul3A_517 : i32
      %add3A_519 = arith.constant 24576 : i32
      %add3A_520 = arith.addi %add3A_519, %mul3A_518 : i32
      "tpu.region"() ({
        %run_scoped3A = tpu.sem_alloc : memref<!tpu.dma_semaphore, #tpu.memory_space<semaphore_mem>>
        %dma_start3A = arith.constant 1536 : i32
        %dma_start3A_550 = tpu.memref_slice %arg10[%dma_start3A] : memref<2048xf32, #tpu.memory_space<vmem>> -> memref<128xf32, #tpu.memory_space<vmem>>
        %dma_start3A_551 = tpu.memref_slice %arg12[%add3A_520] : memref<32768xf32, #tpu.memory_space<vmem_shared>> -> memref<128xf32, #tpu.memory_space<vmem_shared>>
        %dma_start3A_552 = arith.constant 1536 : i32
        %dma_start3A_553 = tpu.memref_slice %arg10[%dma_start3A_552] : memref<2048xf32, #tpu.memory_space<vmem>> -> memref<128xf32, #tpu.memory_space<vmem>>
        %dma_start3A_554 = tpu.memref_slice %arg12[%add3A_520] : memref<32768xf32, #tpu.memory_space<vmem_shared>> -> memref<128xf32, #tpu.memory_space<vmem_shared>>
        tpu.enqueue_dma source(%dma_start3A_554 : memref<128xf32, #tpu.memory_space<vmem_shared>>) target(%dma_start3A_553 : memref<128xf32, #tpu.memory_space<vmem>>) target_semaphore(%run_scoped3A : memref<!tpu.dma_semaphore, #tpu.memory_space<semaphore_mem>>)
        %dma_wait3A = arith.constant 1536 : i32
        %dma_wait3A_555 = tpu.memref_slice %arg10[%dma_wait3A] : memref<2048xf32, #tpu.memory_space<vmem>> -> memref<128xf32, #tpu.memory_space<vmem>>
        %dma_wait3A_556 = tpu.memref_slice %arg12[%add3A_520] : memref<32768xf32, #tpu.memory_space<vmem_shared>> -> memref<128xf32, #tpu.memory_space<vmem_shared>>
        %dma_wait3A_557 = arith.constant 1536 : i32
        %dma_wait3A_558 = tpu.memref_slice %arg10[%dma_wait3A_557] : memref<2048xf32, #tpu.memory_space<vmem>> -> memref<128xf32, #tpu.memory_space<vmem>>
        %dma_wait3A_559 = tpu.memref_slice %arg12[%add3A_520] : memref<32768xf32, #tpu.memory_space<vmem_shared>> -> memref<128xf32, #tpu.memory_space<vmem_shared>>
        tpu.wait_dma2 semaphore(%run_scoped3A : memref<!tpu.dma_semaphore, #tpu.memory_space<semaphore_mem>>) src(%dma_wait3A_559 : memref<128xf32, #tpu.memory_space<vmem_shared>>) dst(%dma_wait3A_558 : memref<128xf32, #tpu.memory_space<vmem>>)
        tpu.yield
      }) : () -> ()
      %mul3A_521 = arith.constant 128 : i32
      %mul3A_522 = arith.muli %arg1, %mul3A_521 : i32
      %add3A_523 = arith.constant 26624 : i32
      %add3A_524 = arith.addi %add3A_523, %mul3A_522 : i32
      "tpu.region"() ({
        %run_scoped3A = tpu.sem_alloc : memref<!tpu.dma_semaphore, #tpu.memory_space<semaphore_mem>>
        %dma_start3A = arith.constant 1664 : i32
        %dma_start3A_550 = tpu.memref_slice %arg10[%dma_start3A] : memref<2048xf32, #tpu.memory_space<vmem>> -> memref<128xf32, #tpu.memory_space<vmem>>
        %dma_start3A_551 = tpu.memref_slice %arg12[%add3A_524] : memref<32768xf32, #tpu.memory_space<vmem_shared>> -> memref<128xf32, #tpu.memory_space<vmem_shared>>
        %dma_start3A_552 = arith.constant 1664 : i32
        %dma_start3A_553 = tpu.memref_slice %arg10[%dma_start3A_552] : memref<2048xf32, #tpu.memory_space<vmem>> -> memref<128xf32, #tpu.memory_space<vmem>>
        %dma_start3A_554 = tpu.memref_slice %arg12[%add3A_524] : memref<32768xf32, #tpu.memory_space<vmem_shared>> -> memref<128xf32, #tpu.memory_space<vmem_shared>>
        tpu.enqueue_dma source(%dma_start3A_554 : memref<128xf32, #tpu.memory_space<vmem_shared>>) target(%dma_start3A_553 : memref<128xf32, #tpu.memory_space<vmem>>) target_semaphore(%run_scoped3A : memref<!tpu.dma_semaphore, #tpu.memory_space<semaphore_mem>>)
        %dma_wait3A = arith.constant 1664 : i32
        %dma_wait3A_555 = tpu.memref_slice %arg10[%dma_wait3A] : memref<2048xf32, #tpu.memory_space<vmem>> -> memref<128xf32, #tpu.memory_space<vmem>>
        %dma_wait3A_556 = tpu.memref_slice %arg12[%add3A_524] : memref<32768xf32, #tpu.memory_space<vmem_shared>> -> memref<128xf32, #tpu.memory_space<vmem_shared>>
        %dma_wait3A_557 = arith.constant 1664 : i32
        %dma_wait3A_558 = tpu.memref_slice %arg10[%dma_wait3A_557] : memref<2048xf32, #tpu.memory_space<vmem>> -> memref<128xf32, #tpu.memory_space<vmem>>
        %dma_wait3A_559 = tpu.memref_slice %arg12[%add3A_524] : memref<32768xf32, #tpu.memory_space<vmem_shared>> -> memref<128xf32, #tpu.memory_space<vmem_shared>>
        tpu.wait_dma2 semaphore(%run_scoped3A : memref<!tpu.dma_semaphore, #tpu.memory_space<semaphore_mem>>) src(%dma_wait3A_559 : memref<128xf32, #tpu.memory_space<vmem_shared>>) dst(%dma_wait3A_558 : memref<128xf32, #tpu.memory_space<vmem>>)
        tpu.yield
      }) : () -> ()
      %mul3A_525 = arith.constant 128 : i32
      %mul3A_526 = arith.muli %arg1, %mul3A_525 : i32
      %add3A_527 = arith.constant 28672 : i32
      %add3A_528 = arith.addi %add3A_527, %mul3A_526 : i32
      "tpu.region"() ({
        %run_scoped3A = tpu.sem_alloc : memref<!tpu.dma_semaphore, #tpu.memory_space<semaphore_mem>>
        %dma_start3A = arith.constant 1792 : i32
        %dma_start3A_550 = tpu.memref_slice %arg10[%dma_start3A] : memref<2048xf32, #tpu.memory_space<vmem>> -> memref<128xf32, #tpu.memory_space<vmem>>
        %dma_start3A_551 = tpu.memref_slice %arg12[%add3A_528] : memref<32768xf32, #tpu.memory_space<vmem_shared>> -> memref<128xf32, #tpu.memory_space<vmem_shared>>
        %dma_start3A_552 = arith.constant 1792 : i32
        %dma_start3A_553 = tpu.memref_slice %arg10[%dma_start3A_552] : memref<2048xf32, #tpu.memory_space<vmem>> -> memref<128xf32, #tpu.memory_space<vmem>>
        %dma_start3A_554 = tpu.memref_slice %arg12[%add3A_528] : memref<32768xf32, #tpu.memory_space<vmem_shared>> -> memref<128xf32, #tpu.memory_space<vmem_shared>>
        tpu.enqueue_dma source(%dma_start3A_554 : memref<128xf32, #tpu.memory_space<vmem_shared>>) target(%dma_start3A_553 : memref<128xf32, #tpu.memory_space<vmem>>) target_semaphore(%run_scoped3A : memref<!tpu.dma_semaphore, #tpu.memory_space<semaphore_mem>>)
        %dma_wait3A = arith.constant 1792 : i32
        %dma_wait3A_555 = tpu.memref_slice %arg10[%dma_wait3A] : memref<2048xf32, #tpu.memory_space<vmem>> -> memref<128xf32, #tpu.memory_space<vmem>>
        %dma_wait3A_556 = tpu.memref_slice %arg12[%add3A_528] : memref<32768xf32, #tpu.memory_space<vmem_shared>> -> memref<128xf32, #tpu.memory_space<vmem_shared>>
        %dma_wait3A_557 = arith.constant 1792 : i32
        %dma_wait3A_558 = tpu.memref_slice %arg10[%dma_wait3A_557] : memref<2048xf32, #tpu.memory_space<vmem>> -> memref<128xf32, #tpu.memory_space<vmem>>
        %dma_wait3A_559 = tpu.memref_slice %arg12[%add3A_528] : memref<32768xf32, #tpu.memory_space<vmem_shared>> -> memref<128xf32, #tpu.memory_space<vmem_shared>>
        tpu.wait_dma2 semaphore(%run_scoped3A : memref<!tpu.dma_semaphore, #tpu.memory_space<semaphore_mem>>) src(%dma_wait3A_559 : memref<128xf32, #tpu.memory_space<vmem_shared>>) dst(%dma_wait3A_558 : memref<128xf32, #tpu.memory_space<vmem>>)
        tpu.yield
      }) : () -> ()
      %mul3A_529 = arith.constant 128 : i32
      %mul3A_530 = arith.muli %arg1, %mul3A_529 : i32
      %add3A_531 = arith.constant 30720 : i32
      %add3A_532 = arith.addi %add3A_531, %mul3A_530 : i32
      "tpu.region"() ({
        %run_scoped3A = tpu.sem_alloc : memref<!tpu.dma_semaphore, #tpu.memory_space<semaphore_mem>>
        %dma_start3A = arith.constant 1920 : i32
        %dma_start3A_550 = tpu.memref_slice %arg10[%dma_start3A] : memref<2048xf32, #tpu.memory_space<vmem>> -> memref<128xf32, #tpu.memory_space<vmem>>
        %dma_start3A_551 = tpu.memref_slice %arg12[%add3A_532] : memref<32768xf32, #tpu.memory_space<vmem_shared>> -> memref<128xf32, #tpu.memory_space<vmem_shared>>
        %dma_start3A_552 = arith.constant 1920 : i32
        %dma_start3A_553 = tpu.memref_slice %arg10[%dma_start3A_552] : memref<2048xf32, #tpu.memory_space<vmem>> -> memref<128xf32, #tpu.memory_space<vmem>>
        %dma_start3A_554 = tpu.memref_slice %arg12[%add3A_532] : memref<32768xf32, #tpu.memory_space<vmem_shared>> -> memref<128xf32, #tpu.memory_space<vmem_shared>>
        tpu.enqueue_dma source(%dma_start3A_554 : memref<128xf32, #tpu.memory_space<vmem_shared>>) target(%dma_start3A_553 : memref<128xf32, #tpu.memory_space<vmem>>) target_semaphore(%run_scoped3A : memref<!tpu.dma_semaphore, #tpu.memory_space<semaphore_mem>>)
        %dma_wait3A = arith.constant 1920 : i32
        %dma_wait3A_555 = tpu.memref_slice %arg10[%dma_wait3A] : memref<2048xf32, #tpu.memory_space<vmem>> -> memref<128xf32, #tpu.memory_space<vmem>>
        %dma_wait3A_556 = tpu.memref_slice %arg12[%add3A_532] : memref<32768xf32, #tpu.memory_space<vmem_shared>> -> memref<128xf32, #tpu.memory_space<vmem_shared>>
        %dma_wait3A_557 = arith.constant 1920 : i32
        %dma_wait3A_558 = tpu.memref_slice %arg10[%dma_wait3A_557] : memref<2048xf32, #tpu.memory_space<vmem>> -> memref<128xf32, #tpu.memory_space<vmem>>
        %dma_wait3A_559 = tpu.memref_slice %arg12[%add3A_532] : memref<32768xf32, #tpu.memory_space<vmem_shared>> -> memref<128xf32, #tpu.memory_space<vmem_shared>>
        tpu.wait_dma2 semaphore(%run_scoped3A : memref<!tpu.dma_semaphore, #tpu.memory_space<semaphore_mem>>) src(%dma_wait3A_559 : memref<128xf32, #tpu.memory_space<vmem_shared>>) dst(%dma_wait3A_558 : memref<128xf32, #tpu.memory_space<vmem>>)
        tpu.yield
      }) : () -> ()
      %broadcast_in_dim3A_533 = arith.constant 0 : i32
      %broadcast_in_dim3A_534 = vector.broadcast %broadcast_in_dim3A_533 : i32 to vector<16xi32>
      %scan3A_535 = arith.constant 0 : i32
      %scan3A_536 = arith.constant 8 : i32
      %scan3A_537 = arith.addi %scan3A_535, %scan3A_536 : i32
      %scan3A_538 = arith.constant 1 : i32
      scf.for %scan3A_550 = %scan3A_535 to %scan3A_537 step %scan3A_538  : i32 {
        %mul3A_551 = arith.constant 16 : i32
        %mul3A_552 = arith.muli %scan3A_550, %mul3A_551 : i32
        %add3A_553 = arith.constant 0 : i32
        %add3A_554 = arith.addi %add3A_553, %mul3A_552 : i32
        %get3A = arith.index_cast %add3A_554 : i32 to index
        %get3A_555 = tpu.vector_load %arg10[%get3A] {strides = array<i32>} : memref<2048xf32, #tpu.memory_space<vmem>>, vector<16xf32>,
        %add3A_556 = arith.addf %broadcast_in_dim3A_458, %get3A_555 : vector<16xf32>
        %mul3A_557 = arith.constant 16 : i32
        %mul3A_558 = arith.muli %scan3A_550, %mul3A_557 : i32
        %add3A_559 = arith.constant 128 : i32
        %add3A_560 = arith.addi %add3A_559, %mul3A_558 : i32
        %get3A_561 = arith.index_cast %add3A_560 : i32 to index
        %get3A_562 = tpu.vector_load %arg10[%get3A_561] {strides = array<i32>} : memref<2048xf32, #tpu.memory_space<vmem>>, vector<16xf32>,
        %add3A_563 = arith.addf %add3A_556, %get3A_562 : vector<16xf32>
        %mul3A_564 = arith.constant 16 : i32
        %mul3A_565 = arith.muli %scan3A_550, %mul3A_564 : i32
        %add3A_566 = arith.constant 256 : i32
        %add3A_567 = arith.addi %add3A_566, %mul3A_565 : i32
        %get3A_568 = arith.index_cast %add3A_567 : i32 to index
        %get3A_569 = tpu.vector_load %arg10[%get3A_568] {strides = array<i32>} : memref<2048xf32, #tpu.memory_space<vmem>>, vector<16xf32>,
        %add3A_570 = arith.addf %add3A_563, %get3A_569 : vector<16xf32>
        %mul3A_571 = arith.constant 16 : i32
        %mul3A_572 = arith.muli %scan3A_550, %mul3A_571 : i32
        %add3A_573 = arith.constant 384 : i32
        %add3A_574 = arith.addi %add3A_573, %mul3A_572 : i32
        %get3A_575 = arith.index_cast %add3A_574 : i32 to index
        %get3A_576 = tpu.vector_load %arg10[%get3A_575] {strides = array<i32>} : memref<2048xf32, #tpu.memory_space<vmem>>, vector<16xf32>,
        %add3A_577 = arith.addf %add3A_570, %get3A_576 : vector<16xf32>
        %mul3A_578 = arith.constant 16 : i32
        %mul3A_579 = arith.muli %scan3A_550, %mul3A_578 : i32
        %add3A_580 = arith.constant 512 : i32
        %add3A_581 = arith.addi %add3A_580, %mul3A_579 : i32
        %get3A_582 = arith.index_cast %add3A_581 : i32 to index
        %get3A_583 = tpu.vector_load %arg10[%get3A_582] {strides = array<i32>} : memref<2048xf32, #tpu.memory_space<vmem>>, vector<16xf32>,
        %add3A_584 = arith.addf %add3A_577, %get3A_583 : vector<16xf32>
        %mul3A_585 = arith.constant 16 : i32
        %mul3A_586 = arith.muli %scan3A_550, %mul3A_585 : i32
        %add3A_587 = arith.constant 640 : i32
        %add3A_588 = arith.addi %add3A_587, %mul3A_586 : i32
        %get3A_589 = arith.index_cast %add3A_588 : i32 to index
        %get3A_590 = tpu.vector_load %arg10[%get3A_589] {strides = array<i32>} : memref<2048xf32, #tpu.memory_space<vmem>>, vector<16xf32>,
        %add3A_591 = arith.addf %add3A_584, %get3A_590 : vector<16xf32>
        %mul3A_592 = arith.constant 16 : i32
        %mul3A_593 = arith.muli %scan3A_550, %mul3A_592 : i32
        %add3A_594 = arith.constant 768 : i32
        %add3A_595 = arith.addi %add3A_594, %mul3A_593 : i32
        %get3A_596 = arith.index_cast %add3A_595 : i32 to index
        %get3A_597 = tpu.vector_load %arg10[%get3A_596] {strides = array<i32>} : memref<2048xf32, #tpu.memory_space<vmem>>, vector<16xf32>,
        %add3A_598 = arith.addf %add3A_591, %get3A_597 : vector<16xf32>
        %mul3A_599 = arith.constant 16 : i32
        %mul3A_600 = arith.muli %scan3A_550, %mul3A_599 : i32
        %add3A_601 = arith.constant 896 : i32
        %add3A_602 = arith.addi %add3A_601, %mul3A_600 : i32
        %get3A_603 = arith.index_cast %add3A_602 : i32 to index
        %get3A_604 = tpu.vector_load %arg10[%get3A_603] {strides = array<i32>} : memref<2048xf32, #tpu.memory_space<vmem>>, vector<16xf32>,
        %add3A_605 = arith.addf %add3A_598, %get3A_604 : vector<16xf32>
        %mul3A_606 = arith.constant 16 : i32
        %mul3A_607 = arith.muli %scan3A_550, %mul3A_606 : i32
        %add3A_608 = arith.constant 1024 : i32
        %add3A_609 = arith.addi %add3A_608, %mul3A_607 : i32
        %get3A_610 = arith.index_cast %add3A_609 : i32 to index
        %get3A_611 = tpu.vector_load %arg10[%get3A_610] {strides = array<i32>} : memref<2048xf32, #tpu.memory_space<vmem>>, vector<16xf32>,
        %add3A_612 = arith.addf %add3A_605, %get3A_611 : vector<16xf32>
        %mul3A_613 = arith.constant 16 : i32
        %mul3A_614 = arith.muli %scan3A_550, %mul3A_613 : i32
        %add3A_615 = arith.constant 1152 : i32
        %add3A_616 = arith.addi %add3A_615, %mul3A_614 : i32
        %get3A_617 = arith.index_cast %add3A_616 : i32 to index
        %get3A_618 = tpu.vector_load %arg10[%get3A_617] {strides = array<i32>} : memref<2048xf32, #tpu.memory_space<vmem>>, vector<16xf32>,
        %add3A_619 = arith.addf %add3A_612, %get3A_618 : vector<16xf32>
        %mul3A_620 = arith.constant 16 : i32
        %mul3A_621 = arith.muli %scan3A_550, %mul3A_620 : i32
        %add3A_622 = arith.constant 1280 : i32
        %add3A_623 = arith.addi %add3A_622, %mul3A_621 : i32
        %get3A_624 = arith.index_cast %add3A_623 : i32 to index
        %get3A_625 = tpu.vector_load %arg10[%get3A_624] {strides = array<i32>} : memref<2048xf32, #tpu.memory_space<vmem>>, vector<16xf32>,
        %add3A_626 = arith.addf %add3A_619, %get3A_625 : vector<16xf32>
        %mul3A_627 = arith.constant 16 : i32
        %mul3A_628 = arith.muli %scan3A_550, %mul3A_627 : i32
        %add3A_629 = arith.constant 1408 : i32
        %add3A_630 = arith.addi %add3A_629, %mul3A_628 : i32
        %get3A_631 = arith.index_cast %add3A_630 : i32 to index
        %get3A_632 = tpu.vector_load %arg10[%get3A_631] {strides = array<i32>} : memref<2048xf32, #tpu.memory_space<vmem>>, vector<16xf32>,
        %add3A_633 = arith.addf %add3A_626, %get3A_632 : vector<16xf32>
        %mul3A_634 = arith.constant 16 : i32
        %mul3A_635 = arith.muli %scan3A_550, %mul3A_634 : i32
        %add3A_636 = arith.constant 1536 : i32
        %add3A_637 = arith.addi %add3A_636, %mul3A_635 : i32
        %get3A_638 = arith.index_cast %add3A_637 : i32 to index
        %get3A_639 = tpu.vector_load %arg10[%get3A_638] {strides = array<i32>} : memref<2048xf32, #tpu.memory_space<vmem>>, vector<16xf32>,
        %add3A_640 = arith.addf %add3A_633, %get3A_639 : vector<16xf32>
        %mul3A_641 = arith.constant 16 : i32
        %mul3A_642 = arith.muli %scan3A_550, %mul3A_641 : i32
        %add3A_643 = arith.constant 1664 : i32
        %add3A_644 = arith.addi %add3A_643, %mul3A_642 : i32
        %get3A_645 = arith.index_cast %add3A_644 : i32 to index
        %get3A_646 = tpu.vector_load %arg10[%get3A_645] {strides = array<i32>} : memref<2048xf32, #tpu.memory_space<vmem>>, vector<16xf32>,
        %add3A_647 = arith.addf %add3A_640, %get3A_646 : vector<16xf32>
        %mul3A_648 = arith.constant 16 : i32
        %mul3A_649 = arith.muli %scan3A_550, %mul3A_648 : i32
        %add3A_650 = arith.constant 1792 : i32
        %add3A_651 = arith.addi %add3A_650, %mul3A_649 : i32
        %get3A_652 = arith.index_cast %add3A_651 : i32 to index
        %get3A_653 = tpu.vector_load %arg10[%get3A_652] {strides = array<i32>} : memref<2048xf32, #tpu.memory_space<vmem>>, vector<16xf32>,
        %add3A_654 = arith.addf %add3A_647, %get3A_653 : vector<16xf32>
        %mul3A_655 = arith.constant 16 : i32
        %mul3A_656 = arith.muli %scan3A_550, %mul3A_655 : i32
        %add3A_657 = arith.constant 1920 : i32
        %add3A_658 = arith.addi %add3A_657, %mul3A_656 : i32
        %get3A_659 = arith.index_cast %add3A_658 : i32 to index
        %get3A_660 = tpu.vector_load %arg10[%get3A_659] {strides = array<i32>} : memref<2048xf32, #tpu.memory_space<vmem>>, vector<16xf32>,
        %add3A_661 = arith.addf %add3A_654, %get3A_660 : vector<16xf32>
        %mul3A_662 = arith.constant 16 : i32
        %mul3A_663 = arith.muli %scan3A_550, %mul3A_662 : i32
        %swap3A = arith.index_cast %mul3A_663 : i32 to index
        %swap3A_664 = tpu.vector_load %arg11[%swap3A] {strides = array<i32>} : memref<128xf32, #tpu.memory_space<vmem>>, vector<16xf32>,
        tpu.vector_store %arg11[%swap3A], %add3A_661 {strides = array<i32>} : memref<128xf32, #tpu.memory_space<vmem>>, vector<16xf32>,
      }
      %scan3A_539 = arith.constant 8 : i32
      %mul3A_540 = arith.constant 128 : i32
      %mul3A_541 = arith.muli %arg1, %mul3A_540 : i32
      "tpu.region"() ({
        %run_scoped3A = tpu.sem_alloc : memref<!tpu.dma_semaphore, #tpu.memory_space<semaphore_mem>>
        %dma_start3A = tpu.memref_slice %arg13[%mul3A_541] : memref<2048xf32, #tpu.memory_space<vmem_shared>> -> memref<128xf32, #tpu.memory_space<vmem_shared>>
        %dma_start3A_550 = tpu.memref_slice %arg13[%mul3A_541] : memref<2048xf32, #tpu.memory_space<vmem_shared>> -> memref<128xf32, #tpu.memory_space<vmem_shared>>
        tpu.enqueue_dma source(%arg11 : memref<128xf32, #tpu.memory_space<vmem>>) target(%dma_start3A_550 : memref<128xf32, #tpu.memory_space<vmem_shared>>) target_semaphore(%run_scoped3A : memref<!tpu.dma_semaphore, #tpu.memory_space<semaphore_mem>>)
        %dma_wait3A = tpu.memref_slice %arg13[%mul3A_541] : memref<2048xf32, #tpu.memory_space<vmem_shared>> -> memref<128xf32, #tpu.memory_space<vmem_shared>>
        %dma_wait3A_551 = tpu.memref_slice %arg13[%mul3A_541] : memref<2048xf32, #tpu.memory_space<vmem_shared>> -> memref<128xf32, #tpu.memory_space<vmem_shared>>
        tpu.wait_dma2 semaphore(%run_scoped3A : memref<!tpu.dma_semaphore, #tpu.memory_space<semaphore_mem>>) src(%arg11 : memref<128xf32, #tpu.memory_space<vmem>>) dst(%dma_wait3A_551 : memref<128xf32, #tpu.memory_space<vmem_shared>>)
        tpu.yield
      }) : () -> ()
      %barrier3A_542 = arith.constant 0 : index
      tpu.barrier barrier_id(%barrier3A_542)
      "tpu.region"() ({
        %run_scoped3A = tpu.sem_alloc : memref<!tpu.dma_semaphore, #tpu.memory_space<semaphore_mem>>
        tpu.enqueue_dma source(%arg13 : memref<2048xf32, #tpu.memory_space<vmem_shared>>) target(%arg9 : memref<2048xf32, #tpu.memory_space<vmem>>) target_semaphore(%run_scoped3A : memref<!tpu.dma_semaphore, #tpu.memory_space<semaphore_mem>>)
        tpu.wait_dma2 semaphore(%run_scoped3A : memref<!tpu.dma_semaphore, #tpu.memory_space<semaphore_mem>>) src(%arg13 : memref<2048xf32, #tpu.memory_space<vmem_shared>>) dst(%arg9 : memref<2048xf32, #tpu.memory_space<vmem>>)
        tpu.yield
      }) : () -> ()
      %broadcast_in_dim3A_543 = arith.constant 0 : i32
      %broadcast_in_dim3A_544 = vector.broadcast %broadcast_in_dim3A_543 : i32 to vector<16xi32>
      %scan3A_545 = arith.constant 0 : i32
      %scan3A_546 = arith.constant 128 : i32
      %scan3A_547 = arith.addi %scan3A_545, %scan3A_546 : i32
      %scan3A_548 = arith.constant 1 : i32
      scf.for %scan3A_550 = %scan3A_545 to %scan3A_547 step %scan3A_548  : i32 {
        %mul3A_551 = arith.constant 16 : i32
        %mul3A_552 = arith.muli %scan3A_550, %mul3A_551 : i32
        %get3A = arith.index_cast %mul3A_552 : i32 to index
        %get3A_553 = tpu.vector_load %arg8[%get3A] {strides = array<i32>} : memref<2048xf32, #tpu.memory_space<vmem>>, vector<16xf32>,
        %mul3A_554 = arith.constant 16 : i32
        %mul3A_555 = arith.muli %scan3A_550, %mul3A_554 : i32
        %get3A_556 = arith.index_cast %mul3A_555 : i32 to index
        %get3A_557 = tpu.vector_load %arg9[%get3A_556] {strides = array<i32>} : memref<2048xf32, #tpu.memory_space<vmem>>, vector<16xf32>,
        %div3A = arith.divf %get3A_553, %get3A_557 : vector<16xf32>
        %mul3A_558 = arith.constant 16 : i32
        %mul3A_559 = arith.muli %scan3A_550, %mul3A_558 : i32
        %swap3A = arith.index_cast %mul3A_559 : i32 to index
        %swap3A_560 = tpu.vector_load %arg8[%swap3A] {strides = array<i32>} : memref<2048xf32, #tpu.memory_space<vmem>>, vector<16xf32>,
        tpu.vector_store %arg8[%swap3A], %div3A {strides = array<i32>} : memref<2048xf32, #tpu.memory_space<vmem>>, vector<16xf32>,
      }
      %scan3A_549 = arith.constant 128 : i32
      "tpu.region"() ({
        %run_scoped3A = tpu.sem_alloc : memref<!tpu.dma_semaphore, #tpu.memory_space<semaphore_mem>>
        %dma_start3A = arith.constant 0 : i32
        %dma_start3A_550 = tpu.memref_slice %arg4[%arg1, %dma_start3A] : memref<16x2048xf32, #tpu.memory_space<hbm>> -> memref<1x2048xf32, #tpu.memory_space<hbm>>
        %dma_start3A_551 = tpu.memref_squeeze %dma_start3A_550 : memref<1x2048xf32, #tpu.memory_space<hbm>> -> memref<2048xf32, #tpu.memory_space<hbm>>
        %dma_start3A_552 = arith.constant 0 : i32
        %dma_start3A_553 = tpu.memref_slice %arg4[%arg1, %dma_start3A_552] : memref<16x2048xf32, #tpu.memory_space<hbm>> -> memref<1x2048xf32, #tpu.memory_space<hbm>>
        %dma_start3A_554 = tpu.memref_squeeze %dma_start3A_553 : memref<1x2048xf32, #tpu.memory_space<hbm>> -> memref<2048xf32, #tpu.memory_space<hbm>>
        tpu.enqueue_dma source(%arg8 : memref<2048xf32, #tpu.memory_space<vmem>>) target(%dma_start3A_554 : memref<2048xf32, #tpu.memory_space<hbm>>) target_semaphore(%run_scoped3A : memref<!tpu.dma_semaphore, #tpu.memory_space<semaphore_mem>>)
        %dma_wait3A = arith.constant 0 : i32
        %dma_wait3A_555 = tpu.memref_slice %arg4[%arg1, %dma_wait3A] : memref<16x2048xf32, #tpu.memory_space<hbm>> -> memref<1x2048xf32, #tpu.memory_space<hbm>>
        %dma_wait3A_556 = tpu.memref_squeeze %dma_wait3A_555 : memref<1x2048xf32, #tpu.memory_space<hbm>> -> memref<2048xf32, #tpu.memory_space<hbm>>
        %dma_wait3A_557 = arith.constant 0 : i32
        %dma_wait3A_558 = tpu.memref_slice %arg4[%arg1, %dma_wait3A_557] : memref<16x2048xf32, #tpu.memory_space<hbm>> -> memref<1x2048xf32, #tpu.memory_space<hbm>>
        %dma_wait3A_559 = tpu.memref_squeeze %dma_wait3A_558 : memref<1x2048xf32, #tpu.memory_space<hbm>> -> memref<2048xf32, #tpu.memory_space<hbm>>
        tpu.wait_dma2 semaphore(%run_scoped3A : memref<!tpu.dma_semaphore, #tpu.memory_space<semaphore_mem>>) src(%arg8 : memref<2048xf32, #tpu.memory_space<vmem>>) dst(%dma_wait3A_559 : memref<2048xf32, #tpu.memory_space<hbm>>)
        tpu.yield
      }) : () -> ()
    } else {
    }
    return
  }
}

module attributes {stable_mosaic.version = 14 : i64} {
  func.func @_scores_body(%arg0: i32, %arg1: i32, %arg2: memref<1x1024x1024xf32, #tpu.memory_space<vmem>>, %arg3: memref<1024x1024xbf16, #tpu.memory_space<vmem>>, %arg4: memref<16x1024xf32, #tpu.memory_space<vmem>>, %arg5: memref<1024x1024xbf16, #tpu.memory_space<vmem>>, %arg6: memref<1x1024xf32, #tpu.memory_space<vmem>>, %arg7: memref<16x2048xf32, #tpu.memory_space<vmem>>, %arg8: memref<2048x2048xbf16, #tpu.memory_space<vmem>>, %arg9: memref<1024x128xbf16, #tpu.memory_space<vmem>>, %arg10: memref<1x1024xf32, #tpu.memory_space<vmem>>, %arg11: memref<1x1xf32, #tpu.memory_space<vmem>>, %arg12: memref<16x1024xf32, #tpu.memory_space<vmem>>, %arg13: memref<16x1024xf32, #tpu.memory_space<vmem>>, %arg14: memref<16x2048xf32, #tpu.memory_space<vmem>>) attributes {dimension_semantics = [#tpu.dimension_semantics<arbitrary>, #tpu.dimension_semantics<arbitrary>], iteration_bounds = array<i64: 2, 16>, scalar_prefetch = 0 : i64, scratch_operands = 2 : i64, tpu.core_type = #tpu.core_type<tc>, window_params = [{transform_indices = @transform_0, window_bounds = array<i64: 1, 1024, 1024>}, {pipeline_mode = #tpu.pipeline_mode<synchronous>, transform_indices = @transform_1, window_bounds = array<i64: 1024, 1024>}, {pipeline_mode = #tpu.pipeline_mode<synchronous>, transform_indices = @transform_2, window_bounds = array<i64: 16, 1024>}, {pipeline_mode = #tpu.pipeline_mode<synchronous>, transform_indices = @transform_3, window_bounds = array<i64: 1024, 1024>}, {pipeline_mode = #tpu.pipeline_mode<synchronous>, transform_indices = @transform_4, window_bounds = array<i64: 1, 1024>}, {pipeline_mode = #tpu.pipeline_mode<synchronous>, transform_indices = @transform_5, window_bounds = array<i64: 16, 2048>}, {pipeline_mode = #tpu.pipeline_mode<synchronous>, transform_indices = @transform_6, window_bounds = array<i64: 2048, 2048>}, {pipeline_mode = #tpu.pipeline_mode<synchronous>, transform_indices = @transform_7, window_bounds = array<i64: 1024, 128>}, {pipeline_mode = #tpu.pipeline_mode<synchronous>, transform_indices = @transform_8, window_bounds = array<i64: 1, 1024>}, {pipeline_mode = #tpu.pipeline_mode<synchronous>, transform_indices = @transform_9, window_bounds = array<i64: 1, 1>}, {transform_indices = @transform_10, window_bounds = array<i64: 16, 1024>}]} {
    %eq3A = arith.constant 0 : i32
    %eq3A_0 = arith.cmpi eq, %arg0, %eq3A : i32
    %eq3A_1 = arith.constant 0 : i32
    %eq3A_2 = arith.cmpi eq, %arg1, %eq3A_1 : i32
    %and3A = arith.andi %eq3A_0, %eq3A_2 : i1
    %convert_element_type3A = arith.extui %and3A : i1 to i32
    %cond3A = arith.constant 0 : i32
    %cond3A_3 = arith.cmpi ne, %convert_element_type3A, %cond3A : i32
    scf.if %cond3A_3 {
      %get3A_42 = arith.constant 0 : index
      %get3A_43 = arith.constant 0 : index
      %get3A_44 = vector.load %arg4[%get3A_42, %get3A_43] : memref<16x1024xf32, #tpu.memory_space<vmem>>, vector<16x1024xf32>
      %convert_element_type3A_45 = arith.truncf %get3A_44 : vector<16x1024xf32> to vector<16x1024xbf16>
      %get3A_46 = arith.constant 0 : index
      %get3A_47 = arith.constant 0 : index
      %get3A_48 = vector.load %arg5[%get3A_46, %get3A_47] : memref<1024x1024xbf16, #tpu.memory_space<vmem>>, vector<1024x1024xbf16>
      %dot_general3A_49 = arith.constant dense<0.000000e+00> : vector<16x1024xf32>
      %dot_general3A_50 = tpu.matmul %convert_element_type3A_45, %get3A_48, %dot_general3A_49 {dimension_numbers = #tpu.dot_dimension_numbers<[1], [0], [0], [1], [0, 0, 1, 1], [], []>, transpose_lhs_hint = false} : vector<16x1024xbf16>, vector<1024x1024xbf16>, vector<16x1024xf32> -> vector<16x1024xf32>
      %get3A_51 = arith.constant 0 : index
      %get3A_52 = arith.constant 0 : index
      %get3A_53 = vector.load %arg6[%get3A_51, %get3A_52] : memref<1x1024xf32, #tpu.memory_space<vmem>>, vector<1x1024xf32>
      %add3A_54 = vector.broadcast %get3A_53 : vector<1x1024xf32> to vector<16x1024xf32>
      %add3A_55 = arith.addf %dot_general3A_50, %add3A_54 : vector<16x1024xf32>
      %swap3A_56 = arith.constant 0 : index
      %swap3A_57 = arith.constant 0 : index
      %swap3A_58 = vector.load %arg13[%swap3A_56, %swap3A_57] : memref<16x1024xf32, #tpu.memory_space<vmem>>, vector<16x1024xf32>
      tpu.vector_store %arg13[%swap3A_56, %swap3A_57], %add3A_55 {strides = array<i32>} : memref<16x1024xf32, #tpu.memory_space<vmem>>, vector<16x1024xf32>,
      %get3A_59 = arith.constant 0 : index
      %get3A_60 = arith.constant 0 : index
      %get3A_61 = vector.load %arg7[%get3A_59, %get3A_60] : memref<16x2048xf32, #tpu.memory_space<vmem>>, vector<16x2048xf32>
      %convert_element_type3A_62 = arith.truncf %get3A_61 : vector<16x2048xf32> to vector<16x2048xbf16>
      %get3A_63 = arith.constant 0 : index
      %get3A_64 = arith.constant 0 : index
      %get3A_65 = vector.load %arg8[%get3A_63, %get3A_64] : memref<2048x2048xbf16, #tpu.memory_space<vmem>>, vector<2048x2048xbf16>
      %dot_general3A_66 = arith.constant dense<0.000000e+00> : vector<16x2048xf32>
      %dot_general3A_67 = tpu.matmul %convert_element_type3A_62, %get3A_65, %dot_general3A_66 {dimension_numbers = #tpu.dot_dimension_numbers<[1], [0], [0], [1], [0, 0, 1, 1], [], []>, transpose_lhs_hint = false} : vector<16x2048xbf16>, vector<2048x2048xbf16>, vector<16x2048xf32> -> vector<16x2048xf32>
      %swap3A_68 = arith.constant 0 : index
      %swap3A_69 = arith.constant 0 : index
      %swap3A_70 = vector.load %arg14[%swap3A_68, %swap3A_69] : memref<16x2048xf32, #tpu.memory_space<vmem>>, vector<16x2048xf32>
      tpu.vector_store %arg14[%swap3A_68, %swap3A_69], %dot_general3A_67 {strides = array<i32>} : memref<16x2048xf32, #tpu.memory_space<vmem>>, vector<16x2048xf32>,
    } else {
    }
    %get3A = arith.constant 0 : index
    %get3A_4 = arith.constant 0 : index
    %get3A_5 = arith.constant 0 : index
    %get3A_6 = vector.load %arg2[%get3A, %get3A_4, %get3A_5] : memref<1x1024x1024xf32, #tpu.memory_space<vmem>>, vector<1x1024x1024xf32>
    %get3A_7 = vector.shape_cast %get3A_6 : vector<1x1024x1024xf32> to vector<1024x1024xf32>
    %convert_element_type3A_8 = arith.truncf %get3A_7 : vector<1024x1024xf32> to vector<1024x1024xbf16>
    %get3A_9 = arith.constant 0 : index
    %get3A_10 = arith.constant 0 : index
    %get3A_11 = vector.load %arg3[%get3A_9, %get3A_10] : memref<1024x1024xbf16, #tpu.memory_space<vmem>>, vector<1024x1024xbf16>
    %dot_general3A = arith.constant dense<0.000000e+00> : vector<1024x1024xf32>
    %dot_general3A_12 = tpu.matmul %convert_element_type3A_8, %get3A_11, %dot_general3A {dimension_numbers = #tpu.dot_dimension_numbers<[1], [0], [0], [1], [0, 0, 1, 1], [], []>, transpose_lhs_hint = false} : vector<1024x1024xbf16>, vector<1024x1024xbf16>, vector<1024x1024xf32> -> vector<1024x1024xf32>
    %get3A_13 = arith.index_cast %arg1 : i32 to index
    %get3A_14 = arith.constant 0 : index
    %get3A_15 = vector.load %arg13[%get3A_13, %get3A_14] : memref<16x1024xf32, #tpu.memory_space<vmem>>, vector<1x1024xf32>
    %mul3A = arith.constant 1024 : i32
    %mul3A_16 = arith.muli %arg0, %mul3A : i32
    %get3A_17 = arith.index_cast %arg1 : i32 to index
    %get3A_18 = arith.index_cast %mul3A_16 : i32 to index
    %get3A_19 = vector.load %arg14[%get3A_17, %get3A_18] : memref<16x2048xf32, #tpu.memory_space<vmem>>, vector<1x1024xf32>
    %add3A = vector.broadcast %get3A_15 : vector<1x1024xf32> to vector<1024x1024xf32>
    %add3A_20 = arith.addf %dot_general3A_12, %add3A : vector<1024x1024xf32>
    %reshape3A = vector.shape_cast %get3A_19 : vector<1x1024xf32> to vector<1024x1xf32>
    %get3A_21 = arith.constant 0 : index
    %get3A_22 = arith.constant 0 : index
    %get3A_23 = vector.load %arg10[%get3A_21, %get3A_22] : memref<1x1024xf32, #tpu.memory_space<vmem>>, vector<1x1024xf32>
    %mul3A_24 = vector.broadcast %reshape3A : vector<1024x1xf32> to vector<1024x1024xf32>
    %mul3A_25 = vector.broadcast %get3A_23 : vector<1x1024xf32> to vector<1024x1024xf32>
    %mul3A_26 = arith.mulf %mul3A_24, %mul3A_25 : vector<1024x1024xf32>
    %add3A_27 = arith.addf %add3A_20, %mul3A_26 : vector<1024x1024xf32>
    %tanh3A = math.tanh %add3A_27 : vector<1024x1024xf32>
    %convert_element_type3A_28 = arith.truncf %tanh3A : vector<1024x1024xf32> to vector<1024x1024xbf16>
    %get3A_29 = arith.constant 0 : index
    %get3A_30 = arith.constant 0 : index
    %get3A_31 = vector.load %arg9[%get3A_29, %get3A_30] : memref<1024x128xbf16, #tpu.memory_space<vmem>>, vector<1024x128xbf16>
    %dot_general3A_32 = arith.constant dense<0.000000e+00> : vector<1024x128xf32>
    %dot_general3A_33 = tpu.matmul %convert_element_type3A_28, %get3A_31, %dot_general3A_32 {dimension_numbers = #tpu.dot_dimension_numbers<[1], [0], [0], [1], [0, 0, 1, 1], [], []>, transpose_lhs_hint = false} : vector<1024x1024xbf16>, vector<1024x128xbf16>, vector<1024x128xf32> -> vector<1024x128xf32>
    %slice3A = vector.extract_strided_slice %dot_general3A_33 {offsets = [0, 0], sizes = [1024, 1], strides = [1, 1]} : vector<1024x128xf32> to vector<1024x1xf32>
    %get3A_34 = arith.constant 0 : index
    %get3A_35 = arith.constant 0 : index
    %get3A_36 = vector.load %arg11[%get3A_34, %get3A_35] : memref<1x1xf32, #tpu.memory_space<vmem>>, vector<1x1xf32>
    %add3A_37 = vector.broadcast %get3A_36 : vector<1x1xf32> to vector<1024x1xf32>
    %add3A_38 = arith.addf %slice3A, %add3A_37 : vector<1024x1xf32>
    %reshape3A_39 = vector.shape_cast %add3A_38 : vector<1024x1xf32> to vector<1x1024xf32>
    %swap3A = arith.index_cast %arg1 : i32 to index
    %swap3A_40 = arith.constant 0 : index
    %swap3A_41 = vector.load %arg12[%swap3A, %swap3A_40] : memref<16x1024xf32, #tpu.memory_space<vmem>>, vector<1x1024xf32>
    tpu.vector_store %arg12[%swap3A, %swap3A_40], %reshape3A_39 {strides = array<i32>} : memref<16x1024xf32, #tpu.memory_space<vmem>>, vector<1x1024xf32>,
    return
  }
  func.func @transform_0(%arg0: i32, %arg1: i32) -> (i32, i32, i32) {
    %c0_i32 = arith.constant 0 : i32
    %c0_i32_0 = arith.constant 0 : i32
    return %arg1, %arg0, %c0_i32 : i32, i32, i32
  }
  func.func @transform_1(%arg0: i32, %arg1: i32) -> (i32, i32) {
    %c0_i32 = arith.constant 0 : i32
    %c0_i32_0 = arith.constant 0 : i32
    %c0_i32_1 = arith.constant 0 : i32
    return %c0_i32, %c0_i32_0 : i32, i32
  }
  func.func @transform_2(%arg0: i32, %arg1: i32) -> (i32, i32) {
    %c0_i32 = arith.constant 0 : i32
    %c0_i32_0 = arith.constant 0 : i32
    %c0_i32_1 = arith.constant 0 : i32
    return %c0_i32, %c0_i32_0 : i32, i32
  }
  func.func @transform_3(%arg0: i32, %arg1: i32) -> (i32, i32) {
    %c0_i32 = arith.constant 0 : i32
    %c0_i32_0 = arith.constant 0 : i32
    %c0_i32_1 = arith.constant 0 : i32
    return %c0_i32, %c0_i32_0 : i32, i32
  }
  func.func @transform_4(%arg0: i32, %arg1: i32) -> (i32, i32) {
    %c0_i32 = arith.constant 0 : i32
    %c0_i32_0 = arith.constant 0 : i32
    %c0_i32_1 = arith.constant 0 : i32
    return %c0_i32, %c0_i32_0 : i32, i32
  }
  func.func @transform_5(%arg0: i32, %arg1: i32) -> (i32, i32) {
    %c0_i32 = arith.constant 0 : i32
    %c0_i32_0 = arith.constant 0 : i32
    %c0_i32_1 = arith.constant 0 : i32
    return %c0_i32, %c0_i32_0 : i32, i32
  }
  func.func @transform_6(%arg0: i32, %arg1: i32) -> (i32, i32) {
    %c0_i32 = arith.constant 0 : i32
    %c0_i32_0 = arith.constant 0 : i32
    %c0_i32_1 = arith.constant 0 : i32
    return %c0_i32, %c0_i32_0 : i32, i32
  }
  func.func @transform_7(%arg0: i32, %arg1: i32) -> (i32, i32) {
    %c0_i32 = arith.constant 0 : i32
    %c0_i32_0 = arith.constant 0 : i32
    %c0_i32_1 = arith.constant 0 : i32
    return %c0_i32, %c0_i32_0 : i32, i32
  }
  func.func @transform_8(%arg0: i32, %arg1: i32) -> (i32, i32) {
    %c0_i32 = arith.constant 0 : i32
    %c0_i32_0 = arith.constant 0 : i32
    %c0_i32_1 = arith.constant 0 : i32
    return %c0_i32, %c0_i32_0 : i32, i32
  }
  func.func @transform_9(%arg0: i32, %arg1: i32) -> (i32, i32) {
    %c0_i32 = arith.constant 0 : i32
    %c0_i32_0 = arith.constant 0 : i32
    %c0_i32_1 = arith.constant 0 : i32
    return %c0_i32, %c0_i32_0 : i32, i32
  }
  func.func @transform_10(%arg0: i32, %arg1: i32) -> (i32, i32) {
    %c0_i32 = arith.constant 0 : i32
    %c0_i32_0 = arith.constant 0 : i32
    return %c0_i32, %arg0 : i32, i32
  }
}

module attributes {stable_mosaic.version = 14 : i64} {
  func.func @_ctx_body(%arg0: i32, %arg1: i32, %arg2: memref<16x2048xf32, #tpu.memory_space<vmem>>, %arg3: memref<1x1024x1024xf32, #tpu.memory_space<vmem>>, %arg4: memref<16x1024xf32, #tpu.memory_space<vmem>>) attributes {dimension_semantics = [#tpu.dimension_semantics<arbitrary>, #tpu.dimension_semantics<arbitrary>], iteration_bounds = array<i64: 16, 2>, scalar_prefetch = 0 : i64, scratch_operands = 0 : i64, tpu.core_type = #tpu.core_type<tc>, window_params = [{pipeline_mode = #tpu.pipeline_mode<synchronous>, transform_indices = @transform_0, window_bounds = array<i64: 16, 2048>}, {transform_indices = @transform_1, window_bounds = array<i64: 1, 1024, 1024>}, {pipeline_mode = #tpu.pipeline_mode<synchronous>, transform_indices = @transform_2, window_bounds = array<i64: 16, 1024>}]} {
    %eq3A = arith.constant 0 : i32
    %eq3A_0 = arith.cmpi eq, %arg1, %eq3A : i32
    %convert_element_type3A = arith.extui %eq3A_0 : i1 to i32
    %cond3A = arith.constant 0 : i32
    %cond3A_1 = arith.cmpi ne, %convert_element_type3A, %cond3A : i32
    scf.if %cond3A_1 {
      %broadcast_in_dim3A = arith.constant 0.000000e+00 : f32
      %broadcast_in_dim3A_29 = vector.broadcast %broadcast_in_dim3A : f32 to vector<1x1024xf32>
      %swap3A_30 = arith.index_cast %arg0 : i32 to index
      %swap3A_31 = arith.constant 0 : index
      %swap3A_32 = vector.load %arg4[%swap3A_30, %swap3A_31] : memref<16x1024xf32, #tpu.memory_space<vmem>>, vector<1x1024xf32>
      tpu.vector_store %arg4[%swap3A_30, %swap3A_31], %broadcast_in_dim3A_29 {strides = array<i32>} : memref<16x1024xf32, #tpu.memory_space<vmem>>, vector<1x1024xf32>,
    } else {
    }
    %mul3A = arith.constant 1024 : i32
    %mul3A_2 = arith.muli %arg1, %mul3A : i32
    %get3A = arith.index_cast %arg0 : i32 to index
    %get3A_3 = arith.index_cast %mul3A_2 : i32 to index
    %get3A_4 = vector.load %arg2[%get3A, %get3A_3] : memref<16x2048xf32, #tpu.memory_space<vmem>>, vector<1x1024xf32>
    %get3A_5 = arith.constant 0 : index
    %get3A_6 = arith.constant 0 : index
    %get3A_7 = arith.constant 0 : index
    %get3A_8 = vector.load %arg3[%get3A_5, %get3A_6, %get3A_7] : memref<1x1024x1024xf32, #tpu.memory_space<vmem>>, vector<1x1024x1024xf32>
    %get3A_9 = vector.shape_cast %get3A_8 : vector<1x1024x1024xf32> to vector<1024x1024xf32>
    %convert_element_type3A_10 = arith.truncf %get3A_9 : vector<1024x1024xf32> to vector<1024x1024xbf16>
    %convert_element_type3A_11 = arith.extf %convert_element_type3A_10 : vector<1024x1024xbf16> to vector<1024x1024xf32>
    %sub3A = arith.subf %get3A_9, %convert_element_type3A_11 : vector<1024x1024xf32>
    %convert_element_type3A_12 = arith.truncf %sub3A : vector<1024x1024xf32> to vector<1024x1024xbf16>
    %convert_element_type3A_13 = arith.truncf %get3A_4 : vector<1x1024xf32> to vector<1x1024xbf16>
    %convert_element_type3A_14 = arith.extf %convert_element_type3A_13 : vector<1x1024xbf16> to vector<1x1024xf32>
    %sub3A_15 = arith.subf %get3A_4, %convert_element_type3A_14 : vector<1x1024xf32>
    %convert_element_type3A_16 = arith.truncf %sub3A_15 : vector<1x1024xf32> to vector<1x1024xbf16>
    %get3A_17 = arith.index_cast %arg0 : i32 to index
    %get3A_18 = arith.constant 0 : index
    %get3A_19 = vector.load %arg4[%get3A_17, %get3A_18] : memref<16x1024xf32, #tpu.memory_space<vmem>>, vector<1x1024xf32>
    %dot_general3A = arith.constant dense<0.000000e+00> : vector<1x1024xf32>
    %dot_general3A_20 = tpu.matmul %convert_element_type3A_13, %convert_element_type3A_12, %dot_general3A {dimension_numbers = #tpu.dot_dimension_numbers<[1], [0], [0], [1], [0, 0, 1, 1], [], []>, transpose_lhs_hint = false} : vector<1x1024xbf16>, vector<1024x1024xbf16>, vector<1x1024xf32> -> vector<1x1024xf32>
    %dot_general3A_21 = arith.constant dense<0.000000e+00> : vector<1x1024xf32>
    %dot_general3A_22 = tpu.matmul %convert_element_type3A_16, %convert_element_type3A_10, %dot_general3A_21 {dimension_numbers = #tpu.dot_dimension_numbers<[1], [0], [0], [1], [0, 0, 1, 1], [], []>, transpose_lhs_hint = false} : vector<1x1024xbf16>, vector<1024x1024xbf16>, vector<1x1024xf32> -> vector<1x1024xf32>
    %add3A = arith.addf %dot_general3A_20, %dot_general3A_22 : vector<1x1024xf32>
    %dot_general3A_23 = arith.constant dense<0.000000e+00> : vector<1x1024xf32>
    %dot_general3A_24 = tpu.matmul %convert_element_type3A_13, %convert_element_type3A_10, %dot_general3A_23 {dimension_numbers = #tpu.dot_dimension_numbers<[1], [0], [0], [1], [0, 0, 1, 1], [], []>, transpose_lhs_hint = false} : vector<1x1024xbf16>, vector<1024x1024xbf16>, vector<1x1024xf32> -> vector<1x1024xf32>
    %add3A_25 = arith.addf %add3A, %dot_general3A_24 : vector<1x1024xf32>
    %add3A_26 = arith.addf %get3A_19, %add3A_25 : vector<1x1024xf32>
    %swap3A = arith.index_cast %arg0 : i32 to index
    %swap3A_27 = arith.constant 0 : index
    %swap3A_28 = vector.load %arg4[%swap3A, %swap3A_27] : memref<16x1024xf32, #tpu.memory_space<vmem>>, vector<1x1024xf32>
    tpu.vector_store %arg4[%swap3A, %swap3A_27], %add3A_26 {strides = array<i32>} : memref<16x1024xf32, #tpu.memory_space<vmem>>, vector<1x1024xf32>,
    return
  }
  func.func @transform_0(%arg0: i32, %arg1: i32) -> (i32, i32) {
    %c0_i32 = arith.constant 0 : i32
    %c0_i32_0 = arith.constant 0 : i32
    %c0_i32_1 = arith.constant 0 : i32
    return %c0_i32, %c0_i32_0 : i32, i32
  }
  func.func @transform_1(%arg0: i32, %arg1: i32) -> (i32, i32, i32) {
    %c0_i32 = arith.constant 0 : i32
    %c0_i32_0 = arith.constant 0 : i32
    return %arg0, %arg1, %c0_i32 : i32, i32, i32
  }
  func.func @transform_2(%arg0: i32, %arg1: i32) -> (i32, i32) {
    %c0_i32 = arith.constant 0 : i32
    %c0_i32_0 = arith.constant 0 : i32
    %c0_i32_1 = arith.constant 0 : i32
    return %c0_i32, %c0_i32_0 : i32, i32
  }
}

</mosaic_0001>

<sc_bundles>
// kernel: kernel.5.cloned.1.call-start
scs
__scs_entry_jumppad:
0x0: {  	(pc) =	sbr.rel $0x88, $3  }
0x1: {  	(tag) =	ssettag $0x0;
	lr =	simm.s32 $0x1  }
0x2: {  	[smem:$0x3F96] =	sst lr;
	_ =	strace $0xD0000000  }
0x3: {  	_ = 	snop  }
0x4: {  	_ = 	snop  }
0x5: {  	_ = 	snop  }
0x6: {  	_ = 	snop  }
0x7: {  	_ = 	snop  }
__scs_overlays_trampoline_lowered:
0x8: {  	[smem:$0x3FA5] =	sst s0  }
0x9: {  	[smem:$0x3FA6] =	sst s1  }
0xa: {  	[smem:$0x3FA7] =	sst s2  }
0xb: {  	[smem:$0x3FA8] =	sst s3  }
0xc: {  	[smem:$0x3FA9] =	sst s4  }
0xd: {  	[smem:$0x3FAA] =	sst s5  }
0xe: {  	[smem:$0x3FAB] =	sst s6  }
0xf: {  	[smem:$0x3FAC] =	sst s7  }
0x10: {  	[smem:$0x3FAD] =	sst s8  }
0x11: {  	[smem:$0x3FAE] =	sst s9;
	s0 =	simm.s32 @!p0 $0x0  }
0x12: {  	s1 =	sld [smem:$0x3F94];
	s0 =	simm.s32 @p0 $0x1  }
0x13: {  	[smem:$0x3FAF] =	sst s0;
	s0 =	simm.s32 @!p1 $0x0  }
0x14: {  	s2 =	sld [smem:$0x3F93];
	s0 =	simm.s32 @p1 $0x1  }
0x15: {  	[smem:$0x3FB0] =	sst s0;
	s0 =	simm.s32 @!p2 $0x0  }
0x16: {  	s3 =	sld [smem:$0x3FDB];
	s0 =	simm.s32 @p2 $0x1  }
0x17: {  	s4 =	simm.s32 $0x1BF5;
	[smem:$0x3FB2] =	sst s0  }
0x18: {  	s0 =	sld [smem:$0x3F95];
	_ =	swait.ge [sflag:s4], $0x0  }
0x19: {  	s7 =	sld [smem:$0x3F96]  }
0x1a: {  	s8 =	sadd.s32 $0xFFFFE003, lr  }
0x1b: {  	s9 =	sadd.s32 $0xFFFFFEF7, lr;
	s5 =	simm.s32 $0xFFFFFFFF;
	p2 =	slt.u32 s8, $0xFFFFF086  }
0x1c: {  	p1 =	slt.u32 s9, $0xF7A;
	s5 =	simm.s32 @!p2 $0x0  }
0x1d: {  	s5 =	simm.s32 @p1 $0x1;
	p0 =	seq.s32 s7, s2  }
0x1e: {  	s7 =	smul.u32 @!p0 $0xF7A, s2;
	p2 =	seq.s32 @!p0 s5, $0x0  }
0x1f: {  	s9 =	smul.u32 $0xF7A, s1;
	s8 =	simm.s32 @!p0 $0x1BF5;
	p2 =	por !p2, p0  }
0x20: {  	[sflag:s8] =	ssyncset.s32 @!p0 $0xFFFFF086;
	s6 =	sadd.s32 @!p0 s3, s7;
	s7 =	simm.s32 @!p0 $0x108  }
0x21: {  	s3 =	sadd.s32 s3, s9;
	s6 =	sadd.s32 @!p0 $0x88, s6;
	s7 =	simm.s32 @p2 $0x1082  }
0x22: {  	[simem:s7], [sflag:s8] =	dma.local @!p0 [hbm:s6], $0xF7A  }
0x23: {  	s9 =	sor.u32 $0xD0000000, s2;
	s6 =	simm.s32 $0x108;
	_ =	swait.ge @!p0 [sflag:s8], $0x0  }
0x24: {  	s3 =	sadd.s32 $0x88, s3;
	s6 =	simm.s32 @!p1 $0x1082;
	[sflag:s4] =	ssyncset.s32 $0xFFFFF086  }
0x25: {  	[simem:s6], [sflag:s4] =	dma.local [hbm:s3], $0xF7A  }
0x26: {  	[smem:$0x3F96] =	sst s1;
	(tag) =	ssettag s2;
	_ =	strace s9  }
0x27: {  	s1 =	sld [smem:$0x3FA6]  }
0x28: {  	s2 =	sld [smem:$0x3FA7]  }
0x29: {  	s4 =	sld [smem:$0x3FA9]  }
0x2a: {  	p0 =	seq.s32 s5, $0x0;
	s5 =	sld [smem:$0x3FAA]  }
0x2b: {  	s6 =	sld [smem:$0x3FAB]  }
0x2c: {  	s7 =	sld [smem:$0x3FAC]  }
0x2d: {  	s3 =	simm.s32 $0x108;
	s8 =	sld [smem:$0x3FAD]  }
0x2e: {  	s3 =	simm.s32 @!p0 $0x1082;
	s9 =	sld [smem:$0x3FAE]  }
0x2f: {  	lr =	sadd.s32 s0, s3;
	s0 =	sld [smem:$0x3FA5]  }
0x30: {  	s3 =	sld [smem:$0x3FA8]  }
0x31: {  	[smem:$0x3FB1] =	sst s10  }
0x32: {  	s10 =	sld [smem:$0x3FAF];
	_ =	sdelay $0x3  }
0x33: {  	p0 =	seq.s32 s10, $0x1;
	s10 =	sld [smem:$0x3FB1];
	_ =	sdelay $0x3  }
0x34: {  	[smem:$0x3FB1] =	sst s10  }
0x35: {  	s10 =	sld [smem:$0x3FB0];
	_ =	sdelay $0x3  }
0x36: {  	p1 =	seq.s32 s10, $0x1;
	s10 =	sld [smem:$0x3FB1];
	_ =	sdelay $0x3  }
0x37: {  	[smem:$0x3FB1] =	sst s10  }
0x38: {  	s10 =	sld [smem:$0x3FB2]  }
0x39: {  	_ = 	snop;
	(pc) =	sbr.ind lr, $3  }
0x3a: {  	_ = 	snop  }
0x3b: {  	_ = 	snop  }
0x3c: {  	p2 =	seq.s32 s10, $0x1;
	s10 =	sld [smem:$0x3FB1]  }
0x3d: {  	_ =	shalt  }
0x3e: {  	_ =	shalt  }
0x3f: {  	_ =	shalt  }
0x40: {  	_ =	shalt  }
0x41: {  	_ =	shalt  }
0x42: {  	_ =	shalt  }
0x43: {  	_ =	shalt  }
0x44: {  	_ =	shalt  }
0x45: {  	_ =	shalt  }
0x46: {  	_ =	shalt  }
0x47: {  	_ =	shalt  }
0x48: {  	_ =	shalt  }
0x49: {  	_ =	shalt  }
0x4a: {  	_ =	shalt  }
0x4b: {  	_ =	shalt  }
0x4c: {  	_ =	shalt  }
0x4d: {  	_ =	shalt  }
0x4e: {  	_ =	shalt  }
0x4f: {  	_ =	shalt  }
0x50: {  	_ =	shalt  }
0x51: {  	_ =	shalt  }
0x52: {  	_ =	shalt  }
0x53: {  	_ =	shalt  }
0x54: {  	_ =	shalt  }
0x55: {  	_ =	shalt  }
0x56: {  	_ =	shalt  }
0x57: {  	_ =	shalt  }
0x58: {  	_ =	shalt  }
0x59: {  	_ =	shalt  }
0x5a: {  	_ =	shalt  }
0x5b: {  	_ =	shalt  }
0x5c: {  	_ =	shalt  }
0x5d: {  	_ =	shalt  }
0x5e: {  	_ =	shalt  }
0x5f: {  	_ =	shalt  }
0x60: {  	_ =	shalt  }
0x61: {  	_ =	shalt  }
0x62: {  	_ =	shalt  }
0x63: {  	_ =	shalt  }
0x64: {  	_ =	shalt  }
0x65: {  	_ =	shalt  }
0x66: {  	_ =	shalt  }
0x67: {  	_ =	shalt  }
0x68: {  	_ =	shalt  }
0x69: {  	_ =	shalt  }
0x6a: {  	_ =	shalt  }
0x6b: {  	_ =	shalt  }
0x6c: {  	_ =	shalt  }
0x6d: {  	_ =	shalt  }
0x6e: {  	_ =	shalt  }
0x6f: {  	_ =	shalt  }
0x70: {  	_ =	shalt  }
0x71: {  	_ =	shalt  }
0x72: {  	_ =	shalt  }
0x73: {  	_ =	shalt  }
0x74: {  	_ =	shalt  }
0x75: {  	_ =	shalt  }
0x76: {  	_ =	shalt  }
0x77: {  	_ =	shalt  }
0x78: {  	_ =	shalt  }
0x79: {  	_ =	shalt  }
0x7a: {  	_ =	shalt  }
0x7b: {  	_ =	shalt  }
0x7c: {  	_ =	shalt  }
0x7d: {  	_ =	shalt  }
0x7e: {  	_ =	shalt  }
0x7f: {  	_ =	shalt  }
0x80: {  	_ =	shalt  }
0x81: {  	_ =	shalt  }
0x82: {  	_ =	shalt  }
0x83: {  	_ =	shalt  }
0x84: {  	_ =	shalt  }
0x85: {  	_ =	shalt  }
0x86: {  	_ =	shalt  }
0x87: {  	_ =	shalt  }
.Lfunc_end0:
.L_simem_size_0:
called_computation_lowered:
.L_overlay_start_0:
0x88: {  	s2 =	sld [smem:$0x3FD9]  }
0x89: {  	s3 =	sld [smem:$0x3FFE];
	_ =	sdelay $0x1  }
0x8a: {  	s1 =	srdreg.scid  }
0x8b: {  	s0 =	sand.u32 $0x1, s1  }
0x8c: {  	s14 =	sshll.u32 s0, $0xA;
	s2 =	sadd.s32 s3, s2  }
0x8d: {  	s2 =	sadd.s32 s2, s14  }
0x8e: {  	[smem:$0x3FBD] =	sst s2  }
0x8f: {  	_ = 	snop  }
0x90: {  	s2 =	sld [smem:$0x3FD0];
	_ =	sdelay $0x2  }
0x91: {  	s15 =	simm.s32 $0xA;
	s4 =	simm.s32 $0x10  }
0x92: {  	[smem:s4], [sflag:s15] =	dma.local [hbm:s2], $0x1  }
0x93: {  	_ =	swait.eq [sflag:s15], $0x1  }
0x94: {  	[sflag:s15] =	ssyncset.done $0x0  }
0x95: {  	s16 =	sld [smem:$0x11];
	[sflag:s15] =	ssyncadd.s32 $0xFFFFFFFF  }
0x96: {  	s17 =	sld [smem:$0x12];
	(tm) =	ssettm $0x1  }
0x97: {  	s18 =	sld [smem:$0x3FFB];
	_ =	sdelay $0x3  }
0x98: {  	_ =	strace s18  }
0x99: {  	s4 =	sld [smem:$0x3FFC];
	_ =	sdelay $0x3  }
0x9a: {  	_ =	strace s4  }
0x9b: {  	s4 =	sld [smem:$0x3FFD];
	_ =	sdelay $0x3  }
0x9c: {  	_ =	strace s4  }
0x9d: {  	_ =	strace $0x8FFFFFFF  }
0x9e: {  	s19 =	sld [smem:$0x3FDB];
	_ =	sdelay $0x1  }
0x9f: {  	s5 =	simm.s32 $_scs_section_size  }
0xa0: {  	s6 =	simm.s32 $_size__tile_overlayer_lowered;
	s7 =	simm.s32 $_tile_overlayer_lowered  }
0xa1: {  	s22 =	simm.s32 $0x1BFF;
	s21 =	sshll.u32 s7, $0x1;
	s4 =	sadd.s32 s5, s19  }
0xa2: {  	s8 =	simm.s32 $0x0;
	s20 =	sshll.u32 s6, $0x1;
	s6 =	sadd.s32 s21, s4  }
0xa3: {  	[timem:s8], [sflag:s22] =	dma.local [hbm:s6], s20  }
0xa4: {  	_ =	swait.ge [sflag:s22], s20  }
0xa5: {  	s5 =	ssub.s32 $0x0, s20;
	[sflag:s22] =	ssyncset.done $0x0  }
0xa6: {  	[sflag:s22] =	ssyncadd.s32 s5;
	_ =	sdelay $0x1  }
0xa7: {  	s23 =	simm.s32 $0x1B8B  }
0xa8: {  	_ =	swait.ge [sflag:s23], $0x1  }
0xa9: {  	[sflag:s23] =	ssyncset.done $0x0  }
0xaa: {  	s25 =	simm.s32 $0x1B8E;
	s24 =	sld [smem:$0x3FFE];
	[sflag:s23] =	ssyncadd.s32 $0xFFFFFFFF  }
0xab: {  	s26 =	simm.s32 $execute0_lowered;
	[smem:$0x3FD2] =	sst s25  }
0xac: {  	s6 =	sshll.u32 s26, $0x1;
	_ =	strace $0x80000046;
	[dreg:$0x1] =	wrdreg $0xFFFFFFFF  }
0xad: {  	s28 =	simm.s32 $_size_execute0_lowered;
	s4 =	sadd.s32 s4, s6;
	[dreg:$0x0] =	wrdreg $0x0  }
0xae: {  	s6 =	sshll.u32 s28, $0x1;
	[dreg:$0x2] =	wrdreg s4  }
0xaf: {  	[dreg:$0x3] =	wrdreg s6  }
0xb0: {  	[dreg:$0x4] =	wrdreg $0xC0  }
0xb1: {  	_ =	task [dreg:s8], $0x5FFFF  }
0xb2: {  	[dreg:$0x1] =	wrdreg $0xFFFFFFFF  }
0xb3: {  	[dreg:$0x0] =	wrdreg $0x60  }
0xb4: {  	[dreg:$0x2] =	wrdreg s17  }
0xb5: {  	[dreg:$0x3] =	wrdreg s24  }
0xb6: {  	[dreg:$0x4] =	wrdreg s16  }
0xb7: {  	[dreg:$0x5] =	wrdreg $0x30800  }
0xb8: {  	[dreg:$0x6] =	wrdreg $0x38800  }
0xb9: {  	[dreg:$0x7] =	wrdreg $0x9  }
0xba: {  	_ =	task.clear_ibuf [dreg:s8], $0x8FFFF;
	_ =	strace $0x90000046  }
0xbb: {  	s29 =	simm.s32 $0x9;
	_ =	strace $0x80000048  }
0xbc: {  	_ =	swait.ge [sflag:s29], $0x1  }
0xbd: {  	[sflag:s29] =	ssyncadd.s32 $0xFFFFFFFF  }
0xbe: {  	_ =	strace $0x90000048  }
0xbf: {  	_ =	sfence  }
0xc0: {  	s30 =	sld [smem:$0x0];
	_ =	sdelay $0x2  }
0xc1: {  	s31 =	sshll.u32 s1, $0xD;
	s1 =	sshrl.u32 s1, $0x2  }
0xc2: {  	s3 =	sand.u32 $0x4000, s31;
	s1 =	sadd.s32 s1, s30  }
0xc3: {  	s0 =	sor.u32 s3, s0;
	s1 =	sshll.u32 s1, $0x11  }
0xc4: {  	s0 =	sor.u32 s1, s0  }
0xc5: {  	s0 =	sadd.s32 $0x8F2B, s0  }
0xc6: {  	[sflag:s0] =	ssyncadd.remote.s32 $0x1  }
0xc7: {  	_ =	sfence.sel $0xFFFF  }
0xc8: {  	[dreg:$0x0] =	wrdreg $0xFFFFFFFF;
	(pc) =	sbr.abs _section_cstart, $3  }
0xc9: {  	[dreg:$0x1] =	wrdreg $0xFFFFFFFF  }
0xca: {  	_ =	task.clear_ibuf [dreg:s8], $0x2FFFF;
	_ =	strace $0x9FFFFFFF  }
0xcb: {  	(tm) =	ssettm $0x7FFFFFFF  }
tec
execute0_lowered:
.L_overlay_start_1:
0x0: {  	(tag) =	ssettag $0x1  }
0x1: {  	s1 =	srdreg.scid  }
0x2: {  	s4 =	rddreg [dreg:$0x0];
	s1 =	sand.u32 $0x1, s1  }
0x3: {  	s7 =	rddreg [dreg:$0x1];
	p0 =	seq.s32 s1, $0x1  }
.Ltmp0:
0x4: {  	s2 =	rddreg [dreg:$0x2];
	(pc) =	sbr.rel @p0 .LBB2_102-.Ltmp0, $4  }
0x5: {  	s6 =	rddreg [dreg:$0x3]  }
0x6: {  	s3 =	rddreg [dreg:$0x4];
	s5 =	simm.s32 $0x0  }
0x7: {  	[smem:$0x7FF] =	sst s5  }
0x8: {  	s0 =	rddreg [dreg:$0x5];
	_ =	strace $0x80000047;
	s1 =	stileid.u32  }
0x9: {  	s8 =	sshll.u32 s1, $0xB;
	s24 =	sshll.u32 s1, $0x7  }
0xa: {  	s29 =	simm.s32 $0x80;
	s30 =	simm.s32 $0x400;
	s31 =	simm.s32 $0x1  }
0xb: {  	s23 =	simm.s32 $0x0;
	s9 =	sor.u32 s24, s8;
	s20 =	sadd.s32 s24, s6  }
0xc: {  	s21 =	sadd.s32 s8, s6;
	s9 =	sand.u32 $0x4380, s9;
	s19 =	sadd.s32 $0x800, s20  }
0xd: {  	s18 =	sadd.s32 $0x1000, s20;
	s17 =	sadd.s32 $0x1800, s20;
	s16 =	sadd.s32 $0x2000, s20  }
0xe: {  	s15 =	sadd.s32 $0x2800, s20;
	s14 =	sadd.s32 $0x3000, s20;
	s13 =	sadd.s32 $0x3800, s20  }
0xf: {  	s11 =	sadd.s32 $0x4000, s20;
	s12 =	sadd.s32 $0x4800, s20;
	s25 =	sshrl.u32 s9, $0x3  }
0x10: {  	s10 =	sadd.s32 $0x5000, s20;
	s8 =	sadd.s32 $0x6000, s20;
	s4 =	sadd.s32 s4, s25  }
0x11: {  	[tilespmem:s5], [sflag:$0x1] =	stream.strided.gather [hbm4b:s4+s29], $0x800, s30, s29, $0x38;
	[tilespmem:$0x3900] =	vst v63  }
0x12: {  	s6 =	sadd.s32 $0x7000, s20;
	s9 =	sadd.s32 $0x5800, s20;
	_ =	swait.ge [sflag:s31], $0x800  }
0x13: {  	s7 =	sadd.s32 s25, s7;
	s2 =	sadd.s32 s2, s25;
	[sflag:s31] =	ssyncset.done $0x0  }
0x14: {  	s22 =	sadd.s32 $0x1E00, s7;
	s7 =	sadd.s32 $0x6800, s20;
	[sflag:s31] =	ssyncadd.s32 $0xFFFFF800  }
0x15: {  	s5 =	sadd.s32 $0x7800, s20;
	s4 =	sadd.s32 s24, s3;
	s24 =	simm.s32 $0x40;
	v0 =	vld [tilespmem:s23+$0x0]  }
.LBB2_2:
0x16: {  	_ =	sdelay $0x1  }
0x17: {  	p0 =	sne.s32 s24, $0x1FC0  }
.Ltmp1:
0x18: {  	_ = 	snop;
	(pc) =	sbr.rel @p0 .LBB2_2-.Ltmp1, $4  }
0x19: {  	v1 =	vshra.s32 v0, $0x1F  }
0x1a: {  	v2 =	vmov v0;
	v1 =	vand.u32 $0x7FFFFFFF, v1  }
0x1b: {  	s25 =	sshra.s32 s24, $0x2;
	v1 =	vxor.u32 v2, v1  }
0x1c: {  	s24 =	sadd.s32 $0x40, s24;
	v0 =	vld [tilespmem:s25+$0x0];
	[tilespmem:s23+$0x800] =	vst v1;
	s23 =	smov.u32 s25  }
0x1d: {  	_ =	sdelay $0x3  }
0x1e: {  	v1 =	vshra.s32 v0, $0x1F  }
0x1f: {  	v1 =	vand.u32 $0x7FFFFFFF, v1  }
0x20: {  	v0 =	vxor.u32 v0, v1  }
0x21: {  	s31 =	simm.s32 $0x0;
	[tilespmem:s23+$0x800] =	vst v0  }
0x22: {  	v0 =	vld [tilespmem:s31+$0x800]  }
0x23: {  	v1 =	vld [tilespmem:s31+$0x810]  }
0x24: {  	v2 =	vld [tilespmem:s31+$0x820]  }
0x25: {  	v3 =	vld [tilespmem:s31+$0x830];
	_ =	sdelay $0x1  }
0x26: {  	s24 =	simm.s32 $0x40;
	vm0 =	vgt.s32 v0, $0xFFFFFFFF  }
0x27: {  	vm13 =	vgt.s32 v1, $0xFFFFFFFF;
	v0 =	vld [tilespmem:s24+$0x800];
	v4 =	vmpcnt.ones.xlane vm0  }
0x28: {  	v5 =	vimm.s32 $0x0;
	vm14 =	vgt.s32 v2, $0xFFFFFFFF;
	v1 =	vld [tilespmem:s24+$0x810];
	v6 =	vmpcnt.ones.xlane vm13  }
0x29: {  	v2 =	vld [tilespmem:s24+$0x820];
	vm15 =	vgt.s32 v3, $0xFFFFFFFF;
	v4 =	vadd.s32 v5, v4;
	v5 =	vmpcnt.ones.xlane vm14  }
0x2a: {  	v3 =	vld [tilespmem:s24+$0x830];
	v6 =	vadd.s32 v6, v4;
	v4 =	vmpcnt.ones.xlane vm15  }
0x2b: {  	s23 =	simm.s32 $0x200;
	v5 =	vadd.s32 v5, v6  }
.LBB2_4:
0x2c: {  	s24 =	sshra.s32 s23, $0x2;
	p0 =	sne.s32 s23, $0x1F00;
	s23 =	sadd.s32 $0x100, s23;
	vm0 =	vgt.s32 v0, $0xFFFFFFFF;
	v4 =	vadd.s32 v4, v5  }
.Ltmp2:
0x2d: {  	v0 =	vld [tilespmem:s24+$0x800];
	v5 =	vmpcnt.ones.xlane vm0;
	vm0 =	vgt.s32 v1, $0xFFFFFFFF;
	(pc) =	sbr.rel @p0 .LBB2_4-.Ltmp2, $4  }
0x2e: {  	v1 =	vld [tilespmem:s24+$0x810];
	v6 =	vmpcnt.ones.xlane vm0;
	vm0 =	vgt.s32 v2, $0xFFFFFFFF  }
0x2f: {  	v2 =	vld [tilespmem:s24+$0x820];
	v4 =	vadd.s32 v4, v5;
	v5 =	vmpcnt.ones.xlane vm0;
	vm0 =	vgt.s32 v3, $0xFFFFFFFF  }
0x30: {  	v3 =	vld [tilespmem:s24+$0x830];
	v6 =	vadd.s32 v6, v4;
	v4 =	vmpcnt.ones.xlane vm0  }
0x31: {  	v5 =	vadd.s32 v5, v6  }
0x32: {  	vm0 =	vgt.s32 v0, $0xFFFFFFFF  }
0x33: {  	v0 =	vmpcnt.ones.xlane vm0;
	vm8 =	vgt.s32 v1, $0xFFFFFFFF  }
0x34: {  	v1 =	vadd.s32 v4, v5;
	v4 =	vmpcnt.ones.xlane vm8;
	vm9 =	vgt.s32 v2, $0xFFFFFFFF  }
0x35: {  	v0 =	vadd.s32 v1, v0;
	v1 =	vmpcnt.ones.xlane vm9;
	vm10 =	vgt.s32 v3, $0xFFFFFFFF  }
0x36: {  	s23 =	simm.s32 $0x0;
	v0 =	vadd.s32 v4, v0;
	v2 =	vmpcnt.ones.xlane vm10  }
0x37: {  	v3 =	vld [tilespmem:s23+$0x800];
	v0 =	vadd.s32 v1, v0  }
0x38: {  	v0 =	vadd.s32 v2, v0;
	v2 =	vld [tilespmem:s23+$0x810]  }
0x39: {  	v4 =	vld [tilespmem:s23+$0x820];
	vm11 =	vgt.s32 v0, $0x554;
	v0 =	vimm.s32 $0x80000000  }
0x3a: {  	v5 =	vld [tilespmem:s23+$0x830];
	v0 =	vsel vm11, $0x0, v0  }
0x3b: {  	v1 =	vor.u32 $0x40000000, v0  }
0x3c: {  	s24 =	simm.s32 $0x40;
	vm12 =	vge.s32 v3, v1  }
0x3d: {  	v6 =	vmpcnt.ones.xlane vm12;
	vm13 =	vge.s32 v2, v1;
	v2 =	vld [tilespmem:s24+$0x800]  }
0x3e: {  	v7 =	vimm.s32 $0x0;
	vm14 =	vge.s32 v4, v1;
	v3 =	vld [tilespmem:s24+$0x810];
	v8 =	vmpcnt.ones.xlane vm13  }
0x3f: {  	v4 =	vld [tilespmem:s24+$0x820];
	vm15 =	vge.s32 v5, v1;
	v6 =	vadd.s32 v7, v6;
	v7 =	vmpcnt.ones.xlane vm14  }
0x40: {  	v5 =	vld [tilespmem:s24+$0x830];
	v8 =	vadd.s32 v8, v6;
	v6 =	vmpcnt.ones.xlane vm15  }
0x41: {  	s23 =	simm.s32 $0x200;
	v7 =	vadd.s32 v7, v8  }
.LBB2_6:
0x42: {  	s24 =	sshra.s32 s23, $0x2;
	p0 =	sne.s32 s23, $0x1F00;
	s23 =	sadd.s32 $0x100, s23;
	vm0 =	vge.s32 v2, v1;
	v6 =	vadd.s32 v6, v7  }
.Ltmp3:
0x43: {  	v2 =	vld [tilespmem:s24+$0x800];
	v7 =	vmpcnt.ones.xlane vm0;
	vm0 =	vge.s32 v3, v1;
	(pc) =	sbr.rel @p0 .LBB2_6-.Ltmp3, $4  }
0x44: {  	v3 =	vld [tilespmem:s24+$0x810];
	v8 =	vmpcnt.ones.xlane vm0;
	vm0 =	vge.s32 v4, v1  }
0x45: {  	v4 =	vld [tilespmem:s24+$0x820];
	v6 =	vadd.s32 v6, v7;
	v7 =	vmpcnt.ones.xlane vm0;
	vm0 =	vge.s32 v5, v1  }
0x46: {  	v5 =	vld [tilespmem:s24+$0x830];
	v8 =	vadd.s32 v8, v6;
	v6 =	vmpcnt.ones.xlane vm0  }
0x47: {  	v7 =	vadd.s32 v7, v8  }
0x48: {  	vm0 =	vge.s32 v2, v1  }
0x49: {  	v2 =	vmpcnt.ones.xlane vm0;
	vm8 =	vge.s32 v3, v1  }
0x4a: {  	v3 =	vadd.s32 v6, v7;
	v6 =	vmpcnt.ones.xlane vm8;
	vm9 =	vge.s32 v4, v1  }
0x4b: {  	v2 =	vadd.s32 v3, v2;
	v3 =	vmpcnt.ones.xlane vm9;
	vm10 =	vge.s32 v5, v1  }
0x4c: {  	s23 =	simm.s32 $0x0;
	v2 =	vadd.s32 v6, v2;
	v4 =	vmpcnt.ones.xlane vm10  }
0x4d: {  	v2 =	vadd.s32 v3, v2;
	v3 =	vld [tilespmem:s23+$0x800]  }
0x4e: {  	v2 =	vadd.s32 v4, v2;
	v4 =	vld [tilespmem:s23+$0x810]  }
0x4f: {  	v5 =	vld [tilespmem:s23+$0x820];
	vm11 =	vgt.s32 v2, $0x554  }
0x50: {  	v6 =	vld [tilespmem:s23+$0x830];
	v0 =	vsel vm11, v1, v0  }
0x51: {  	v1 =	vor.u32 $0x20000000, v0  }
0x52: {  	s24 =	simm.s32 $0x40;
	vm12 =	vge.s32 v3, v1  }
0x53: {  	v2 =	vld [tilespmem:s24+$0x800];
	v7 =	vmpcnt.ones.xlane vm12;
	vm13 =	vge.s32 v4, v1  }
0x54: {  	vm14 =	vge.s32 v5, v1;
	v3 =	vld [tilespmem:s24+$0x810];
	v4 =	vimm.s32 $0x0;
	v8 =	vmpcnt.ones.xlane vm13  }
0x55: {  	vm15 =	vge.s32 v6, v1;
	v5 =	vadd.s32 v4, v7;
	v7 =	vmpcnt.ones.xlane vm14;
	v4 =	vld [tilespmem:s24+$0x820]  }
0x56: {  	v6 =	vmpcnt.ones.xlane vm15;
	v8 =	vadd.s32 v8, v5;
	v5 =	vld [tilespmem:s24+$0x830]  }
0x57: {  	s23 =	simm.s32 $0x200;
	v7 =	vadd.s32 v7, v8  }
.LBB2_8:
0x58: {  	s24 =	sshra.s32 s23, $0x2;
	p0 =	sne.s32 s23, $0x1F00;
	s23 =	sadd.s32 $0x100, s23;
	vm0 =	vge.s32 v2, v1;
	v6 =	vadd.s32 v6, v7  }
.Ltmp4:
0x59: {  	v2 =	vld [tilespmem:s24+$0x800];
	v7 =	vmpcnt.ones.xlane vm0;
	vm0 =	vge.s32 v3, v1;
	(pc) =	sbr.rel @p0 .LBB2_8-.Ltmp4, $4  }
0x5a: {  	v3 =	vld [tilespmem:s24+$0x810];
	v8 =	vmpcnt.ones.xlane vm0;
	vm0 =	vge.s32 v4, v1  }
0x5b: {  	v4 =	vld [tilespmem:s24+$0x820];
	v6 =	vadd.s32 v6, v7;
	v7 =	vmpcnt.ones.xlane vm0;
	vm0 =	vge.s32 v5, v1  }
0x5c: {  	v5 =	vld [tilespmem:s24+$0x830];
	v8 =	vadd.s32 v8, v6;
	v6 =	vmpcnt.ones.xlane vm0  }
0x5d: {  	v7 =	vadd.s32 v7, v8  }
0x5e: {  	vm0 =	vge.s32 v2, v1  }
0x5f: {  	v2 =	vmpcnt.ones.xlane vm0;
	vm8 =	vge.s32 v3, v1  }
0x60: {  	v3 =	vadd.s32 v6, v7;
	v6 =	vmpcnt.ones.xlane vm8;
	vm9 =	vge.s32 v4, v1  }
0x61: {  	v2 =	vadd.s32 v3, v2;
	v3 =	vmpcnt.ones.xlane vm9;
	vm10 =	vge.s32 v5, v1  }
0x62: {  	s23 =	simm.s32 $0x0;
	v2 =	vadd.s32 v6, v2;
	v4 =	vmpcnt.ones.xlane vm10  }
0x63: {  	v2 =	vadd.s32 v3, v2;
	v3 =	vld [tilespmem:s23+$0x800]  }
0x64: {  	v2 =	vadd.s32 v4, v2;
	v4 =	vld [tilespmem:s23+$0x810]  }
0x65: {  	v5 =	vld [tilespmem:s23+$0x820];
	vm11 =	vgt.s32 v2, $0x554  }
0x66: {  	v6 =	vld [tilespmem:s23+$0x830];
	v0 =	vsel vm11, v1, v0  }
0x67: {  	v1 =	vor.u32 $0x10000000, v0  }
0x68: {  	s24 =	simm.s32 $0x40;
	vm12 =	vge.s32 v3, v1  }
0x69: {  	v2 =	vld [tilespmem:s24+$0x800];
	v7 =	vmpcnt.ones.xlane vm12;
	vm13 =	vge.s32 v4, v1  }
0x6a: {  	vm14 =	vge.s32 v5, v1;
	v3 =	vld [tilespmem:s24+$0x810];
	v4 =	vimm.s32 $0x0;
	v8 =	vmpcnt.ones.xlane vm13  }
0x6b: {  	vm15 =	vge.s32 v6, v1;
	v5 =	vadd.s32 v4, v7;
	v7 =	vmpcnt.ones.xlane vm14;
	v4 =	vld [tilespmem:s24+$0x820]  }
0x6c: {  	v6 =	vmpcnt.ones.xlane vm15;
	v8 =	vadd.s32 v8, v5;
	v5 =	vld [tilespmem:s24+$0x830]  }
0x6d: {  	s23 =	simm.s32 $0x200;
	v7 =	vadd.s32 v7, v8  }
.LBB2_10:
0x6e: {  	s24 =	sshra.s32 s23, $0x2;
	p0 =	sne.s32 s23, $0x1F00;
	s23 =	sadd.s32 $0x100, s23;
	vm0 =	vge.s32 v2, v1;
	v6 =	vadd.s32 v6, v7  }
.Ltmp5:
0x6f: {  	v2 =	vld [tilespmem:s24+$0x800];
	v7 =	vmpcnt.ones.xlane vm0;
	vm0 =	vge.s32 v3, v1;
	(pc) =	sbr.rel @p0 .LBB2_10-.Ltmp5, $4  }
0x70: {  	v3 =	vld [tilespmem:s24+$0x810];
	v8 =	vmpcnt.ones.xlane vm0;
	vm0 =	vge.s32 v4, v1  }
0x71: {  	v4 =	vld [tilespmem:s24+$0x820];
	v6 =	vadd.s32 v6, v7;
	v7 =	vmpcnt.ones.xlane vm0;
	vm0 =	vge.s32 v5, v1  }
0x72: {  	v5 =	vld [tilespmem:s24+$0x830];
	v8 =	vadd.s32 v8, v6;
	v6 =	vmpcnt.ones.xlane vm0  }
0x73: {  	v7 =	vadd.s32 v7, v8  }
0x74: {  	vm0 =	vge.s32 v2, v1  }
0x75: {  	v2 =	vmpcnt.ones.xlane vm0;
	vm8 =	vge.s32 v3, v1  }
0x76: {  	v3 =	vadd.s32 v6, v7;
	v6 =	vmpcnt.ones.xlane vm8;
	vm9 =	vge.s32 v4, v1  }
0x77: {  	v2 =	vadd.s32 v3, v2;
	v3 =	vmpcnt.ones.xlane vm9;
	vm10 =	vge.s32 v5, v1  }
0x78: {  	s23 =	simm.s32 $0x0;
	v2 =	vadd.s32 v6, v2;
	v4 =	vmpcnt.ones.xlane vm10  }
0x79: {  	v2 =	vadd.s32 v3, v2;
	v3 =	vld [tilespmem:s23+$0x800]  }
0x7a: {  	v2 =	vadd.s32 v4, v2;
	v4 =	vld [tilespmem:s23+$0x810]  }
0x7b: {  	v5 =	vld [tilespmem:s23+$0x820];
	vm11 =	vgt.s32 v2, $0x554  }
0x7c: {  	v6 =	vld [tilespmem:s23+$0x830];
	v0 =	vsel vm11, v1, v0  }
0x7d: {  	v1 =	vor.u32 $0x8000000, v0  }
0x7e: {  	s24 =	simm.s32 $0x40;
	vm12 =	vge.s32 v3, v1  }
0x7f: {  	v2 =	vld [tilespmem:s24+$0x800];
	v7 =	vmpcnt.ones.xlane vm12;
	vm13 =	vge.s32 v4, v1  }
0x80: {  	vm14 =	vge.s32 v5, v1;
	v3 =	vld [tilespmem:s24+$0x810];
	v4 =	vimm.s32 $0x0;
	v8 =	vmpcnt.ones.xlane vm13  }
0x81: {  	vm15 =	vge.s32 v6, v1;
	v5 =	vadd.s32 v4, v7;
	v7 =	vmpcnt.ones.xlane vm14;
	v4 =	vld [tilespmem:s24+$0x820]  }
0x82: {  	v6 =	vmpcnt.ones.xlane vm15;
	v8 =	vadd.s32 v8, v5;
	v5 =	vld [tilespmem:s24+$0x830]  }
0x83: {  	s23 =	simm.s32 $0x200;
	v7 =	vadd.s32 v7, v8  }
.LBB2_12:
0x84: {  	s24 =	sshra.s32 s23, $0x2;
	p0 =	sne.s32 s23, $0x1F00;
	s23 =	sadd.s32 $0x100, s23;
	vm0 =	vge.s32 v2, v1;
	v6 =	vadd.s32 v6, v7  }
.Ltmp6:
0x85: {  	v2 =	vld [tilespmem:s24+$0x800];
	v7 =	vmpcnt.ones.xlane vm0;
	vm0 =	vge.s32 v3, v1;
	(pc) =	sbr.rel @p0 .LBB2_12-.Ltmp6, $4  }
0x86: {  	v3 =	vld [tilespmem:s24+$0x810];
	v8 =	vmpcnt.ones.xlane vm0;
	vm0 =	vge.s32 v4, v1  }
0x87: {  	v4 =	vld [tilespmem:s24+$0x820];
	v6 =	vadd.s32 v6, v7;
	v7 =	vmpcnt.ones.xlane vm0;
	vm0 =	vge.s32 v5, v1  }
0x88: {  	v5 =	vld [tilespmem:s24+$0x830];
	v8 =	vadd.s32 v8, v6;
	v6 =	vmpcnt.ones.xlane vm0  }
0x89: {  	v7 =	vadd.s32 v7, v8  }
0x8a: {  	vm0 =	vge.s32 v2, v1  }
0x8b: {  	v2 =	vmpcnt.ones.xlane vm0;
	vm8 =	vge.s32 v3, v1  }
0x8c: {  	v3 =	vadd.s32 v6, v7;
	v6 =	vmpcnt.ones.xlane vm8;
	vm9 =	vge.s32 v4, v1  }
0x8d: {  	v2 =	vadd.s32 v3, v2;
	v3 =	vmpcnt.ones.xlane vm9;
	vm10 =	vge.s32 v5, v1  }
0x8e: {  	s23 =	simm.s32 $0x0;
	v2 =	vadd.s32 v6, v2;
	v4 =	vmpcnt.ones.xlane vm10  }
0x8f: {  	v2 =	vadd.s32 v3, v2;
	v3 =	vld [tilespmem:s23+$0x800]  }
0x90: {  	v2 =	vadd.s32 v4, v2;
	v4 =	vld [tilespmem:s23+$0x810]  }
0x91: {  	v5 =	vld [tilespmem:s23+$0x820];
	vm11 =	vgt.s32 v2, $0x554  }
0x92: {  	v6 =	vld [tilespmem:s23+$0x830];
	v0 =	vsel vm11, v1, v0  }
0x93: {  	v1 =	vor.u32 $0x4000000, v0  }
0x94: {  	s24 =	simm.s32 $0x40;
	vm12 =	vge.s32 v3, v1  }
0x95: {  	v2 =	vld [tilespmem:s24+$0x800];
	v7 =	vmpcnt.ones.xlane vm12;
	vm13 =	vge.s32 v4, v1  }
0x96: {  	vm14 =	vge.s32 v5, v1;
	v3 =	vld [tilespmem:s24+$0x810];
	v4 =	vimm.s32 $0x0;
	v8 =	vmpcnt.ones.xlane vm13  }
0x97: {  	vm15 =	vge.s32 v6, v1;
	v5 =	vadd.s32 v4, v7;
	v7 =	vmpcnt.ones.xlane vm14;
	v4 =	vld [tilespmem:s24+$0x820]  }
0x98: {  	v6 =	vmpcnt.ones.xlane vm15;
	v8 =	vadd.s32 v8, v5;
	v5 =	vld [tilespmem:s24+$0x830]  }
0x99: {  	s23 =	simm.s32 $0x200;
	v7 =	vadd.s32 v7, v8  }
.LBB2_14:
0x9a: {  	s24 =	sshra.s32 s23, $0x2;
	p0 =	sne.s32 s23, $0x1F00;
	s23 =	sadd.s32 $0x100, s23;
	vm0 =	vge.s32 v2, v1;
	v6 =	vadd.s32 v6, v7  }
.Ltmp7:
0x9b: {  	v2 =	vld [tilespmem:s24+$0x800];
	v7 =	vmpcnt.ones.xlane vm0;
	vm0 =	vge.s32 v3, v1;
	(pc) =	sbr.rel @p0 .LBB2_14-.Ltmp7, $4  }
0x9c: {  	v3 =	vld [tilespmem:s24+$0x810];
	v8 =	vmpcnt.ones.xlane vm0;
	vm0 =	vge.s32 v4, v1  }
0x9d: {  	v4 =	vld [tilespmem:s24+$0x820];
	v6 =	vadd.s32 v6, v7;
	v7 =	vmpcnt.ones.xlane vm0;
	vm0 =	vge.s32 v5, v1  }
0x9e: {  	v5 =	vld [tilespmem:s24+$0x830];
	v8 =	vadd.s32 v8, v6;
	v6 =	vmpcnt.ones.xlane vm0  }
0x9f: {  	v7 =	vadd.s32 v7, v8  }
0xa0: {  	vm0 =	vge.s32 v2, v1  }
0xa1: {  	v2 =	vmpcnt.ones.xlane vm0;
	vm8 =	vge.s32 v3, v1  }
0xa2: {  	v3 =	vadd.s32 v6, v7;
	v6 =	vmpcnt.ones.xlane vm8;
	vm9 =	vge.s32 v4, v1  }
0xa3: {  	v2 =	vadd.s32 v3, v2;
	v3 =	vmpcnt.ones.xlane vm9;
	vm10 =	vge.s32 v5, v1  }
0xa4: {  	s23 =	simm.s32 $0x0;
	v2 =	vadd.s32 v6, v2;
	v4 =	vmpcnt.ones.xlane vm10  }
0xa5: {  	v2 =	vadd.s32 v3, v2;
	v3 =	vld [tilespmem:s23+$0x800]  }
0xa6: {  	v2 =	vadd.s32 v4, v2;
	v4 =	vld [tilespmem:s23+$0x810]  }
0xa7: {  	v5 =	vld [tilespmem:s23+$0x820];
	vm11 =	vgt.s32 v2, $0x554  }
0xa8: {  	v6 =	vld [tilespmem:s23+$0x830];
	v0 =	vsel vm11, v1, v0  }
0xa9: {  	v1 =	vor.u32 $0x2000000, v0  }
0xaa: {  	s24 =	simm.s32 $0x40;
	vm12 =	vge.s32 v3, v1  }
0xab: {  	v2 =	vld [tilespmem:s24+$0x800];
	v7 =	vmpcnt.ones.xlane vm12;
	vm13 =	vge.s32 v4, v1  }
0xac: {  	vm14 =	vge.s32 v5, v1;
	v3 =	vld [tilespmem:s24+$0x810];
	v4 =	vimm.s32 $0x0;
	v8 =	vmpcnt.ones.xlane vm13  }
0xad: {  	vm15 =	vge.s32 v6, v1;
	v5 =	vadd.s32 v4, v7;
	v7 =	vmpcnt.ones.xlane vm14;
	v4 =	vld [tilespmem:s24+$0x820]  }
0xae: {  	v6 =	vmpcnt.ones.xlane vm15;
	v8 =	vadd.s32 v8, v5;
	v5 =	vld [tilespmem:s24+$0x830]  }
0xaf: {  	s23 =	simm.s32 $0x200;
	v7 =	vadd.s32 v7, v8  }
.LBB2_16:
0xb0: {  	s24 =	sshra.s32 s23, $0x2;
	p0 =	sne.s32 s23, $0x1F00;
	s23 =	sadd.s32 $0x100, s23;
	vm0 =	vge.s32 v2, v1;
	v6 =	vadd.s32 v6, v7  }
.Ltmp8:
0xb1: {  	v2 =	vld [tilespmem:s24+$0x800];
	v7 =	vmpcnt.ones.xlane vm0;
	vm0 =	vge.s32 v3, v1;
	(pc) =	sbr.rel @p0 .LBB2_16-.Ltmp8, $4  }
0xb2: {  	v3 =	vld [tilespmem:s24+$0x810];
	v8 =	vmpcnt.ones.xlane vm0;
	vm0 =	vge.s32 v4, v1  }
0xb3: {  	v4 =	vld [tilespmem:s24+$0x820];
	v6 =	vadd.s32 v6, v7;
	v7 =	vmpcnt.ones.xlane vm0;
	vm0 =	vge.s32 v5, v1  }
0xb4: {  	v5 =	vld [tilespmem:s24+$0x830];
	v8 =	vadd.s32 v8, v6;
	v6 =	vmpcnt.ones.xlane vm0  }
0xb5: {  	v7 =	vadd.s32 v7, v8  }
0xb6: {  	vm0 =	vge.s32 v2, v1  }
0xb7: {  	v2 =	vmpcnt.ones.xlane vm0;
	vm8 =	vge.s32 v3, v1  }
0xb8: {  	v3 =	vadd.s32 v6, v7;
	v6 =	vmpcnt.ones.xlane vm8;
	vm9 =	vge.s32 v4, v1  }
0xb9: {  	v2 =	vadd.s32 v3, v2;
	v3 =	vmpcnt.ones.xlane vm9;
	vm10 =	vge.s32 v5, v1  }
0xba: {  	s23 =	simm.s32 $0x0;
	v2 =	vadd.s32 v6, v2;
	v4 =	vmpcnt.ones.xlane vm10  }
0xbb: {  	v2 =	vadd.s32 v3, v2;
	v3 =	vld [tilespmem:s23+$0x800]  }
0xbc: {  	v2 =	vadd.s32 v4, v2;
	v4 =	vld [tilespmem:s23+$0x810]  }
0xbd: {  	v5 =	vld [tilespmem:s23+$0x820];
	vm11 =	vgt.s32 v2, $0x554  }
0xbe: {  	v6 =	vld [tilespmem:s23+$0x830];
	v0 =	vsel vm11, v1, v0  }
0xbf: {  	v1 =	vor.u32 $0x1000000, v0  }
0xc0: {  	s24 =	simm.s32 $0x40;
	vm12 =	vge.s32 v3, v1  }
0xc1: {  	v2 =	vld [tilespmem:s24+$0x800];
	v7 =	vmpcnt.ones.xlane vm12;
	vm13 =	vge.s32 v4, v1  }
0xc2: {  	vm14 =	vge.s32 v5, v1;
	v3 =	vld [tilespmem:s24+$0x810];
	v4 =	vimm.s32 $0x0;
	v8 =	vmpcnt.ones.xlane vm13  }
0xc3: {  	vm15 =	vge.s32 v6, v1;
	v5 =	vadd.s32 v4, v7;
	v7 =	vmpcnt.ones.xlane vm14;
	v4 =	vld [tilespmem:s24+$0x820]  }
0xc4: {  	v6 =	vmpcnt.ones.xlane vm15;
	v8 =	vadd.s32 v8, v5;
	v5 =	vld [tilespmem:s24+$0x830]  }
0xc5: {  	s23 =	simm.s32 $0x200;
	v7 =	vadd.s32 v7, v8  }
.LBB2_18:
0xc6: {  	s24 =	sshra.s32 s23, $0x2;
	p0 =	sne.s32 s23, $0x1F00;
	s23 =	sadd.s32 $0x100, s23;
	vm0 =	vge.s32 v2, v1;
	v6 =	vadd.s32 v6, v7  }
.Ltmp9:
0xc7: {  	v2 =	vld [tilespmem:s24+$0x800];
	v7 =	vmpcnt.ones.xlane vm0;
	vm0 =	vge.s32 v3, v1;
	(pc) =	sbr.rel @p0 .LBB2_18-.Ltmp9, $4  }
0xc8: {  	v3 =	vld [tilespmem:s24+$0x810];
	v8 =	vmpcnt.ones.xlane vm0;
	vm0 =	vge.s32 v4, v1  }
0xc9: {  	v4 =	vld [tilespmem:s24+$0x820];
	v6 =	vadd.s32 v6, v7;
	v7 =	vmpcnt.ones.xlane vm0;
	vm0 =	vge.s32 v5, v1  }
0xca: {  	v5 =	vld [tilespmem:s24+$0x830];
	v8 =	vadd.s32 v8, v6;
	v6 =	vmpcnt.ones.xlane vm0  }
0xcb: {  	v7 =	vadd.s32 v7, v8  }
0xcc: {  	vm0 =	vge.s32 v2, v1  }
0xcd: {  	v2 =	vmpcnt.ones.xlane vm0;
	vm8 =	vge.s32 v3, v1  }
0xce: {  	v3 =	vadd.s32 v6, v7;
	v6 =	vmpcnt.ones.xlane vm8;
	vm9 =	vge.s32 v4, v1  }
0xcf: {  	v2 =	vadd.s32 v3, v2;
	v3 =	vmpcnt.ones.xlane vm9;
	vm10 =	vge.s32 v5, v1  }
0xd0: {  	s23 =	simm.s32 $0x0;
	v2 =	vadd.s32 v6, v2;
	v4 =	vmpcnt.ones.xlane vm10  }
0xd1: {  	v2 =	vadd.s32 v3, v2;
	v3 =	vld [tilespmem:s23+$0x800]  }
0xd2: {  	v2 =	vadd.s32 v4, v2;
	v4 =	vld [tilespmem:s23+$0x810]  }
0xd3: {  	v5 =	vld [tilespmem:s23+$0x820];
	vm11 =	vgt.s32 v2, $0x554  }
0xd4: {  	v6 =	vld [tilespmem:s23+$0x830];
	v0 =	vsel vm11, v1, v0  }
0xd5: {  	v1 =	vor.u32 $0x800000, v0  }
0xd6: {  	s24 =	simm.s32 $0x40;
	vm12 =	vge.s32 v3, v1  }
0xd7: {  	v2 =	vld [tilespmem:s24+$0x800];
	v7 =	vmpcnt.ones.xlane vm12;
	vm13 =	vge.s32 v4, v1  }
0xd8: {  	vm14 =	vge.s32 v5, v1;
	v3 =	vld [tilespmem:s24+$0x810];
	v4 =	vimm.s32 $0x0;
	v8 =	vmpcnt.ones.xlane vm13  }
0xd9: {  	vm15 =	vge.s32 v6, v1;
	v5 =	vadd.s32 v4, v7;
	v7 =	vmpcnt.ones.xlane vm14;
	v4 =	vld [tilespmem:s24+$0x820]  }
0xda: {  	v6 =	vmpcnt.ones.xlane vm15;
	v8 =	vadd.s32 v8, v5;
	v5 =	vld [tilespmem:s24+$0x830]  }
0xdb: {  	s23 =	simm.s32 $0x200;
	v7 =	vadd.s32 v7, v8  }
.LBB2_20:
0xdc: {  	s24 =	sshra.s32 s23, $0x2;
	p0 =	sne.s32 s23, $0x1F00;
	s23 =	sadd.s32 $0x100, s23;
	vm0 =	vge.s32 v2, v1;
	v6 =	vadd.s32 v6, v7  }
.Ltmp10:
0xdd: {  	v2 =	vld [tilespmem:s24+$0x800];
	v7 =	vmpcnt.ones.xlane vm0;
	vm0 =	vge.s32 v3, v1;
	(pc) =	sbr.rel @p0 .LBB2_20-.Ltmp10, $4  }
0xde: {  	v3 =	vld [tilespmem:s24+$0x810];
	v8 =	vmpcnt.ones.xlane vm0;
	vm0 =	vge.s32 v4, v1  }
0xdf: {  	v4 =	vld [tilespmem:s24+$0x820];
	v6 =	vadd.s32 v6, v7;
	v7 =	vmpcnt.ones.xlane vm0;
	vm0 =	vge.s32 v5, v1  }
0xe0: {  	v5 =	vld [tilespmem:s24+$0x830];
	v8 =	vadd.s32 v8, v6;
	v6 =	vmpcnt.ones.xlane vm0  }
0xe1: {  	v7 =	vadd.s32 v7, v8  }
0xe2: {  	vm0 =	vge.s32 v2, v1  }
0xe3: {  	v2 =	vmpcnt.ones.xlane vm0;
	vm8 =	vge.s32 v3, v1  }
0xe4: {  	v3 =	vadd.s32 v6, v7;
	v6 =	vmpcnt.ones.xlane vm8;
	vm9 =	vge.s32 v4, v1  }
0xe5: {  	v2 =	vadd.s32 v3, v2;
	v3 =	vmpcnt.ones.xlane vm9;
	vm10 =	vge.s32 v5, v1  }
0xe6: {  	s23 =	simm.s32 $0x0;
	v2 =	vadd.s32 v6, v2;
	v4 =	vmpcnt.ones.xlane vm10  }
0xe7: {  	v2 =	vadd.s32 v3, v2;
	v3 =	vld [tilespmem:s23+$0x800]  }
0xe8: {  	v2 =	vadd.s32 v4, v2;
	v4 =	vld [tilespmem:s23+$0x810]  }
0xe9: {  	v5 =	vld [tilespmem:s23+$0x820];
	vm11 =	vgt.s32 v2, $0x554  }
0xea: {  	v6 =	vld [tilespmem:s23+$0x830];
	v0 =	vsel vm11, v1, v0  }
0xeb: {  	v1 =	vor.u32 $0x400000, v0  }
0xec: {  	s24 =	simm.s32 $0x40;
	vm12 =	vge.s32 v3, v1  }
0xed: {  	v2 =	vld [tilespmem:s24+$0x800];
	v7 =	vmpcnt.ones.xlane vm12;
	vm13 =	vge.s32 v4, v1  }
0xee: {  	vm14 =	vge.s32 v5, v1;
	v3 =	vld [tilespmem:s24+$0x810];
	v4 =	vimm.s32 $0x0;
	v8 =	vmpcnt.ones.xlane vm13  }
0xef: {  	vm15 =	vge.s32 v6, v1;
	v5 =	vadd.s32 v4, v7;
	v7 =	vmpcnt.ones.xlane vm14;
	v4 =	vld [tilespmem:s24+$0x820]  }
0xf0: {  	v6 =	vmpcnt.ones.xlane vm15;
	v8 =	vadd.s32 v8, v5;
	v5 =	vld [tilespmem:s24+$0x830]  }
0xf1: {  	s23 =	simm.s32 $0x200;
	v7 =	vadd.s32 v7, v8  }
.LBB2_22:
0xf2: {  	s24 =	sshra.s32 s23, $0x2;
	p0 =	sne.s32 s23, $0x1F00;
	s23 =	sadd.s32 $0x100, s23;
	vm0 =	vge.s32 v2, v1;
	v6 =	vadd.s32 v6, v7  }
.Ltmp11:
0xf3: {  	v2 =	vld [tilespmem:s24+$0x800];
	v7 =	vmpcnt.ones.xlane vm0;
	vm0 =	vge.s32 v3, v1;
	(pc) =	sbr.rel @p0 .LBB2_22-.Ltmp11, $4  }
0xf4: {  	v3 =	vld [tilespmem:s24+$0x810];
	v8 =	vmpcnt.ones.xlane vm0;
	vm0 =	vge.s32 v4, v1  }
0xf5: {  	v4 =	vld [tilespmem:s24+$0x820];
	v6 =	vadd.s32 v6, v7;
	v7 =	vmpcnt.ones.xlane vm0;
	vm0 =	vge.s32 v5, v1  }
0xf6: {  	v5 =	vld [tilespmem:s24+$0x830];
	v8 =	vadd.s32 v8, v6;
	v6 =	vmpcnt.ones.xlane vm0  }
0xf7: {  	v7 =	vadd.s32 v7, v8  }
0xf8: {  	vm0 =	vge.s32 v2, v1  }
0xf9: {  	v2 =	vmpcnt.ones.xlane vm0;
	vm8 =	vge.s32 v3, v1  }
0xfa: {  	v3 =	vadd.s32 v6, v7;
	v6 =	vmpcnt.ones.xlane vm8;
	vm9 =	vge.s32 v4, v1  }
0xfb: {  	v2 =	vadd.s32 v3, v2;
	v3 =	vmpcnt.ones.xlane vm9;
	vm10 =	vge.s32 v5, v1  }
0xfc: {  	s23 =	simm.s32 $0x0;
	v2 =	vadd.s32 v6, v2;
	v4 =	vmpcnt.ones.xlane vm10  }
0xfd: {  	v2 =	vadd.s32 v3, v2;
	v3 =	vld [tilespmem:s23+$0x800]  }
0xfe: {  	v2 =	vadd.s32 v4, v2;
	v4 =	vld [tilespmem:s23+$0x810]  }
0xff: {  	v5 =	vld [tilespmem:s23+$0x820];
	vm11 =	vgt.s32 v2, $0x554  }
0x100: {  	v6 =	vld [tilespmem:s23+$0x830];
	v0 =	vsel vm11, v1, v0  }
0x101: {  	v1 =	vor.u32 $0x200000, v0  }
0x102: {  	s24 =	simm.s32 $0x40;
	vm12 =	vge.s32 v3, v1  }
0x103: {  	v2 =	vld [tilespmem:s24+$0x800];
	v7 =	vmpcnt.ones.xlane vm12;
	vm13 =	vge.s32 v4, v1  }
0x104: {  	vm14 =	vge.s32 v5, v1;
	v3 =	vld [tilespmem:s24+$0x810];
	v4 =	vimm.s32 $0x0;
	v8 =	vmpcnt.ones.xlane vm13  }
0x105: {  	vm15 =	vge.s32 v6, v1;
	v5 =	vadd.s32 v4, v7;
	v7 =	vmpcnt.ones.xlane vm14;
	v4 =	vld [tilespmem:s24+$0x820]  }
0x106: {  	v6 =	vmpcnt.ones.xlane vm15;
	v8 =	vadd.s32 v8, v5;
	v5 =	vld [tilespmem:s24+$0x830]  }
0x107: {  	s23 =	simm.s32 $0x200;
	v7 =	vadd.s32 v7, v8  }
.LBB2_24:
0x108: {  	s24 =	sshra.s32 s23, $0x2;
	p0 =	sne.s32 s23, $0x1F00;
	s23 =	sadd.s32 $0x100, s23;
	vm0 =	vge.s32 v2, v1;
	v6 =	vadd.s32 v6, v7  }
.Ltmp12:
0x109: {  	v2 =	vld [tilespmem:s24+$0x800];
	v7 =	vmpcnt.ones.xlane vm0;
	vm0 =	vge.s32 v3, v1;
	(pc) =	sbr.rel @p0 .LBB2_24-.Ltmp12, $4  }
0x10a: {  	v3 =	vld [tilespmem:s24+$0x810];
	v8 =	vmpcnt.ones.xlane vm0;
	vm0 =	vge.s32 v4, v1  }
0x10b: {  	v4 =	vld [tilespmem:s24+$0x820];
	v6 =	vadd.s32 v6, v7;
	v7 =	vmpcnt.ones.xlane vm0;
	vm0 =	vge.s32 v5, v1  }
0x10c: {  	v5 =	vld [tilespmem:s24+$0x830];
	v8 =	vadd.s32 v8, v6;
	v6 =	vmpcnt.ones.xlane vm0  }
0x10d: {  	v7 =	vadd.s32 v7, v8  }
0x10e: {  	vm0 =	vge.s32 v2, v1  }
0x10f: {  	v2 =	vmpcnt.ones.xlane vm0;
	vm8 =	vge.s32 v3, v1  }
0x110: {  	v3 =	vadd.s32 v6, v7;
	v6 =	vmpcnt.ones.xlane vm8;
	vm9 =	vge.s32 v4, v1  }
0x111: {  	v2 =	vadd.s32 v3, v2;
	v3 =	vmpcnt.ones.xlane vm9;
	vm10 =	vge.s32 v5, v1  }
0x112: {  	s23 =	simm.s32 $0x0;
	v2 =	vadd.s32 v6, v2;
	v4 =	vmpcnt.ones.xlane vm10  }
0x113: {  	v2 =	vadd.s32 v3, v2;
	v3 =	vld [tilespmem:s23+$0x800]  }
0x114: {  	v2 =	vadd.s32 v4, v2;
	v4 =	vld [tilespmem:s23+$0x810]  }
0x115: {  	v5 =	vld [tilespmem:s23+$0x820];
	vm11 =	vgt.s32 v2, $0x554  }
0x116: {  	v6 =	vld [tilespmem:s23+$0x830];
	v0 =	vsel vm11, v1, v0  }
0x117: {  	v1 =	vor.u32 $0x100000, v0  }
0x118: {  	s24 =	simm.s32 $0x40;
	vm12 =	vge.s32 v3, v1  }
0x119: {  	v2 =	vld [tilespmem:s24+$0x800];
	v7 =	vmpcnt.ones.xlane vm12;
	vm13 =	vge.s32 v4, v1  }
0x11a: {  	vm14 =	vge.s32 v5, v1;
	v3 =	vld [tilespmem:s24+$0x810];
	v4 =	vimm.s32 $0x0;
	v8 =	vmpcnt.ones.xlane vm13  }
0x11b: {  	vm15 =	vge.s32 v6, v1;
	v5 =	vadd.s32 v4, v7;
	v7 =	vmpcnt.ones.xlane vm14;
	v4 =	vld [tilespmem:s24+$0x820]  }
0x11c: {  	v6 =	vmpcnt.ones.xlane vm15;
	v8 =	vadd.s32 v8, v5;
	v5 =	vld [tilespmem:s24+$0x830]  }
0x11d: {  	s23 =	simm.s32 $0x200;
	v7 =	vadd.s32 v7, v8  }
.LBB2_26:
0x11e: {  	s24 =	sshra.s32 s23, $0x2;
	p0 =	sne.s32 s23, $0x1F00;
	s23 =	sadd.s32 $0x100, s23;
	vm0 =	vge.s32 v2, v1;
	v6 =	vadd.s32 v6, v7  }
.Ltmp13:
0x11f: {  	v2 =	vld [tilespmem:s24+$0x800];
	v7 =	vmpcnt.ones.xlane vm0;
	vm0 =	vge.s32 v3, v1;
	(pc) =	sbr.rel @p0 .LBB2_26-.Ltmp13, $4  }
0x120: {  	v3 =	vld [tilespmem:s24+$0x810];
	v8 =	vmpcnt.ones.xlane vm0;
	vm0 =	vge.s32 v4, v1  }
0x121: {  	v4 =	vld [tilespmem:s24+$0x820];
	v6 =	vadd.s32 v6, v7;
	v7 =	vmpcnt.ones.xlane vm0;
	vm0 =	vge.s32 v5, v1  }
0x122: {  	v5 =	vld [tilespmem:s24+$0x830];
	v8 =	vadd.s32 v8, v6;
	v6 =	vmpcnt.ones.xlane vm0  }
0x123: {  	v7 =	vadd.s32 v7, v8  }
0x124: {  	vm0 =	vge.s32 v2, v1  }
0x125: {  	v2 =	vmpcnt.ones.xlane vm0;
	vm8 =	vge.s32 v3, v1  }
0x126: {  	v3 =	vadd.s32 v6, v7;
	v6 =	vmpcnt.ones.xlane vm8;
	vm9 =	vge.s32 v4, v1  }
0x127: {  	v2 =	vadd.s32 v3, v2;
	v3 =	vmpcnt.ones.xlane vm9;
	vm10 =	vge.s32 v5, v1  }
0x128: {  	s23 =	simm.s32 $0x0;
	v2 =	vadd.s32 v6, v2;
	v4 =	vmpcnt.ones.xlane vm10  }
0x129: {  	v2 =	vadd.s32 v3, v2;
	v3 =	vld [tilespmem:s23+$0x800]  }
0x12a: {  	v2 =	vadd.s32 v4, v2;
	v4 =	vld [tilespmem:s23+$0x810]  }
0x12b: {  	v5 =	vld [tilespmem:s23+$0x820];
	vm11 =	vgt.s32 v2, $0x554  }
0x12c: {  	v6 =	vld [tilespmem:s23+$0x830];
	v0 =	vsel vm11, v1, v0  }
0x12d: {  	v1 =	vor.u32 $0x80000, v0  }
0x12e: {  	s24 =	simm.s32 $0x40;
	vm12 =	vge.s32 v3, v1  }
0x12f: {  	v2 =	vld [tilespmem:s24+$0x800];
	v7 =	vmpcnt.ones.xlane vm12;
	vm13 =	vge.s32 v4, v1  }
0x130: {  	vm14 =	vge.s32 v5, v1;
	v3 =	vld [tilespmem:s24+$0x810];
	v4 =	vimm.s32 $0x0;
	v8 =	vmpcnt.ones.xlane vm13  }
0x131: {  	vm15 =	vge.s32 v6, v1;
	v5 =	vadd.s32 v4, v7;
	v7 =	vmpcnt.ones.xlane vm14;
	v4 =	vld [tilespmem:s24+$0x820]  }
0x132: {  	v6 =	vmpcnt.ones.xlane vm15;
	v8 =	vadd.s32 v8, v5;
	v5 =	vld [tilespmem:s24+$0x830]  }
0x133: {  	s23 =	simm.s32 $0x200;
	v7 =	vadd.s32 v7, v8  }
.LBB2_28:
0x134: {  	s24 =	sshra.s32 s23, $0x2;
	p0 =	sne.s32 s23, $0x1F00;
	s23 =	sadd.s32 $0x100, s23;
	vm0 =	vge.s32 v2, v1;
	v6 =	vadd.s32 v6, v7  }
.Ltmp14:
0x135: {  	v2 =	vld [tilespmem:s24+$0x800];
	v7 =	vmpcnt.ones.xlane vm0;
	vm0 =	vge.s32 v3, v1;
	(pc) =	sbr.rel @p0 .LBB2_28-.Ltmp14, $4  }
0x136: {  	v3 =	vld [tilespmem:s24+$0x810];
	v8 =	vmpcnt.ones.xlane vm0;
	vm0 =	vge.s32 v4, v1  }
0x137: {  	v4 =	vld [tilespmem:s24+$0x820];
	v6 =	vadd.s32 v6, v7;
	v7 =	vmpcnt.ones.xlane vm0;
	vm0 =	vge.s32 v5, v1  }
0x138: {  	v5 =	vld [tilespmem:s24+$0x830];
	v8 =	vadd.s32 v8, v6;
	v6 =	vmpcnt.ones.xlane vm0  }
0x139: {  	v7 =	vadd.s32 v7, v8  }
0x13a: {  	vm0 =	vge.s32 v2, v1  }
0x13b: {  	v2 =	vmpcnt.ones.xlane vm0;
	vm8 =	vge.s32 v3, v1  }
0x13c: {  	v3 =	vadd.s32 v6, v7;
	v6 =	vmpcnt.ones.xlane vm8;
	vm9 =	vge.s32 v4, v1  }
0x13d: {  	v2 =	vadd.s32 v3, v2;
	v3 =	vmpcnt.ones.xlane vm9;
	vm10 =	vge.s32 v5, v1  }
0x13e: {  	s23 =	simm.s32 $0x0;
	v2 =	vadd.s32 v6, v2;
	v4 =	vmpcnt.ones.xlane vm10  }
0x13f: {  	v2 =	vadd.s32 v3, v2;
	v3 =	vld [tilespmem:s23+$0x800]  }
0x140: {  	v2 =	vadd.s32 v4, v2;
	v4 =	vld [tilespmem:s23+$0x810]  }
0x141: {  	v5 =	vld [tilespmem:s23+$0x820];
	vm11 =	vgt.s32 v2, $0x554  }
0x142: {  	v6 =	vld [tilespmem:s23+$0x830];
	v0 =	vsel vm11, v1, v0  }
0x143: {  	v1 =	vor.u32 $0x40000, v0  }
0x144: {  	s24 =	simm.s32 $0x40;
	vm12 =	vge.s32 v3, v1  }
0x145: {  	v2 =	vld [tilespmem:s24+$0x800];
	v7 =	vmpcnt.ones.xlane vm12;
	vm13 =	vge.s32 v4, v1  }
0x146: {  	vm14 =	vge.s32 v5, v1;
	v3 =	vld [tilespmem:s24+$0x810];
	v4 =	vimm.s32 $0x0;
	v8 =	vmpcnt.ones.xlane vm13  }
0x147: {  	vm15 =	vge.s32 v6, v1;
	v5 =	vadd.s32 v4, v7;
	v7 =	vmpcnt.ones.xlane vm14;
	v4 =	vld [tilespmem:s24+$0x820]  }
0x148: {  	v6 =	vmpcnt.ones.xlane vm15;
	v8 =	vadd.s32 v8, v5;
	v5 =	vld [tilespmem:s24+$0x830]  }
0x149: {  	s23 =	simm.s32 $0x200;
	v7 =	vadd.s32 v7, v8  }
.LBB2_30:
0x14a: {  	s24 =	sshra.s32 s23, $0x2;
	p0 =	sne.s32 s23, $0x1F00;
	s23 =	sadd.s32 $0x100, s23;
	vm0 =	vge.s32 v2, v1;
	v6 =	vadd.s32 v6, v7  }
.Ltmp15:
0x14b: {  	v2 =	vld [tilespmem:s24+$0x800];
	v7 =	vmpcnt.ones.xlane vm0;
	vm0 =	vge.s32 v3, v1;
	(pc) =	sbr.rel @p0 .LBB2_30-.Ltmp15, $4  }
0x14c: {  	v3 =	vld [tilespmem:s24+$0x810];
	v8 =	vmpcnt.ones.xlane vm0;
	vm0 =	vge.s32 v4, v1  }
0x14d: {  	v4 =	vld [tilespmem:s24+$0x820];
	v6 =	vadd.s32 v6, v7;
	v7 =	vmpcnt.ones.xlane vm0;
	vm0 =	vge.s32 v5, v1  }
0x14e: {  	v5 =	vld [tilespmem:s24+$0x830];
	v8 =	vadd.s32 v8, v6;
	v6 =	vmpcnt.ones.xlane vm0  }
0x14f: {  	v7 =	vadd.s32 v7, v8  }
0x150: {  	vm0 =	vge.s32 v2, v1  }
0x151: {  	v2 =	vmpcnt.ones.xlane vm0;
	vm8 =	vge.s32 v3, v1  }
0x152: {  	v3 =	vadd.s32 v6, v7;
	v6 =	vmpcnt.ones.xlane vm8;
	vm9 =	vge.s32 v4, v1  }
0x153: {  	v2 =	vadd.s32 v3, v2;
	v3 =	vmpcnt.ones.xlane vm9;
	vm10 =	vge.s32 v5, v1  }
0x154: {  	s23 =	simm.s32 $0x0;
	v2 =	vadd.s32 v6, v2;
	v4 =	vmpcnt.ones.xlane vm10  }
0x155: {  	v2 =	vadd.s32 v3, v2;
	v3 =	vld [tilespmem:s23+$0x800]  }
0x156: {  	v2 =	vadd.s32 v4, v2;
	v4 =	vld [tilespmem:s23+$0x810]  }
0x157: {  	v5 =	vld [tilespmem:s23+$0x820];
	vm11 =	vgt.s32 v2, $0x554  }
0x158: {  	v6 =	vld [tilespmem:s23+$0x830];
	v0 =	vsel vm11, v1, v0  }
0x159: {  	v1 =	vor.u32 $0x20000, v0  }
0x15a: {  	s24 =	simm.s32 $0x40;
	vm12 =	vge.s32 v3, v1  }
0x15b: {  	v2 =	vld [tilespmem:s24+$0x800];
	v7 =	vmpcnt.ones.xlane vm12;
	vm13 =	vge.s32 v4, v1  }
0x15c: {  	vm14 =	vge.s32 v5, v1;
	v3 =	vld [tilespmem:s24+$0x810];
	v4 =	vimm.s32 $0x0;
	v8 =	vmpcnt.ones.xlane vm13  }
0x15d: {  	vm15 =	vge.s32 v6, v1;
	v5 =	vadd.s32 v4, v7;
	v7 =	vmpcnt.ones.xlane vm14;
	v4 =	vld [tilespmem:s24+$0x820]  }
0x15e: {  	v6 =	vmpcnt.ones.xlane vm15;
	v8 =	vadd.s32 v8, v5;
	v5 =	vld [tilespmem:s24+$0x830]  }
0x15f: {  	s23 =	simm.s32 $0x200;
	v7 =	vadd.s32 v7, v8  }
.LBB2_32:
0x160: {  	s24 =	sshra.s32 s23, $0x2;
	p0 =	sne.s32 s23, $0x1F00;
	s23 =	sadd.s32 $0x100, s23;
	vm0 =	vge.s32 v2, v1;
	v6 =	vadd.s32 v6, v7  }
.Ltmp16:
0x161: {  	v2 =	vld [tilespmem:s24+$0x800];
	v7 =	vmpcnt.ones.xlane vm0;
	vm0 =	vge.s32 v3, v1;
	(pc) =	sbr.rel @p0 .LBB2_32-.Ltmp16, $4  }
0x162: {  	v3 =	vld [tilespmem:s24+$0x810];
	v8 =	vmpcnt.ones.xlane vm0;
	vm0 =	vge.s32 v4, v1  }
0x163: {  	v4 =	vld [tilespmem:s24+$0x820];
	v6 =	vadd.s32 v6, v7;
	v7 =	vmpcnt.ones.xlane vm0;
	vm0 =	vge.s32 v5, v1  }
0x164: {  	v5 =	vld [tilespmem:s24+$0x830];
	v8 =	vadd.s32 v8, v6;
	v6 =	vmpcnt.ones.xlane vm0  }
0x165: {  	v7 =	vadd.s32 v7, v8  }
0x166: {  	vm0 =	vge.s32 v2, v1  }
0x167: {  	v2 =	vmpcnt.ones.xlane vm0;
	vm8 =	vge.s32 v3, v1  }
0x168: {  	v3 =	vadd.s32 v6, v7;
	v6 =	vmpcnt.ones.xlane vm8;
	vm9 =	vge.s32 v4, v1  }
0x169: {  	v2 =	vadd.s32 v3, v2;
	v3 =	vmpcnt.ones.xlane vm9;
	vm10 =	vge.s32 v5, v1  }
0x16a: {  	s23 =	simm.s32 $0x0;
	v2 =	vadd.s32 v6, v2;
	v4 =	vmpcnt.ones.xlane vm10  }
0x16b: {  	v2 =	vadd.s32 v3, v2;
	v3 =	vld [tilespmem:s23+$0x800]  }
0x16c: {  	v2 =	vadd.s32 v4, v2;
	v4 =	vld [tilespmem:s23+$0x810]  }
0x16d: {  	v5 =	vld [tilespmem:s23+$0x820];
	vm11 =	vgt.s32 v2, $0x554  }
0x16e: {  	v6 =	vld [tilespmem:s23+$0x830];
	v0 =	vsel vm11, v1, v0  }
0x16f: {  	v1 =	vor.u32 $0x10000, v0  }
0x170: {  	s24 =	simm.s32 $0x40;
	vm12 =	vge.s32 v3, v1  }
0x171: {  	v2 =	vld [tilespmem:s24+$0x800];
	v7 =	vmpcnt.ones.xlane vm12;
	vm13 =	vge.s32 v4, v1  }
0x172: {  	vm14 =	vge.s32 v5, v1;
	v3 =	vld [tilespmem:s24+$0x810];
	v4 =	vimm.s32 $0x0;
	v8 =	vmpcnt.ones.xlane vm13  }
0x173: {  	vm15 =	vge.s32 v6, v1;
	v5 =	vadd.s32 v4, v7;
	v7 =	vmpcnt.ones.xlane vm14;
	v4 =	vld [tilespmem:s24+$0x820]  }
0x174: {  	v6 =	vmpcnt.ones.xlane vm15;
	v8 =	vadd.s32 v8, v5;
	v5 =	vld [tilespmem:s24+$0x830]  }
0x175: {  	s23 =	simm.s32 $0x200;
	v7 =	vadd.s32 v7, v8  }
.LBB2_34:
0x176: {  	s24 =	sshra.s32 s23, $0x2;
	p0 =	sne.s32 s23, $0x1F00;
	s23 =	sadd.s32 $0x100, s23;
	vm0 =	vge.s32 v2, v1;
	v6 =	vadd.s32 v6, v7  }
.Ltmp17:
0x177: {  	v2 =	vld [tilespmem:s24+$0x800];
	v7 =	vmpcnt.ones.xlane vm0;
	vm0 =	vge.s32 v3, v1;
	(pc) =	sbr.rel @p0 .LBB2_34-.Ltmp17, $4  }
0x178: {  	v3 =	vld [tilespmem:s24+$0x810];
	v8 =	vmpcnt.ones.xlane vm0;
	vm0 =	vge.s32 v4, v1  }
0x179: {  	v4 =	vld [tilespmem:s24+$0x820];
	v6 =	vadd.s32 v6, v7;
	v7 =	vmpcnt.ones.xlane vm0;
	vm0 =	vge.s32 v5, v1  }
0x17a: {  	v5 =	vld [tilespmem:s24+$0x830];
	v8 =	vadd.s32 v8, v6;
	v6 =	vmpcnt.ones.xlane vm0  }
0x17b: {  	v7 =	vadd.s32 v7, v8  }
0x17c: {  	vm0 =	vge.s32 v2, v1  }
0x17d: {  	v2 =	vmpcnt.ones.xlane vm0;
	vm8 =	vge.s32 v3, v1  }
0x17e: {  	v3 =	vadd.s32 v6, v7;
	v6 =	vmpcnt.ones.xlane vm8;
	vm9 =	vge.s32 v4, v1  }
0x17f: {  	v2 =	vadd.s32 v3, v2;
	v3 =	vmpcnt.ones.xlane vm9;
	vm10 =	vge.s32 v5, v1  }
0x180: {  	s23 =	simm.s32 $0x0;
	v2 =	vadd.s32 v6, v2;
	v4 =	vmpcnt.ones.xlane vm10  }
0x181: {  	v2 =	vadd.s32 v3, v2;
	v3 =	vld [tilespmem:s23+$0x800]  }
0x182: {  	v2 =	vadd.s32 v4, v2;
	v4 =	vld [tilespmem:s23+$0x810]  }
0x183: {  	v5 =	vld [tilespmem:s23+$0x820];
	vm11 =	vgt.s32 v2, $0x554  }
0x184: {  	v6 =	vld [tilespmem:s23+$0x830];
	v0 =	vsel vm11, v1, v0  }
0x185: {  	v1 =	vor.u32 $0x8000, v0  }
0x186: {  	s24 =	simm.s32 $0x40;
	vm12 =	vge.s32 v3, v1  }
0x187: {  	v2 =	vld [tilespmem:s24+$0x800];
	v7 =	vmpcnt.ones.xlane vm12;
	vm13 =	vge.s32 v4, v1  }
0x188: {  	vm14 =	vge.s32 v5, v1;
	v3 =	vld [tilespmem:s24+$0x810];
	v4 =	vimm.s32 $0x0;
	v8 =	vmpcnt.ones.xlane vm13  }
0x189: {  	vm15 =	vge.s32 v6, v1;
	v5 =	vadd.s32 v4, v7;
	v7 =	vmpcnt.ones.xlane vm14;
	v4 =	vld [tilespmem:s24+$0x820]  }
0x18a: {  	v6 =	vmpcnt.ones.xlane vm15;
	v8 =	vadd.s32 v8, v5;
	v5 =	vld [tilespmem:s24+$0x830]  }
0x18b: {  	s23 =	simm.s32 $0x200;
	v7 =	vadd.s32 v7, v8  }
.LBB2_36:
0x18c: {  	s24 =	sshra.s32 s23, $0x2;
	p0 =	sne.s32 s23, $0x1F00;
	s23 =	sadd.s32 $0x100, s23;
	vm0 =	vge.s32 v2, v1;
	v6 =	vadd.s32 v6, v7  }
.Ltmp18:
0x18d: {  	v2 =	vld [tilespmem:s24+$0x800];
	v7 =	vmpcnt.ones.xlane vm0;
	vm0 =	vge.s32 v3, v1;
	(pc) =	sbr.rel @p0 .LBB2_36-.Ltmp18, $4  }
0x18e: {  	v3 =	vld [tilespmem:s24+$0x810];
	v8 =	vmpcnt.ones.xlane vm0;
	vm0 =	vge.s32 v4, v1  }
0x18f: {  	v4 =	vld [tilespmem:s24+$0x820];
	v6 =	vadd.s32 v6, v7;
	v7 =	vmpcnt.ones.xlane vm0;
	vm0 =	vge.s32 v5, v1  }
0x190: {  	v5 =	vld [tilespmem:s24+$0x830];
	v8 =	vadd.s32 v8, v6;
	v6 =	vmpcnt.ones.xlane vm0  }
0x191: {  	v7 =	vadd.s32 v7, v8  }
0x192: {  	vm0 =	vge.s32 v2, v1  }
0x193: {  	v2 =	vmpcnt.ones.xlane vm0;
	vm8 =	vge.s32 v3, v1  }
0x194: {  	v3 =	vadd.s32 v6, v7;
	v6 =	vmpcnt.ones.xlane vm8;
	vm9 =	vge.s32 v4, v1  }
0x195: {  	v2 =	vadd.s32 v3, v2;
	v3 =	vmpcnt.ones.xlane vm9;
	vm10 =	vge.s32 v5, v1  }
0x196: {  	s23 =	simm.s32 $0x0;
	v2 =	vadd.s32 v6, v2;
	v4 =	vmpcnt.ones.xlane vm10  }
0x197: {  	v2 =	vadd.s32 v3, v2;
	v3 =	vld [tilespmem:s23+$0x800]  }
0x198: {  	v2 =	vadd.s32 v4, v2;
	v4 =	vld [tilespmem:s23+$0x810]  }
0x199: {  	v5 =	vld [tilespmem:s23+$0x820];
	vm11 =	vgt.s32 v2, $0x554  }
0x19a: {  	v6 =	vld [tilespmem:s23+$0x830];
	v0 =	vsel vm11, v1, v0  }
0x19b: {  	v1 =	vor.u32 $0x4000, v0  }
0x19c: {  	s24 =	simm.s32 $0x40;
	vm12 =	vge.s32 v3, v1  }
0x19d: {  	v2 =	vld [tilespmem:s24+$0x800];
	v7 =	vmpcnt.ones.xlane vm12;
	vm13 =	vge.s32 v4, v1  }
0x19e: {  	vm14 =	vge.s32 v5, v1;
	v3 =	vld [tilespmem:s24+$0x810];
	v4 =	vimm.s32 $0x0;
	v8 =	vmpcnt.ones.xlane vm13  }
0x19f: {  	vm15 =	vge.s32 v6, v1;
	v5 =	vadd.s32 v4, v7;
	v7 =	vmpcnt.ones.xlane vm14;
	v4 =	vld [tilespmem:s24+$0x820]  }
0x1a0: {  	v6 =	vmpcnt.ones.xlane vm15;
	v8 =	vadd.s32 v8, v5;
	v5 =	vld [tilespmem:s24+$0x830]  }
0x1a1: {  	s23 =	simm.s32 $0x200;
	v7 =	vadd.s32 v7, v8  }
.LBB2_38:
0x1a2: {  	s24 =	sshra.s32 s23, $0x2;
	p0 =	sne.s32 s23, $0x1F00;
	s23 =	sadd.s32 $0x100, s23;
	vm0 =	vge.s32 v2, v1;
	v6 =	vadd.s32 v6, v7  }
.Ltmp19:
0x1a3: {  	v2 =	vld [tilespmem:s24+$0x800];
	v7 =	vmpcnt.ones.xlane vm0;
	vm0 =	vge.s32 v3, v1;
	(pc) =	sbr.rel @p0 .LBB2_38-.Ltmp19, $4  }
0x1a4: {  	v3 =	vld [tilespmem:s24+$0x810];
	v8 =	vmpcnt.ones.xlane vm0;
	vm0 =	vge.s32 v4, v1  }
0x1a5: {  	v4 =	vld [tilespmem:s24+$0x820];
	v6 =	vadd.s32 v6, v7;
	v7 =	vmpcnt.ones.xlane vm0;
	vm0 =	vge.s32 v5, v1  }
0x1a6: {  	v5 =	vld [tilespmem:s24+$0x830];
	v8 =	vadd.s32 v8, v6;
	v6 =	vmpcnt.ones.xlane vm0  }
0x1a7: {  	v7 =	vadd.s32 v7, v8  }
0x1a8: {  	vm0 =	vge.s32 v2, v1  }
0x1a9: {  	v2 =	vmpcnt.ones.xlane vm0;
	vm8 =	vge.s32 v3, v1  }
0x1aa: {  	v3 =	vadd.s32 v6, v7;
	v6 =	vmpcnt.ones.xlane vm8;
	vm9 =	vge.s32 v4, v1  }
0x1ab: {  	v2 =	vadd.s32 v3, v2;
	v3 =	vmpcnt.ones.xlane vm9;
	vm10 =	vge.s32 v5, v1  }
0x1ac: {  	s23 =	simm.s32 $0x0;
	v2 =	vadd.s32 v6, v2;
	v4 =	vmpcnt.ones.xlane vm10  }
0x1ad: {  	v2 =	vadd.s32 v3, v2;
	v3 =	vld [tilespmem:s23+$0x800]  }
0x1ae: {  	v2 =	vadd.s32 v4, v2;
	v4 =	vld [tilespmem:s23+$0x810]  }
0x1af: {  	v5 =	vld [tilespmem:s23+$0x820];
	vm11 =	vgt.s32 v2, $0x554  }
0x1b0: {  	v6 =	vld [tilespmem:s23+$0x830];
	v0 =	vsel vm11, v1, v0  }
0x1b1: {  	v1 =	vor.u32 $0x2000, v0  }
0x1b2: {  	s24 =	simm.s32 $0x40;
	vm12 =	vge.s32 v3, v1  }
0x1b3: {  	v2 =	vld [tilespmem:s24+$0x800];
	v7 =	vmpcnt.ones.xlane vm12;
	vm13 =	vge.s32 v4, v1  }
0x1b4: {  	vm14 =	vge.s32 v5, v1;
	v3 =	vld [tilespmem:s24+$0x810];
	v4 =	vimm.s32 $0x0;
	v8 =	vmpcnt.ones.xlane vm13  }
0x1b5: {  	vm15 =	vge.s32 v6, v1;
	v5 =	vadd.s32 v4, v7;
	v7 =	vmpcnt.ones.xlane vm14;
	v4 =	vld [tilespmem:s24+$0x820]  }
0x1b6: {  	v6 =	vmpcnt.ones.xlane vm15;
	v8 =	vadd.s32 v8, v5;
	v5 =	vld [tilespmem:s24+$0x830]  }
0x1b7: {  	s23 =	simm.s32 $0x200;
	v7 =	vadd.s32 v7, v8  }
.LBB2_40:
0x1b8: {  	s24 =	sshra.s32 s23, $0x2;
	p0 =	sne.s32 s23, $0x1F00;
	s23 =	sadd.s32 $0x100, s23;
	vm0 =	vge.s32 v2, v1;
	v6 =	vadd.s32 v6, v7  }
.Ltmp20:
0x1b9: {  	v2 =	vld [tilespmem:s24+$0x800];
	v7 =	vmpcnt.ones.xlane vm0;
	vm0 =	vge.s32 v3, v1;
	(pc) =	sbr.rel @p0 .LBB2_40-.Ltmp20, $4  }
0x1ba: {  	v3 =	vld [tilespmem:s24+$0x810];
	v8 =	vmpcnt.ones.xlane vm0;
	vm0 =	vge.s32 v4, v1  }
0x1bb: {  	v4 =	vld [tilespmem:s24+$0x820];
	v6 =	vadd.s32 v6, v7;
	v7 =	vmpcnt.ones.xlane vm0;
	vm0 =	vge.s32 v5, v1  }
0x1bc: {  	v5 =	vld [tilespmem:s24+$0x830];
	v8 =	vadd.s32 v8, v6;
	v6 =	vmpcnt.ones.xlane vm0  }
0x1bd: {  	v7 =	vadd.s32 v7, v8  }
0x1be: {  	vm0 =	vge.s32 v2, v1  }
0x1bf: {  	v2 =	vmpcnt.ones.xlane vm0;
	vm8 =	vge.s32 v3, v1  }
0x1c0: {  	v3 =	vadd.s32 v6, v7;
	v6 =	vmpcnt.ones.xlane vm8;
	vm9 =	vge.s32 v4, v1  }
0x1c1: {  	v2 =	vadd.s32 v3, v2;
	v3 =	vmpcnt.ones.xlane vm9;
	vm10 =	vge.s32 v5, v1  }
0x1c2: {  	s23 =	simm.s32 $0x0;
	v2 =	vadd.s32 v6, v2;
	v4 =	vmpcnt.ones.xlane vm10  }
0x1c3: {  	v2 =	vadd.s32 v3, v2;
	v3 =	vld [tilespmem:s23+$0x800]  }
0x1c4: {  	v2 =	vadd.s32 v4, v2;
	v4 =	vld [tilespmem:s23+$0x810]  }
0x1c5: {  	v5 =	vld [tilespmem:s23+$0x820];
	vm11 =	vgt.s32 v2, $0x554  }
0x1c6: {  	v6 =	vld [tilespmem:s23+$0x830];
	v0 =	vsel vm11, v1, v0  }
0x1c7: {  	v1 =	vor.u32 $0x1000, v0  }
0x1c8: {  	s24 =	simm.s32 $0x40;
	vm12 =	vge.s32 v3, v1  }
0x1c9: {  	v2 =	vld [tilespmem:s24+$0x800];
	v7 =	vmpcnt.ones.xlane vm12;
	vm13 =	vge.s32 v4, v1  }
0x1ca: {  	vm14 =	vge.s32 v5, v1;
	v3 =	vld [tilespmem:s24+$0x810];
	v4 =	vimm.s32 $0x0;
	v8 =	vmpcnt.ones.xlane vm13  }
0x1cb: {  	vm15 =	vge.s32 v6, v1;
	v5 =	vadd.s32 v4, v7;
	v7 =	vmpcnt.ones.xlane vm14;
	v4 =	vld [tilespmem:s24+$0x820]  }
0x1cc: {  	v6 =	vmpcnt.ones.xlane vm15;
	v8 =	vadd.s32 v8, v5;
	v5 =	vld [tilespmem:s24+$0x830]  }
0x1cd: {  	s23 =	simm.s32 $0x200;
	v7 =	vadd.s32 v7, v8  }
.LBB2_42:
0x1ce: {  	s24 =	sshra.s32 s23, $0x2;
	p0 =	sne.s32 s23, $0x1F00;
	s23 =	sadd.s32 $0x100, s23;
	vm0 =	vge.s32 v2, v1;
	v6 =	vadd.s32 v6, v7  }
.Ltmp21:
0x1cf: {  	v2 =	vld [tilespmem:s24+$0x800];
	v7 =	vmpcnt.ones.xlane vm0;
	vm0 =	vge.s32 v3, v1;
	(pc) =	sbr.rel @p0 .LBB2_42-.Ltmp21, $4  }
0x1d0: {  	v3 =	vld [tilespmem:s24+$0x810];
	v8 =	vmpcnt.ones.xlane vm0;
	vm0 =	vge.s32 v4, v1  }
0x1d1: {  	v4 =	vld [tilespmem:s24+$0x820];
	v6 =	vadd.s32 v6, v7;
	v7 =	vmpcnt.ones.xlane vm0;
	vm0 =	vge.s32 v5, v1  }
0x1d2: {  	v5 =	vld [tilespmem:s24+$0x830];
	v8 =	vadd.s32 v8, v6;
	v6 =	vmpcnt.ones.xlane vm0  }
0x1d3: {  	v7 =	vadd.s32 v7, v8  }
0x1d4: {  	vm0 =	vge.s32 v2, v1  }
0x1d5: {  	v2 =	vmpcnt.ones.xlane vm0;
	vm8 =	vge.s32 v3, v1  }
0x1d6: {  	v3 =	vadd.s32 v6, v7;
	v6 =	vmpcnt.ones.xlane vm8;
	vm9 =	vge.s32 v4, v1  }
0x1d7: {  	v2 =	vadd.s32 v3, v2;
	v3 =	vmpcnt.ones.xlane vm9;
	vm10 =	vge.s32 v5, v1  }
0x1d8: {  	s23 =	simm.s32 $0x0;
	v2 =	vadd.s32 v6, v2;
	v4 =	vmpcnt.ones.xlane vm10  }
0x1d9: {  	v2 =	vadd.s32 v3, v2;
	v3 =	vld [tilespmem:s23+$0x800]  }
0x1da: {  	v2 =	vadd.s32 v4, v2;
	v4 =	vld [tilespmem:s23+$0x810]  }
0x1db: {  	v5 =	vld [tilespmem:s23+$0x820];
	vm11 =	vgt.s32 v2, $0x554  }
0x1dc: {  	v6 =	vld [tilespmem:s23+$0x830];
	v0 =	vsel vm11, v1, v0  }
0x1dd: {  	v1 =	vor.u32 $0x800, v0  }
0x1de: {  	s24 =	simm.s32 $0x40;
	vm12 =	vge.s32 v3, v1  }
0x1df: {  	v2 =	vld [tilespmem:s24+$0x800];
	v7 =	vmpcnt.ones.xlane vm12;
	vm13 =	vge.s32 v4, v1  }
0x1e0: {  	vm14 =	vge.s32 v5, v1;
	v3 =	vld [tilespmem:s24+$0x810];
	v4 =	vimm.s32 $0x0;
	v8 =	vmpcnt.ones.xlane vm13  }
0x1e1: {  	vm15 =	vge.s32 v6, v1;
	v5 =	vadd.s32 v4, v7;
	v7 =	vmpcnt.ones.xlane vm14;
	v4 =	vld [tilespmem:s24+$0x820]  }
0x1e2: {  	v6 =	vmpcnt.ones.xlane vm15;
	v8 =	vadd.s32 v8, v5;
	v5 =	vld [tilespmem:s24+$0x830]  }
0x1e3: {  	s23 =	simm.s32 $0x200;
	v7 =	vadd.s32 v7, v8  }
.LBB2_44:
0x1e4: {  	s24 =	sshra.s32 s23, $0x2;
	p0 =	sne.s32 s23, $0x1F00;
	s23 =	sadd.s32 $0x100, s23;
	vm0 =	vge.s32 v2, v1;
	v6 =	vadd.s32 v6, v7  }
.Ltmp22:
0x1e5: {  	v2 =	vld [tilespmem:s24+$0x800];
	v7 =	vmpcnt.ones.xlane vm0;
	vm0 =	vge.s32 v3, v1;
	(pc) =	sbr.rel @p0 .LBB2_44-.Ltmp22, $4  }
0x1e6: {  	v3 =	vld [tilespmem:s24+$0x810];
	v8 =	vmpcnt.ones.xlane vm0;
	vm0 =	vge.s32 v4, v1  }
0x1e7: {  	v4 =	vld [tilespmem:s24+$0x820];
	v6 =	vadd.s32 v6, v7;
	v7 =	vmpcnt.ones.xlane vm0;
	vm0 =	vge.s32 v5, v1  }
0x1e8: {  	v5 =	vld [tilespmem:s24+$0x830];
	v8 =	vadd.s32 v8, v6;
	v6 =	vmpcnt.ones.xlane vm0  }
0x1e9: {  	v7 =	vadd.s32 v7, v8  }
0x1ea: {  	vm0 =	vge.s32 v2, v1  }
0x1eb: {  	v2 =	vmpcnt.ones.xlane vm0;
	vm8 =	vge.s32 v3, v1  }
0x1ec: {  	v3 =	vadd.s32 v6, v7;
	v6 =	vmpcnt.ones.xlane vm8;
	vm9 =	vge.s32 v4, v1  }
0x1ed: {  	v2 =	vadd.s32 v3, v2;
	v3 =	vmpcnt.ones.xlane vm9;
	vm10 =	vge.s32 v5, v1  }
0x1ee: {  	s23 =	simm.s32 $0x0;
	v2 =	vadd.s32 v6, v2;
	v4 =	vmpcnt.ones.xlane vm10  }
0x1ef: {  	v2 =	vadd.s32 v3, v2;
	v3 =	vld [tilespmem:s23+$0x800]  }
0x1f0: {  	v2 =	vadd.s32 v4, v2;
	v4 =	vld [tilespmem:s23+$0x810]  }
0x1f1: {  	v5 =	vld [tilespmem:s23+$0x820];
	vm11 =	vgt.s32 v2, $0x554  }
0x1f2: {  	v6 =	vld [tilespmem:s23+$0x830];
	v0 =	vsel vm11, v1, v0  }
0x1f3: {  	v1 =	vor.u32 $0x400, v0  }
0x1f4: {  	s24 =	simm.s32 $0x40;
	vm12 =	vge.s32 v3, v1  }
0x1f5: {  	v2 =	vld [tilespmem:s24+$0x800];
	v7 =	vmpcnt.ones.xlane vm12;
	vm13 =	vge.s32 v4, v1  }
0x1f6: {  	vm14 =	vge.s32 v5, v1;
	v3 =	vld [tilespmem:s24+$0x810];
	v4 =	vimm.s32 $0x0;
	v8 =	vmpcnt.ones.xlane vm13  }
0x1f7: {  	vm15 =	vge.s32 v6, v1;
	v5 =	vadd.s32 v4, v7;
	v7 =	vmpcnt.ones.xlane vm14;
	v4 =	vld [tilespmem:s24+$0x820]  }
0x1f8: {  	v6 =	vmpcnt.ones.xlane vm15;
	v8 =	vadd.s32 v8, v5;
	v5 =	vld [tilespmem:s24+$0x830]  }
0x1f9: {  	s23 =	simm.s32 $0x200;
	v7 =	vadd.s32 v7, v8  }
.LBB2_46:
0x1fa: {  	s24 =	sshra.s32 s23, $0x2;
	p0 =	sne.s32 s23, $0x1F00;
	s23 =	sadd.s32 $0x100, s23;
	vm0 =	vge.s32 v2, v1;
	v6 =	vadd.s32 v6, v7  }
.Ltmp23:
0x1fb: {  	v2 =	vld [tilespmem:s24+$0x800];
	v7 =	vmpcnt.ones.xlane vm0;
	vm0 =	vge.s32 v3, v1;
	(pc) =	sbr.rel @p0 .LBB2_46-.Ltmp23, $4  }
0x1fc: {  	v3 =	vld [tilespmem:s24+$0x810];
	v8 =	vmpcnt.ones.xlane vm0;
	vm0 =	vge.s32 v4, v1  }
0x1fd: {  	v4 =	vld [tilespmem:s24+$0x820];
	v6 =	vadd.s32 v6, v7;
	v7 =	vmpcnt.ones.xlane vm0;
	vm0 =	vge.s32 v5, v1  }
0x1fe: {  	v5 =	vld [tilespmem:s24+$0x830];
	v8 =	vadd.s32 v8, v6;
	v6 =	vmpcnt.ones.xlane vm0  }
0x1ff: {  	v7 =	vadd.s32 v7, v8  }
0x200: {  	vm0 =	vge.s32 v2, v1  }
0x201: {  	v2 =	vmpcnt.ones.xlane vm0;
	vm8 =	vge.s32 v3, v1  }
0x202: {  	v3 =	vadd.s32 v6, v7;
	v6 =	vmpcnt.ones.xlane vm8;
	vm9 =	vge.s32 v4, v1  }
0x203: {  	v2 =	vadd.s32 v3, v2;
	v3 =	vmpcnt.ones.xlane vm9;
	vm10 =	vge.s32 v5, v1  }
0x204: {  	s23 =	simm.s32 $0x0;
	v2 =	vadd.s32 v6, v2;
	v4 =	vmpcnt.ones.xlane vm10  }
0x205: {  	v2 =	vadd.s32 v3, v2;
	v3 =	vld [tilespmem:s23+$0x800]  }
0x206: {  	v2 =	vadd.s32 v4, v2;
	v4 =	vld [tilespmem:s23+$0x810]  }
0x207: {  	v5 =	vld [tilespmem:s23+$0x820];
	vm11 =	vgt.s32 v2, $0x554  }
0x208: {  	v6 =	vld [tilespmem:s23+$0x830];
	v0 =	vsel vm11, v1, v0  }
0x209: {  	v1 =	vor.u32 $0x200, v0  }
0x20a: {  	s24 =	simm.s32 $0x40;
	vm12 =	vge.s32 v3, v1  }
0x20b: {  	v2 =	vld [tilespmem:s24+$0x800];
	v7 =	vmpcnt.ones.xlane vm12;
	vm13 =	vge.s32 v4, v1  }
0x20c: {  	vm14 =	vge.s32 v5, v1;
	v3 =	vld [tilespmem:s24+$0x810];
	v4 =	vimm.s32 $0x0;
	v8 =	vmpcnt.ones.xlane vm13  }
0x20d: {  	vm15 =	vge.s32 v6, v1;
	v5 =	vadd.s32 v4, v7;
	v7 =	vmpcnt.ones.xlane vm14;
	v4 =	vld [tilespmem:s24+$0x820]  }
0x20e: {  	v6 =	vmpcnt.ones.xlane vm15;
	v8 =	vadd.s32 v8, v5;
	v5 =	vld [tilespmem:s24+$0x830]  }
0x20f: {  	s23 =	simm.s32 $0x200;
	v7 =	vadd.s32 v7, v8  }
.LBB2_48:
0x210: {  	s24 =	sshra.s32 s23, $0x2;
	p0 =	sne.s32 s23, $0x1F00;
	s23 =	sadd.s32 $0x100, s23;
	vm0 =	vge.s32 v2, v1;
	v6 =	vadd.s32 v6, v7  }
.Ltmp24:
0x211: {  	v2 =	vld [tilespmem:s24+$0x800];
	v7 =	vmpcnt.ones.xlane vm0;
	vm0 =	vge.s32 v3, v1;
	(pc) =	sbr.rel @p0 .LBB2_48-.Ltmp24, $4  }
0x212: {  	v3 =	vld [tilespmem:s24+$0x810];
	v8 =	vmpcnt.ones.xlane vm0;
	vm0 =	vge.s32 v4, v1  }
0x213: {  	v4 =	vld [tilespmem:s24+$0x820];
	v6 =	vadd.s32 v6, v7;
	v7 =	vmpcnt.ones.xlane vm0;
	vm0 =	vge.s32 v5, v1  }
0x214: {  	v5 =	vld [tilespmem:s24+$0x830];
	v8 =	vadd.s32 v8, v6;
	v6 =	vmpcnt.ones.xlane vm0  }
0x215: {  	v7 =	vadd.s32 v7, v8  }
0x216: {  	vm0 =	vge.s32 v2, v1  }
0x217: {  	v2 =	vmpcnt.ones.xlane vm0;
	vm8 =	vge.s32 v3, v1  }
0x218: {  	v3 =	vadd.s32 v6, v7;
	v6 =	vmpcnt.ones.xlane vm8;
	vm9 =	vge.s32 v4, v1  }
0x219: {  	v2 =	vadd.s32 v3, v2;
	v3 =	vmpcnt.ones.xlane vm9;
	vm10 =	vge.s32 v5, v1  }
0x21a: {  	s23 =	simm.s32 $0x0;
	v2 =	vadd.s32 v6, v2;
	v4 =	vmpcnt.ones.xlane vm10  }
0x21b: {  	v2 =	vadd.s32 v3, v2;
	v3 =	vld [tilespmem:s23+$0x800]  }
0x21c: {  	v2 =	vadd.s32 v4, v2;
	v4 =	vld [tilespmem:s23+$0x810]  }
0x21d: {  	v5 =	vld [tilespmem:s23+$0x820];
	vm11 =	vgt.s32 v2, $0x554  }
0x21e: {  	v6 =	vld [tilespmem:s23+$0x830];
	v0 =	vsel vm11, v1, v0  }
0x21f: {  	v1 =	vor.u32 $0x100, v0  }
0x220: {  	s24 =	simm.s32 $0x40;
	vm12 =	vge.s32 v3, v1  }
0x221: {  	v2 =	vld [tilespmem:s24+$0x800];
	v7 =	vmpcnt.ones.xlane vm12;
	vm13 =	vge.s32 v4, v1  }
0x222: {  	vm14 =	vge.s32 v5, v1;
	v3 =	vld [tilespmem:s24+$0x810];
	v4 =	vimm.s32 $0x0;
	v8 =	vmpcnt.ones.xlane vm13  }
0x223: {  	vm15 =	vge.s32 v6, v1;
	v5 =	vadd.s32 v4, v7;
	v7 =	vmpcnt.ones.xlane vm14;
	v4 =	vld [tilespmem:s24+$0x820]  }
0x224: {  	v6 =	vmpcnt.ones.xlane vm15;
	v8 =	vadd.s32 v8, v5;
	v5 =	vld [tilespmem:s24+$0x830]  }
0x225: {  	s23 =	simm.s32 $0x200;
	v7 =	vadd.s32 v7, v8  }
.LBB2_50:
0x226: {  	s24 =	sshra.s32 s23, $0x2;
	p0 =	sne.s32 s23, $0x1F00;
	s23 =	sadd.s32 $0x100, s23;
	vm0 =	vge.s32 v2, v1;
	v6 =	vadd.s32 v6, v7  }
.Ltmp25:
0x227: {  	v2 =	vld [tilespmem:s24+$0x800];
	v7 =	vmpcnt.ones.xlane vm0;
	vm0 =	vge.s32 v3, v1;
	(pc) =	sbr.rel @p0 .LBB2_50-.Ltmp25, $4  }
0x228: {  	v3 =	vld [tilespmem:s24+$0x810];
	v8 =	vmpcnt.ones.xlane vm0;
	vm0 =	vge.s32 v4, v1  }
0x229: {  	v4 =	vld [tilespmem:s24+$0x820];
	v6 =	vadd.s32 v6, v7;
	v7 =	vmpcnt.ones.xlane vm0;
	vm0 =	vge.s32 v5, v1  }
0x22a: {  	v5 =	vld [tilespmem:s24+$0x830];
	v8 =	vadd.s32 v8, v6;
	v6 =	vmpcnt.ones.xlane vm0  }
0x22b: {  	v7 =	vadd.s32 v7, v8  }
0x22c: {  	vm0 =	vge.s32 v2, v1  }
0x22d: {  	v2 =	vmpcnt.ones.xlane vm0;
	vm8 =	vge.s32 v3, v1  }
0x22e: {  	v3 =	vadd.s32 v6, v7;
	v6 =	vmpcnt.ones.xlane vm8;
	vm9 =	vge.s32 v4, v1  }
0x22f: {  	v2 =	vadd.s32 v3, v2;
	v3 =	vmpcnt.ones.xlane vm9;
	vm10 =	vge.s32 v5, v1  }
0x230: {  	s23 =	simm.s32 $0x0;
	v2 =	vadd.s32 v6, v2;
	v4 =	vmpcnt.ones.xlane vm10  }
0x231: {  	v2 =	vadd.s32 v3, v2;
	v3 =	vld [tilespmem:s23+$0x800]  }
0x232: {  	v2 =	vadd.s32 v4, v2;
	v4 =	vld [tilespmem:s23+$0x810]  }
0x233: {  	v5 =	vld [tilespmem:s23+$0x820];
	vm11 =	vgt.s32 v2, $0x554  }
0x234: {  	v6 =	vld [tilespmem:s23+$0x830];
	v0 =	vsel vm11, v1, v0  }
0x235: {  	v1 =	vor.u32 $0x80, v0  }
0x236: {  	s24 =	simm.s32 $0x40;
	vm12 =	vge.s32 v3, v1  }
0x237: {  	v2 =	vld [tilespmem:s24+$0x800];
	v7 =	vmpcnt.ones.xlane vm12;
	vm13 =	vge.s32 v4, v1  }
0x238: {  	vm14 =	vge.s32 v5, v1;
	v3 =	vld [tilespmem:s24+$0x810];
	v4 =	vimm.s32 $0x0;
	v8 =	vmpcnt.ones.xlane vm13  }
0x239: {  	vm15 =	vge.s32 v6, v1;
	v5 =	vadd.s32 v4, v7;
	v7 =	vmpcnt.ones.xlane vm14;
	v4 =	vld [tilespmem:s24+$0x820]  }
0x23a: {  	v6 =	vmpcnt.ones.xlane vm15;
	v8 =	vadd.s32 v8, v5;
	v5 =	vld [tilespmem:s24+$0x830]  }
0x23b: {  	s23 =	simm.s32 $0x200;
	v7 =	vadd.s32 v7, v8  }
.LBB2_52:
0x23c: {  	s24 =	sshra.s32 s23, $0x2;
	p0 =	sne.s32 s23, $0x1F00;
	s23 =	sadd.s32 $0x100, s23;
	vm0 =	vge.s32 v2, v1;
	v6 =	vadd.s32 v6, v7  }
.Ltmp26:
0x23d: {  	v2 =	vld [tilespmem:s24+$0x800];
	v7 =	vmpcnt.ones.xlane vm0;
	vm0 =	vge.s32 v3, v1;
	(pc) =	sbr.rel @p0 .LBB2_52-.Ltmp26, $4  }
0x23e: {  	v3 =	vld [tilespmem:s24+$0x810];
	v8 =	vmpcnt.ones.xlane vm0;
	vm0 =	vge.s32 v4, v1  }
0x23f: {  	v4 =	vld [tilespmem:s24+$0x820];
	v6 =	vadd.s32 v6, v7;
	v7 =	vmpcnt.ones.xlane vm0;
	vm0 =	vge.s32 v5, v1  }
0x240: {  	v5 =	vld [tilespmem:s24+$0x830];
	v8 =	vadd.s32 v8, v6;
	v6 =	vmpcnt.ones.xlane vm0  }
0x241: {  	v7 =	vadd.s32 v7, v8  }
0x242: {  	vm0 =	vge.s32 v2, v1  }
0x243: {  	v2 =	vmpcnt.ones.xlane vm0;
	vm8 =	vge.s32 v3, v1  }
0x244: {  	v3 =	vadd.s32 v6, v7;
	v6 =	vmpcnt.ones.xlane vm8;
	vm9 =	vge.s32 v4, v1  }
0x245: {  	v2 =	vadd.s32 v3, v2;
	v3 =	vmpcnt.ones.xlane vm9;
	vm10 =	vge.s32 v5, v1  }
0x246: {  	s23 =	simm.s32 $0x0;
	v2 =	vadd.s32 v6, v2;
	v4 =	vmpcnt.ones.xlane vm10  }
0x247: {  	v2 =	vadd.s32 v3, v2;
	v3 =	vld [tilespmem:s23+$0x800]  }
0x248: {  	v2 =	vadd.s32 v4, v2;
	v4 =	vld [tilespmem:s23+$0x810]  }
0x249: {  	v5 =	vld [tilespmem:s23+$0x820];
	vm11 =	vgt.s32 v2, $0x554  }
0x24a: {  	v6 =	vld [tilespmem:s23+$0x830];
	v0 =	vsel vm11, v1, v0  }
0x24b: {  	v1 =	vor.u32 $0x40, v0  }
0x24c: {  	s24 =	simm.s32 $0x40;
	vm12 =	vge.s32 v3, v1  }
0x24d: {  	v2 =	vld [tilespmem:s24+$0x800];
	v7 =	vmpcnt.ones.xlane vm12;
	vm13 =	vge.s32 v4, v1  }
0x24e: {  	vm14 =	vge.s32 v5, v1;
	v3 =	vld [tilespmem:s24+$0x810];
	v4 =	vimm.s32 $0x0;
	v8 =	vmpcnt.ones.xlane vm13  }
0x24f: {  	vm15 =	vge.s32 v6, v1;
	v5 =	vadd.s32 v4, v7;
	v7 =	vmpcnt.ones.xlane vm14;
	v4 =	vld [tilespmem:s24+$0x820]  }
0x250: {  	v6 =	vmpcnt.ones.xlane vm15;
	v8 =	vadd.s32 v8, v5;
	v5 =	vld [tilespmem:s24+$0x830]  }
0x251: {  	s23 =	simm.s32 $0x200;
	v7 =	vadd.s32 v7, v8  }
.LBB2_54:
0x252: {  	s24 =	sshra.s32 s23, $0x2;
	p0 =	sne.s32 s23, $0x1F00;
	s23 =	sadd.s32 $0x100, s23;
	vm0 =	vge.s32 v2, v1;
	v6 =	vadd.s32 v6, v7  }
.Ltmp27:
0x253: {  	v2 =	vld [tilespmem:s24+$0x800];
	v7 =	vmpcnt.ones.xlane vm0;
	vm0 =	vge.s32 v3, v1;
	(pc) =	sbr.rel @p0 .LBB2_54-.Ltmp27, $4  }
0x254: {  	v3 =	vld [tilespmem:s24+$0x810];
	v8 =	vmpcnt.ones.xlane vm0;
	vm0 =	vge.s32 v4, v1  }
0x255: {  	v4 =	vld [tilespmem:s24+$0x820];
	v6 =	vadd.s32 v6, v7;
	v7 =	vmpcnt.ones.xlane vm0;
	vm0 =	vge.s32 v5, v1  }
0x256: {  	v5 =	vld [tilespmem:s24+$0x830];
	v8 =	vadd.s32 v8, v6;
	v6 =	vmpcnt.ones.xlane vm0  }
0x257: {  	v7 =	vadd.s32 v7, v8  }
0x258: {  	vm0 =	vge.s32 v2, v1  }
0x259: {  	v2 =	vmpcnt.ones.xlane vm0;
	vm8 =	vge.s32 v3, v1  }
0x25a: {  	v3 =	vadd.s32 v6, v7;
	v6 =	vmpcnt.ones.xlane vm8;
	vm9 =	vge.s32 v4, v1  }
0x25b: {  	v2 =	vadd.s32 v3, v2;
	v3 =	vmpcnt.ones.xlane vm9;
	vm10 =	vge.s32 v5, v1  }
0x25c: {  	s23 =	simm.s32 $0x0;
	v2 =	vadd.s32 v6, v2;
	v4 =	vmpcnt.ones.xlane vm10  }
0x25d: {  	v2 =	vadd.s32 v3, v2;
	v3 =	vld [tilespmem:s23+$0x800]  }
0x25e: {  	v2 =	vadd.s32 v4, v2;
	v4 =	vld [tilespmem:s23+$0x810]  }
0x25f: {  	v5 =	vld [tilespmem:s23+$0x820];
	vm11 =	vgt.s32 v2, $0x554  }
0x260: {  	v6 =	vld [tilespmem:s23+$0x830];
	v0 =	vsel vm11, v1, v0  }
0x261: {  	v1 =	vor.u32 $0x20, v0  }
0x262: {  	s24 =	simm.s32 $0x40;
	vm12 =	vge.s32 v3, v1  }
0x263: {  	v2 =	vld [tilespmem:s24+$0x800];
	v7 =	vmpcnt.ones.xlane vm12;
	vm13 =	vge.s32 v4, v1  }
0x264: {  	vm14 =	vge.s32 v5, v1;
	v3 =	vld [tilespmem:s24+$0x810];
	v4 =	vimm.s32 $0x0;
	v8 =	vmpcnt.ones.xlane vm13  }
0x265: {  	vm15 =	vge.s32 v6, v1;
	v5 =	vadd.s32 v4, v7;
	v7 =	vmpcnt.ones.xlane vm14;
	v4 =	vld [tilespmem:s24+$0x820]  }
0x266: {  	v6 =	vmpcnt.ones.xlane vm15;
	v8 =	vadd.s32 v8, v5;
	v5 =	vld [tilespmem:s24+$0x830]  }
0x267: {  	s23 =	simm.s32 $0x200;
	v7 =	vadd.s32 v7, v8  }
.LBB2_56:
0x268: {  	s24 =	sshra.s32 s23, $0x2;
	p0 =	sne.s32 s23, $0x1F00;
	s23 =	sadd.s32 $0x100, s23;
	vm0 =	vge.s32 v2, v1;
	v6 =	vadd.s32 v6, v7  }
.Ltmp28:
0x269: {  	v2 =	vld [tilespmem:s24+$0x800];
	v7 =	vmpcnt.ones.xlane vm0;
	vm0 =	vge.s32 v3, v1;
	(pc) =	sbr.rel @p0 .LBB2_56-.Ltmp28, $4  }
0x26a: {  	v3 =	vld [tilespmem:s24+$0x810];
	v8 =	vmpcnt.ones.xlane vm0;
	vm0 =	vge.s32 v4, v1  }
0x26b: {  	v4 =	vld [tilespmem:s24+$0x820];
	v6 =	vadd.s32 v6, v7;
	v7 =	vmpcnt.ones.xlane vm0;
	vm0 =	vge.s32 v5, v1  }
0x26c: {  	v5 =	vld [tilespmem:s24+$0x830];
	v8 =	vadd.s32 v8, v6;
	v6 =	vmpcnt.ones.xlane vm0  }
0x26d: {  	v7 =	vadd.s32 v7, v8  }
0x26e: {  	vm0 =	vge.s32 v2, v1  }
0x26f: {  	v2 =	vmpcnt.ones.xlane vm0;
	vm8 =	vge.s32 v3, v1  }
0x270: {  	v3 =	vadd.s32 v6, v7;
	v6 =	vmpcnt.ones.xlane vm8;
	vm9 =	vge.s32 v4, v1  }
0x271: {  	v2 =	vadd.s32 v3, v2;
	v3 =	vmpcnt.ones.xlane vm9;
	vm10 =	vge.s32 v5, v1  }
0x272: {  	s23 =	simm.s32 $0x0;
	v2 =	vadd.s32 v6, v2;
	v4 =	vmpcnt.ones.xlane vm10  }
0x273: {  	v2 =	vadd.s32 v3, v2;
	v3 =	vld [tilespmem:s23+$0x800]  }
0x274: {  	v2 =	vadd.s32 v4, v2;
	v4 =	vld [tilespmem:s23+$0x810]  }
0x275: {  	v5 =	vld [tilespmem:s23+$0x820];
	vm11 =	vgt.s32 v2, $0x554  }
0x276: {  	v6 =	vld [tilespmem:s23+$0x830];
	v0 =	vsel vm11, v1, v0  }
0x277: {  	v1 =	vor.u32 $0x10, v0  }
0x278: {  	s24 =	simm.s32 $0x40;
	vm12 =	vge.s32 v3, v1  }
0x279: {  	v2 =	vld [tilespmem:s24+$0x800];
	v7 =	vmpcnt.ones.xlane vm12;
	vm13 =	vge.s32 v4, v1  }
0x27a: {  	vm14 =	vge.s32 v5, v1;
	v3 =	vld [tilespmem:s24+$0x810];
	v4 =	vimm.s32 $0x0;
	v8 =	vmpcnt.ones.xlane vm13  }
0x27b: {  	vm15 =	vge.s32 v6, v1;
	v5 =	vadd.s32 v4, v7;
	v7 =	vmpcnt.ones.xlane vm14;
	v4 =	vld [tilespmem:s24+$0x820]  }
0x27c: {  	v6 =	vmpcnt.ones.xlane vm15;
	v8 =	vadd.s32 v8, v5;
	v5 =	vld [tilespmem:s24+$0x830]  }
0x27d: {  	s23 =	simm.s32 $0x200;
	v7 =	vadd.s32 v7, v8  }
.LBB2_58:
0x27e: {  	s24 =	sshra.s32 s23, $0x2;
	p0 =	sne.s32 s23, $0x1F00;
	s23 =	sadd.s32 $0x100, s23;
	vm0 =	vge.s32 v2, v1;
	v6 =	vadd.s32 v6, v7  }
.Ltmp29:
0x27f: {  	v2 =	vld [tilespmem:s24+$0x800];
	v7 =	vmpcnt.ones.xlane vm0;
	vm0 =	vge.s32 v3, v1;
	(pc) =	sbr.rel @p0 .LBB2_58-.Ltmp29, $4  }
0x280: {  	v3 =	vld [tilespmem:s24+$0x810];
	v8 =	vmpcnt.ones.xlane vm0;
	vm0 =	vge.s32 v4, v1  }
0x281: {  	v4 =	vld [tilespmem:s24+$0x820];
	v6 =	vadd.s32 v6, v7;
	v7 =	vmpcnt.ones.xlane vm0;
	vm0 =	vge.s32 v5, v1  }
0x282: {  	v5 =	vld [tilespmem:s24+$0x830];
	v8 =	vadd.s32 v8, v6;
	v6 =	vmpcnt.ones.xlane vm0  }
0x283: {  	v7 =	vadd.s32 v7, v8  }
0x284: {  	vm0 =	vge.s32 v2, v1  }
0x285: {  	v2 =	vmpcnt.ones.xlane vm0;
	vm8 =	vge.s32 v3, v1  }
0x286: {  	v3 =	vadd.s32 v6, v7;
	v6 =	vmpcnt.ones.xlane vm8;
	vm9 =	vge.s32 v4, v1  }
0x287: {  	v2 =	vadd.s32 v3, v2;
	v3 =	vmpcnt.ones.xlane vm9;
	vm10 =	vge.s32 v5, v1  }
0x288: {  	s23 =	simm.s32 $0x0;
	v2 =	vadd.s32 v6, v2;
	v4 =	vmpcnt.ones.xlane vm10  }
0x289: {  	v2 =	vadd.s32 v3, v2;
	v3 =	vld [tilespmem:s23+$0x800]  }
0x28a: {  	v2 =	vadd.s32 v4, v2;
	v4 =	vld [tilespmem:s23+$0x810]  }
0x28b: {  	v5 =	vld [tilespmem:s23+$0x820];
	vm11 =	vgt.s32 v2, $0x554  }
0x28c: {  	v6 =	vld [tilespmem:s23+$0x830];
	v0 =	vsel vm11, v1, v0  }
0x28d: {  	v1 =	vor.u32 $0x8, v0  }
0x28e: {  	s24 =	simm.s32 $0x40;
	vm12 =	vge.s32 v3, v1  }
0x28f: {  	v2 =	vld [tilespmem:s24+$0x800];
	v7 =	vmpcnt.ones.xlane vm12;
	vm13 =	vge.s32 v4, v1  }
0x290: {  	vm14 =	vge.s32 v5, v1;
	v3 =	vld [tilespmem:s24+$0x810];
	v4 =	vimm.s32 $0x0;
	v8 =	vmpcnt.ones.xlane vm13  }
0x291: {  	vm15 =	vge.s32 v6, v1;
	v5 =	vadd.s32 v4, v7;
	v7 =	vmpcnt.ones.xlane vm14;
	v4 =	vld [tilespmem:s24+$0x820]  }
0x292: {  	v6 =	vmpcnt.ones.xlane vm15;
	v8 =	vadd.s32 v8, v5;
	v5 =	vld [tilespmem:s24+$0x830]  }
0x293: {  	s23 =	simm.s32 $0x200;
	v7 =	vadd.s32 v7, v8  }
.LBB2_60:
0x294: {  	s24 =	sshra.s32 s23, $0x2;
	p0 =	sne.s32 s23, $0x1F00;
	s23 =	sadd.s32 $0x100, s23;
	vm0 =	vge.s32 v2, v1;
	v6 =	vadd.s32 v6, v7  }
.Ltmp30:
0x295: {  	v2 =	vld [tilespmem:s24+$0x800];
	v7 =	vmpcnt.ones.xlane vm0;
	vm0 =	vge.s32 v3, v1;
	(pc) =	sbr.rel @p0 .LBB2_60-.Ltmp30, $4  }
0x296: {  	v3 =	vld [tilespmem:s24+$0x810];
	v8 =	vmpcnt.ones.xlane vm0;
	vm0 =	vge.s32 v4, v1  }
0x297: {  	v4 =	vld [tilespmem:s24+$0x820];
	v6 =	vadd.s32 v6, v7;
	v7 =	vmpcnt.ones.xlane vm0;
	vm0 =	vge.s32 v5, v1  }
0x298: {  	v5 =	vld [tilespmem:s24+$0x830];
	v8 =	vadd.s32 v8, v6;
	v6 =	vmpcnt.ones.xlane vm0  }
0x299: {  	v7 =	vadd.s32 v7, v8  }
0x29a: {  	vm0 =	vge.s32 v2, v1  }
0x29b: {  	v2 =	vmpcnt.ones.xlane vm0;
	vm8 =	vge.s32 v3, v1  }
0x29c: {  	v3 =	vadd.s32 v6, v7;
	v6 =	vmpcnt.ones.xlane vm8;
	vm9 =	vge.s32 v4, v1  }
0x29d: {  	v2 =	vadd.s32 v3, v2;
	v3 =	vmpcnt.ones.xlane vm9;
	vm10 =	vge.s32 v5, v1  }
0x29e: {  	s23 =	simm.s32 $0x0;
	v2 =	vadd.s32 v6, v2;
	v4 =	vmpcnt.ones.xlane vm10  }
0x29f: {  	v2 =	vadd.s32 v3, v2;
	v3 =	vld [tilespmem:s23+$0x800]  }
0x2a0: {  	v2 =	vadd.s32 v4, v2;
	v4 =	vld [tilespmem:s23+$0x810]  }
0x2a1: {  	v5 =	vld [tilespmem:s23+$0x820];
	vm11 =	vgt.s32 v2, $0x554  }
0x2a2: {  	v6 =	vld [tilespmem:s23+$0x830];
	v0 =	vsel vm11, v1, v0  }
0x2a3: {  	v1 =	vor.u32 $0x4, v0  }
0x2a4: {  	s24 =	simm.s32 $0x40;
	vm12 =	vge.s32 v3, v1  }
0x2a5: {  	v2 =	vld [tilespmem:s24+$0x800];
	v7 =	vmpcnt.ones.xlane vm12;
	vm13 =	vge.s32 v4, v1  }
0x2a6: {  	vm14 =	vge.s32 v5, v1;
	v3 =	vld [tilespmem:s24+$0x810];
	v4 =	vimm.s32 $0x0;
	v8 =	vmpcnt.ones.xlane vm13  }
0x2a7: {  	vm15 =	vge.s32 v6, v1;
	v5 =	vadd.s32 v4, v7;
	v7 =	vmpcnt.ones.xlane vm14;
	v4 =	vld [tilespmem:s24+$0x820]  }
0x2a8: {  	v6 =	vmpcnt.ones.xlane vm15;
	v8 =	vadd.s32 v8, v5;
	v5 =	vld [tilespmem:s24+$0x830]  }
0x2a9: {  	s23 =	simm.s32 $0x200;
	v7 =	vadd.s32 v7, v8  }
.LBB2_62:
0x2aa: {  	s24 =	sshra.s32 s23, $0x2;
	p0 =	sne.s32 s23, $0x1F00;
	s23 =	sadd.s32 $0x100, s23;
	vm0 =	vge.s32 v2, v1;
	v6 =	vadd.s32 v6, v7  }
.Ltmp31:
0x2ab: {  	v2 =	vld [tilespmem:s24+$0x800];
	v7 =	vmpcnt.ones.xlane vm0;
	vm0 =	vge.s32 v3, v1;
	(pc) =	sbr.rel @p0 .LBB2_62-.Ltmp31, $4  }
0x2ac: {  	v3 =	vld [tilespmem:s24+$0x810];
	v8 =	vmpcnt.ones.xlane vm0;
	vm0 =	vge.s32 v4, v1  }
0x2ad: {  	v4 =	vld [tilespmem:s24+$0x820];
	v6 =	vadd.s32 v6, v7;
	v7 =	vmpcnt.ones.xlane vm0;
	vm0 =	vge.s32 v5, v1  }
0x2ae: {  	v5 =	vld [tilespmem:s24+$0x830];
	v8 =	vadd.s32 v8, v6;
	v6 =	vmpcnt.ones.xlane vm0  }
0x2af: {  	v7 =	vadd.s32 v7, v8  }
0x2b0: {  	vm0 =	vge.s32 v2, v1  }
0x2b1: {  	v2 =	vmpcnt.ones.xlane vm0;
	vm8 =	vge.s32 v3, v1  }
0x2b2: {  	v3 =	vadd.s32 v6, v7;
	v6 =	vmpcnt.ones.xlane vm8;
	vm9 =	vge.s32 v4, v1  }
0x2b3: {  	v2 =	vadd.s32 v3, v2;
	v3 =	vmpcnt.ones.xlane vm9;
	vm10 =	vge.s32 v5, v1  }
0x2b4: {  	s23 =	simm.s32 $0x0;
	v2 =	vadd.s32 v6, v2;
	v4 =	vmpcnt.ones.xlane vm10  }
0x2b5: {  	v2 =	vadd.s32 v3, v2;
	v3 =	vld [tilespmem:s23+$0x800]  }
0x2b6: {  	v2 =	vadd.s32 v4, v2;
	v4 =	vld [tilespmem:s23+$0x810]  }
0x2b7: {  	v5 =	vld [tilespmem:s23+$0x820];
	vm11 =	vgt.s32 v2, $0x554  }
0x2b8: {  	v6 =	vld [tilespmem:s23+$0x830];
	v0 =	vsel vm11, v1, v0  }
0x2b9: {  	v1 =	vor.u32 $0x2, v0  }
0x2ba: {  	s24 =	simm.s32 $0x40;
	vm12 =	vge.s32 v3, v1  }
0x2bb: {  	v2 =	vld [tilespmem:s24+$0x800];
	v7 =	vmpcnt.ones.xlane vm12;
	vm13 =	vge.s32 v4, v1  }
0x2bc: {  	vm14 =	vge.s32 v5, v1;
	v3 =	vld [tilespmem:s24+$0x810];
	v4 =	vimm.s32 $0x0;
	v8 =	vmpcnt.ones.xlane vm13  }
0x2bd: {  	vm15 =	vge.s32 v6, v1;
	v5 =	vadd.s32 v4, v7;
	v7 =	vmpcnt.ones.xlane vm14;
	v4 =	vld [tilespmem:s24+$0x820]  }
0x2be: {  	v6 =	vmpcnt.ones.xlane vm15;
	v8 =	vadd.s32 v8, v5;
	v5 =	vld [tilespmem:s24+$0x830]  }
0x2bf: {  	s23 =	simm.s32 $0x200;
	v7 =	vadd.s32 v7, v8  }
.LBB2_64:
0x2c0: {  	s24 =	sshra.s32 s23, $0x2;
	p0 =	sne.s32 s23, $0x1F00;
	s23 =	sadd.s32 $0x100, s23;
	vm0 =	vge.s32 v2, v1;
	v6 =	vadd.s32 v6, v7  }
.Ltmp32:
0x2c1: {  	v2 =	vld [tilespmem:s24+$0x800];
	v7 =	vmpcnt.ones.xlane vm0;
	vm0 =	vge.s32 v3, v1;
	(pc) =	sbr.rel @p0 .LBB2_64-.Ltmp32, $4  }
0x2c2: {  	v3 =	vld [tilespmem:s24+$0x810];
	v8 =	vmpcnt.ones.xlane vm0;
	vm0 =	vge.s32 v4, v1  }
0x2c3: {  	v4 =	vld [tilespmem:s24+$0x820];
	v6 =	vadd.s32 v6, v7;
	v7 =	vmpcnt.ones.xlane vm0;
	vm0 =	vge.s32 v5, v1  }
0x2c4: {  	v5 =	vld [tilespmem:s24+$0x830];
	v8 =	vadd.s32 v8, v6;
	v6 =	vmpcnt.ones.xlane vm0  }
0x2c5: {  	v7 =	vadd.s32 v7, v8  }
0x2c6: {  	vm0 =	vge.s32 v2, v1  }
0x2c7: {  	v2 =	vmpcnt.ones.xlane vm0;
	vm8 =	vge.s32 v3, v1  }
0x2c8: {  	v3 =	vadd.s32 v6, v7;
	v6 =	vmpcnt.ones.xlane vm8;
	vm9 =	vge.s32 v4, v1  }
0x2c9: {  	v2 =	vadd.s32 v3, v2;
	v3 =	vmpcnt.ones.xlane vm9;
	vm10 =	vge.s32 v5, v1  }
0x2ca: {  	s23 =	simm.s32 $0x0;
	v2 =	vadd.s32 v6, v2;
	v4 =	vmpcnt.ones.xlane vm10  }
0x2cb: {  	v2 =	vadd.s32 v3, v2;
	v3 =	vld [tilespmem:s23+$0x800]  }
0x2cc: {  	v2 =	vadd.s32 v4, v2;
	v4 =	vld [tilespmem:s23+$0x810]  }
0x2cd: {  	v5 =	vld [tilespmem:s23+$0x820];
	vm11 =	vgt.s32 v2, $0x554  }
0x2ce: {  	v6 =	vld [tilespmem:s23+$0x830];
	v0 =	vsel vm11, v1, v0  }
0x2cf: {  	v1 =	vor.u32 $0x1, v0  }
0x2d0: {  	s24 =	simm.s32 $0x40;
	vm12 =	vge.s32 v3, v1  }
0x2d1: {  	v2 =	vld [tilespmem:s24+$0x800];
	v7 =	vmpcnt.ones.xlane vm12;
	vm13 =	vge.s32 v4, v1  }
0x2d2: {  	vm14 =	vge.s32 v5, v1;
	v3 =	vld [tilespmem:s24+$0x810];
	v4 =	vimm.s32 $0x0;
	v8 =	vmpcnt.ones.xlane vm13  }
0x2d3: {  	vm15 =	vge.s32 v6, v1;
	v5 =	vadd.s32 v4, v7;
	v7 =	vmpcnt.ones.xlane vm14;
	v4 =	vld [tilespmem:s24+$0x820]  }
0x2d4: {  	v6 =	vmpcnt.ones.xlane vm15;
	v8 =	vadd.s32 v8, v5;
	v5 =	vld [tilespmem:s24+$0x830]  }
0x2d5: {  	s23 =	simm.s32 $0x200;
	v7 =	vadd.s32 v7, v8  }
.LBB2_66:
0x2d6: {  	s24 =	sshra.s32 s23, $0x2;
	p0 =	sne.s32 s23, $0x1F00;
	s23 =	sadd.s32 $0x100, s23;
	vm0 =	vge.s32 v2, v1;
	v6 =	vadd.s32 v6, v7  }
.Ltmp33:
0x2d7: {  	v2 =	vld [tilespmem:s24+$0x800];
	v7 =	vmpcnt.ones.xlane vm0;
	vm0 =	vge.s32 v3, v1;
	(pc) =	sbr.rel @p0 .LBB2_66-.Ltmp33, $4  }
0x2d8: {  	v3 =	vld [tilespmem:s24+$0x810];
	v8 =	vmpcnt.ones.xlane vm0;
	vm0 =	vge.s32 v4, v1  }
0x2d9: {  	v4 =	vld [tilespmem:s24+$0x820];
	v6 =	vadd.s32 v6, v7;
	v7 =	vmpcnt.ones.xlane vm0;
	vm0 =	vge.s32 v5, v1  }
0x2da: {  	v5 =	vld [tilespmem:s24+$0x830];
	v8 =	vadd.s32 v8, v6;
	v6 =	vmpcnt.ones.xlane vm0  }
0x2db: {  	v7 =	vadd.s32 v7, v8  }
0x2dc: {  	vm0 =	vge.s32 v2, v1  }
0x2dd: {  	v2 =	vmpcnt.ones.xlane vm0;
	vm9 =	vge.s32 v3, v1  }
0x2de: {  	v3 =	vadd.s32 v6, v7;
	v6 =	vmpcnt.ones.xlane vm9;
	vm10 =	vge.s32 v4, v1  }
0x2df: {  	s23 =	simm.s32 $0x0;
	v2 =	vadd.s32 v3, v2;
	v3 =	vmpcnt.ones.xlane vm10;
	vm11 =	vge.s32 v5, v1  }
0x2e0: {  	v5 =	vld [tilespmem:s23+$0x800];
	v2 =	vadd.s32 v6, v2;
	v4 =	vmpcnt.ones.xlane vm11  }
0x2e1: {  	v2 =	vadd.s32 v3, v2;
	v3 =	vld [tilespmem:s23+$0x810]  }
0x2e2: {  	v2 =	vadd.s32 v4, v2;
	v4 =	vld [tilespmem:s23+$0x820]  }
0x2e3: {  	v6 =	vld [tilespmem:s23+$0x830];
	vm12 =	vgt.s32 v2, $0x554  }
0x2e4: {  	v0 =	vsel vm12, v1, v0  }
0x2e5: {  	s24 =	simm.s32 $0x40;
	vm0 =	vge.s32 v5, v0  }
0x2e6: {  	v1 =	vld [tilespmem:s24+$0x800];
	v2 =	vmpcnt.ones.xlane vm0;
	vm13 =	vge.s32 v3, v0  }
0x2e7: {  	v5 =	vimm.s32 $0x0;
	v3 =	vld [tilespmem:s24+$0x810];
	v7 =	vmpcnt.ones.xlane vm13;
	vm14 =	vge.s32 v4, v0  }
0x2e8: {  	vm15 =	vge.s32 v6, v0;
	v4 =	vadd.s32 v5, v2;
	v8 =	vmpcnt.ones.xlane vm14;
	v2 =	vld [tilespmem:s24+$0x820]  }
0x2e9: {  	v5 =	vmpcnt.ones.xlane vm15;
	v6 =	vadd.s32 v7, v4;
	v4 =	vld [tilespmem:s24+$0x830]  }
0x2ea: {  	s23 =	simm.s32 $0x200;
	v6 =	vadd.s32 v8, v6  }
.LBB2_68:
0x2eb: {  	s24 =	sshra.s32 s23, $0x2;
	p0 =	sne.s32 s23, $0x1F00;
	s23 =	sadd.s32 $0x100, s23;
	vm0 =	vge.s32 v1, v0;
	v5 =	vadd.s32 v5, v6  }
.Ltmp34:
0x2ec: {  	v1 =	vld [tilespmem:s24+$0x800];
	v6 =	vmpcnt.ones.xlane vm0;
	vm0 =	vge.s32 v3, v0;
	(pc) =	sbr.rel @p0 .LBB2_68-.Ltmp34, $4  }
0x2ed: {  	v3 =	vld [tilespmem:s24+$0x810];
	v7 =	vmpcnt.ones.xlane vm0;
	vm0 =	vge.s32 v2, v0  }
0x2ee: {  	v2 =	vld [tilespmem:s24+$0x820];
	v5 =	vadd.s32 v5, v6;
	v6 =	vmpcnt.ones.xlane vm0;
	vm0 =	vge.s32 v4, v0  }
0x2ef: {  	v4 =	vld [tilespmem:s24+$0x830];
	v7 =	vadd.s32 v7, v5;
	v5 =	vmpcnt.ones.xlane vm0  }
0x2f0: {  	v6 =	vadd.s32 v6, v7  }
0x2f1: {  	s23 =	simm.s32 $0x0  }
0x2f2: {  	v7 =	vld [tilespmem:s23+$0x800]  }
0x2f3: {  	vm0 =	vge.s32 v1, v0;
	v8 =	vld [tilespmem:s23+$0x810];
	vm1 =	vge.s32 v3, v0  }
0x2f4: {  	v3 =	vld [tilespmem:s23+$0x820];
	v9 =	vmpcnt.ones.xlane vm0;
	v10 =	vmpcnt.ones.xlane vm1  }
0x2f5: {  	vm10 =	vge.s32 v2, v0;
	v2 =	vadd.s32 v5, v6;
	vm11 =	vge.s32 v4, v0;
	v4 =	vld [tilespmem:s23+$0x830]  }
0x2f6: {  	v1 =	vadd.s32 $0x1, v0;
	v11 =	vmpcnt.ones.xlane vm10;
	v6 =	vadd.s32 v2, v9  }
0x2f7: {  	s24 =	simm.s32 $0x40;
	v5 =	vmpcnt.ones.xlane vm11;
	v6 =	vadd.s32 v10, v6;
	vm12 =	vge.s32 v7, v1  }
0x2f8: {  	v2 =	vld [tilespmem:s24+$0x800];
	v6 =	vadd.s32 v11, v6;
	vm13 =	vge.s32 v8, v1;
	v7 =	vmpcnt.ones.xlane vm12  }
0x2f9: {  	v8 =	vimm.s32 $0x0;
	vm14 =	vge.s32 v3, v1;
	v3 =	vld [tilespmem:s24+$0x810];
	v9 =	vmpcnt.ones.xlane vm13  }
0x2fa: {  	vm15 =	vge.s32 v4, v1;
	v4 =	vld [tilespmem:s24+$0x820];
	v7 =	vadd.s32 v8, v7;
	v8 =	vmpcnt.ones.xlane vm14  }
0x2fb: {  	v6 =	vadd.s32 v5, v6;
	v5 =	vld [tilespmem:s24+$0x830];
	v9 =	vadd.s32 v9, v7;
	v7 =	vmpcnt.ones.xlane vm15  }
0x2fc: {  	s23 =	simm.s32 $0x200;
	v8 =	vadd.s32 v8, v9  }
.LBB2_70:
0x2fd: {  	s24 =	sshra.s32 s23, $0x2;
	p0 =	sne.s32 s23, $0x1F00;
	s23 =	sadd.s32 $0x100, s23;
	vm0 =	vge.s32 v2, v1;
	v7 =	vadd.s32 v7, v8  }
.Ltmp35:
0x2fe: {  	v2 =	vld [tilespmem:s24+$0x800];
	v8 =	vmpcnt.ones.xlane vm0;
	vm0 =	vge.s32 v3, v1;
	(pc) =	sbr.rel @p0 .LBB2_70-.Ltmp35, $4  }
0x2ff: {  	v3 =	vld [tilespmem:s24+$0x810];
	v9 =	vmpcnt.ones.xlane vm0;
	vm0 =	vge.s32 v4, v1  }
0x300: {  	v4 =	vld [tilespmem:s24+$0x820];
	v7 =	vadd.s32 v7, v8;
	v8 =	vmpcnt.ones.xlane vm0;
	vm0 =	vge.s32 v5, v1  }
0x301: {  	v5 =	vld [tilespmem:s24+$0x830];
	v9 =	vadd.s32 v9, v7;
	v7 =	vmpcnt.ones.xlane vm0  }
0x302: {  	v8 =	vadd.s32 v8, v9  }
0x303: {  	v6 =	vadd.s32 $0x7FFFFAAB, v6  }
0x304: {  	(xrf0) =	vmax.scan.msk.u32 $0xffff, v6;
	_ =	sdelay $0x5  }
0x305: {  	v6, _, _ =	vpop (xrf0)  }
0x306: {  	(v2sf) =	vpush v6, $0xF;
	_ =	sdelay $0xe  }
0x307: {  	vm0 =	vge.s32 v2, v1;
	s23 =	spop (v2sf)  }
0x308: {  	v2 =	vmpcnt.ones.xlane vm0;
	vm13 =	vge.s32 v3, v1;
	p0 =	slt.u32 s23, $0x80000001  }
.Ltmp36:
0x309: {  	v3 =	vadd.s32 v7, v8;
	v63 =	vmpcnt.ones.xlane vm13;
	vm14 =	vge.s32 v4, v1;
	(pc) =	sbr.rel @p0 .LBB2_95-.Ltmp36, $4  }
0x30a: {  	v2 =	vadd.s32 v3, v2;
	v3 =	vmpcnt.ones.xlane vm14;
	vm15 =	vge.s32 v5, v1  }
0x30b: {  	v1 =	vadd.s32 v63, v2;
	v2 =	vmpcnt.ones.xlane vm15  }
0x30c: {  	v1 =	vadd.s32 v3, v1  }
0x30d: {  	v2 =	vadd.s32 v2, v1;
	v1 =	vimm.s32 $0x7FF  }
0x30e: {  	s23 =	simm.s32 $0x800  }
0x30f: {  	v3 =	vld [tilespmem:s23+$0x0];
	_ =	sdelay $0x2  }
0x310: {  	vm0 =	vmxor vm0, vm0  }
0x311: {  	v1 =	vsub.s32 $0x555, v2;
	p0 =	por $0x1, $0x1;
	vm1 =	vmmov vm0  }
0x312: {  	v2 =	vimm.s32 $0x0;
	s24 =	simm.s32 $0x810;
	s23 =	simm.s32 $0x10;
	vm1 =	vmneg @p0 vm1;
	vm2 =	veq.s32 v3, v0  }
.LBB2_73:
0x313: {  	v3 =	vld [tilespmem:s24+$0x0];
	p0 =	sne.s32 s23, $0x7F0;
	vm1 =	vmand vm1, vm2;
	s25 =	smov.u32 s23;
	s23 =	sadd.s32 $0x10, s23  }
.Ltmp37:
0x314: {  	v4 =	vmpcnt.ones.xlane vm1;
	(pc) =	sbr.rel @p0 .LBB2_73-.Ltmp37, $4  }
0x315: {  	_ = 	snop  }
0x316: {  	v2 =	vadd.s32 v2, v4  }
0x317: {  	p1 =	slt.u32 s25, $0x400;
	vm1 =	vmmov vm0  }
0x318: {  	s24 =	sadd.s32 $0x10, s24;
	vm1 =	vmneg @p1 vm1;
	vm2 =	veq.s32 v3, v0  }
0x319: {  	vm0 =	vmand vm1, vm2  }
0x31a: {  	s23 =	simm.s32 $0x800;
	v3 =	vmpcnt.ones.xlane vm0  }
0x31b: {  	v5 =	vld [tilespmem:s23+$0x0]  }
0x31c: {  	v2 =	vadd.s32 v2, v3;
	v3 =	vlaneseq.u32  }
0x31d: {  	vm0 =	vlt.s32 v2, v1;
	v2 =	vimm.s32 $0x1FF;
	v4 =	vmul.u32 $0xFFFFFFFF, v3  }
0x31e: {  	s31 =	simm.s32 $0x0;
	v3 =	vsel vm0, $0x5FF, v2  }
0x31f: {  	v6 =	vmov s31;
	v4 =	vadd.s32 v4, v3  }
0x320: {  	s24 =	simm.s32 $0x810;
	s23 =	simm.s32 $0x10;
	v2 =	vimm.s32 $0x0;
	vm1 =	veq.s32 v5, v0;
	vm2 =	vle.u32 v6, v4  }
.LBB2_75:
0x321: {  	v5 =	vld [tilespmem:s24+$0x0];
	p0 =	sne.s32 s23, $0x7F0;
	vm1 =	vmand vm2, vm1;
	s25 =	smov.u32 s23;
	s23 =	sadd.s32 $0x10, s23  }
.Ltmp38:
0x322: {  	v6 =	vmpcnt.ones.xlane vm1;
	(pc) =	sbr.rel @p0 .LBB2_75-.Ltmp38, $4  }
0x323: {  	_ = 	snop  }
0x324: {  	v2 =	vadd.s32 v2, v6  }
0x325: {  	v6 =	vmov s25  }
0x326: {  	s24 =	sadd.s32 $0x10, s24;
	vm2 =	vle.u32 v6, v4;
	vm1 =	veq.s32 v5, v0  }
0x327: {  	vm1 =	vmand vm2, vm1  }
0x328: {  	v4 =	vmpcnt.ones.xlane vm1  }
0x329: {  	v5 =	vimm.s32 $0x3FF  }
0x32a: {  	s23 =	simm.s32 $0x800;
	v5 =	vsel vm0, $0x7FF, v5;
	v4 =	vadd.s32 v2, v4;
	v2 =	vimm.s32 $0x0  }
0x32b: {  	v7 =	vld [tilespmem:s23+$0x0];
	v6 =	vsel vm0, $0x400, v2;
	vm0 =	vlt.s32 v4, v1;
	v4 =	vadd.s32 $0x1, v3  }
0x32c: {  	v3 =	vsel vm0, v5, v3;
	v4 =	vsel vm0, v4, v6;
	v5 =	vlaneseq.u32  }
0x32d: {  	v6 =	vadd.s32 v3, v4;
	v8 =	vmul.u32 $0xFFFFFFFF, v5  }
0x32e: {  	s31 =	simm.s32 $0x0;
	v5 =	vshrl.u32 v6, $0x1  }
0x32f: {  	v6 =	vadd.s32 v8, v5;
	v8 =	vmov s31  }
0x330: {  	s24 =	simm.s32 $0x810;
	s23 =	simm.s32 $0x10;
	vm0 =	veq.s32 v7, v0;
	vm1 =	vle.u32 v8, v6  }
.LBB2_77:
0x331: {  	v7 =	vld [tilespmem:s24+$0x0];
	p0 =	sne.s32 s23, $0x7F0;
	vm0 =	vmand vm1, vm0;
	s25 =	smov.u32 s23;
	s23 =	sadd.s32 $0x10, s23  }
.Ltmp39:
0x332: {  	v8 =	vmpcnt.ones.xlane vm0;
	(pc) =	sbr.rel @p0 .LBB2_77-.Ltmp39, $4  }
0x333: {  	_ = 	snop  }
0x334: {  	v2 =	vadd.s32 v2, v8  }
0x335: {  	v8 =	vmov s25  }
0x336: {  	s24 =	sadd.s32 $0x10, s24;
	vm1 =	vle.u32 v8, v6;
	vm0 =	veq.s32 v7, v0  }
0x337: {  	vm0 =	vmand vm1, vm0  }
0x338: {  	v6 =	vmpcnt.ones.xlane vm0  }
0x339: {  	s23 =	simm.s32 $0x800  }
0x33a: {  	v7 =	vld [tilespmem:s23+$0x0];
	v2 =	vadd.s32 v2, v6  }
0x33b: {  	v6 =	vadd.s32 $0x1, v5;
	vm0 =	vlt.s32 v2, v1  }
0x33c: {  	v2 =	vsel vm0, v3, v5;
	v3 =	vsel vm0, v6, v4  }
0x33d: {  	s31 =	simm.s32 $0x0;
	v6 =	vlaneseq.u32;
	v4 =	vadd.s32 v2, v3  }
0x33e: {  	v8 =	vor.u32 s31, v6;
	v4 =	vshrl.u32 v4, $0x1  }
0x33f: {  	s24 =	simm.s32 $0x810;
	s23 =	simm.s32 $0x10;
	v5 =	vimm.s32 $0x0;
	vm0 =	veq.s32 v7, v0;
	vm1 =	vle.u32 v8, v4  }
.LBB2_79:
0x340: {  	v7 =	vld [tilespmem:s24+$0x0];
	p0 =	sne.s32 s23, $0x7F0;
	vm0 =	vmand vm1, vm0;
	s25 =	smov.u32 s23;
	s23 =	sadd.s32 $0x10, s23  }
.Ltmp40:
0x341: {  	v8 =	vmpcnt.ones.xlane vm0;
	(pc) =	sbr.rel @p0 .LBB2_79-.Ltmp40, $4  }
0x342: {  	_ = 	snop  }
0x343: {  	v5 =	vadd.s32 v5, v8  }
0x344: {  	v8 =	vor.u32 s25, v6  }
0x345: {  	s24 =	sadd.s32 $0x10, s24;
	vm1 =	vle.u32 v8, v4;
	vm0 =	veq.s32 v7, v0  }
0x346: {  	vm0 =	vmand vm1, vm0  }
0x347: {  	v6 =	vmpcnt.ones.xlane vm0  }
0x348: {  	s23 =	simm.s32 $0x800  }
0x349: {  	v7 =	vld [tilespmem:s23+$0x0];
	v5 =	vadd.s32 v5, v6  }
0x34a: {  	vm0 =	vlt.s32 v5, v1;
	v5 =	vadd.s32 $0x1, v4  }
0x34b: {  	v2 =	vsel vm0, v2, v4;
	v3 =	vsel vm0, v5, v3  }
0x34c: {  	s31 =	simm.s32 $0x0;
	v6 =	vlaneseq.u32;
	v4 =	vadd.s32 v2, v3  }
0x34d: {  	v8 =	vor.u32 s31, v6;
	v4 =	vshrl.u32 v4, $0x1  }
0x34e: {  	s24 =	simm.s32 $0x810;
	s23 =	simm.s32 $0x10;
	v5 =	vimm.s32 $0x0;
	vm0 =	veq.s32 v7, v0;
	vm1 =	vle.u32 v8, v4  }
.LBB2_81:
0x34f: {  	v7 =	vld [tilespmem:s24+$0x0];
	p0 =	sne.s32 s23, $0x7F0;
	vm0 =	vmand vm1, vm0;
	s25 =	smov.u32 s23;
	s23 =	sadd.s32 $0x10, s23  }
.Ltmp41:
0x350: {  	v8 =	vmpcnt.ones.xlane vm0;
	(pc) =	sbr.rel @p0 .LBB2_81-.Ltmp41, $4  }
0x351: {  	_ = 	snop  }
0x352: {  	v5 =	vadd.s32 v5, v8  }
0x353: {  	v8 =	vor.u32 s25, v6  }
0x354: {  	s24 =	sadd.s32 $0x10, s24;
	vm1 =	vle.u32 v8, v4;
	vm0 =	veq.s32 v7, v0  }
0x355: {  	vm0 =	vmand vm1, vm0  }
0x356: {  	v6 =	vmpcnt.ones.xlane vm0;
	_ =	sdelay $0x1  }
0x357: {  	s23 =	simm.s32 $0x800;
	v5 =	vadd.s32 v5, v6  }
0x358: {  	v7 =	vld [tilespmem:s23+$0x0];
	vm0 =	vlt.s32 v5, v1;
	v5 =	vadd.s32 $0x1, v4  }
0x359: {  	v2 =	vsel vm0, v2, v4;
	v3 =	vsel vm0, v5, v3;
	v4 =	vlaneseq.u32  }
0x35a: {  	v5 =	vadd.s32 v2, v3;
	v6 =	vmul.u32 $0xFFFFFFFF, v4  }
0x35b: {  	s31 =	simm.s32 $0x0;
	v4 =	vshrl.u32 v5, $0x1  }
0x35c: {  	v8 =	vmov s31;
	v6 =	vadd.s32 v6, v4  }
0x35d: {  	s24 =	simm.s32 $0x810;
	s23 =	simm.s32 $0x10;
	vm0 =	veq.s32 v7, v0;
	v5 =	vimm.s32 $0x0;
	vm1 =	vle.s32 v8, v6  }
.LBB2_83:
0x35e: {  	v7 =	vld [tilespmem:s24+$0x0];
	p0 =	sne.s32 s23, $0x7F0;
	vm0 =	vmand vm1, vm0;
	s25 =	smov.u32 s23;
	s23 =	sadd.s32 $0x10, s23  }
.Ltmp42:
0x35f: {  	v8 =	vmpcnt.ones.xlane vm0;
	(pc) =	sbr.rel @p0 .LBB2_83-.Ltmp42, $4  }
0x360: {  	_ = 	snop  }
0x361: {  	v5 =	vadd.s32 v5, v8  }
0x362: {  	v8 =	vmov s25  }
0x363: {  	s24 =	sadd.s32 $0x10, s24;
	vm1 =	vle.s32 v8, v6;
	vm0 =	veq.s32 v7, v0  }
0x364: {  	vm0 =	vmand vm1, vm0  }
0x365: {  	v6 =	vmpcnt.ones.xlane vm0;
	_ =	sdelay $0x1  }
0x366: {  	s23 =	simm.s32 $0x800;
	v5 =	vadd.s32 v5, v6  }
0x367: {  	v7 =	vld [tilespmem:s23+$0x0];
	vm0 =	vlt.s32 v5, v1;
	v5 =	vadd.s32 $0x1, v4  }
0x368: {  	v2 =	vsel vm0, v2, v4;
	v3 =	vsel vm0, v5, v3;
	v4 =	vlaneseq.u32  }
0x369: {  	v5 =	vadd.s32 v2, v3;
	v6 =	vmul.u32 $0xFFFFFFFF, v4  }
0x36a: {  	s31 =	simm.s32 $0x0;
	v4 =	vshrl.u32 v5, $0x1  }
0x36b: {  	v8 =	vmov s31;
	v6 =	vadd.s32 v6, v4  }
0x36c: {  	s24 =	simm.s32 $0x810;
	s23 =	simm.s32 $0x10;
	vm0 =	veq.s32 v7, v0;
	v5 =	vimm.s32 $0x0;
	vm1 =	vle.s32 v8, v6  }
.LBB2_85:
0x36d: {  	v7 =	vld [tilespmem:s24+$0x0];
	p0 =	sne.s32 s23, $0x7F0;
	vm0 =	vmand vm1, vm0;
	s25 =	smov.u32 s23;
	s23 =	sadd.s32 $0x10, s23  }
.Ltmp43:
0x36e: {  	v8 =	vmpcnt.ones.xlane vm0;
	(pc) =	sbr.rel @p0 .LBB2_85-.Ltmp43, $4  }
0x36f: {  	_ = 	snop  }
0x370: {  	v5 =	vadd.s32 v5, v8  }
0x371: {  	v8 =	vmov s25  }
0x372: {  	s24 =	sadd.s32 $0x10, s24;
	vm1 =	vle.s32 v8, v6;
	vm0 =	veq.s32 v7, v0  }
0x373: {  	vm0 =	vmand vm1, vm0  }
0x374: {  	v6 =	vmpcnt.ones.xlane vm0;
	_ =	sdelay $0x1  }
0x375: {  	s23 =	simm.s32 $0x800;
	v5 =	vadd.s32 v5, v6  }
0x376: {  	v7 =	vld [tilespmem:s23+$0x0];
	vm0 =	vlt.s32 v5, v1;
	v5 =	vadd.s32 $0x1, v4  }
0x377: {  	v2 =	vsel vm0, v2, v4;
	v3 =	vsel vm0, v5, v3;
	v4 =	vlaneseq.u32  }
0x378: {  	v5 =	vadd.s32 v2, v3;
	v6 =	vmul.u32 $0xFFFFFFFF, v4  }
0x379: {  	s31 =	simm.s32 $0x0;
	v4 =	vshrl.u32 v5, $0x1  }
0x37a: {  	v8 =	vmov s31;
	v6 =	vadd.s32 v6, v4  }
0x37b: {  	s24 =	simm.s32 $0x810;
	s23 =	simm.s32 $0x10;
	vm0 =	veq.s32 v7, v0;
	v5 =	vimm.s32 $0x0;
	vm1 =	vle.s32 v8, v6  }
.LBB2_87:
0x37c: {  	v7 =	vld [tilespmem:s24+$0x0];
	p0 =	sne.s32 s23, $0x7F0;
	vm0 =	vmand vm1, vm0;
	s25 =	smov.u32 s23;
	s23 =	sadd.s32 $0x10, s23  }
.Ltmp44:
0x37d: {  	v8 =	vmpcnt.ones.xlane vm0;
	(pc) =	sbr.rel @p0 .LBB2_87-.Ltmp44, $4  }
0x37e: {  	_ = 	snop  }
0x37f: {  	v5 =	vadd.s32 v5, v8  }
0x380: {  	v8 =	vmov s25  }
0x381: {  	s24 =	sadd.s32 $0x10, s24;
	vm1 =	vle.s32 v8, v6;
	vm0 =	veq.s32 v7, v0  }
0x382: {  	vm0 =	vmand vm1, vm0  }
0x383: {  	v6 =	vmpcnt.ones.xlane vm0;
	_ =	sdelay $0x1  }
0x384: {  	s23 =	simm.s32 $0x800;
	v5 =	vadd.s32 v5, v6  }
0x385: {  	v7 =	vld [tilespmem:s23+$0x0];
	vm0 =	vlt.s32 v5, v1;
	v5 =	vadd.s32 $0x1, v4  }
0x386: {  	v2 =	vsel vm0, v2, v4;
	v3 =	vsel vm0, v5, v3;
	v4 =	vlaneseq.u32  }
0x387: {  	v5 =	vadd.s32 v2, v3;
	v6 =	vmul.u32 $0xFFFFFFFF, v4  }
0x388: {  	s31 =	simm.s32 $0x0;
	v4 =	vshrl.u32 v5, $0x1  }
0x389: {  	v8 =	vmov s31;
	v6 =	vadd.s32 v6, v4  }
0x38a: {  	s24 =	simm.s32 $0x810;
	s23 =	simm.s32 $0x10;
	vm0 =	veq.s32 v7, v0;
	v5 =	vimm.s32 $0x0;
	vm1 =	vle.s32 v8, v6  }
.LBB2_89:
0x38b: {  	v7 =	vld [tilespmem:s24+$0x0];
	p0 =	sne.s32 s23, $0x7F0;
	vm0 =	vmand vm1, vm0;
	s25 =	smov.u32 s23;
	s23 =	sadd.s32 $0x10, s23  }
.Ltmp45:
0x38c: {  	v8 =	vmpcnt.ones.xlane vm0;
	(pc) =	sbr.rel @p0 .LBB2_89-.Ltmp45, $4  }
0x38d: {  	_ = 	snop  }
0x38e: {  	v5 =	vadd.s32 v5, v8  }
0x38f: {  	v8 =	vmov s25  }
0x390: {  	s24 =	sadd.s32 $0x10, s24;
	vm1 =	vle.s32 v8, v6;
	vm0 =	veq.s32 v7, v0  }
0x391: {  	vm0 =	vmand vm1, vm0  }
0x392: {  	v6 =	vmpcnt.ones.xlane vm0;
	_ =	sdelay $0x1  }
0x393: {  	s23 =	simm.s32 $0x800;
	v5 =	vadd.s32 v5, v6  }
0x394: {  	v7 =	vld [tilespmem:s23+$0x0];
	vm0 =	vlt.s32 v5, v1;
	v5 =	vadd.s32 $0x1, v4  }
0x395: {  	v2 =	vsel vm0, v2, v4;
	v3 =	vsel vm0, v5, v3;
	v4 =	vlaneseq.u32  }
0x396: {  	v5 =	vadd.s32 v2, v3;
	v6 =	vmul.u32 $0xFFFFFFFF, v4  }
0x397: {  	s31 =	simm.s32 $0x0;
	v4 =	vshrl.u32 v5, $0x1  }
0x398: {  	v8 =	vmov s31;
	v6 =	vadd.s32 v6, v4  }
0x399: {  	s24 =	simm.s32 $0x810;
	s23 =	simm.s32 $0x10;
	vm0 =	veq.s32 v7, v0;
	v5 =	vimm.s32 $0x0;
	vm1 =	vle.s32 v8, v6  }
.LBB2_91:
0x39a: {  	v7 =	vld [tilespmem:s24+$0x0];
	p0 =	sne.s32 s23, $0x7F0;
	vm0 =	vmand vm1, vm0;
	s25 =	smov.u32 s23;
	s23 =	sadd.s32 $0x10, s23  }
.Ltmp46:
0x39b: {  	v8 =	vmpcnt.ones.xlane vm0;
	(pc) =	sbr.rel @p0 .LBB2_91-.Ltmp46, $4  }
0x39c: {  	_ = 	snop  }
0x39d: {  	v5 =	vadd.s32 v5, v8  }
0x39e: {  	v8 =	vmov s25  }
0x39f: {  	s24 =	sadd.s32 $0x10, s24;
	vm1 =	vle.s32 v8, v6;
	vm0 =	veq.s32 v7, v0  }
0x3a0: {  	vm0 =	vmand vm1, vm0  }
0x3a1: {  	v6 =	vmpcnt.ones.xlane vm0;
	_ =	sdelay $0x1  }
0x3a2: {  	s23 =	simm.s32 $0x800;
	v5 =	vadd.s32 v5, v6  }
0x3a3: {  	v6 =	vld [tilespmem:s23+$0x0];
	vm0 =	vlt.s32 v5, v1;
	v5 =	vadd.s32 $0x1, v4  }
0x3a4: {  	v2 =	vsel vm0, v2, v4;
	v3 =	vsel vm0, v5, v3;
	v4 =	vlaneseq.u32  }
0x3a5: {  	v3 =	vadd.s32 v2, v3;
	v4 =	vmul.u32 $0xFFFFFFFF, v4  }
0x3a6: {  	s31 =	simm.s32 $0x0;
	v3 =	vshrl.u32 v3, $0x1  }
0x3a7: {  	v7 =	vmov s31;
	v5 =	vadd.s32 v4, v3  }
0x3a8: {  	s24 =	simm.s32 $0x810;
	s23 =	simm.s32 $0x10;
	v4 =	vimm.s32 $0x0;
	vm0 =	veq.s32 v6, v0;
	vm1 =	vle.s32 v7, v5  }
.LBB2_93:
0x3a9: {  	v6 =	vld [tilespmem:s24+$0x0];
	p0 =	sne.s32 s23, $0x7F0;
	vm0 =	vmand vm1, vm0;
	s25 =	smov.u32 s23;
	s23 =	sadd.s32 $0x10, s23  }
.Ltmp47:
0x3aa: {  	v7 =	vmpcnt.ones.xlane vm0;
	(pc) =	sbr.rel @p0 .LBB2_93-.Ltmp47, $4  }
0x3ab: {  	_ = 	snop  }
0x3ac: {  	v4 =	vadd.s32 v4, v7  }
0x3ad: {  	v7 =	vmov s25  }
0x3ae: {  	s24 =	sadd.s32 $0x10, s24;
	vm1 =	vle.s32 v7, v5;
	vm0 =	veq.s32 v6, v0  }
0x3af: {  	vm0 =	vmand vm1, vm0  }
0x3b0: {  	v5 =	vmpcnt.ones.xlane vm0;
	_ =	sdelay $0x1  }
0x3b1: {  	v4 =	vadd.s32 v4, v5  }
0x3b2: {  	vm15 =	vlt.s32 v4, v1  }
0x3b3: {  	v1 =	vsel vm15, v2, v3  }
.LBB2_95:
0x3b4: {  	s23 =	simm.s32 $0x800  }
0x3b5: {  	v3 =	vld [tilespmem:s23+$0x0];
	_ =	sdelay $0x1  }
0x3b6: {  	s24 =	simm.s32 $0x0  }
0x3b7: {  	v2 =	vlaneseq.u32;
	v4 =	vld [tilespmem:s24+$0x0]  }
0x3b8: {  	v5 =	vor.u32 s24, v2  }
0x3b9: {  	vm1 =	vle.s32 v5, v1;
	vm0 =	veq.s32 v3, v0  }
0x3ba: {  	vm2 =	vgt.s32 v3, v0;
	vm0 =	vmand vm1, vm0  }
0x3bb: {  	vm0 =	vmor vm2, vm0  }
0x3bc: {  	v3 =	vnsel vm0, $0x0, v4  }
0x3bd: {  	v4 =	vsub.f32 $0.0e+00, v3;
	_ =	sdelay $0x1  }
0x3be: {  	v4 =	vmul.f32 $1.442695020e+00, v4;
	_ =	sdelay $0x1  }
0x3bf: {  	(erf) = vpow2.f32 v4;
	_ =	sdelay $0x8  }
0x3c0: {  	v4 =	vpop (erf)  }
0x3c1: {  	v4 =	vadd.f32 $1.000000000e+00, v4;
	_ =	sdelay $0x1  }
0x3c2: {  	(erf) = vrcp.f32 v4;
	_ =	sdelay $0x7  }
0x3c3: {  	s25 =	simm.s32 $0x1000  }
0x3c4: {  	s23 =	simm.s32 $0x1800;
	[tilespmem:s25+$0x0] =	vst v3;
	v3 =	vpop (erf)  }
0x3c5: {  	s28 =	simm.s32 $0x810;
	[tilespmem:s23+$0x0] =	vst v3  }
0x3c6: {  	s26 =	simm.s32 $0x10;
	s29 =	simm.s32 $0x20;
	v3 =	vld [tilespmem:s28+$0x0]  }
.LBB2_96:
0x3c7: {  	p0 =	sne.s32 s29, $0x7F0  }
0x3c8: {  	s24 =	sadd.s32 $0x10, s24  }
0x3c9: {  	v4 =	vld [tilespmem:s24+$0x0]  }
0x3ca: {  	v5 =	vor.u32 s26, v2;
	s26 =	smov.u32 s29  }
0x3cb: {  	vm1 =	vle.s32 v5, v1;
	vm0 =	veq.s32 v3, v0  }
0x3cc: {  	vm2 =	vgt.s32 v3, v0;
	vm0 =	vmand vm1, vm0  }
0x3cd: {  	vm0 =	vmor vm2, vm0  }
0x3ce: {  	s25 =	sadd.s32 $0x10, s25;
	v3 =	vnsel vm0, $0x0, v4  }
0x3cf: {  	[tilespmem:s25+$0x0] =	vst v3;
	v3 =	vsub.f32 $0.0e+00, v3;
	_ =	sdelay $0x1  }
0x3d0: {  	v3 =	vmul.f32 $1.442695020e+00, v3;
	_ =	sdelay $0x1  }
0x3d1: {  	(erf) = vpow2.f32 v3;
	_ =	sdelay $0x8  }
0x3d2: {  	v3 =	vpop (erf)  }
0x3d3: {  	v3 =	vadd.f32 $1.000000000e+00, v3;
	_ =	sdelay $0x1  }
0x3d4: {  	(erf) = vrcp.f32 v3;
	_ =	sdelay $0x6  }
.Ltmp48:
0x3d5: {  	(pc) =	sbr.rel @p0 .LBB2_96-.Ltmp48, $4  }
0x3d6: {  	_ = 	snop  }
0x3d7: {  	s23 =	sadd.s32 $0x10, s23;
	v3 =	vpop (erf)  }
0x3d8: {  	s28 =	sadd.s32 $0x10, s28;
	[tilespmem:s23+$0x0] =	vst v3  }
0x3d9: {  	s29 =	sadd.s32 $0x10, s29;
	v3 =	vld [tilespmem:s28+$0x0]  }
0x3da: {  	_ = 	snop  }
0x3db: {  	s24 =	sadd.s32 $0x10, s24  }
0x3dc: {  	v4 =	vld [tilespmem:s24+$0x0]  }
0x3dd: {  	v2 =	vor.u32 s26, v2  }
0x3de: {  	vm1 =	vle.s32 v2, v1;
	vm0 =	veq.s32 v3, v0  }
0x3df: {  	vm2 =	vgt.s32 v3, v0;
	vm0 =	vmand vm1, vm0  }
0x3e0: {  	vm0 =	vmor vm2, vm0  }
0x3e1: {  	v0 =	vnsel vm0, $0x0, v4  }
0x3e2: {  	v1 =	vsub.f32 $0.0e+00, v0;
	_ =	sdelay $0x1  }
0x3e3: {  	v1 =	vmul.f32 $1.442695020e+00, v1;
	_ =	sdelay $0x1  }
0x3e4: {  	(erf) = vpow2.f32 v1;
	_ =	sdelay $0x8  }
0x3e5: {  	v1 =	vpop (erf)  }
0x3e6: {  	v1 =	vadd.f32 $1.000000000e+00, v1;
	_ =	sdelay $0x1  }
0x3e7: {  	(erf) = vrcp.f32 v1;
	_ =	sdelay $0x7  }
0x3e8: {  	s28 =	sadd.s32 $0x10, s25  }
0x3e9: {  	s23 =	sadd.s32 $0x10, s23;
	[tilespmem:s28+$0x0] =	vst v0;
	v0 =	vpop (erf)  }
0x3ea: {  	s29 =	simm.s32 $0x80;
	s30 =	simm.s32 $0x400;
	s31 =	simm.s32 $0x1000;
	[tilespmem:s23+$0x0] =	vst v0  }
0x3eb: {  	[hbm4b:s22+s29] =	stream.strided.scatter [tilespmem:s31], [sflag:$0x1], $0x800, s30, s29, $0x38;
	[tilespmem:$0x3900] =	vst v63  }
0x3ec: {  	s22 =	simm.s32 $0x1  }
0x3ed: {  	_ =	swait.ge [sflag:s22], $0x800  }
0x3ee: {  	[sflag:s22] =	ssyncset.done $0x0  }
0x3ef: {  	s26 =	simm.s32 $0x1800;
	[sflag:s22] =	ssyncadd.s32 $0xFFFFF800  }
0x3f0: {  	[spmem:s21] =	stream.linear.scatter [tilespmem:s26], [sflag:$0x1], $0x800, $0x38;
	[tilespmem:$0x3900] =	vst v63  }
0x3f1: {  	_ =	swait.ge [sflag:s22], $0x800  }
0x3f2: {  	[sflag:s22] =	ssyncset.done $0x0  }
0x3f3: {  	[sflag:s22] =	ssyncadd.s32 $0xFFFFF800  }
0x3f4: {  	s28 =	simm.s32 $0x2800;
	[bflag:$0x0] =	sbarrier.arrive $0xFFFF  }
0x3f5: {  	[tilespmem:s28], [sflag:$0x1] =	stream.linear.gather [spmem:s20], $0x80, $0x38;
	[tilespmem:$0x3900] =	vst v63  }
0x3f6: {  	_ =	swait.ge [sflag:s22], $0x80  }
0x3f7: {  	[sflag:s22] =	ssyncset.done $0x0  }
0x3f8: {  	s29 =	simm.s32 $0x2880;
	[sflag:s22] =	ssyncadd.s32 $0xFFFFFF80  }
0x3f9: {  	[tilespmem:s29], [sflag:$0x1] =	stream.linear.gather [spmem:s19], $0x80, $0x38;
	[tilespmem:$0x3900] =	vst v63  }
0x3fa: {  	_ =	swait.ge [sflag:s22], $0x80  }
0x3fb: {  	[sflag:s22] =	ssyncset.done $0x0  }
0x3fc: {  	s30 =	simm.s32 $0x2900;
	[sflag:s22] =	ssyncadd.s32 $0xFFFFFF80  }
0x3fd: {  	[tilespmem:s30], [sflag:$0x1] =	stream.linear.gather [spmem:s18], $0x80, $0x38;
	[tilespmem:$0x3900] =	vst v63  }
0x3fe: {  	_ =	swait.ge [sflag:s22], $0x80  }
0x3ff: {  	[sflag:s22] =	ssyncset.done $0x0  }
0x400: {  	s31 =	simm.s32 $0x2980;
	[sflag:s22] =	ssyncadd.s32 $0xFFFFFF80  }
0x401: {  	[tilespmem:s31], [sflag:$0x1] =	stream.linear.gather [spmem:s17], $0x80, $0x38;
	[tilespmem:$0x3900] =	vst v63  }
0x402: {  	_ =	swait.ge [sflag:s22], $0x80  }
0x403: {  	[sflag:s22] =	ssyncset.done $0x0  }
0x404: {  	s18 =	simm.s32 $0x2A00;
	[sflag:s22] =	ssyncadd.s32 $0xFFFFFF80  }
0x405: {  	[tilespmem:s18], [sflag:$0x1] =	stream.linear.gather [spmem:s16], $0x80, $0x38;
	[tilespmem:$0x3900] =	vst v63  }
0x406: {  	_ =	swait.ge [sflag:s22], $0x80  }
0x407: {  	[sflag:s22] =	ssyncset.done $0x0  }
0x408: {  	s19 =	simm.s32 $0x2A80;
	[sflag:s22] =	ssyncadd.s32 $0xFFFFFF80  }
0x409: {  	[tilespmem:s19], [sflag:$0x1] =	stream.linear.gather [spmem:s15], $0x80, $0x38;
	[tilespmem:$0x3900] =	vst v63  }
0x40a: {  	_ =	swait.ge [sflag:s22], $0x80  }
0x40b: {  	[sflag:s22] =	ssyncset.done $0x0  }
0x40c: {  	s20 =	simm.s32 $0x2B00;
	[sflag:s22] =	ssyncadd.s32 $0xFFFFFF80  }
0x40d: {  	[tilespmem:s20], [sflag:$0x1] =	stream.linear.gather [spmem:s14], $0x80, $0x38;
	[tilespmem:$0x3900] =	vst v63  }
0x40e: {  	_ =	swait.ge [sflag:s22], $0x80  }
0x40f: {  	[sflag:s22] =	ssyncset.done $0x0  }
0x410: {  	s21 =	simm.s32 $0x2B80;
	[sflag:s22] =	ssyncadd.s32 $0xFFFFFF80  }
0x411: {  	[tilespmem:s21], [sflag:$0x1] =	stream.linear.gather [spmem:s13], $0x80, $0x38;
	[tilespmem:$0x3900] =	vst v63  }
0x412: {  	_ =	swait.ge [sflag:s22], $0x80  }
0x413: {  	[sflag:s22] =	ssyncset.done $0x0  }
0x414: {  	s23 =	simm.s32 $0x2C00;
	[sflag:s22] =	ssyncadd.s32 $0xFFFFFF80  }
0x415: {  	[tilespmem:s23], [sflag:$0x1] =	stream.linear.gather [spmem:s11], $0x80, $0x38;
	[tilespmem:$0x3900] =	vst v63  }
0x416: {  	_ =	swait.ge [sflag:s22], $0x80  }
0x417: {  	[sflag:s22] =	ssyncset.done $0x0  }
0x418: {  	s24 =	simm.s32 $0x2C80;
	[sflag:s22] =	ssyncadd.s32 $0xFFFFFF80  }
0x419: {  	[tilespmem:s24], [sflag:$0x1] =	stream.linear.gather [spmem:s12], $0x80, $0x38;
	[tilespmem:$0x3900] =	vst v63  }
0x41a: {  	_ =	swait.ge [sflag:s22], $0x80  }
0x41b: {  	[sflag:s22] =	ssyncset.done $0x0  }
0x41c: {  	s25 =	simm.s32 $0x2D00;
	[sflag:s22] =	ssyncadd.s32 $0xFFFFFF80  }
0x41d: {  	[tilespmem:s25], [sflag:$0x1] =	stream.linear.gather [spmem:s10], $0x80, $0x38;
	[tilespmem:$0x3900] =	vst v63  }
0x41e: {  	_ =	swait.ge [sflag:s22], $0x80  }
0x41f: {  	[sflag:s22] =	ssyncset.done $0x0  }
0x420: {  	s26 =	simm.s32 $0x2D80;
	[sflag:s22] =	ssyncadd.s32 $0xFFFFFF80  }
0x421: {  	[tilespmem:s26], [sflag:$0x1] =	stream.linear.gather [spmem:s9], $0x80, $0x38;
	[tilespmem:$0x3900] =	vst v63  }
0x422: {  	_ =	swait.ge [sflag:s22], $0x80  }
0x423: {  	[sflag:s22] =	ssyncset.done $0x0  }
0x424: {  	s28 =	simm.s32 $0x2E00;
	[sflag:s22] =	ssyncadd.s32 $0xFFFFFF80  }
0x425: {  	[tilespmem:s28], [sflag:$0x1] =	stream.linear.gather [spmem:s8], $0x80, $0x38;
	[tilespmem:$0x3900] =	vst v63  }
0x426: {  	_ =	swait.ge [sflag:s22], $0x80  }
0x427: {  	[sflag:s22] =	ssyncset.done $0x0  }
0x428: {  	s29 =	simm.s32 $0x2E80;
	[sflag:s22] =	ssyncadd.s32 $0xFFFFFF80  }
0x429: {  	[tilespmem:s29], [sflag:$0x1] =	stream.linear.gather [spmem:s7], $0x80, $0x38;
	[tilespmem:$0x3900] =	vst v63  }
0x42a: {  	_ =	swait.ge [sflag:s22], $0x80  }
0x42b: {  	[sflag:s22] =	ssyncset.done $0x0  }
0x42c: {  	s30 =	simm.s32 $0x2F00;
	[sflag:s22] =	ssyncadd.s32 $0xFFFFFF80  }
0x42d: {  	[tilespmem:s30], [sflag:$0x1] =	stream.linear.gather [spmem:s6], $0x80, $0x38;
	[tilespmem:$0x3900] =	vst v63  }
0x42e: {  	_ =	swait.ge [sflag:s22], $0x80  }
0x42f: {  	[sflag:s22] =	ssyncset.done $0x0  }
0x430: {  	s31 =	simm.s32 $0x2F80;
	[sflag:s22] =	ssyncadd.s32 $0xFFFFFF80  }
0x431: {  	[tilespmem:s31], [sflag:$0x1] =	stream.linear.gather [spmem:s5], $0x80, $0x38;
	[tilespmem:$0x3900] =	vst v63  }
0x432: {  	_ =	swait.ge [sflag:s22], $0x80  }
0x433: {  	[sflag:s22] =	ssyncset.done $0x0  }
0x434: {  	s6 =	simm.s32 $0x0;
	[sflag:s22] =	ssyncadd.s32 $0xFFFFFF80  }
0x435: {  	v0 =	vld [tilespmem:s6+$0x2800];
	_ =	sdelay $0x1  }
0x436: {  	v1 =	vld [tilespmem:s6+$0x2880];
	_ =	sdelay $0x1  }
0x437: {  	v2 =	vld [tilespmem:s6+$0x2900]  }
0x438: {  	v0 =	vadd.f32 $0.0e+00, v0  }
0x439: {  	v3 =	vld [tilespmem:s6+$0x2980]  }
0x43a: {  	v0 =	vadd.f32 v1, v0  }
0x43b: {  	v1 =	vld [tilespmem:s6+$0x2A00]  }
0x43c: {  	v0 =	vadd.f32 v2, v0  }
0x43d: {  	v2 =	vld [tilespmem:s6+$0x2A80]  }
0x43e: {  	v0 =	vadd.f32 v3, v0  }
0x43f: {  	v3 =	vld [tilespmem:s6+$0x2B00]  }
0x440: {  	v0 =	vadd.f32 v1, v0  }
0x441: {  	s5 =	simm.s32 $0x10;
	v1 =	vld [tilespmem:s6+$0x2B80]  }
0x442: {  	v4 =	vld [tilespmem:s5+$0x2800];
	v0 =	vadd.f32 v2, v0  }
0x443: {  	v2 =	vld [tilespmem:s6+$0x2C00]  }
0x444: {  	v5 =	vld [tilespmem:s5+$0x2880];
	v0 =	vadd.f32 v3, v0  }
0x445: {  	v3 =	vld [tilespmem:s6+$0x2C80]  }
0x446: {  	v6 =	vld [tilespmem:s5+$0x2900];
	v0 =	vadd.f32 v1, v0  }
0x447: {  	v1 =	vld [tilespmem:s6+$0x2D00]  }
0x448: {  	v7 =	vld [tilespmem:s5+$0x2980];
	v4 =	vadd.f32 $0.0e+00, v4;
	v0 =	vadd.f32 v2, v0  }
0x449: {  	v2 =	vld [tilespmem:s6+$0x2D80]  }
0x44a: {  	v8 =	vld [tilespmem:s5+$0x2A00];
	v4 =	vadd.f32 v5, v4;
	v0 =	vadd.f32 v3, v0  }
0x44b: {  	v5 =	vld [tilespmem:s6+$0x2E00]  }
0x44c: {  	v9 =	vld [tilespmem:s5+$0x2A80];
	v3 =	vadd.f32 v6, v4;
	v0 =	vadd.f32 v1, v0  }
0x44d: {  	v6 =	vld [tilespmem:s6+$0x2E80]  }
0x44e: {  	v1 =	vadd.f32 v7, v3;
	v3 =	vld [tilespmem:s5+$0x2B00];
	v2 =	vadd.f32 v2, v0  }
0x44f: {  	v0 =	vld [tilespmem:s6+$0x2F00]  }
0x450: {  	v4 =	vld [tilespmem:s5+$0x2B80];
	v7 =	vadd.f32 v8, v1;
	v8 =	vadd.f32 v5, v2  }
0x451: {  	v1 =	vld [tilespmem:s6+$0x2F80]  }
0x452: {  	s8 =	simm.s32 $0xC0;
	s7 =	simm.s32 $0x20;
	v5 =	vadd.f32 v9, v7;
	v2 =	vld [tilespmem:s5+$0x2C00];
	v6 =	vadd.f32 v6, v8  }
.LBB2_98:
0x453: {  	p0 =	sne.s32 s8, $0x1C0;
	v7 =	vld [tilespmem:s7+$0x2800]  }
0x454: {  	v3 =	vadd.f32 v3, v5;
	v5 =	vld [tilespmem:s5+$0x2C80];
	v0 =	vadd.f32 v0, v6  }
0x455: {  	v6 =	vld [tilespmem:s7+$0x2880]  }
0x456: {  	v3 =	vadd.f32 v4, v3;
	v4 =	vld [tilespmem:s5+$0x2D00];
	v0 =	vadd.f32 v1, v0  }
0x457: {  	v1 =	vld [tilespmem:s7+$0x2900]  }
0x458: {  	v7 =	vadd.f32 $0.0e+00, v7;
	v2 =	vadd.f32 v2, v3;
	v3 =	vld [tilespmem:s5+$0x2D80];
	[tilespmem:s6+$0x3000] =	vst v0;
	s6 =	smov.u32 s5;
	s5 =	smov.u32 s7  }
0x459: {  	v0 =	vld [tilespmem:s5+$0x2980]  }
0x45a: {  	v6 =	vadd.f32 v6, v7;
	v2 =	vadd.f32 v5, v2;
	v5 =	vld [tilespmem:s6+$0x2E00]  }
0x45b: {  	v7 =	vld [tilespmem:s5+$0x2A00]  }
0x45c: {  	v1 =	vadd.f32 v1, v6;
	v2 =	vadd.f32 v4, v2;
	v6 =	vld [tilespmem:s6+$0x2E80]  }
0x45d: {  	v8 =	vld [tilespmem:s5+$0x2A80]  }
.Ltmp49:
0x45e: {  	v1 =	vadd.f32 v0, v1;
	v2 =	vadd.f32 v3, v2;
	v0 =	vld [tilespmem:s6+$0x2F00];
	(pc) =	sbr.rel @p0 .LBB2_98-.Ltmp49, $4  }
0x45f: {  	v3 =	vld [tilespmem:s5+$0x2B00]  }
0x460: {  	v7 =	vadd.f32 v7, v1;
	v9 =	vadd.f32 v5, v2;
	v1 =	vld [tilespmem:s6+$0x2F80]  }
0x461: {  	v4 =	vld [tilespmem:s5+$0x2B80]  }
0x462: {  	s7 =	sshra.s32 s8, $0x2;
	s8 =	sadd.s32 $0x40, s8;
	v5 =	vadd.f32 v8, v7;
	v2 =	vld [tilespmem:s5+$0x2C00];
	v6 =	vadd.f32 v6, v9  }
0x463: {  	v7 =	vld [tilespmem:s7+$0x2800]  }
0x464: {  	v8 =	vld [tilespmem:s5+$0x2C80];
	v0 =	vadd.f32 v0, v6  }
0x465: {  	v54 =	vld [tilespmem:s7+$0x2880]  }
0x466: {  	v9 =	vld [tilespmem:s5+$0x2D00];
	v3 =	vadd.f32 v3, v5;
	v0 =	vadd.f32 v1, v0  }
0x467: {  	v1 =	vld [tilespmem:s7+$0x2900]  }
0x468: {  	v55 =	vld [tilespmem:s5+$0x2D80];
	v3 =	vadd.f32 v4, v3;
	v56 =	vadd.f32 $0.0e+00, v7;
	[tilespmem:s6+$0x3000] =	vst v0  }
0x469: {  	v0 =	vld [tilespmem:s7+$0x2980]  }
0x46a: {  	v2 =	vadd.f32 v2, v3;
	v3 =	vadd.f32 v54, v56  }
0x46b: {  	v57 =	vld [tilespmem:s7+$0x2A00]  }
0x46c: {  	v58 =	vld [tilespmem:s5+$0x2E00];
	v2 =	vadd.f32 v8, v2;
	v1 =	vadd.f32 v1, v3  }
0x46d: {  	v3 =	vld [tilespmem:s7+$0x2A80]  }
0x46e: {  	v59 =	vld [tilespmem:s5+$0x2E80];
	v2 =	vadd.f32 v9, v2;
	v0 =	vadd.f32 v0, v1  }
0x46f: {  	v1 =	vld [tilespmem:s7+$0x2B00]  }
0x470: {  	v60 =	vld [tilespmem:s5+$0x2F00];
	v2 =	vadd.f32 v55, v2;
	v0 =	vadd.f32 v57, v0  }
0x471: {  	v61 =	vld [tilespmem:s7+$0x2B80]  }
0x472: {  	v62 =	vld [tilespmem:s5+$0x2F80];
	v2 =	vadd.f32 v58, v2;
	v0 =	vadd.f32 v3, v0  }
0x473: {  	v3 =	vld [tilespmem:s7+$0x2C00]  }
0x474: {  	v2 =	vadd.f32 v59, v2;
	v0 =	vadd.f32 v1, v0  }
0x475: {  	v1 =	vld [tilespmem:s7+$0x2C80]  }
0x476: {  	v2 =	vadd.f32 v60, v2;
	v0 =	vadd.f32 v61, v0  }
0x477: {  	v63 =	vld [tilespmem:s7+$0x2D00]  }
0x478: {  	v2 =	vadd.f32 v62, v2;
	v0 =	vadd.f32 v3, v0  }
0x479: {  	v3 =	vld [tilespmem:s7+$0x2D80]  }
0x47a: {  	[tilespmem:s5+$0x3000] =	vst v2;
	v0 =	vadd.f32 v1, v0  }
0x47b: {  	v1 =	vld [tilespmem:s7+$0x2E00]  }
0x47c: {  	v0 =	vadd.f32 v63, v0  }
0x47d: {  	v2 =	vld [tilespmem:s7+$0x2E80]  }
0x47e: {  	v0 =	vadd.f32 v3, v0  }
0x47f: {  	v3 =	vld [tilespmem:s7+$0x2F00]  }
0x480: {  	v0 =	vadd.f32 v1, v0  }
0x481: {  	v1 =	vld [tilespmem:s7+$0x2F80]  }
0x482: {  	v0 =	vadd.f32 v2, v0;
	_ =	sdelay $0x1  }
0x483: {  	v0 =	vadd.f32 v3, v0;
	_ =	sdelay $0x1  }
0x484: {  	v0 =	vadd.f32 v1, v0;
	_ =	sdelay $0x1  }
0x485: {  	s29 =	simm.s32 $0x3000;
	s30 =	simm.s32 $0x1;
	[tilespmem:s7+$0x3000] =	vst v0  }
0x486: {  	[spmem:s4] =	stream.linear.scatter [tilespmem:s29], [sflag:$0x1], $0x80, $0x38;
	[tilespmem:$0x3900] =	vst v63  }
0x487: {  	_ =	swait.ge [sflag:s30], $0x80  }
0x488: {  	[sflag:s30] =	ssyncset.done $0x0  }
0x489: {  	[sflag:s30] =	ssyncadd.s32 $0xFFFFFF80  }
0x48a: {  	s31 =	simm.s32 $0x2000;
	[bflag:$0x0] =	sbarrier.arrive $0xFFFF  }
0x48b: {  	[tilespmem:s31], [sflag:$0x1] =	stream.linear.gather [spmem:s3], $0x800, $0x38;
	[tilespmem:$0x3900] =	vst v63  }
0x48c: {  	_ =	swait.ge [sflag:s30], $0x800  }
0x48d: {  	[sflag:s30] =	ssyncset.done $0x0  }
0x48e: {  	s4 =	simm.s32 $0x0;
	[sflag:s30] =	ssyncadd.s32 $0xFFFFF800  }
0x48f: {  	v0 =	vld [tilespmem:s4+$0x2000];
	_ =	sdelay $0x4  }
0x490: {  	(erf) = vrcp.f32 v0;
	_ =	sdelay $0x2  }
0x491: {  	s3 =	simm.s32 $0x10  }
0x492: {  	v0 =	vld [tilespmem:s3+$0x2000];
	_ =	sdelay $0x1  }
0x493: {  	v1 =	vld [tilespmem:s4+$0x1800];
	_ =	sdelay $0x2  }
0x494: {  	v2 =	vpop (erf);
	(erf) = vrcp.f32 v0;
	_ =	sdelay $0x1  }
0x495: {  	s6 =	simm.s32 $0xC0;
	s5 =	simm.s32 $0x20;
	v0 =	vmul.f32 v2, v1  }
.LBB2_100:
0x496: {  	p0 =	sne.s32 s6, $0x1FC0;
	v1 =	vld [tilespmem:s5+$0x2000]  }
0x497: {  	[tilespmem:s4+$0x1800] =	vst v0;
	s4 =	smov.u32 s3;
	s3 =	smov.u32 s5  }
0x498: {  	v0 =	vld [tilespmem:s4+$0x1800]  }
.Ltmp50:
0x499: {  	(pc) =	sbr.rel @p0 .LBB2_100-.Ltmp50, $4  }
0x49a: {  	_ = 	snop  }
0x49b: {  	(erf) = vrcp.f32 v1  }
0x49c: {  	v1 =	vpop (erf)  }
0x49d: {  	s5 =	sshra.s32 s6, $0x2;
	s6 =	sadd.s32 $0x40, s6;
	v0 =	vmul.f32 v1, v0  }
0x49e: {  	v1 =	vld [tilespmem:s5+$0x2000]  }
0x49f: {  	[tilespmem:s4+$0x1800] =	vst v0  }
0x4a0: {  	v0 =	vld [tilespmem:s3+$0x1800];
	_ =	sdelay $0x2  }
0x4a1: {  	(erf) = vrcp.f32 v1  }
0x4a2: {  	v62 =	vpop (erf)  }
0x4a3: {  	v0 =	vmul.f32 v62, v0;
	_ =	sdelay $0x1  }
0x4a4: {  	[tilespmem:s3+$0x1800] =	vst v0  }
0x4a5: {  	v0 =	vld [tilespmem:s5+$0x1800];
	_ =	sdelay $0x3  }
0x4a6: {  	v63 =	vpop (erf)  }
0x4a7: {  	v0 =	vmul.f32 v63, v0  }
0x4a8: {  	s28 =	simm.s32 $0x80  }
0x4a9: {  	s29 =	simm.s32 $0x400;
	s30 =	simm.s32 $0x1800;
	s31 =	simm.s32 $0x1;
	[tilespmem:s5+$0x1800] =	vst v0  }
0x4aa: {  	[hbm4b:s2+s28] =	stream.strided.scatter [tilespmem:s30], [sflag:$0x1], $0x800, s29, s28, $0x38;
	[tilespmem:$0x3900] =	vst v63  }
0x4ab: {  	_ =	swait.ge [sflag:s31], $0x800  }
0x4ac: {  	[sflag:s31] =	ssyncset.done $0x0  }
0x4ad: {  	[sflag:s31] =	ssyncadd.s32 $0xFFFFF800  }
.LBB2_102:
0x4ae: {  	_ =	sfence.sel $0x180000  }
0x4af: {  	[bflag:$0x0] =	sbarrier.arrive $0xFFFF  }
0x4b0: {  	p0 =	sne.s32 s1, $0x0;
	_ =	strace $0x90000047  }
0x4b1: {  	s0 =	sadd.s32 @!p0 $0x100000, s0;
	[bflag:$0x2] =	sbarrier.arrive $0xFFFF  }
0x4b2: {  	[sflag:s0] =	ssyncadd.tile.s32 @!p0 $0x1;
	_ =	shalt  }
.Lfunc_end2:
_tile_overlayer_lowered:
.L_overlay_start_2:
0x4b3: {  	(tag) =	ssettag $0x2  }
0x4b4: {  	s0 =	rddreg [dreg:$0x0];
	s2 =	stileid.u32  }
0x4b5: {  	s1 =	rddreg [dreg:$0x1];
	p0 =	sne.s32 s2, $0x0  }
0x4b6: {  	s3 =	rddreg [dreg:$0x2];
	[bflag:$0x3] =	sbarrier.arrive $0xFFFF;
	s2 =	simm.s32 @!p0 $0x1C01  }
0x4b7: {  	[timem:s3], [sflag:s2] =	dma.local @!p0 [hbm:s0], s1  }
0x4b8: {  	s0 =	simm.s32 @!p0 $0x1  }
0x4b9: {  	_ =	swait.ge @!p0 [sflag:s0], s1  }
0x4ba: {  	s1 =	ssub.s32 @!p0 $0x0, s1;
	[sflag:s0] =	ssyncset.done @!p0 $0x0  }
0x4bb: {  	[sflag:s0] =	ssyncadd.s32 @!p0 s1  }
0x4bc: {  	[bflag:$0x3] =	sbarrier.arrive $0xFFFF  }
0x4bd: {  	_ =	shalt  }

</sc_bundles>
